<compile_context>
chip_gen: v7x
topology: tpu7x:2x2x1
jax: 0.10.2.dev20260603
libtpu: 0.0.44.dev20260713+nightly
codegen_flags: <defaults>
</compile_context>

<pallas_src>
import functools

import jax
import jax.numpy as jnp
import numpy as np
from jax import lax
from jax.experimental import pallas as pl
from jax.experimental.pallas import tpu as pltpu
from jax.experimental.pallas import tpu_sc as plsc

B = 8
N = 4096
D = 64
S = 512
K = 32
R2 = np.float32(0.2 * 0.2)
C_OUT = 128
BT = B * S * K
_HI = lax.Precision.DEFAULT


def _fps_body(xyz_ref, out_ref):
    x = xyz_ref[0]
    y = xyz_ref[1]
    z = xyz_ref[2]
    iota = lax.broadcasted_iota(jnp.int32, (B, N), 1)

    def step(t, carry):
        dist, fa = carry
        ohf = (iota == fa).astype(jnp.float32)
        cx = jnp.sum(x * ohf, axis=1, keepdims=True)
        cy = jnp.sum(y * ohf, axis=1, keepdims=True)
        cz = jnp.sum(z * ohf, axis=1, keepdims=True)
        out_ref[0:1, pl.ds(t, 1), :] = cx.reshape(1, 1, B)
        out_ref[1:2, pl.ds(t, 1), :] = cy.reshape(1, 1, B)
        out_ref[2:3, pl.ds(t, 1), :] = cz.reshape(1, 1, B)
        dx = x - cx
        dy = y - cy
        dz = z - cz
        d = (dx * dx + dy * dy) + dz * dz
        dist = jnp.minimum(dist, d)
        m = jnp.max(dist, axis=1, keepdims=True)
        cand = jnp.where(dist == m, iota, N)
        fa = jnp.min(cand, axis=1, keepdims=True)
        return dist, fa

    init = (jnp.full((B, N), 1e10, jnp.float32), jnp.zeros((B, 1), jnp.int32))
    lax.fori_loop(0, S, step, init)


def _fps_call(xyz3, interpret=False):
    return pl.pallas_call(
        _fps_body,
        out_shape=jax.ShapeDtypeStruct((3, S, B), jnp.float32),
        interpret=interpret,
    )(xyz3)


_ST = 128
_NCHUNK = N // 128


_NW16 = N // 16

_BIGP = np.zeros((N, _NW16), np.float32)
_BIGP[np.arange(N), np.arange(N) // 16] = (2.0 ** (np.arange(N) % 16))


def _ballq_body(xyz_ref, nxyz_ref, bigp_ref, pts_ref, w0_ref, b0_ref,
                full_nxyz_ref, out_ref, a_ref, c2_ref):
    xb = xyz_ref[0]
    nx = nxyz_ref[0]
    dx = nx[:, 0:1] - xb[0:1, :]
    dy = nx[:, 1:2] - xb[1:2, :]
    dz = nx[:, 2:3] - xb[2:3, :]
    d2 = (dx * dx + dy * dy) + dz * dz
    maskf = (d2 <= R2).astype(jnp.float32)
    words = lax.dot_general(maskf, bigp_ref[...], (((1,), (0,)), ((), ())),
                            preferred_element_type=jnp.float32)
    out_ref[0] = words.astype(jnp.int32)

    @pl.when(pl.program_id(1) == 0)
    def _():
        pb = pts_ref[0]
        w0 = w0_ref[...]
        w0x = w0[:, 0:3]
        w0p = w0[:, 3:67]
        a = lax.dot_general(xb, w0x, (((0,), (1,)), ((), ())),
                            preferred_element_type=jnp.float32, precision=_HI)
        a = a + lax.dot_general(pb, w0p, (((0,), (1,)), ((), ())),
                                preferred_element_type=jnp.float32,
                                precision=_HI)
        a_ref[0] = jnp.concatenate([a, jnp.zeros_like(a)], axis=1)
        fnx = full_nxyz_ref[0]
        c = lax.dot_general(fnx, w0x, (((0,), (1,)), ((), ())),
                            preferred_element_type=jnp.float32, precision=_HI)
        c2_ref[0] = c - b0_ref[...]


def _ballq_call(xyz, nxyz_t, bigp, points, w0, b0r, new_xyz, interpret=False):
    return pl.pallas_call(
        _ballq_body,
        grid=(B, S // _ST),
        in_specs=[
            pl.BlockSpec((1, 3, N), lambda b, s: (b, 0, 0)),
            pl.BlockSpec((1, _ST, 3), lambda b, s: (b, s, 0)),
            pl.BlockSpec((N, _NW16), lambda b, s: (0, 0)),
            pl.BlockSpec((1, D, N), lambda b, s: (b, 0, 0)),
            pl.BlockSpec((D, 67), lambda b, s: (0, 0)),
            pl.BlockSpec((1, D), lambda b, s: (0, 0)),
            pl.BlockSpec((1, 3, S), lambda b, s: (b, 0, 0)),
        ],
        out_specs=[
            pl.BlockSpec((1, _ST, _NW16), lambda b, s: (b, s, 0)),
            pl.BlockSpec((1, N, C_OUT), lambda b, s: (b, 0, 0)),
            pl.BlockSpec((1, S, D), lambda b, s: (b, 0, 0)),
        ],
        out_shape=[
            jax.ShapeDtypeStruct((B, S, _NW16), jnp.int32),
            jax.ShapeDtypeStruct((B, N, C_OUT), jnp.float32),
            jax.ShapeDtypeStruct((B, S, D), jnp.float32),
        ],
        interpret=interpret,
    )(xyz, nxyz_t, bigp, points, w0, b0r, new_xyz)


_SC_NC = 2
_SC_NS = 16
_NW = _SC_NC * _SC_NS
_CH = 128
_PER_W = BT // _NW
_NLOOP = _PER_W // _CH
_RPW = (B * S) // _NW


_SCAN = _NW16 + K


def _sc_extract_gather(table, words):
    mesh = plsc.VectorSubcoreMesh(core_axis_name="c", subcore_axis_name="s")

    @functools.partial(
        pl.kernel,
        out_type=jax.ShapeDtypeStruct((BT, C_OUT), jnp.float32),
        mesh=mesh,
        scratch_types=[
            pltpu.VMEM((_RPW, _NW16), jnp.int32),
            pltpu.VMEM((_NLOOP, _CH), jnp.int32),
            pltpu.VMEM((_CH, C_OUT), jnp.float32),
            pltpu.VMEM((_CH, C_OUT), jnp.float32),
            pltpu.VMEM((_CH, C_OUT), jnp.float32),
            pltpu.VMEM((_CH, C_OUT), jnp.float32),
            pltpu.SemaphoreType.DMA,
            pltpu.SemaphoreType.DMA,
            pltpu.SemaphoreType.DMA,
            pltpu.SemaphoreType.DMA,
            pltpu.SemaphoreType.DMA,
            pltpu.SemaphoreType.DMA,
            pltpu.SemaphoreType.DMA,
            pltpu.SemaphoreType.DMA,
        ],
        compiler_params=pltpu.CompilerParams(needs_layout_passes=False),
    )
    def k(table_hbm, words_hbm, out_hbm, wds_v, idx_v,
          rb0, rb1, rb2, rb3, gs0, gs1, gs2, gs3, ws0, ws1, ws2, ws3):
        wid = lax.axis_index("s") * _SC_NC + lax.axis_index("c")
        pltpu.sync_copy(words_hbm.at[pl.ds(wid * _RPW, _RPW)], wds_v)
        rows = [rb0, rb1, rb2, rb3]
        gsem = [gs0, gs1, gs2, gs3]
        wsem = [ws0, ws1, ws2, ws3]
        gcp = [None] * 4
        wcp = [None] * 4

        for g in range(_RPW // 16):

            def step(t, carry, g=g):
                wi, cur, kc, first = carry
                lanes = lax.broadcasted_iota(jnp.int32, (16,), 0)
                rows_loc = g * 16 + lanes
                btab = ((wid * _RPW + rows_loc) >> 9) * N
                adv = jnp.logical_and(cur == 0, wi < _NW16 - 1)
                wi2 = jnp.where(adv, wi + 1, wi)
                w = plsc.load_gather(wds_v, [rows_loc,
                                             jnp.maximum(wi2, 0)])
                cur2 = jnp.where(adv, w, cur)
                valid = cur2 != 0
                exh = jnp.logical_and(cur2 == 0, wi2 >= _NW16 - 1)
                emit = jnp.logical_and(jnp.logical_or(valid, exh), kc < K)
                low = jnp.bitwise_and(cur2, -cur2)
                v = low - 1
                v = v - jnp.bitwise_and(jnp.right_shift(v, 1), 0x55555555)
                v = (jnp.bitwise_and(v, 0x33333333)
                     + jnp.bitwise_and(jnp.right_shift(v, 2), 0x33333333))
                v = jnp.bitwise_and(v + jnp.right_shift(v, 4), 0x0F0F0F0F)
                e = jnp.right_shift(v * 0x01010101, 24)
                n_loc = wi2 * 16 + e
                first2 = jnp.where(jnp.logical_and(first < 0, valid),
                                   n_loc, first)
                n_fin = jnp.where(valid, n_loc, jnp.maximum(first2, 0))
                pos = rows_loc * K + jnp.minimum(kc, K - 1)
                plsc.store_scatter(idx_v, [jnp.right_shift(pos, 7),
                                           jnp.bitwise_and(pos, 127)],
                                   btab + n_fin, mask=emit)
                kc2 = jnp.where(emit, kc + 1, kc)
                return (wi2, cur2 - low, kc2, first2)

            z = jnp.zeros((16,), jnp.int32)
            lax.fori_loop(0, _SCAN, step, (z - 1, z, z, z - 1))

            for j in range(4):
                if g > 0:
                    gcp[j].wait()
                    c_prev = 4 * (g - 1) + j
                    wcp[j] = pltpu.async_copy(
                        rows[j],
                        out_hbm.at[pl.ds(wid * _PER_W + c_prev * _CH, _CH)],
                        wsem[j])
            for j in range(4):
                if g > 0:
                    wcp[j].wait()
                gcp[j] = pltpu.async_copy(
                    table_hbm.at[idx_v.at[4 * g + j]], rows[j], gsem[j])

        for j in range(4):
            gcp[j].wait()
            c_last = 4 * (_RPW // 16 - 1) + j
            pltpu.sync_copy(
                rows[j],
                out_hbm.at[pl.ds(wid * _PER_W + c_last * _CH, _CH)])

    return k(table, words)


_RB = 128
_BS = B * S
_G5 = _BS // _RB


def _row_specs():
    return [
        pl.BlockSpec((_RB, K, C_OUT), lambda i: (i, 0, 0)),
        pl.BlockSpec((_RB, D), lambda i: (i, 0)),
    ]


def _vec(c):
    return pl.BlockSpec((1, c), lambda i: (0, 0))


def _acc_stats(st_ref, zz):
    @pl.when(pl.program_id(0) == 0)
    def _():
        st_ref[...] = jnp.zeros_like(st_ref)
    s1 = jnp.sum(zz, axis=(0, 1))
    s2 = jnp.sum(zz * zz, axis=(0, 1))
    st_ref[...] += jnp.stack([s1, s2], axis=0)


def _p1_body(g_ref, c2_ref, st_ref):
    y = g_ref[:, :, 0:D] - c2_ref[...][:, None, :]
    _acc_stats(st_ref, y)


def _p1_call(g3, c2f, interpret=False):
    return pl.pallas_call(
        _p1_body,
        grid=(_G5,),
        in_specs=_row_specs(),
        out_specs=pl.BlockSpec((2, D), lambda i: (0, 0)),
        out_shape=jax.ShapeDtypeStruct((2, D), jnp.float32),
        interpret=interpret,
    )(g3, c2f)


def _affine(st_ref, g_ref, be_ref):
    mean = st_ref[0:1, :] / jnp.float32(BT)
    var = st_ref[1:2, :] / jnp.float32(BT) - mean * mean
    inv = g_ref[...] / jnp.sqrt(var + 1e-5)
    return inv, be_ref[...] - mean * inv


def _relu1(g_ref, c2_ref, t1):
    y = g_ref[:, :, 0:D] - c2_ref[...][:, None, :]
    return jnp.maximum(y + t1[None], 0.0)


def _layer1_params(st1_ref, g0_ref, be0_ref, w1_ref):
    inv1, sh1 = _affine(st1_ref, g0_ref, be0_ref)
    return sh1 / inv1, w1_ref[...] * inv1


def _moment_body(r, m_acc, s_acc, wf, b, st_ref, c):
    i = pl.program_id(0)

    @pl.when(i == 0)
    def _():
        m_acc[...] = jnp.zeros_like(m_acc)
        s_acc[...] = jnp.zeros_like(s_acc)

    rf = r.reshape(_RB * K, D)
    m_acc[...] += lax.dot_general(rf, rf, (((0,), (0,)), ((), ())),
                                  preferred_element_type=jnp.float32,
                                  precision=_HI)
    s_acc[...] += jnp.sum(r, axis=(0, 1)).reshape(1, D)

    @pl.when(i == _G5 - 1)
    def _():
        sv = s_acc[...]
        n = jnp.float32(BT)
        sz = lax.dot_general(sv, wf, (((1,), (1,)), ((), ())),
                             preferred_element_type=jnp.float32,
                             precision=_HI)
        wm = lax.dot_general(wf, m_acc[...], (((1,), (0,)), ((), ())),
                             preferred_element_type=jnp.float32,
                             precision=_HI)
        sz2 = jnp.sum(wm * wf, axis=1).reshape(1, c)
        st_ref[...] = jnp.concatenate(
            [sz + n * b, sz2 + 2.0 * b * sz + n * (b * b)], axis=0)


def _l1_specs():
    return [pl.BlockSpec((2, D), lambda i: (0, 0)), _vec(D), _vec(D),
            pl.BlockSpec((D, D), lambda i: (0, 0)), _vec(D)]


def _p2_body(g_ref, c2_ref, st1_ref, g0_ref, be0_ref, w1_ref, b1_ref,
             st_ref, m_acc, s_acc):
    t1, w1f = _layer1_params(st1_ref, g0_ref, be0_ref, w1_ref)
    r1 = _relu1(g_ref, c2_ref, t1)
    _moment_body(r1, m_acc, s_acc, w1f, b1_ref[...], st_ref, D)


def _p2_call(g3, c2f, st1, g0r, be0r, w1, b1r, interpret=False):
    return pl.pallas_call(
        _p2_body,
        grid=(_G5,),
        in_specs=_row_specs() + _l1_specs(),
        out_specs=pl.BlockSpec((2, D), lambda i: (0, 0)),
        out_shape=jax.ShapeDtypeStruct((2, D), jnp.float32),
        scratch_shapes=[pltpu.VMEM((D, D), jnp.float32),
                        pltpu.VMEM((1, D), jnp.float32)],
        interpret=interpret,
    )(g3, c2f, st1, g0r, be0r, w1, b1r)


def _z2(r1, w1f, b1_ref):
    z2 = lax.dot_general(r1, w1f, (((2,), (1,)), ((), ())),
                         preferred_element_type=jnp.float32, precision=_HI)
    return z2 + b1_ref[...][None]


def _layer2_acts(g_ref, c2_ref, st1_ref, g0_ref, be0_ref, w1_ref, b1_ref,
                 st2_ref, g1_ref, be1_ref):
    t1, w1f = _layer1_params(st1_ref, g0_ref, be0_ref, w1_ref)
    r1 = _relu1(g_ref, c2_ref, t1)
    inv2, sh2 = _affine(st2_ref, g1_ref, be1_ref)
    t2 = sh2 / inv2
    r2 = jnp.maximum(_z2(r1, w1f, b1_ref) + t2[None], 0.0)
    return r2, inv2


def _p3_body(g_ref, c2_ref, st1_ref, g0_ref, be0_ref, w1_ref, b1_ref,
             st2_ref, g1_ref, be1_ref, w2_ref, b2_ref, st_ref, m_acc, s_acc):
    r2, inv2 = _layer2_acts(g_ref, c2_ref, st1_ref, g0_ref, be0_ref,
                            w1_ref, b1_ref, st2_ref, g1_ref, be1_ref)
    w2f = w2_ref[...] * inv2
    _moment_body(r2, m_acc, s_acc, w2f, b2_ref[...], st_ref, C_OUT)


def _l2_specs():
    return [pl.BlockSpec((2, D), lambda i: (0, 0)), _vec(D), _vec(D),
            pl.BlockSpec((C_OUT, D), lambda i: (0, 0)), _vec(C_OUT)]


def _p3_call(g3, c2f, st1, g0r, be0r, w1, b1r, st2, g1r, be1r, w2, b2r,
             interpret=False):
    return pl.pallas_call(
        _p3_body,
        grid=(_G5,),
        in_specs=_row_specs() + _l1_specs() + _l2_specs(),
        out_specs=pl.BlockSpec((2, C_OUT), lambda i: (0, 0)),
        out_shape=jax.ShapeDtypeStruct((2, C_OUT), jnp.float32),
        scratch_shapes=[pltpu.VMEM((D, D), jnp.float32),
                        pltpu.VMEM((1, D), jnp.float32)],
        interpret=interpret,
    )(g3, c2f, st1, g0r, be0r, w1, b1r, st2, g1r, be1r, w2, b2r)


def _p4_body(g_ref, c2_ref, st1_ref, g0_ref, be0_ref, w1_ref, b1_ref,
             st2_ref, g1_ref, be1_ref, w2_ref, b2_ref,
             st3_ref, g2_ref, be2_ref, out_ref):
    r2, inv2 = _layer2_acts(g_ref, c2_ref, st1_ref, g0_ref, be0_ref,
                            w1_ref, b1_ref, st2_ref, g1_ref, be1_ref)
    w2f = w2_ref[...] * inv2
    z3 = lax.dot_general(r2, w2f, (((2,), (1,)), ((), ())),
                         preferred_element_type=jnp.float32, precision=_HI)
    z3 = z3 + b2_ref[...][None]
    zm = jnp.max(z3, axis=1)
    inv3, sh3 = _affine(st3_ref, g2_ref, be2_ref)
    out_ref[...] = jnp.maximum(zm * inv3 + sh3, 0.0)


def _p4_call(g3, c2f, st1, g0r, be0r, w1, b1r, st2, g1r, be1r, w2, b2r,
             st3, g2r, be2r, interpret=False):
    return pl.pallas_call(
        _p4_body,
        grid=(_G5,),
        in_specs=_row_specs() + _l1_specs() + _l2_specs()
        + [pl.BlockSpec((2, C_OUT), lambda i: (0, 0)),
           _vec(C_OUT), _vec(C_OUT)],
        out_specs=pl.BlockSpec((_RB, C_OUT), lambda i: (i, 0)),
        out_shape=jax.ShapeDtypeStruct((_BS, C_OUT), jnp.float32),
        interpret=interpret,
    )(g3, c2f, st1, g0r, be0r, w1, b1r, st2, g1r, be1r, w2, b2r,
      st3, g2r, be2r)


def kernel(xyz, points, W0, b0, g0, beta0, W1, b1, g1, beta1,
           W2, b2, g2, beta2):
    xyz3 = jnp.transpose(xyz, (1, 0, 2))
    nx3 = _fps_call(xyz3)
    new_xyz = jnp.transpose(nx3, (2, 0, 1))
    nxyz_t = jnp.transpose(nx3, (2, 1, 0))
    words, a, c2 = _ballq_call(xyz, nxyz_t, jnp.asarray(_BIGP), points,
                               W0, b0.reshape(1, D), new_xyz)
    grouped = _sc_extract_gather(a.reshape(B * N, C_OUT),
                                 words.reshape(B * S, _NW16))
    g3 = grouped.reshape(_BS, K, C_OUT)
    c2f = c2.reshape(_BS, D)
    g0r, be0r = g0.reshape(1, D), beta0.reshape(1, D)
    g1r, be1r = g1.reshape(1, D), beta1.reshape(1, D)
    g2r, be2r = g2.reshape(1, C_OUT), beta2.reshape(1, C_OUT)
    b1r, b2r = b1.reshape(1, D), b2.reshape(1, C_OUT)
    st1 = _p1_call(g3, c2f)
    st2 = _p2_call(g3, c2f, st1, g0r, be0r, W1, b1r)
    st3 = _p3_call(g3, c2f, st1, g0r, be0r, W1, b1r, st2, g1r, be1r, W2, b2r)
    outp = _p4_call(g3, c2f, st1, g0r, be0r, W1, b1r, st2, g1r, be1r, W2, b2r,
                    st3, g2r, be2r)
    x = jnp.transpose(outp.reshape(B, S, C_OUT), (0, 2, 1))
    return (new_xyz, x)

# --- scband reference (transcript-rebuilt; emitter-appended) ---
"""Pipeline reference for scband-simple-set-abstraction-55456617726261 (READ-ONLY COPY).

The authoritative reference and input builder live on the scoring server;
editing this copy changes nothing except your own understanding.
"""

import jax, jax.numpy as jnp
import numpy as np

NPOINT = 512
RADIUS = 0.2
NSAMPLE = 32


def farthest_point_sample(xyz, npoint):
    B, N, _ = xyz.shape
    def step(state, _):
        distance, farthest = state
        centroid = xyz[jnp.arange(B), farthest][:, None, :]
        dist = jnp.sum((xyz - centroid) ** 2, -1)
        distance = jnp.minimum(distance, dist)
        new_farthest = jnp.argmax(distance, axis=-1).astype(jnp.int32)
        return (distance, new_farthest), farthest
    init = (jnp.full((B, N), 1e10, dtype=xyz.dtype), jnp.zeros((B,), dtype=jnp.int32))
    _, cent = jax.lax.scan(step, init, None, length=npoint)
    return jnp.transpose(cent)  # [B, npoint]


def index_points(points, idx):
    B = points.shape[0]
    if idx.ndim == 2:
        return points[jnp.arange(B)[:, None], idx]
    return points[jnp.arange(B)[:, None, None], idx]


def query_ball_point(radius, nsample, xyz, new_xyz):
    B, N, _ = xyz.shape
    S = new_xyz.shape[1]
    sqrdists = jnp.sum((new_xyz[:, :, None, :] - xyz[:, None, :, :]) ** 2, -1)
    group_idx = jnp.broadcast_to(jnp.arange(N, dtype=jnp.int32), (B, S, N))
    group_idx = jnp.where(sqrdists > radius ** 2, N, group_idx)
    group_idx = jnp.sort(group_idx, axis=-1)[:, :, :nsample]
    group_first = group_idx[:, :, 0:1]
    group_idx = jnp.where(group_idx == N, group_first, group_idx)
    return group_idx


def conv_bn_relu(x, W, b, g, beta):
    # 1x1 Conv2d == pointwise matmul over channel dim; BN in training mode (batch stats)
    x = jnp.einsum('oc,bckn->bokn', W, x) + b[None, :, None, None]
    mean = jnp.mean(x, axis=(0, 2, 3), keepdims=True)
    var = jnp.var(x, axis=(0, 2, 3), keepdims=True)
    x = (x - mean) / jnp.sqrt(var + 1e-5)
    x = x * g[None, :, None, None] + beta[None, :, None, None]
    return jax.nn.relu(x)


def setup_inputs(seed: int = 0):
    key = jax.random.key(seed)
    ks = jax.random.split(key, 16)
    B, N, D = 8, 4096, 64
    inp = {}
    inp['xyz'] = jax.random.uniform(ks[0], (B, 3, N), dtype=jnp.float32)
    inp['points'] = jax.random.normal(ks[1], (B, D, N), dtype=jnp.float32)
    chans = [67, 64, 64, 128]
    for i in range(3):
        cin, cout = chans[i], chans[i + 1]
        inp['W%d' % i] = jax.random.normal(ks[2 + i], (cout, cin), dtype=jnp.float32) * 0.1
        inp['b%d' % i] = jnp.zeros((cout,), dtype=jnp.float32)
        inp['g%d' % i] = jnp.ones((cout,), dtype=jnp.float32)
        inp['beta%d' % i] = jnp.zeros((cout,), dtype=jnp.float32)
    return inp


def reference(xyz, points, W0, b0, g0, beta0, W1, b1, g1, beta1, W2, b2, g2, beta2):
    xyz_t = jnp.transpose(xyz, (0, 2, 1))          # [B, N, 3]
    points_t = jnp.transpose(points, (0, 2, 1))    # [B, N, D]
    fps_idx = farthest_point_sample(jax.lax.stop_gradient(xyz_t), NPOINT)
    new_xyz = index_points(xyz_t, fps_idx)                      # [B, S, 3]
    group_idx = query_ball_point(RADIUS, NSAMPLE, xyz_t, new_xyz)  # [B, S, K]
    grouped_xyz = index_points(xyz_t, group_idx) - new_xyz[:, :, None, :]
    grouped_points = index_points(points_t, group_idx)
    new_points = jnp.concatenate([grouped_xyz, grouped_points], axis=-1)  # [B, S, K, 3+D]
    x = jnp.transpose(new_points, (0, 3, 2, 1))  # [B, C, K, S]
    for (W, b, g, be) in ((W0, b0, g0, beta0), (W1, b1, g1, beta1), (W2, b2, g2, beta2)):
        x = conv_bn_relu(x, W, b, g, be)
    x = jnp.max(x, axis=2)  # [B, mlp[-1], S]
    return (jnp.transpose(new_xyz, (0, 2, 1)), x)

if __name__ == "__main__":
    import jax
    _d = setup_inputs()
    print(jax.jit(kernel)(*tuple(_d.values())))

</pallas_src>

<mosaic_0001>
#map = affine_map<(d0, d1) -> (0, 0)>
module attributes {stable_mosaic.version = 14 : i64} {
  func.func @k(%arg0: i32, %arg1: i32, %arg2: memref<32768x128xf32, #tpu.memory_space<hbm>>, %arg3: memref<4096x256xi32, #tpu.memory_space<hbm>>, %arg4: memref<131072x128xf32, #tpu.memory_space<hbm>>, %arg5: memref<128x256xi32, #tpu.memory_space<vmem>>, %arg6: memref<32x128xi32, #tpu.memory_space<vmem>>, %arg7: memref<128x128xf32, #tpu.memory_space<vmem>>, %arg8: memref<128x128xf32, #tpu.memory_space<vmem>>, %arg9: memref<128x128xf32, #tpu.memory_space<vmem>>, %arg10: memref<128x128xf32, #tpu.memory_space<vmem>>, %arg11: memref<!tpu.dma_semaphore, #tpu.memory_space<semaphore_mem>>, %arg12: memref<!tpu.dma_semaphore, #tpu.memory_space<semaphore_mem>>, %arg13: memref<!tpu.dma_semaphore, #tpu.memory_space<semaphore_mem>>, %arg14: memref<!tpu.dma_semaphore, #tpu.memory_space<semaphore_mem>>, %arg15: memref<!tpu.dma_semaphore, #tpu.memory_space<semaphore_mem>>, %arg16: memref<!tpu.dma_semaphore, #tpu.memory_space<semaphore_mem>>, %arg17: memref<!tpu.dma_semaphore, #tpu.memory_space<semaphore_mem>>, %arg18: memref<!tpu.dma_semaphore, #tpu.memory_space<semaphore_mem>>) attributes {dimension_semantics = [#tpu.dimension_semantics<core_parallel>, #tpu.dimension_semantics<subcore_parallel>], iteration_bounds = array<i64: 2, 16>, scalar_prefetch = 0 : i64, scratch_operands = 14 : i64, tpu.core_type = #tpu.core_type<sc_vector_subcore>, window_params = [{transform_indices = #map}, {transform_indices = #map}, {transform_indices = #map}]} {
    %mul3A = arith.constant 2 : i32
    %mul3A_0 = arith.muli %arg1, %mul3A : i32
    %add3A = arith.addi %mul3A_0, %arg0 : i32
    %mul3A_1 = arith.constant 128 : i32
    %mul3A_2 = arith.muli %add3A, %mul3A_1 : i32
    "tpu.region"() ({
      %run_scoped3A = tpu.sem_alloc : memref<!tpu.dma_semaphore, #tpu.memory_space<semaphore_mem>>
      %dma_start3A_910 = arith.constant 0 : i32
      %dma_start3A_911 = tpu.memref_slice %arg3[%mul3A_2, %dma_start3A_910] : memref<4096x256xi32, #tpu.memory_space<hbm>> -> memref<128x256xi32, #tpu.memory_space<hbm>>
      %dma_start3A_912 = arith.constant 0 : i32
      %dma_start3A_913 = tpu.memref_slice %arg3[%mul3A_2, %dma_start3A_912] : memref<4096x256xi32, #tpu.memory_space<hbm>> -> memref<128x256xi32, #tpu.memory_space<hbm>>
      tpu.enqueue_dma source(%dma_start3A_913 : memref<128x256xi32, #tpu.memory_space<hbm>>) target(%arg5 : memref<128x256xi32, #tpu.memory_space<vmem>>) target_semaphore(%run_scoped3A : memref<!tpu.dma_semaphore, #tpu.memory_space<semaphore_mem>>)
      %dma_wait3A_914 = arith.constant 0 : i32
      %dma_wait3A_915 = tpu.memref_slice %arg3[%mul3A_2, %dma_wait3A_914] : memref<4096x256xi32, #tpu.memory_space<hbm>> -> memref<128x256xi32, #tpu.memory_space<hbm>>
      %dma_wait3A_916 = arith.constant 0 : i32
      %dma_wait3A_917 = tpu.memref_slice %arg3[%mul3A_2, %dma_wait3A_916] : memref<4096x256xi32, #tpu.memory_space<hbm>> -> memref<128x256xi32, #tpu.memory_space<hbm>>
      tpu.wait_dma2 semaphore(%run_scoped3A : memref<!tpu.dma_semaphore, #tpu.memory_space<semaphore_mem>>) src(%dma_wait3A_917 : memref<128x256xi32, #tpu.memory_space<hbm>>) dst(%arg5 : memref<128x256xi32, #tpu.memory_space<vmem>>)
      tpu.yield
    }) : () -> ()
    %broadcast_in_dim3A = arith.constant 0 : i32
    %broadcast_in_dim3A_3 = vector.broadcast %broadcast_in_dim3A : i32 to vector<16xi32>
    %sub3A = arith.constant 1 : i32
    %sub3A_4 = vector.broadcast %sub3A : i32 to vector<16xi32>
    %sub3A_5 = arith.subi %broadcast_in_dim3A_3, %sub3A_4 : vector<16xi32>
    %sub3A_6 = arith.constant 1 : i32
    %sub3A_7 = vector.broadcast %sub3A_6 : i32 to vector<16xi32>
    %sub3A_8 = arith.subi %broadcast_in_dim3A_3, %sub3A_7 : vector<16xi32>
    %scan3A = arith.constant 0 : i32
    %scan3A_9 = arith.constant 288 : i32
    %scan3A_10 = arith.addi %scan3A, %scan3A_9 : i32
    %scan3A_11 = arith.constant 1 : i32
    %scan3A_12:4 = scf.for %scan3A_910 = %scan3A to %scan3A_10 step %scan3A_11 iter_args(%scan3A_911 = %sub3A_5, %scan3A_912 = %broadcast_in_dim3A_3, %scan3A_913 = %broadcast_in_dim3A_3, %scan3A_914 = %sub3A_8) -> (vector<16xi32>, vector<16xi32>, vector<16xi32>, vector<16xi32>)  : i32 {
      %iota3A = tpu.iota {dimensions = array<i32: 0>} : vector<16xi32>
      %add3A_915 = arith.constant 0 : i32
      %add3A_916 = vector.broadcast %add3A_915 : i32 to vector<16xi32>
      %add3A_917 = arith.addi %add3A_916, %iota3A : vector<16xi32>
      %mul3A_918 = arith.constant 128 : i32
      %mul3A_919 = arith.muli %add3A, %mul3A_918 : i32
      %add3A_920 = vector.broadcast %mul3A_919 : i32 to vector<16xi32>
      %add3A_921 = arith.addi %add3A_920, %add3A_917 : vector<16xi32>
      %shift_right_arithmetic3A = arith.constant 9 : i32
      %shift_right_arithmetic3A_922 = vector.broadcast %shift_right_arithmetic3A : i32 to vector<16xi32>
      %shift_right_arithmetic3A_923 = arith.shrsi %add3A_921, %shift_right_arithmetic3A_922 : vector<16xi32>
      %mul3A_924 = arith.constant 4096 : i32
      %mul3A_925 = vector.broadcast %mul3A_924 : i32 to vector<16xi32>
      %mul3A_926 = arith.muli %shift_right_arithmetic3A_923, %mul3A_925 : vector<16xi32>
      %eq3A = arith.constant 0 : i32
      %eq3A_927 = vector.broadcast %eq3A : i32 to vector<16xi32>
      %eq3A_928 = arith.cmpi eq, %scan3A_912, %eq3A_927 : vector<16xi32>
      %lt3A = arith.constant 255 : i32
      %lt3A_929 = vector.broadcast %lt3A : i32 to vector<16xi32>
      %lt3A_930 = arith.cmpi slt, %scan3A_911, %lt3A_929 : vector<16xi32>
      %and3A = arith.andi %eq3A_928, %lt3A_930 : vector<16xi1>
      %add3A_931 = arith.constant 1 : i32
      %add3A_932 = vector.broadcast %add3A_931 : i32 to vector<16xi32>
      %add3A_933 = arith.addi %scan3A_911, %add3A_932 : vector<16xi32>
      %select_n3A = arith.select %and3A, %add3A_933, %scan3A_911 : vector<16xi1>, vector<16xi32>
      %max3A = arith.constant 0 : i32
      %max3A_934 = vector.broadcast %max3A : i32 to vector<16xi32>
      %max3A_935 = arith.maxsi %select_n3A, %max3A_934 : vector<16xi32>
      %gather3A = tpu.vector_load_idx %arg5[%add3A_917, %max3A_935] : memref<128x256xi32, #tpu.memory_space<vmem>>[vector<16xi32>, vector<16xi32>], vector<16xi32>,
      %select_n3A_936 = arith.select %and3A, %gather3A, %scan3A_912 : vector<16xi1>, vector<16xi32>
      %ne3A = arith.constant 0 : i32
      %ne3A_937 = vector.broadcast %ne3A : i32 to vector<16xi32>
      %ne3A_938 = arith.cmpi ne, %select_n3A_936, %ne3A_937 : vector<16xi32>
      %eq3A_939 = arith.constant 0 : i32
      %eq3A_940 = vector.broadcast %eq3A_939 : i32 to vector<16xi32>
      %eq3A_941 = arith.cmpi eq, %select_n3A_936, %eq3A_940 : vector<16xi32>
      %ge3A = arith.constant 255 : i32
      %ge3A_942 = vector.broadcast %ge3A : i32 to vector<16xi32>
      %ge3A_943 = arith.cmpi sge, %select_n3A, %ge3A_942 : vector<16xi32>
      %and3A_944 = arith.andi %eq3A_941, %ge3A_943 : vector<16xi1>
      %or3A = arith.ori %ne3A_938, %and3A_944 : vector<16xi1>
      %lt3A_945 = arith.constant 32 : i32
      %lt3A_946 = vector.broadcast %lt3A_945 : i32 to vector<16xi32>
      %lt3A_947 = arith.cmpi slt, %scan3A_913, %lt3A_946 : vector<16xi32>
      %and3A_948 = arith.andi %or3A, %lt3A_947 : vector<16xi1>
      %neg3A = arith.constant 0 : i32
      %neg3A_949 = vector.broadcast %neg3A : i32 to vector<16xi32>
      %neg3A_950 = arith.subi %neg3A_949, %select_n3A_936 : vector<16xi32>
      %and3A_951 = arith.andi %select_n3A_936, %neg3A_950 : vector<16xi32>
      %sub3A_952 = arith.constant 1 : i32
      %sub3A_953 = vector.broadcast %sub3A_952 : i32 to vector<16xi32>
      %sub3A_954 = arith.subi %and3A_951, %sub3A_953 : vector<16xi32>
      %shift_right_arithmetic3A_955 = arith.constant 1 : i32
      %shift_right_arithmetic3A_956 = vector.broadcast %shift_right_arithmetic3A_955 : i32 to vector<16xi32>
      %shift_right_arithmetic3A_957 = arith.shrsi %sub3A_954, %shift_right_arithmetic3A_956 : vector<16xi32>
      %and3A_958 = arith.constant 1431655765 : i32
      %and3A_959 = vector.broadcast %and3A_958 : i32 to vector<16xi32>
      %and3A_960 = arith.andi %shift_right_arithmetic3A_957, %and3A_959 : vector<16xi32>
      %sub3A_961 = arith.subi %sub3A_954, %and3A_960 : vector<16xi32>
      %and3A_962 = arith.constant 858993459 : i32
      %and3A_963 = vector.broadcast %and3A_962 : i32 to vector<16xi32>
      %and3A_964 = arith.andi %sub3A_961, %and3A_963 : vector<16xi32>
      %shift_right_arithmetic3A_965 = arith.constant 2 : i32
      %shift_right_arithmetic3A_966 = vector.broadcast %shift_right_arithmetic3A_965 : i32 to vector<16xi32>
      %shift_right_arithmetic3A_967 = arith.shrsi %sub3A_961, %shift_right_arithmetic3A_966 : vector<16xi32>
      %and3A_968 = arith.constant 858993459 : i32
      %and3A_969 = vector.broadcast %and3A_968 : i32 to vector<16xi32>
      %and3A_970 = arith.andi %shift_right_arithmetic3A_967, %and3A_969 : vector<16xi32>
      %add3A_971 = arith.addi %and3A_964, %and3A_970 : vector<16xi32>
      %shift_right_arithmetic3A_972 = arith.constant 4 : i32
      %shift_right_arithmetic3A_973 = vector.broadcast %shift_right_arithmetic3A_972 : i32 to vector<16xi32>
      %shift_right_arithmetic3A_974 = arith.shrsi %add3A_971, %shift_right_arithmetic3A_973 : vector<16xi32>
      %add3A_975 = arith.addi %add3A_971, %shift_right_arithmetic3A_974 : vector<16xi32>
      %and3A_976 = arith.constant 252645135 : i32
      %and3A_977 = vector.broadcast %and3A_976 : i32 to vector<16xi32>
      %and3A_978 = arith.andi %add3A_975, %and3A_977 : vector<16xi32>
      %mul3A_979 = arith.constant 16843009 : i32
      %mul3A_980 = vector.broadcast %mul3A_979 : i32 to vector<16xi32>
      %mul3A_981 = arith.muli %and3A_978, %mul3A_980 : vector<16xi32>
      %shift_right_arithmetic3A_982 = arith.constant 24 : i32
      %shift_right_arithmetic3A_983 = vector.broadcast %shift_right_arithmetic3A_982 : i32 to vector<16xi32>
      %shift_right_arithmetic3A_984 = arith.shrsi %mul3A_981, %shift_right_arithmetic3A_983 : vector<16xi32>
      %mul3A_985 = arith.constant 16 : i32
      %mul3A_986 = vector.broadcast %mul3A_985 : i32 to vector<16xi32>
      %mul3A_987 = arith.muli %select_n3A, %mul3A_986 : vector<16xi32>
      %add3A_988 = arith.addi %mul3A_987, %shift_right_arithmetic3A_984 : vector<16xi32>
      %lt3A_989 = arith.constant 0 : i32
      %lt3A_990 = vector.broadcast %lt3A_989 : i32 to vector<16xi32>
      %lt3A_991 = arith.cmpi slt, %scan3A_914, %lt3A_990 : vector<16xi32>
      %and3A_992 = arith.andi %lt3A_991, %ne3A_938 : vector<16xi1>
      %select_n3A_993 = arith.select %and3A_992, %add3A_988, %scan3A_914 : vector<16xi1>, vector<16xi32>
      %max3A_994 = arith.constant 0 : i32
      %max3A_995 = vector.broadcast %max3A_994 : i32 to vector<16xi32>
      %max3A_996 = arith.maxsi %select_n3A_993, %max3A_995 : vector<16xi32>
      %select_n3A_997 = arith.select %ne3A_938, %add3A_988, %max3A_996 : vector<16xi1>, vector<16xi32>
      %mul3A_998 = arith.constant 32 : i32
      %mul3A_999 = vector.broadcast %mul3A_998 : i32 to vector<16xi32>
      %mul3A_1000 = arith.muli %add3A_917, %mul3A_999 : vector<16xi32>
      %min3A = arith.constant 31 : i32
      %min3A_1001 = vector.broadcast %min3A : i32 to vector<16xi32>
      %min3A_1002 = arith.minsi %scan3A_913, %min3A_1001 : vector<16xi32>
      %add3A_1003 = arith.addi %mul3A_1000, %min3A_1002 : vector<16xi32>
      %shift_right_arithmetic3A_1004 = arith.constant 7 : i32
      %shift_right_arithmetic3A_1005 = vector.broadcast %shift_right_arithmetic3A_1004 : i32 to vector<16xi32>
      %shift_right_arithmetic3A_1006 = arith.shrsi %add3A_1003, %shift_right_arithmetic3A_1005 : vector<16xi32>
      %and3A_1007 = arith.constant 127 : i32
      %and3A_1008 = vector.broadcast %and3A_1007 : i32 to vector<16xi32>
      %and3A_1009 = arith.andi %add3A_1003, %and3A_1008 : vector<16xi32>
      %add3A_1010 = arith.addi %mul3A_926, %select_n3A_997 : vector<16xi32>
      tpu.vector_store_idx %arg6[%shift_right_arithmetic3A_1006, %and3A_1009], %add3A_1010 masked %and3A_948 : memref<32x128xi32, #tpu.memory_space<vmem>>[vector<16xi32>, vector<16xi32>], vector<16xi32>, vector<16xi1>
      %add3A_1011 = arith.constant 1 : i32
      %add3A_1012 = vector.broadcast %add3A_1011 : i32 to vector<16xi32>
      %add3A_1013 = arith.addi %scan3A_913, %add3A_1012 : vector<16xi32>
      %select_n3A_1014 = arith.select %and3A_948, %add3A_1013, %scan3A_913 : vector<16xi1>, vector<16xi32>
      %sub3A_1015 = arith.subi %select_n3A_936, %and3A_951 : vector<16xi32>
      scf.yield %select_n3A, %sub3A_1015, %select_n3A_1014, %select_n3A_993 : vector<16xi32>, vector<16xi32>, vector<16xi32>, vector<16xi32>
    }
    %scan3A_13 = arith.constant 288 : i32
    %dma_start3A = arith.constant 0 : i32
    %dma_start3A_14 = arith.constant 0 : i32
    %dma_start3A_15 = tpu.memref_slice %arg6[%dma_start3A, %dma_start3A_14] : memref<32x128xi32, #tpu.memory_space<vmem>> -> memref<1x128xi32, #tpu.memory_space<vmem>>
    %dma_start3A_16 = tpu.memref_squeeze %dma_start3A_15 : memref<1x128xi32, #tpu.memory_space<vmem>> -> memref<128xi32, #tpu.memory_space<vmem>>
    %dma_start3A_17 = arith.constant 0 : i32
    %dma_start3A_18 = arith.constant 0 : i32
    %dma_start3A_19 = tpu.memref_slice %arg2[%dma_start3A_17, %dma_start3A_18] : memref<32768x128xf32, #tpu.memory_space<hbm>> -> memref<32768x128xf32, #tpu.memory_space<hbm>>
    tpu.enqueue_indirect_dma source(%dma_start3A_19 : memref<32768x128xf32, #tpu.memory_space<hbm>>) target(%arg7 : memref<128x128xf32, #tpu.memory_space<vmem>>) offsets(%dma_start3A_16 : memref<128xi32, #tpu.memory_space<vmem>>) semaphore(%arg11 : memref<!tpu.dma_semaphore, #tpu.memory_space<semaphore_mem>>)
    %dma_start3A_20 = arith.constant 1 : i32
    %dma_start3A_21 = arith.constant 0 : i32
    %dma_start3A_22 = tpu.memref_slice %arg6[%dma_start3A_20, %dma_start3A_21] : memref<32x128xi32, #tpu.memory_space<vmem>> -> memref<1x128xi32, #tpu.memory_space<vmem>>
    %dma_start3A_23 = tpu.memref_squeeze %dma_start3A_22 : memref<1x128xi32, #tpu.memory_space<vmem>> -> memref<128xi32, #tpu.memory_space<vmem>>
    %dma_start3A_24 = arith.constant 0 : i32
    %dma_start3A_25 = arith.constant 0 : i32
    %dma_start3A_26 = tpu.memref_slice %arg2[%dma_start3A_24, %dma_start3A_25] : memref<32768x128xf32, #tpu.memory_space<hbm>> -> memref<32768x128xf32, #tpu.memory_space<hbm>>
    tpu.enqueue_indirect_dma source(%dma_start3A_26 : memref<32768x128xf32, #tpu.memory_space<hbm>>) target(%arg8 : memref<128x128xf32, #tpu.memory_space<vmem>>) offsets(%dma_start3A_23 : memref<128xi32, #tpu.memory_space<vmem>>) semaphore(%arg12 : memref<!tpu.dma_semaphore, #tpu.memory_space<semaphore_mem>>)
    %dma_start3A_27 = arith.constant 2 : i32
    %dma_start3A_28 = arith.constant 0 : i32
    %dma_start3A_29 = tpu.memref_slice %arg6[%dma_start3A_27, %dma_start3A_28] : memref<32x128xi32, #tpu.memory_space<vmem>> -> memref<1x128xi32, #tpu.memory_space<vmem>>
    %dma_start3A_30 = tpu.memref_squeeze %dma_start3A_29 : memref<1x128xi32, #tpu.memory_space<vmem>> -> memref<128xi32, #tpu.memory_space<vmem>>
    %dma_start3A_31 = arith.constant 0 : i32
    %dma_start3A_32 = arith.constant 0 : i32
    %dma_start3A_33 = tpu.memref_slice %arg2[%dma_start3A_31, %dma_start3A_32] : memref<32768x128xf32, #tpu.memory_space<hbm>> -> memref<32768x128xf32, #tpu.memory_space<hbm>>
    tpu.enqueue_indirect_dma source(%dma_start3A_33 : memref<32768x128xf32, #tpu.memory_space<hbm>>) target(%arg9 : memref<128x128xf32, #tpu.memory_space<vmem>>) offsets(%dma_start3A_30 : memref<128xi32, #tpu.memory_space<vmem>>) semaphore(%arg13 : memref<!tpu.dma_semaphore, #tpu.memory_space<semaphore_mem>>)
    %dma_start3A_34 = arith.constant 3 : i32
    %dma_start3A_35 = arith.constant 0 : i32
    %dma_start3A_36 = tpu.memref_slice %arg6[%dma_start3A_34, %dma_start3A_35] : memref<32x128xi32, #tpu.memory_space<vmem>> -> memref<1x128xi32, #tpu.memory_space<vmem>>
    %dma_start3A_37 = tpu.memref_squeeze %dma_start3A_36 : memref<1x128xi32, #tpu.memory_space<vmem>> -> memref<128xi32, #tpu.memory_space<vmem>>
    %dma_start3A_38 = arith.constant 0 : i32
    %dma_start3A_39 = arith.constant 0 : i32
    %dma_start3A_40 = tpu.memref_slice %arg2[%dma_start3A_38, %dma_start3A_39] : memref<32768x128xf32, #tpu.memory_space<hbm>> -> memref<32768x128xf32, #tpu.memory_space<hbm>>
    tpu.enqueue_indirect_dma source(%dma_start3A_40 : memref<32768x128xf32, #tpu.memory_space<hbm>>) target(%arg10 : memref<128x128xf32, #tpu.memory_space<vmem>>) offsets(%dma_start3A_37 : memref<128xi32, #tpu.memory_space<vmem>>) semaphore(%arg14 : memref<!tpu.dma_semaphore, #tpu.memory_space<semaphore_mem>>)
    %broadcast_in_dim3A_41 = arith.constant 0 : i32
    %broadcast_in_dim3A_42 = vector.broadcast %broadcast_in_dim3A_41 : i32 to vector<16xi32>
    %sub3A_43 = arith.constant 1 : i32
    %sub3A_44 = vector.broadcast %sub3A_43 : i32 to vector<16xi32>
    %sub3A_45 = arith.subi %broadcast_in_dim3A_42, %sub3A_44 : vector<16xi32>
    %sub3A_46 = arith.constant 1 : i32
    %sub3A_47 = vector.broadcast %sub3A_46 : i32 to vector<16xi32>
    %sub3A_48 = arith.subi %broadcast_in_dim3A_42, %sub3A_47 : vector<16xi32>
    %scan3A_49 = arith.constant 0 : i32
    %scan3A_50 = arith.constant 288 : i32
    %scan3A_51 = arith.addi %scan3A_49, %scan3A_50 : i32
    %scan3A_52 = arith.constant 1 : i32
    %scan3A_53:4 = scf.for %scan3A_910 = %scan3A_49 to %scan3A_51 step %scan3A_52 iter_args(%scan3A_911 = %sub3A_45, %scan3A_912 = %broadcast_in_dim3A_42, %scan3A_913 = %broadcast_in_dim3A_42, %scan3A_914 = %sub3A_48) -> (vector<16xi32>, vector<16xi32>, vector<16xi32>, vector<16xi32>)  : i32 {
      %iota3A = tpu.iota {dimensions = array<i32: 0>} : vector<16xi32>
      %add3A_915 = arith.constant 16 : i32
      %add3A_916 = vector.broadcast %add3A_915 : i32 to vector<16xi32>
      %add3A_917 = arith.addi %add3A_916, %iota3A : vector<16xi32>
      %mul3A_918 = arith.constant 128 : i32
      %mul3A_919 = arith.muli %add3A, %mul3A_918 : i32
      %add3A_920 = vector.broadcast %mul3A_919 : i32 to vector<16xi32>
      %add3A_921 = arith.addi %add3A_920, %add3A_917 : vector<16xi32>
      %shift_right_arithmetic3A = arith.constant 9 : i32
      %shift_right_arithmetic3A_922 = vector.broadcast %shift_right_arithmetic3A : i32 to vector<16xi32>
      %shift_right_arithmetic3A_923 = arith.shrsi %add3A_921, %shift_right_arithmetic3A_922 : vector<16xi32>
      %mul3A_924 = arith.constant 4096 : i32
      %mul3A_925 = vector.broadcast %mul3A_924 : i32 to vector<16xi32>
      %mul3A_926 = arith.muli %shift_right_arithmetic3A_923, %mul3A_925 : vector<16xi32>
      %eq3A = arith.constant 0 : i32
      %eq3A_927 = vector.broadcast %eq3A : i32 to vector<16xi32>
      %eq3A_928 = arith.cmpi eq, %scan3A_912, %eq3A_927 : vector<16xi32>
      %lt3A = arith.constant 255 : i32
      %lt3A_929 = vector.broadcast %lt3A : i32 to vector<16xi32>
      %lt3A_930 = arith.cmpi slt, %scan3A_911, %lt3A_929 : vector<16xi32>
      %and3A = arith.andi %eq3A_928, %lt3A_930 : vector<16xi1>
      %add3A_931 = arith.constant 1 : i32
      %add3A_932 = vector.broadcast %add3A_931 : i32 to vector<16xi32>
      %add3A_933 = arith.addi %scan3A_911, %add3A_932 : vector<16xi32>
      %select_n3A = arith.select %and3A, %add3A_933, %scan3A_911 : vector<16xi1>, vector<16xi32>
      %max3A = arith.constant 0 : i32
      %max3A_934 = vector.broadcast %max3A : i32 to vector<16xi32>
      %max3A_935 = arith.maxsi %select_n3A, %max3A_934 : vector<16xi32>
      %gather3A = tpu.vector_load_idx %arg5[%add3A_917, %max3A_935] : memref<128x256xi32, #tpu.memory_space<vmem>>[vector<16xi32>, vector<16xi32>], vector<16xi32>,
      %select_n3A_936 = arith.select %and3A, %gather3A, %scan3A_912 : vector<16xi1>, vector<16xi32>
      %ne3A = arith.constant 0 : i32
      %ne3A_937 = vector.broadcast %ne3A : i32 to vector<16xi32>
      %ne3A_938 = arith.cmpi ne, %select_n3A_936, %ne3A_937 : vector<16xi32>
      %eq3A_939 = arith.constant 0 : i32
      %eq3A_940 = vector.broadcast %eq3A_939 : i32 to vector<16xi32>
      %eq3A_941 = arith.cmpi eq, %select_n3A_936, %eq3A_940 : vector<16xi32>
      %ge3A = arith.constant 255 : i32
      %ge3A_942 = vector.broadcast %ge3A : i32 to vector<16xi32>
      %ge3A_943 = arith.cmpi sge, %select_n3A, %ge3A_942 : vector<16xi32>
      %and3A_944 = arith.andi %eq3A_941, %ge3A_943 : vector<16xi1>
      %or3A = arith.ori %ne3A_938, %and3A_944 : vector<16xi1>
      %lt3A_945 = arith.constant 32 : i32
      %lt3A_946 = vector.broadcast %lt3A_945 : i32 to vector<16xi32>
      %lt3A_947 = arith.cmpi slt, %scan3A_913, %lt3A_946 : vector<16xi32>
      %and3A_948 = arith.andi %or3A, %lt3A_947 : vector<16xi1>
      %neg3A = arith.constant 0 : i32
      %neg3A_949 = vector.broadcast %neg3A : i32 to vector<16xi32>
      %neg3A_950 = arith.subi %neg3A_949, %select_n3A_936 : vector<16xi32>
      %and3A_951 = arith.andi %select_n3A_936, %neg3A_950 : vector<16xi32>
      %sub3A_952 = arith.constant 1 : i32
      %sub3A_953 = vector.broadcast %sub3A_952 : i32 to vector<16xi32>
      %sub3A_954 = arith.subi %and3A_951, %sub3A_953 : vector<16xi32>
      %shift_right_arithmetic3A_955 = arith.constant 1 : i32
      %shift_right_arithmetic3A_956 = vector.broadcast %shift_right_arithmetic3A_955 : i32 to vector<16xi32>
      %shift_right_arithmetic3A_957 = arith.shrsi %sub3A_954, %shift_right_arithmetic3A_956 : vector<16xi32>
      %and3A_958 = arith.constant 1431655765 : i32
      %and3A_959 = vector.broadcast %and3A_958 : i32 to vector<16xi32>
      %and3A_960 = arith.andi %shift_right_arithmetic3A_957, %and3A_959 : vector<16xi32>
      %sub3A_961 = arith.subi %sub3A_954, %and3A_960 : vector<16xi32>
      %and3A_962 = arith.constant 858993459 : i32
      %and3A_963 = vector.broadcast %and3A_962 : i32 to vector<16xi32>
      %and3A_964 = arith.andi %sub3A_961, %and3A_963 : vector<16xi32>
      %shift_right_arithmetic3A_965 = arith.constant 2 : i32
      %shift_right_arithmetic3A_966 = vector.broadcast %shift_right_arithmetic3A_965 : i32 to vector<16xi32>
      %shift_right_arithmetic3A_967 = arith.shrsi %sub3A_961, %shift_right_arithmetic3A_966 : vector<16xi32>
      %and3A_968 = arith.constant 858993459 : i32
      %and3A_969 = vector.broadcast %and3A_968 : i32 to vector<16xi32>
      %and3A_970 = arith.andi %shift_right_arithmetic3A_967, %and3A_969 : vector<16xi32>
      %add3A_971 = arith.addi %and3A_964, %and3A_970 : vector<16xi32>
      %shift_right_arithmetic3A_972 = arith.constant 4 : i32
      %shift_right_arithmetic3A_973 = vector.broadcast %shift_right_arithmetic3A_972 : i32 to vector<16xi32>
      %shift_right_arithmetic3A_974 = arith.shrsi %add3A_971, %shift_right_arithmetic3A_973 : vector<16xi32>
      %add3A_975 = arith.addi %add3A_971, %shift_right_arithmetic3A_974 : vector<16xi32>
      %and3A_976 = arith.constant 252645135 : i32
      %and3A_977 = vector.broadcast %and3A_976 : i32 to vector<16xi32>
      %and3A_978 = arith.andi %add3A_975, %and3A_977 : vector<16xi32>
      %mul3A_979 = arith.constant 16843009 : i32
      %mul3A_980 = vector.broadcast %mul3A_979 : i32 to vector<16xi32>
      %mul3A_981 = arith.muli %and3A_978, %mul3A_980 : vector<16xi32>
      %shift_right_arithmetic3A_982 = arith.constant 24 : i32
      %shift_right_arithmetic3A_983 = vector.broadcast %shift_right_arithmetic3A_982 : i32 to vector<16xi32>
      %shift_right_arithmetic3A_984 = arith.shrsi %mul3A_981, %shift_right_arithmetic3A_983 : vector<16xi32>
      %mul3A_985 = arith.constant 16 : i32
      %mul3A_986 = vector.broadcast %mul3A_985 : i32 to vector<16xi32>
      %mul3A_987 = arith.muli %select_n3A, %mul3A_986 : vector<16xi32>
      %add3A_988 = arith.addi %mul3A_987, %shift_right_arithmetic3A_984 : vector<16xi32>
      %lt3A_989 = arith.constant 0 : i32
      %lt3A_990 = vector.broadcast %lt3A_989 : i32 to vector<16xi32>
      %lt3A_991 = arith.cmpi slt, %scan3A_914, %lt3A_990 : vector<16xi32>
      %and3A_992 = arith.andi %lt3A_991, %ne3A_938 : vector<16xi1>
      %select_n3A_993 = arith.select %and3A_992, %add3A_988, %scan3A_914 : vector<16xi1>, vector<16xi32>
      %max3A_994 = arith.constant 0 : i32
      %max3A_995 = vector.broadcast %max3A_994 : i32 to vector<16xi32>
      %max3A_996 = arith.maxsi %select_n3A_993, %max3A_995 : vector<16xi32>
      %select_n3A_997 = arith.select %ne3A_938, %add3A_988, %max3A_996 : vector<16xi1>, vector<16xi32>
      %mul3A_998 = arith.constant 32 : i32
      %mul3A_999 = vector.broadcast %mul3A_998 : i32 to vector<16xi32>
      %mul3A_1000 = arith.muli %add3A_917, %mul3A_999 : vector<16xi32>
      %min3A = arith.constant 31 : i32
      %min3A_1001 = vector.broadcast %min3A : i32 to vector<16xi32>
      %min3A_1002 = arith.minsi %scan3A_913, %min3A_1001 : vector<16xi32>
      %add3A_1003 = arith.addi %mul3A_1000, %min3A_1002 : vector<16xi32>
      %shift_right_arithmetic3A_1004 = arith.constant 7 : i32
      %shift_right_arithmetic3A_1005 = vector.broadcast %shift_right_arithmetic3A_1004 : i32 to vector<16xi32>
      %shift_right_arithmetic3A_1006 = arith.shrsi %add3A_1003, %shift_right_arithmetic3A_1005 : vector<16xi32>
      %and3A_1007 = arith.constant 127 : i32
      %and3A_1008 = vector.broadcast %and3A_1007 : i32 to vector<16xi32>
      %and3A_1009 = arith.andi %add3A_1003, %and3A_1008 : vector<16xi32>
      %add3A_1010 = arith.addi %mul3A_926, %select_n3A_997 : vector<16xi32>
      tpu.vector_store_idx %arg6[%shift_right_arithmetic3A_1006, %and3A_1009], %add3A_1010 masked %and3A_948 : memref<32x128xi32, #tpu.memory_space<vmem>>[vector<16xi32>, vector<16xi32>], vector<16xi32>, vector<16xi1>
      %add3A_1011 = arith.constant 1 : i32
      %add3A_1012 = vector.broadcast %add3A_1011 : i32 to vector<16xi32>
      %add3A_1013 = arith.addi %scan3A_913, %add3A_1012 : vector<16xi32>
      %select_n3A_1014 = arith.select %and3A_948, %add3A_1013, %scan3A_913 : vector<16xi1>, vector<16xi32>
      %sub3A_1015 = arith.subi %select_n3A_936, %and3A_951 : vector<16xi32>
      scf.yield %select_n3A, %sub3A_1015, %select_n3A_1014, %select_n3A_993 : vector<16xi32>, vector<16xi32>, vector<16xi32>, vector<16xi32>
    }
    %scan3A_54 = arith.constant 288 : i32
    %dma_wait3A = arith.constant 0 : i32
    %dma_wait3A_55 = arith.constant 0 : i32
    %dma_wait3A_56 = tpu.memref_slice %arg6[%dma_wait3A, %dma_wait3A_55] : memref<32x128xi32, #tpu.memory_space<vmem>> -> memref<1x128xi32, #tpu.memory_space<vmem>>
    %dma_wait3A_57 = tpu.memref_squeeze %dma_wait3A_56 : memref<1x128xi32, #tpu.memory_space<vmem>> -> memref<128xi32, #tpu.memory_space<vmem>>
    %dma_wait3A_58 = arith.constant 0 : i32
    %dma_wait3A_59 = arith.constant 0 : i32
    %dma_wait3A_60 = tpu.memref_slice %arg2[%dma_wait3A_58, %dma_wait3A_59] : memref<32768x128xf32, #tpu.memory_space<hbm>> -> memref<32768x128xf32, #tpu.memory_space<hbm>>
    tpu.wait_indirect_dma semaphore(%arg11 : memref<!tpu.dma_semaphore, #tpu.memory_space<semaphore_mem>>) src(%dma_wait3A_60 : memref<32768x128xf32, #tpu.memory_space<hbm>>) dst(%arg7 : memref<128x128xf32, #tpu.memory_space<vmem>>)
    %mul3A_61 = arith.constant 4096 : i32
    %mul3A_62 = arith.muli %add3A, %mul3A_61 : i32
    %add3A_63 = arith.constant 0 : i32
    %add3A_64 = arith.addi %mul3A_62, %add3A_63 : i32
    %dma_start3A_65 = arith.constant 0 : i32
    %dma_start3A_66 = tpu.memref_slice %arg4[%add3A_64, %dma_start3A_65] : memref<131072x128xf32, #tpu.memory_space<hbm>> -> memref<128x128xf32, #tpu.memory_space<hbm>>
    %dma_start3A_67 = arith.constant 0 : i32
    %dma_start3A_68 = tpu.memref_slice %arg4[%add3A_64, %dma_start3A_67] : memref<131072x128xf32, #tpu.memory_space<hbm>> -> memref<128x128xf32, #tpu.memory_space<hbm>>
    tpu.enqueue_dma source(%arg7 : memref<128x128xf32, #tpu.memory_space<vmem>>) target(%dma_start3A_68 : memref<128x128xf32, #tpu.memory_space<hbm>>) target_semaphore(%arg15 : memref<!tpu.dma_semaphore, #tpu.memory_space<semaphore_mem>>)
    %dma_wait3A_69 = arith.constant 1 : i32
    %dma_wait3A_70 = arith.constant 0 : i32
    %dma_wait3A_71 = tpu.memref_slice %arg6[%dma_wait3A_69, %dma_wait3A_70] : memref<32x128xi32, #tpu.memory_space<vmem>> -> memref<1x128xi32, #tpu.memory_space<vmem>>
    %dma_wait3A_72 = tpu.memref_squeeze %dma_wait3A_71 : memref<1x128xi32, #tpu.memory_space<vmem>> -> memref<128xi32, #tpu.memory_space<vmem>>
    %dma_wait3A_73 = arith.constant 0 : i32
    %dma_wait3A_74 = arith.constant 0 : i32
    %dma_wait3A_75 = tpu.memref_slice %arg2[%dma_wait3A_73, %dma_wait3A_74] : memref<32768x128xf32, #tpu.memory_space<hbm>> -> memref<32768x128xf32, #tpu.memory_space<hbm>>
    tpu.wait_indirect_dma semaphore(%arg12 : memref<!tpu.dma_semaphore, #tpu.memory_space<semaphore_mem>>) src(%dma_wait3A_75 : memref<32768x128xf32, #tpu.memory_space<hbm>>) dst(%arg8 : memref<128x128xf32, #tpu.memory_space<vmem>>)
    %mul3A_76 = arith.constant 4096 : i32
    %mul3A_77 = arith.muli %add3A, %mul3A_76 : i32
    %add3A_78 = arith.constant 128 : i32
    %add3A_79 = arith.addi %mul3A_77, %add3A_78 : i32
    %dma_start3A_80 = arith.constant 0 : i32
    %dma_start3A_81 = tpu.memref_slice %arg4[%add3A_79, %dma_start3A_80] : memref<131072x128xf32, #tpu.memory_space<hbm>> -> memref<128x128xf32, #tpu.memory_space<hbm>>
    %dma_start3A_82 = arith.constant 0 : i32
    %dma_start3A_83 = tpu.memref_slice %arg4[%add3A_79, %dma_start3A_82] : memref<131072x128xf32, #tpu.memory_space<hbm>> -> memref<128x128xf32, #tpu.memory_space<hbm>>
    tpu.enqueue_dma source(%arg8 : memref<128x128xf32, #tpu.memory_space<vmem>>) target(%dma_start3A_83 : memref<128x128xf32, #tpu.memory_space<hbm>>) target_semaphore(%arg16 : memref<!tpu.dma_semaphore, #tpu.memory_space<semaphore_mem>>)
    %dma_wait3A_84 = arith.constant 2 : i32
    %dma_wait3A_85 = arith.constant 0 : i32
    %dma_wait3A_86 = tpu.memref_slice %arg6[%dma_wait3A_84, %dma_wait3A_85] : memref<32x128xi32, #tpu.memory_space<vmem>> -> memref<1x128xi32, #tpu.memory_space<vmem>>
    %dma_wait3A_87 = tpu.memref_squeeze %dma_wait3A_86 : memref<1x128xi32, #tpu.memory_space<vmem>> -> memref<128xi32, #tpu.memory_space<vmem>>
    %dma_wait3A_88 = arith.constant 0 : i32
    %dma_wait3A_89 = arith.constant 0 : i32
    %dma_wait3A_90 = tpu.memref_slice %arg2[%dma_wait3A_88, %dma_wait3A_89] : memref<32768x128xf32, #tpu.memory_space<hbm>> -> memref<32768x128xf32, #tpu.memory_space<hbm>>
    tpu.wait_indirect_dma semaphore(%arg13 : memref<!tpu.dma_semaphore, #tpu.memory_space<semaphore_mem>>) src(%dma_wait3A_90 : memref<32768x128xf32, #tpu.memory_space<hbm>>) dst(%arg9 : memref<128x128xf32, #tpu.memory_space<vmem>>)
    %mul3A_91 = arith.constant 4096 : i32
    %mul3A_92 = arith.muli %add3A, %mul3A_91 : i32
    %add3A_93 = arith.constant 256 : i32
    %add3A_94 = arith.addi %mul3A_92, %add3A_93 : i32
    %dma_start3A_95 = arith.constant 0 : i32
    %dma_start3A_96 = tpu.memref_slice %arg4[%add3A_94, %dma_start3A_95] : memref<131072x128xf32, #tpu.memory_space<hbm>> -> memref<128x128xf32, #tpu.memory_space<hbm>>
    %dma_start3A_97 = arith.constant 0 : i32
    %dma_start3A_98 = tpu.memref_slice %arg4[%add3A_94, %dma_start3A_97] : memref<131072x128xf32, #tpu.memory_space<hbm>> -> memref<128x128xf32, #tpu.memory_space<hbm>>
    tpu.enqueue_dma source(%arg9 : memref<128x128xf32, #tpu.memory_space<vmem>>) target(%dma_start3A_98 : memref<128x128xf32, #tpu.memory_space<hbm>>) target_semaphore(%arg17 : memref<!tpu.dma_semaphore, #tpu.memory_space<semaphore_mem>>)
    %dma_wait3A_99 = arith.constant 3 : i32
    %dma_wait3A_100 = arith.constant 0 : i32
    %dma_wait3A_101 = tpu.memref_slice %arg6[%dma_wait3A_99, %dma_wait3A_100] : memref<32x128xi32, #tpu.memory_space<vmem>> -> memref<1x128xi32, #tpu.memory_space<vmem>>
    %dma_wait3A_102 = tpu.memref_squeeze %dma_wait3A_101 : memref<1x128xi32, #tpu.memory_space<vmem>> -> memref<128xi32, #tpu.memory_space<vmem>>
    %dma_wait3A_103 = arith.constant 0 : i32
    %dma_wait3A_104 = arith.constant 0 : i32
    %dma_wait3A_105 = tpu.memref_slice %arg2[%dma_wait3A_103, %dma_wait3A_104] : memref<32768x128xf32, #tpu.memory_space<hbm>> -> memref<32768x128xf32, #tpu.memory_space<hbm>>
    tpu.wait_indirect_dma semaphore(%arg14 : memref<!tpu.dma_semaphore, #tpu.memory_space<semaphore_mem>>) src(%dma_wait3A_105 : memref<32768x128xf32, #tpu.memory_space<hbm>>) dst(%arg10 : memref<128x128xf32, #tpu.memory_space<vmem>>)
    %mul3A_106 = arith.constant 4096 : i32
    %mul3A_107 = arith.muli %add3A, %mul3A_106 : i32
    %add3A_108 = arith.constant 384 : i32
    %add3A_109 = arith.addi %mul3A_107, %add3A_108 : i32
    %dma_start3A_110 = arith.constant 0 : i32
    %dma_start3A_111 = tpu.memref_slice %arg4[%add3A_109, %dma_start3A_110] : memref<131072x128xf32, #tpu.memory_space<hbm>> -> memref<128x128xf32, #tpu.memory_space<hbm>>
    %dma_start3A_112 = arith.constant 0 : i32
    %dma_start3A_113 = tpu.memref_slice %arg4[%add3A_109, %dma_start3A_112] : memref<131072x128xf32, #tpu.memory_space<hbm>> -> memref<128x128xf32, #tpu.memory_space<hbm>>
    tpu.enqueue_dma source(%arg10 : memref<128x128xf32, #tpu.memory_space<vmem>>) target(%dma_start3A_113 : memref<128x128xf32, #tpu.memory_space<hbm>>) target_semaphore(%arg18 : memref<!tpu.dma_semaphore, #tpu.memory_space<semaphore_mem>>)
    %dma_wait3A_114 = arith.constant 0 : i32
    %dma_wait3A_115 = tpu.memref_slice %arg4[%add3A_64, %dma_wait3A_114] : memref<131072x128xf32, #tpu.memory_space<hbm>> -> memref<128x128xf32, #tpu.memory_space<hbm>>
    %dma_wait3A_116 = arith.constant 0 : i32
    %dma_wait3A_117 = tpu.memref_slice %arg4[%add3A_64, %dma_wait3A_116] : memref<131072x128xf32, #tpu.memory_space<hbm>> -> memref<128x128xf32, #tpu.memory_space<hbm>>
    tpu.wait_dma2 semaphore(%arg15 : memref<!tpu.dma_semaphore, #tpu.memory_space<semaphore_mem>>) src(%arg7 : memref<128x128xf32, #tpu.memory_space<vmem>>) dst(%dma_wait3A_117 : memref<128x128xf32, #tpu.memory_space<hbm>>)
    %dma_start3A_118 = arith.constant 4 : i32
    %dma_start3A_119 = arith.constant 0 : i32
    %dma_start3A_120 = tpu.memref_slice %arg6[%dma_start3A_118, %dma_start3A_119] : memref<32x128xi32, #tpu.memory_space<vmem>> -> memref<1x128xi32, #tpu.memory_space<vmem>>
    %dma_start3A_121 = tpu.memref_squeeze %dma_start3A_120 : memref<1x128xi32, #tpu.memory_space<vmem>> -> memref<128xi32, #tpu.memory_space<vmem>>
    %dma_start3A_122 = arith.constant 0 : i32
    %dma_start3A_123 = arith.constant 0 : i32
    %dma_start3A_124 = tpu.memref_slice %arg2[%dma_start3A_122, %dma_start3A_123] : memref<32768x128xf32, #tpu.memory_space<hbm>> -> memref<32768x128xf32, #tpu.memory_space<hbm>>
    tpu.enqueue_indirect_dma source(%dma_start3A_124 : memref<32768x128xf32, #tpu.memory_space<hbm>>) target(%arg7 : memref<128x128xf32, #tpu.memory_space<vmem>>) offsets(%dma_start3A_121 : memref<128xi32, #tpu.memory_space<vmem>>) semaphore(%arg11 : memref<!tpu.dma_semaphore, #tpu.memory_space<semaphore_mem>>)
    %dma_wait3A_125 = arith.constant 0 : i32
    %dma_wait3A_126 = tpu.memref_slice %arg4[%add3A_79, %dma_wait3A_125] : memref<131072x128xf32, #tpu.memory_space<hbm>> -> memref<128x128xf32, #tpu.memory_space<hbm>>
    %dma_wait3A_127 = arith.constant 0 : i32
    %dma_wait3A_128 = tpu.memref_slice %arg4[%add3A_79, %dma_wait3A_127] : memref<131072x128xf32, #tpu.memory_space<hbm>> -> memref<128x128xf32, #tpu.memory_space<hbm>>
    tpu.wait_dma2 semaphore(%arg16 : memref<!tpu.dma_semaphore, #tpu.memory_space<semaphore_mem>>) src(%arg8 : memref<128x128xf32, #tpu.memory_space<vmem>>) dst(%dma_wait3A_128 : memref<128x128xf32, #tpu.memory_space<hbm>>)
    %dma_start3A_129 = arith.constant 5 : i32
    %dma_start3A_130 = arith.constant 0 : i32
    %dma_start3A_131 = tpu.memref_slice %arg6[%dma_start3A_129, %dma_start3A_130] : memref<32x128xi32, #tpu.memory_space<vmem>> -> memref<1x128xi32, #tpu.memory_space<vmem>>
    %dma_start3A_132 = tpu.memref_squeeze %dma_start3A_131 : memref<1x128xi32, #tpu.memory_space<vmem>> -> memref<128xi32, #tpu.memory_space<vmem>>
    %dma_start3A_133 = arith.constant 0 : i32
    %dma_start3A_134 = arith.constant 0 : i32
    %dma_start3A_135 = tpu.memref_slice %arg2[%dma_start3A_133, %dma_start3A_134] : memref<32768x128xf32, #tpu.memory_space<hbm>> -> memref<32768x128xf32, #tpu.memory_space<hbm>>
    tpu.enqueue_indirect_dma source(%dma_start3A_135 : memref<32768x128xf32, #tpu.memory_space<hbm>>) target(%arg8 : memref<128x128xf32, #tpu.memory_space<vmem>>) offsets(%dma_start3A_132 : memref<128xi32, #tpu.memory_space<vmem>>) semaphore(%arg12 : memref<!tpu.dma_semaphore, #tpu.memory_space<semaphore_mem>>)
    %dma_wait3A_136 = arith.constant 0 : i32
    %dma_wait3A_137 = tpu.memref_slice %arg4[%add3A_94, %dma_wait3A_136] : memref<131072x128xf32, #tpu.memory_space<hbm>> -> memref<128x128xf32, #tpu.memory_space<hbm>>
    %dma_wait3A_138 = arith.constant 0 : i32
    %dma_wait3A_139 = tpu.memref_slice %arg4[%add3A_94, %dma_wait3A_138] : memref<131072x128xf32, #tpu.memory_space<hbm>> -> memref<128x128xf32, #tpu.memory_space<hbm>>
    tpu.wait_dma2 semaphore(%arg17 : memref<!tpu.dma_semaphore, #tpu.memory_space<semaphore_mem>>) src(%arg9 : memref<128x128xf32, #tpu.memory_space<vmem>>) dst(%dma_wait3A_139 : memref<128x128xf32, #tpu.memory_space<hbm>>)
    %dma_start3A_140 = arith.constant 6 : i32
    %dma_start3A_141 = arith.constant 0 : i32
    %dma_start3A_142 = tpu.memref_slice %arg6[%dma_start3A_140, %dma_start3A_141] : memref<32x128xi32, #tpu.memory_space<vmem>> -> memref<1x128xi32, #tpu.memory_space<vmem>>
    %dma_start3A_143 = tpu.memref_squeeze %dma_start3A_142 : memref<1x128xi32, #tpu.memory_space<vmem>> -> memref<128xi32, #tpu.memory_space<vmem>>
    %dma_start3A_144 = arith.constant 0 : i32
    %dma_start3A_145 = arith.constant 0 : i32
    %dma_start3A_146 = tpu.memref_slice %arg2[%dma_start3A_144, %dma_start3A_145] : memref<32768x128xf32, #tpu.memory_space<hbm>> -> memref<32768x128xf32, #tpu.memory_space<hbm>>
    tpu.enqueue_indirect_dma source(%dma_start3A_146 : memref<32768x128xf32, #tpu.memory_space<hbm>>) target(%arg9 : memref<128x128xf32, #tpu.memory_space<vmem>>) offsets(%dma_start3A_143 : memref<128xi32, #tpu.memory_space<vmem>>) semaphore(%arg13 : memref<!tpu.dma_semaphore, #tpu.memory_space<semaphore_mem>>)
    %dma_wait3A_147 = arith.constant 0 : i32
    %dma_wait3A_148 = tpu.memref_slice %arg4[%add3A_109, %dma_wait3A_147] : memref<131072x128xf32, #tpu.memory_space<hbm>> -> memref<128x128xf32, #tpu.memory_space<hbm>>
    %dma_wait3A_149 = arith.constant 0 : i32
    %dma_wait3A_150 = tpu.memref_slice %arg4[%add3A_109, %dma_wait3A_149] : memref<131072x128xf32, #tpu.memory_space<hbm>> -> memref<128x128xf32, #tpu.memory_space<hbm>>
    tpu.wait_dma2 semaphore(%arg18 : memref<!tpu.dma_semaphore, #tpu.memory_space<semaphore_mem>>) src(%arg10 : memref<128x128xf32, #tpu.memory_space<vmem>>) dst(%dma_wait3A_150 : memref<128x128xf32, #tpu.memory_space<hbm>>)
    %dma_start3A_151 = arith.constant 7 : i32
    %dma_start3A_152 = arith.constant 0 : i32
    %dma_start3A_153 = tpu.memref_slice %arg6[%dma_start3A_151, %dma_start3A_152] : memref<32x128xi32, #tpu.memory_space<vmem>> -> memref<1x128xi32, #tpu.memory_space<vmem>>
    %dma_start3A_154 = tpu.memref_squeeze %dma_start3A_153 : memref<1x128xi32, #tpu.memory_space<vmem>> -> memref<128xi32, #tpu.memory_space<vmem>>
    %dma_start3A_155 = arith.constant 0 : i32
    %dma_start3A_156 = arith.constant 0 : i32
    %dma_start3A_157 = tpu.memref_slice %arg2[%dma_start3A_155, %dma_start3A_156] : memref<32768x128xf32, #tpu.memory_space<hbm>> -> memref<32768x128xf32, #tpu.memory_space<hbm>>
    tpu.enqueue_indirect_dma source(%dma_start3A_157 : memref<32768x128xf32, #tpu.memory_space<hbm>>) target(%arg10 : memref<128x128xf32, #tpu.memory_space<vmem>>) offsets(%dma_start3A_154 : memref<128xi32, #tpu.memory_space<vmem>>) semaphore(%arg14 : memref<!tpu.dma_semaphore, #tpu.memory_space<semaphore_mem>>)
    %broadcast_in_dim3A_158 = arith.constant 0 : i32
    %broadcast_in_dim3A_159 = vector.broadcast %broadcast_in_dim3A_158 : i32 to vector<16xi32>
    %sub3A_160 = arith.constant 1 : i32
    %sub3A_161 = vector.broadcast %sub3A_160 : i32 to vector<16xi32>
    %sub3A_162 = arith.subi %broadcast_in_dim3A_159, %sub3A_161 : vector<16xi32>
    %sub3A_163 = arith.constant 1 : i32
    %sub3A_164 = vector.broadcast %sub3A_163 : i32 to vector<16xi32>
    %sub3A_165 = arith.subi %broadcast_in_dim3A_159, %sub3A_164 : vector<16xi32>
    %scan3A_166 = arith.constant 0 : i32
    %scan3A_167 = arith.constant 288 : i32
    %scan3A_168 = arith.addi %scan3A_166, %scan3A_167 : i32
    %scan3A_169 = arith.constant 1 : i32
    %scan3A_170:4 = scf.for %scan3A_910 = %scan3A_166 to %scan3A_168 step %scan3A_169 iter_args(%scan3A_911 = %sub3A_162, %scan3A_912 = %broadcast_in_dim3A_159, %scan3A_913 = %broadcast_in_dim3A_159, %scan3A_914 = %sub3A_165) -> (vector<16xi32>, vector<16xi32>, vector<16xi32>, vector<16xi32>)  : i32 {
      %iota3A = tpu.iota {dimensions = array<i32: 0>} : vector<16xi32>
      %add3A_915 = arith.constant 32 : i32
      %add3A_916 = vector.broadcast %add3A_915 : i32 to vector<16xi32>
      %add3A_917 = arith.addi %add3A_916, %iota3A : vector<16xi32>
      %mul3A_918 = arith.constant 128 : i32
      %mul3A_919 = arith.muli %add3A, %mul3A_918 : i32
      %add3A_920 = vector.broadcast %mul3A_919 : i32 to vector<16xi32>
      %add3A_921 = arith.addi %add3A_920, %add3A_917 : vector<16xi32>
      %shift_right_arithmetic3A = arith.constant 9 : i32
      %shift_right_arithmetic3A_922 = vector.broadcast %shift_right_arithmetic3A : i32 to vector<16xi32>
      %shift_right_arithmetic3A_923 = arith.shrsi %add3A_921, %shift_right_arithmetic3A_922 : vector<16xi32>
      %mul3A_924 = arith.constant 4096 : i32
      %mul3A_925 = vector.broadcast %mul3A_924 : i32 to vector<16xi32>
      %mul3A_926 = arith.muli %shift_right_arithmetic3A_923, %mul3A_925 : vector<16xi32>
      %eq3A = arith.constant 0 : i32
      %eq3A_927 = vector.broadcast %eq3A : i32 to vector<16xi32>
      %eq3A_928 = arith.cmpi eq, %scan3A_912, %eq3A_927 : vector<16xi32>
      %lt3A = arith.constant 255 : i32
      %lt3A_929 = vector.broadcast %lt3A : i32 to vector<16xi32>
      %lt3A_930 = arith.cmpi slt, %scan3A_911, %lt3A_929 : vector<16xi32>
      %and3A = arith.andi %eq3A_928, %lt3A_930 : vector<16xi1>
      %add3A_931 = arith.constant 1 : i32
      %add3A_932 = vector.broadcast %add3A_931 : i32 to vector<16xi32>
      %add3A_933 = arith.addi %scan3A_911, %add3A_932 : vector<16xi32>
      %select_n3A = arith.select %and3A, %add3A_933, %scan3A_911 : vector<16xi1>, vector<16xi32>
      %max3A = arith.constant 0 : i32
      %max3A_934 = vector.broadcast %max3A : i32 to vector<16xi32>
      %max3A_935 = arith.maxsi %select_n3A, %max3A_934 : vector<16xi32>
      %gather3A = tpu.vector_load_idx %arg5[%add3A_917, %max3A_935] : memref<128x256xi32, #tpu.memory_space<vmem>>[vector<16xi32>, vector<16xi32>], vector<16xi32>,
      %select_n3A_936 = arith.select %and3A, %gather3A, %scan3A_912 : vector<16xi1>, vector<16xi32>
      %ne3A = arith.constant 0 : i32
      %ne3A_937 = vector.broadcast %ne3A : i32 to vector<16xi32>
      %ne3A_938 = arith.cmpi ne, %select_n3A_936, %ne3A_937 : vector<16xi32>
      %eq3A_939 = arith.constant 0 : i32
      %eq3A_940 = vector.broadcast %eq3A_939 : i32 to vector<16xi32>
      %eq3A_941 = arith.cmpi eq, %select_n3A_936, %eq3A_940 : vector<16xi32>
      %ge3A = arith.constant 255 : i32
      %ge3A_942 = vector.broadcast %ge3A : i32 to vector<16xi32>
      %ge3A_943 = arith.cmpi sge, %select_n3A, %ge3A_942 : vector<16xi32>
      %and3A_944 = arith.andi %eq3A_941, %ge3A_943 : vector<16xi1>
      %or3A = arith.ori %ne3A_938, %and3A_944 : vector<16xi1>
      %lt3A_945 = arith.constant 32 : i32
      %lt3A_946 = vector.broadcast %lt3A_945 : i32 to vector<16xi32>
      %lt3A_947 = arith.cmpi slt, %scan3A_913, %lt3A_946 : vector<16xi32>
      %and3A_948 = arith.andi %or3A, %lt3A_947 : vector<16xi1>
      %neg3A = arith.constant 0 : i32
      %neg3A_949 = vector.broadcast %neg3A : i32 to vector<16xi32>
      %neg3A_950 = arith.subi %neg3A_949, %select_n3A_936 : vector<16xi32>
      %and3A_951 = arith.andi %select_n3A_936, %neg3A_950 : vector<16xi32>
      %sub3A_952 = arith.constant 1 : i32
      %sub3A_953 = vector.broadcast %sub3A_952 : i32 to vector<16xi32>
      %sub3A_954 = arith.subi %and3A_951, %sub3A_953 : vector<16xi32>
      %shift_right_arithmetic3A_955 = arith.constant 1 : i32
      %shift_right_arithmetic3A_956 = vector.broadcast %shift_right_arithmetic3A_955 : i32 to vector<16xi32>
      %shift_right_arithmetic3A_957 = arith.shrsi %sub3A_954, %shift_right_arithmetic3A_956 : vector<16xi32>
      %and3A_958 = arith.constant 1431655765 : i32
      %and3A_959 = vector.broadcast %and3A_958 : i32 to vector<16xi32>
      %and3A_960 = arith.andi %shift_right_arithmetic3A_957, %and3A_959 : vector<16xi32>
      %sub3A_961 = arith.subi %sub3A_954, %and3A_960 : vector<16xi32>
      %and3A_962 = arith.constant 858993459 : i32
      %and3A_963 = vector.broadcast %and3A_962 : i32 to vector<16xi32>
      %and3A_964 = arith.andi %sub3A_961, %and3A_963 : vector<16xi32>
      %shift_right_arithmetic3A_965 = arith.constant 2 : i32
      %shift_right_arithmetic3A_966 = vector.broadcast %shift_right_arithmetic3A_965 : i32 to vector<16xi32>
      %shift_right_arithmetic3A_967 = arith.shrsi %sub3A_961, %shift_right_arithmetic3A_966 : vector<16xi32>
      %and3A_968 = arith.constant 858993459 : i32
      %and3A_969 = vector.broadcast %and3A_968 : i32 to vector<16xi32>
      %and3A_970 = arith.andi %shift_right_arithmetic3A_967, %and3A_969 : vector<16xi32>
      %add3A_971 = arith.addi %and3A_964, %and3A_970 : vector<16xi32>
      %shift_right_arithmetic3A_972 = arith.constant 4 : i32
      %shift_right_arithmetic3A_973 = vector.broadcast %shift_right_arithmetic3A_972 : i32 to vector<16xi32>
      %shift_right_arithmetic3A_974 = arith.shrsi %add3A_971, %shift_right_arithmetic3A_973 : vector<16xi32>
      %add3A_975 = arith.addi %add3A_971, %shift_right_arithmetic3A_974 : vector<16xi32>
      %and3A_976 = arith.constant 252645135 : i32
      %and3A_977 = vector.broadcast %and3A_976 : i32 to vector<16xi32>
      %and3A_978 = arith.andi %add3A_975, %and3A_977 : vector<16xi32>
      %mul3A_979 = arith.constant 16843009 : i32
      %mul3A_980 = vector.broadcast %mul3A_979 : i32 to vector<16xi32>
      %mul3A_981 = arith.muli %and3A_978, %mul3A_980 : vector<16xi32>
      %shift_right_arithmetic3A_982 = arith.constant 24 : i32
      %shift_right_arithmetic3A_983 = vector.broadcast %shift_right_arithmetic3A_982 : i32 to vector<16xi32>
      %shift_right_arithmetic3A_984 = arith.shrsi %mul3A_981, %shift_right_arithmetic3A_983 : vector<16xi32>
      %mul3A_985 = arith.constant 16 : i32
      %mul3A_986 = vector.broadcast %mul3A_985 : i32 to vector<16xi32>
      %mul3A_987 = arith.muli %select_n3A, %mul3A_986 : vector<16xi32>
      %add3A_988 = arith.addi %mul3A_987, %shift_right_arithmetic3A_984 : vector<16xi32>
      %lt3A_989 = arith.constant 0 : i32
      %lt3A_990 = vector.broadcast %lt3A_989 : i32 to vector<16xi32>
      %lt3A_991 = arith.cmpi slt, %scan3A_914, %lt3A_990 : vector<16xi32>
      %and3A_992 = arith.andi %lt3A_991, %ne3A_938 : vector<16xi1>
      %select_n3A_993 = arith.select %and3A_992, %add3A_988, %scan3A_914 : vector<16xi1>, vector<16xi32>
      %max3A_994 = arith.constant 0 : i32
      %max3A_995 = vector.broadcast %max3A_994 : i32 to vector<16xi32>
      %max3A_996 = arith.maxsi %select_n3A_993, %max3A_995 : vector<16xi32>
      %select_n3A_997 = arith.select %ne3A_938, %add3A_988, %max3A_996 : vector<16xi1>, vector<16xi32>
      %mul3A_998 = arith.constant 32 : i32
      %mul3A_999 = vector.broadcast %mul3A_998 : i32 to vector<16xi32>
      %mul3A_1000 = arith.muli %add3A_917, %mul3A_999 : vector<16xi32>
      %min3A = arith.constant 31 : i32
      %min3A_1001 = vector.broadcast %min3A : i32 to vector<16xi32>
      %min3A_1002 = arith.minsi %scan3A_913, %min3A_1001 : vector<16xi32>
      %add3A_1003 = arith.addi %mul3A_1000, %min3A_1002 : vector<16xi32>
      %shift_right_arithmetic3A_1004 = arith.constant 7 : i32
      %shift_right_arithmetic3A_1005 = vector.broadcast %shift_right_arithmetic3A_1004 : i32 to vector<16xi32>
      %shift_right_arithmetic3A_1006 = arith.shrsi %add3A_1003, %shift_right_arithmetic3A_1005 : vector<16xi32>
      %and3A_1007 = arith.constant 127 : i32
      %and3A_1008 = vector.broadcast %and3A_1007 : i32 to vector<16xi32>
      %and3A_1009 = arith.andi %add3A_1003, %and3A_1008 : vector<16xi32>
      %add3A_1010 = arith.addi %mul3A_926, %select_n3A_997 : vector<16xi32>
      tpu.vector_store_idx %arg6[%shift_right_arithmetic3A_1006, %and3A_1009], %add3A_1010 masked %and3A_948 : memref<32x128xi32, #tpu.memory_space<vmem>>[vector<16xi32>, vector<16xi32>], vector<16xi32>, vector<16xi1>
      %add3A_1011 = arith.constant 1 : i32
      %add3A_1012 = vector.broadcast %add3A_1011 : i32 to vector<16xi32>
      %add3A_1013 = arith.addi %scan3A_913, %add3A_1012 : vector<16xi32>
      %select_n3A_1014 = arith.select %and3A_948, %add3A_1013, %scan3A_913 : vector<16xi1>, vector<16xi32>
      %sub3A_1015 = arith.subi %select_n3A_936, %and3A_951 : vector<16xi32>
      scf.yield %select_n3A, %sub3A_1015, %select_n3A_1014, %select_n3A_993 : vector<16xi32>, vector<16xi32>, vector<16xi32>, vector<16xi32>
    }
    %scan3A_171 = arith.constant 288 : i32
    %dma_wait3A_172 = arith.constant 4 : i32
    %dma_wait3A_173 = arith.constant 0 : i32
    %dma_wait3A_174 = tpu.memref_slice %arg6[%dma_wait3A_172, %dma_wait3A_173] : memref<32x128xi32, #tpu.memory_space<vmem>> -> memref<1x128xi32, #tpu.memory_space<vmem>>
    %dma_wait3A_175 = tpu.memref_squeeze %dma_wait3A_174 : memref<1x128xi32, #tpu.memory_space<vmem>> -> memref<128xi32, #tpu.memory_space<vmem>>
    %dma_wait3A_176 = arith.constant 0 : i32
    %dma_wait3A_177 = arith.constant 0 : i32
    %dma_wait3A_178 = tpu.memref_slice %arg2[%dma_wait3A_176, %dma_wait3A_177] : memref<32768x128xf32, #tpu.memory_space<hbm>> -> memref<32768x128xf32, #tpu.memory_space<hbm>>
    tpu.wait_indirect_dma semaphore(%arg11 : memref<!tpu.dma_semaphore, #tpu.memory_space<semaphore_mem>>) src(%dma_wait3A_178 : memref<32768x128xf32, #tpu.memory_space<hbm>>) dst(%arg7 : memref<128x128xf32, #tpu.memory_space<vmem>>)
    %mul3A_179 = arith.constant 4096 : i32
    %mul3A_180 = arith.muli %add3A, %mul3A_179 : i32
    %add3A_181 = arith.constant 512 : i32
    %add3A_182 = arith.addi %mul3A_180, %add3A_181 : i32
    %dma_start3A_183 = arith.constant 0 : i32
    %dma_start3A_184 = tpu.memref_slice %arg4[%add3A_182, %dma_start3A_183] : memref<131072x128xf32, #tpu.memory_space<hbm>> -> memref<128x128xf32, #tpu.memory_space<hbm>>
    %dma_start3A_185 = arith.constant 0 : i32
    %dma_start3A_186 = tpu.memref_slice %arg4[%add3A_182, %dma_start3A_185] : memref<131072x128xf32, #tpu.memory_space<hbm>> -> memref<128x128xf32, #tpu.memory_space<hbm>>
    tpu.enqueue_dma source(%arg7 : memref<128x128xf32, #tpu.memory_space<vmem>>) target(%dma_start3A_186 : memref<128x128xf32, #tpu.memory_space<hbm>>) target_semaphore(%arg15 : memref<!tpu.dma_semaphore, #tpu.memory_space<semaphore_mem>>)
    %dma_wait3A_187 = arith.constant 5 : i32
    %dma_wait3A_188 = arith.constant 0 : i32
    %dma_wait3A_189 = tpu.memref_slice %arg6[%dma_wait3A_187, %dma_wait3A_188] : memref<32x128xi32, #tpu.memory_space<vmem>> -> memref<1x128xi32, #tpu.memory_space<vmem>>
    %dma_wait3A_190 = tpu.memref_squeeze %dma_wait3A_189 : memref<1x128xi32, #tpu.memory_space<vmem>> -> memref<128xi32, #tpu.memory_space<vmem>>
    %dma_wait3A_191 = arith.constant 0 : i32
    %dma_wait3A_192 = arith.constant 0 : i32
    %dma_wait3A_193 = tpu.memref_slice %arg2[%dma_wait3A_191, %dma_wait3A_192] : memref<32768x128xf32, #tpu.memory_space<hbm>> -> memref<32768x128xf32, #tpu.memory_space<hbm>>
    tpu.wait_indirect_dma semaphore(%arg12 : memref<!tpu.dma_semaphore, #tpu.memory_space<semaphore_mem>>) src(%dma_wait3A_193 : memref<32768x128xf32, #tpu.memory_space<hbm>>) dst(%arg8 : memref<128x128xf32, #tpu.memory_space<vmem>>)
    %mul3A_194 = arith.constant 4096 : i32
    %mul3A_195 = arith.muli %add3A, %mul3A_194 : i32
    %add3A_196 = arith.constant 640 : i32
    %add3A_197 = arith.addi %mul3A_195, %add3A_196 : i32
    %dma_start3A_198 = arith.constant 0 : i32
    %dma_start3A_199 = tpu.memref_slice %arg4[%add3A_197, %dma_start3A_198] : memref<131072x128xf32, #tpu.memory_space<hbm>> -> memref<128x128xf32, #tpu.memory_space<hbm>>
    %dma_start3A_200 = arith.constant 0 : i32
    %dma_start3A_201 = tpu.memref_slice %arg4[%add3A_197, %dma_start3A_200] : memref<131072x128xf32, #tpu.memory_space<hbm>> -> memref<128x128xf32, #tpu.memory_space<hbm>>
    tpu.enqueue_dma source(%arg8 : memref<128x128xf32, #tpu.memory_space<vmem>>) target(%dma_start3A_201 : memref<128x128xf32, #tpu.memory_space<hbm>>) target_semaphore(%arg16 : memref<!tpu.dma_semaphore, #tpu.memory_space<semaphore_mem>>)
    %dma_wait3A_202 = arith.constant 6 : i32
    %dma_wait3A_203 = arith.constant 0 : i32
    %dma_wait3A_204 = tpu.memref_slice %arg6[%dma_wait3A_202, %dma_wait3A_203] : memref<32x128xi32, #tpu.memory_space<vmem>> -> memref<1x128xi32, #tpu.memory_space<vmem>>
    %dma_wait3A_205 = tpu.memref_squeeze %dma_wait3A_204 : memref<1x128xi32, #tpu.memory_space<vmem>> -> memref<128xi32, #tpu.memory_space<vmem>>
    %dma_wait3A_206 = arith.constant 0 : i32
    %dma_wait3A_207 = arith.constant 0 : i32
    %dma_wait3A_208 = tpu.memref_slice %arg2[%dma_wait3A_206, %dma_wait3A_207] : memref<32768x128xf32, #tpu.memory_space<hbm>> -> memref<32768x128xf32, #tpu.memory_space<hbm>>
    tpu.wait_indirect_dma semaphore(%arg13 : memref<!tpu.dma_semaphore, #tpu.memory_space<semaphore_mem>>) src(%dma_wait3A_208 : memref<32768x128xf32, #tpu.memory_space<hbm>>) dst(%arg9 : memref<128x128xf32, #tpu.memory_space<vmem>>)
    %mul3A_209 = arith.constant 4096 : i32
    %mul3A_210 = arith.muli %add3A, %mul3A_209 : i32
    %add3A_211 = arith.constant 768 : i32
    %add3A_212 = arith.addi %mul3A_210, %add3A_211 : i32
    %dma_start3A_213 = arith.constant 0 : i32
    %dma_start3A_214 = tpu.memref_slice %arg4[%add3A_212, %dma_start3A_213] : memref<131072x128xf32, #tpu.memory_space<hbm>> -> memref<128x128xf32, #tpu.memory_space<hbm>>
    %dma_start3A_215 = arith.constant 0 : i32
    %dma_start3A_216 = tpu.memref_slice %arg4[%add3A_212, %dma_start3A_215] : memref<131072x128xf32, #tpu.memory_space<hbm>> -> memref<128x128xf32, #tpu.memory_space<hbm>>
    tpu.enqueue_dma source(%arg9 : memref<128x128xf32, #tpu.memory_space<vmem>>) target(%dma_start3A_216 : memref<128x128xf32, #tpu.memory_space<hbm>>) target_semaphore(%arg17 : memref<!tpu.dma_semaphore, #tpu.memory_space<semaphore_mem>>)
    %dma_wait3A_217 = arith.constant 7 : i32
    %dma_wait3A_218 = arith.constant 0 : i32
    %dma_wait3A_219 = tpu.memref_slice %arg6[%dma_wait3A_217, %dma_wait3A_218] : memref<32x128xi32, #tpu.memory_space<vmem>> -> memref<1x128xi32, #tpu.memory_space<vmem>>
    %dma_wait3A_220 = tpu.memref_squeeze %dma_wait3A_219 : memref<1x128xi32, #tpu.memory_space<vmem>> -> memref<128xi32, #tpu.memory_space<vmem>>
    %dma_wait3A_221 = arith.constant 0 : i32
    %dma_wait3A_222 = arith.constant 0 : i32
    %dma_wait3A_223 = tpu.memref_slice %arg2[%dma_wait3A_221, %dma_wait3A_222] : memref<32768x128xf32, #tpu.memory_space<hbm>> -> memref<32768x128xf32, #tpu.memory_space<hbm>>
    tpu.wait_indirect_dma semaphore(%arg14 : memref<!tpu.dma_semaphore, #tpu.memory_space<semaphore_mem>>) src(%dma_wait3A_223 : memref<32768x128xf32, #tpu.memory_space<hbm>>) dst(%arg10 : memref<128x128xf32, #tpu.memory_space<vmem>>)
    %mul3A_224 = arith.constant 4096 : i32
    %mul3A_225 = arith.muli %add3A, %mul3A_224 : i32
    %add3A_226 = arith.constant 896 : i32
    %add3A_227 = arith.addi %mul3A_225, %add3A_226 : i32
    %dma_start3A_228 = arith.constant 0 : i32
    %dma_start3A_229 = tpu.memref_slice %arg4[%add3A_227, %dma_start3A_228] : memref<131072x128xf32, #tpu.memory_space<hbm>> -> memref<128x128xf32, #tpu.memory_space<hbm>>
    %dma_start3A_230 = arith.constant 0 : i32
    %dma_start3A_231 = tpu.memref_slice %arg4[%add3A_227, %dma_start3A_230] : memref<131072x128xf32, #tpu.memory_space<hbm>> -> memref<128x128xf32, #tpu.memory_space<hbm>>
    tpu.enqueue_dma source(%arg10 : memref<128x128xf32, #tpu.memory_space<vmem>>) target(%dma_start3A_231 : memref<128x128xf32, #tpu.memory_space<hbm>>) target_semaphore(%arg18 : memref<!tpu.dma_semaphore, #tpu.memory_space<semaphore_mem>>)
    %dma_wait3A_232 = arith.constant 0 : i32
    %dma_wait3A_233 = tpu.memref_slice %arg4[%add3A_182, %dma_wait3A_232] : memref<131072x128xf32, #tpu.memory_space<hbm>> -> memref<128x128xf32, #tpu.memory_space<hbm>>
    %dma_wait3A_234 = arith.constant 0 : i32
    %dma_wait3A_235 = tpu.memref_slice %arg4[%add3A_182, %dma_wait3A_234] : memref<131072x128xf32, #tpu.memory_space<hbm>> -> memref<128x128xf32, #tpu.memory_space<hbm>>
    tpu.wait_dma2 semaphore(%arg15 : memref<!tpu.dma_semaphore, #tpu.memory_space<semaphore_mem>>) src(%arg7 : memref<128x128xf32, #tpu.memory_space<vmem>>) dst(%dma_wait3A_235 : memref<128x128xf32, #tpu.memory_space<hbm>>)
    %dma_start3A_236 = arith.constant 8 : i32
    %dma_start3A_237 = arith.constant 0 : i32
    %dma_start3A_238 = tpu.memref_slice %arg6[%dma_start3A_236, %dma_start3A_237] : memref<32x128xi32, #tpu.memory_space<vmem>> -> memref<1x128xi32, #tpu.memory_space<vmem>>
    %dma_start3A_239 = tpu.memref_squeeze %dma_start3A_238 : memref<1x128xi32, #tpu.memory_space<vmem>> -> memref<128xi32, #tpu.memory_space<vmem>>
    %dma_start3A_240 = arith.constant 0 : i32
    %dma_start3A_241 = arith.constant 0 : i32
    %dma_start3A_242 = tpu.memref_slice %arg2[%dma_start3A_240, %dma_start3A_241] : memref<32768x128xf32, #tpu.memory_space<hbm>> -> memref<32768x128xf32, #tpu.memory_space<hbm>>
    tpu.enqueue_indirect_dma source(%dma_start3A_242 : memref<32768x128xf32, #tpu.memory_space<hbm>>) target(%arg7 : memref<128x128xf32, #tpu.memory_space<vmem>>) offsets(%dma_start3A_239 : memref<128xi32, #tpu.memory_space<vmem>>) semaphore(%arg11 : memref<!tpu.dma_semaphore, #tpu.memory_space<semaphore_mem>>)
    %dma_wait3A_243 = arith.constant 0 : i32
    %dma_wait3A_244 = tpu.memref_slice %arg4[%add3A_197, %dma_wait3A_243] : memref<131072x128xf32, #tpu.memory_space<hbm>> -> memref<128x128xf32, #tpu.memory_space<hbm>>
    %dma_wait3A_245 = arith.constant 0 : i32
    %dma_wait3A_246 = tpu.memref_slice %arg4[%add3A_197, %dma_wait3A_245] : memref<131072x128xf32, #tpu.memory_space<hbm>> -> memref<128x128xf32, #tpu.memory_space<hbm>>
    tpu.wait_dma2 semaphore(%arg16 : memref<!tpu.dma_semaphore, #tpu.memory_space<semaphore_mem>>) src(%arg8 : memref<128x128xf32, #tpu.memory_space<vmem>>) dst(%dma_wait3A_246 : memref<128x128xf32, #tpu.memory_space<hbm>>)
    %dma_start3A_247 = arith.constant 9 : i32
    %dma_start3A_248 = arith.constant 0 : i32
    %dma_start3A_249 = tpu.memref_slice %arg6[%dma_start3A_247, %dma_start3A_248] : memref<32x128xi32, #tpu.memory_space<vmem>> -> memref<1x128xi32, #tpu.memory_space<vmem>>
    %dma_start3A_250 = tpu.memref_squeeze %dma_start3A_249 : memref<1x128xi32, #tpu.memory_space<vmem>> -> memref<128xi32, #tpu.memory_space<vmem>>
    %dma_start3A_251 = arith.constant 0 : i32
    %dma_start3A_252 = arith.constant 0 : i32
    %dma_start3A_253 = tpu.memref_slice %arg2[%dma_start3A_251, %dma_start3A_252] : memref<32768x128xf32, #tpu.memory_space<hbm>> -> memref<32768x128xf32, #tpu.memory_space<hbm>>
    tpu.enqueue_indirect_dma source(%dma_start3A_253 : memref<32768x128xf32, #tpu.memory_space<hbm>>) target(%arg8 : memref<128x128xf32, #tpu.memory_space<vmem>>) offsets(%dma_start3A_250 : memref<128xi32, #tpu.memory_space<vmem>>) semaphore(%arg12 : memref<!tpu.dma_semaphore, #tpu.memory_space<semaphore_mem>>)
    %dma_wait3A_254 = arith.constant 0 : i32
    %dma_wait3A_255 = tpu.memref_slice %arg4[%add3A_212, %dma_wait3A_254] : memref<131072x128xf32, #tpu.memory_space<hbm>> -> memref<128x128xf32, #tpu.memory_space<hbm>>
    %dma_wait3A_256 = arith.constant 0 : i32
    %dma_wait3A_257 = tpu.memref_slice %arg4[%add3A_212, %dma_wait3A_256] : memref<131072x128xf32, #tpu.memory_space<hbm>> -> memref<128x128xf32, #tpu.memory_space<hbm>>
    tpu.wait_dma2 semaphore(%arg17 : memref<!tpu.dma_semaphore, #tpu.memory_space<semaphore_mem>>) src(%arg9 : memref<128x128xf32, #tpu.memory_space<vmem>>) dst(%dma_wait3A_257 : memref<128x128xf32, #tpu.memory_space<hbm>>)
    %dma_start3A_258 = arith.constant 10 : i32
    %dma_start3A_259 = arith.constant 0 : i32
    %dma_start3A_260 = tpu.memref_slice %arg6[%dma_start3A_258, %dma_start3A_259] : memref<32x128xi32, #tpu.memory_space<vmem>> -> memref<1x128xi32, #tpu.memory_space<vmem>>
    %dma_start3A_261 = tpu.memref_squeeze %dma_start3A_260 : memref<1x128xi32, #tpu.memory_space<vmem>> -> memref<128xi32, #tpu.memory_space<vmem>>
    %dma_start3A_262 = arith.constant 0 : i32
    %dma_start3A_263 = arith.constant 0 : i32
    %dma_start3A_264 = tpu.memref_slice %arg2[%dma_start3A_262, %dma_start3A_263] : memref<32768x128xf32, #tpu.memory_space<hbm>> -> memref<32768x128xf32, #tpu.memory_space<hbm>>
    tpu.enqueue_indirect_dma source(%dma_start3A_264 : memref<32768x128xf32, #tpu.memory_space<hbm>>) target(%arg9 : memref<128x128xf32, #tpu.memory_space<vmem>>) offsets(%dma_start3A_261 : memref<128xi32, #tpu.memory_space<vmem>>) semaphore(%arg13 : memref<!tpu.dma_semaphore, #tpu.memory_space<semaphore_mem>>)
    %dma_wait3A_265 = arith.constant 0 : i32
    %dma_wait3A_266 = tpu.memref_slice %arg4[%add3A_227, %dma_wait3A_265] : memref<131072x128xf32, #tpu.memory_space<hbm>> -> memref<128x128xf32, #tpu.memory_space<hbm>>
    %dma_wait3A_267 = arith.constant 0 : i32
    %dma_wait3A_268 = tpu.memref_slice %arg4[%add3A_227, %dma_wait3A_267] : memref<131072x128xf32, #tpu.memory_space<hbm>> -> memref<128x128xf32, #tpu.memory_space<hbm>>
    tpu.wait_dma2 semaphore(%arg18 : memref<!tpu.dma_semaphore, #tpu.memory_space<semaphore_mem>>) src(%arg10 : memref<128x128xf32, #tpu.memory_space<vmem>>) dst(%dma_wait3A_268 : memref<128x128xf32, #tpu.memory_space<hbm>>)
    %dma_start3A_269 = arith.constant 11 : i32
    %dma_start3A_270 = arith.constant 0 : i32
    %dma_start3A_271 = tpu.memref_slice %arg6[%dma_start3A_269, %dma_start3A_270] : memref<32x128xi32, #tpu.memory_space<vmem>> -> memref<1x128xi32, #tpu.memory_space<vmem>>
    %dma_start3A_272 = tpu.memref_squeeze %dma_start3A_271 : memref<1x128xi32, #tpu.memory_space<vmem>> -> memref<128xi32, #tpu.memory_space<vmem>>
    %dma_start3A_273 = arith.constant 0 : i32
    %dma_start3A_274 = arith.constant 0 : i32
    %dma_start3A_275 = tpu.memref_slice %arg2[%dma_start3A_273, %dma_start3A_274] : memref<32768x128xf32, #tpu.memory_space<hbm>> -> memref<32768x128xf32, #tpu.memory_space<hbm>>
    tpu.enqueue_indirect_dma source(%dma_start3A_275 : memref<32768x128xf32, #tpu.memory_space<hbm>>) target(%arg10 : memref<128x128xf32, #tpu.memory_space<vmem>>) offsets(%dma_start3A_272 : memref<128xi32, #tpu.memory_space<vmem>>) semaphore(%arg14 : memref<!tpu.dma_semaphore, #tpu.memory_space<semaphore_mem>>)
    %broadcast_in_dim3A_276 = arith.constant 0 : i32
    %broadcast_in_dim3A_277 = vector.broadcast %broadcast_in_dim3A_276 : i32 to vector<16xi32>
    %sub3A_278 = arith.constant 1 : i32
    %sub3A_279 = vector.broadcast %sub3A_278 : i32 to vector<16xi32>
    %sub3A_280 = arith.subi %broadcast_in_dim3A_277, %sub3A_279 : vector<16xi32>
    %sub3A_281 = arith.constant 1 : i32
    %sub3A_282 = vector.broadcast %sub3A_281 : i32 to vector<16xi32>
    %sub3A_283 = arith.subi %broadcast_in_dim3A_277, %sub3A_282 : vector<16xi32>
    %scan3A_284 = arith.constant 0 : i32
    %scan3A_285 = arith.constant 288 : i32
    %scan3A_286 = arith.addi %scan3A_284, %scan3A_285 : i32
    %scan3A_287 = arith.constant 1 : i32
    %scan3A_288:4 = scf.for %scan3A_910 = %scan3A_284 to %scan3A_286 step %scan3A_287 iter_args(%scan3A_911 = %sub3A_280, %scan3A_912 = %broadcast_in_dim3A_277, %scan3A_913 = %broadcast_in_dim3A_277, %scan3A_914 = %sub3A_283) -> (vector<16xi32>, vector<16xi32>, vector<16xi32>, vector<16xi32>)  : i32 {
      %iota3A = tpu.iota {dimensions = array<i32: 0>} : vector<16xi32>
      %add3A_915 = arith.constant 48 : i32
      %add3A_916 = vector.broadcast %add3A_915 : i32 to vector<16xi32>
      %add3A_917 = arith.addi %add3A_916, %iota3A : vector<16xi32>
      %mul3A_918 = arith.constant 128 : i32
      %mul3A_919 = arith.muli %add3A, %mul3A_918 : i32
      %add3A_920 = vector.broadcast %mul3A_919 : i32 to vector<16xi32>
      %add3A_921 = arith.addi %add3A_920, %add3A_917 : vector<16xi32>
      %shift_right_arithmetic3A = arith.constant 9 : i32
      %shift_right_arithmetic3A_922 = vector.broadcast %shift_right_arithmetic3A : i32 to vector<16xi32>
      %shift_right_arithmetic3A_923 = arith.shrsi %add3A_921, %shift_right_arithmetic3A_922 : vector<16xi32>
      %mul3A_924 = arith.constant 4096 : i32
      %mul3A_925 = vector.broadcast %mul3A_924 : i32 to vector<16xi32>
      %mul3A_926 = arith.muli %shift_right_arithmetic3A_923, %mul3A_925 : vector<16xi32>
      %eq3A = arith.constant 0 : i32
      %eq3A_927 = vector.broadcast %eq3A : i32 to vector<16xi32>
      %eq3A_928 = arith.cmpi eq, %scan3A_912, %eq3A_927 : vector<16xi32>
      %lt3A = arith.constant 255 : i32
      %lt3A_929 = vector.broadcast %lt3A : i32 to vector<16xi32>
      %lt3A_930 = arith.cmpi slt, %scan3A_911, %lt3A_929 : vector<16xi32>
      %and3A = arith.andi %eq3A_928, %lt3A_930 : vector<16xi1>
      %add3A_931 = arith.constant 1 : i32
      %add3A_932 = vector.broadcast %add3A_931 : i32 to vector<16xi32>
      %add3A_933 = arith.addi %scan3A_911, %add3A_932 : vector<16xi32>
      %select_n3A = arith.select %and3A, %add3A_933, %scan3A_911 : vector<16xi1>, vector<16xi32>
      %max3A = arith.constant 0 : i32
      %max3A_934 = vector.broadcast %max3A : i32 to vector<16xi32>
      %max3A_935 = arith.maxsi %select_n3A, %max3A_934 : vector<16xi32>
      %gather3A = tpu.vector_load_idx %arg5[%add3A_917, %max3A_935] : memref<128x256xi32, #tpu.memory_space<vmem>>[vector<16xi32>, vector<16xi32>], vector<16xi32>,
      %select_n3A_936 = arith.select %and3A, %gather3A, %scan3A_912 : vector<16xi1>, vector<16xi32>
      %ne3A = arith.constant 0 : i32
      %ne3A_937 = vector.broadcast %ne3A : i32 to vector<16xi32>
      %ne3A_938 = arith.cmpi ne, %select_n3A_936, %ne3A_937 : vector<16xi32>
      %eq3A_939 = arith.constant 0 : i32
      %eq3A_940 = vector.broadcast %eq3A_939 : i32 to vector<16xi32>
      %eq3A_941 = arith.cmpi eq, %select_n3A_936, %eq3A_940 : vector<16xi32>
      %ge3A = arith.constant 255 : i32
      %ge3A_942 = vector.broadcast %ge3A : i32 to vector<16xi32>
      %ge3A_943 = arith.cmpi sge, %select_n3A, %ge3A_942 : vector<16xi32>
      %and3A_944 = arith.andi %eq3A_941, %ge3A_943 : vector<16xi1>
      %or3A = arith.ori %ne3A_938, %and3A_944 : vector<16xi1>
      %lt3A_945 = arith.constant 32 : i32
      %lt3A_946 = vector.broadcast %lt3A_945 : i32 to vector<16xi32>
      %lt3A_947 = arith.cmpi slt, %scan3A_913, %lt3A_946 : vector<16xi32>
      %and3A_948 = arith.andi %or3A, %lt3A_947 : vector<16xi1>
      %neg3A = arith.constant 0 : i32
      %neg3A_949 = vector.broadcast %neg3A : i32 to vector<16xi32>
      %neg3A_950 = arith.subi %neg3A_949, %select_n3A_936 : vector<16xi32>
      %and3A_951 = arith.andi %select_n3A_936, %neg3A_950 : vector<16xi32>
      %sub3A_952 = arith.constant 1 : i32
      %sub3A_953 = vector.broadcast %sub3A_952 : i32 to vector<16xi32>
      %sub3A_954 = arith.subi %and3A_951, %sub3A_953 : vector<16xi32>
      %shift_right_arithmetic3A_955 = arith.constant 1 : i32
      %shift_right_arithmetic3A_956 = vector.broadcast %shift_right_arithmetic3A_955 : i32 to vector<16xi32>
      %shift_right_arithmetic3A_957 = arith.shrsi %sub3A_954, %shift_right_arithmetic3A_956 : vector<16xi32>
      %and3A_958 = arith.constant 1431655765 : i32
      %and3A_959 = vector.broadcast %and3A_958 : i32 to vector<16xi32>
      %and3A_960 = arith.andi %shift_right_arithmetic3A_957, %and3A_959 : vector<16xi32>
      %sub3A_961 = arith.subi %sub3A_954, %and3A_960 : vector<16xi32>
      %and3A_962 = arith.constant 858993459 : i32
      %and3A_963 = vector.broadcast %and3A_962 : i32 to vector<16xi32>
      %and3A_964 = arith.andi %sub3A_961, %and3A_963 : vector<16xi32>
      %shift_right_arithmetic3A_965 = arith.constant 2 : i32
      %shift_right_arithmetic3A_966 = vector.broadcast %shift_right_arithmetic3A_965 : i32 to vector<16xi32>
      %shift_right_arithmetic3A_967 = arith.shrsi %sub3A_961, %shift_right_arithmetic3A_966 : vector<16xi32>
      %and3A_968 = arith.constant 858993459 : i32
      %and3A_969 = vector.broadcast %and3A_968 : i32 to vector<16xi32>
      %and3A_970 = arith.andi %shift_right_arithmetic3A_967, %and3A_969 : vector<16xi32>
      %add3A_971 = arith.addi %and3A_964, %and3A_970 : vector<16xi32>
      %shift_right_arithmetic3A_972 = arith.constant 4 : i32
      %shift_right_arithmetic3A_973 = vector.broadcast %shift_right_arithmetic3A_972 : i32 to vector<16xi32>
      %shift_right_arithmetic3A_974 = arith.shrsi %add3A_971, %shift_right_arithmetic3A_973 : vector<16xi32>
      %add3A_975 = arith.addi %add3A_971, %shift_right_arithmetic3A_974 : vector<16xi32>
      %and3A_976 = arith.constant 252645135 : i32
      %and3A_977 = vector.broadcast %and3A_976 : i32 to vector<16xi32>
      %and3A_978 = arith.andi %add3A_975, %and3A_977 : vector<16xi32>
      %mul3A_979 = arith.constant 16843009 : i32
      %mul3A_980 = vector.broadcast %mul3A_979 : i32 to vector<16xi32>
      %mul3A_981 = arith.muli %and3A_978, %mul3A_980 : vector<16xi32>
      %shift_right_arithmetic3A_982 = arith.constant 24 : i32
      %shift_right_arithmetic3A_983 = vector.broadcast %shift_right_arithmetic3A_982 : i32 to vector<16xi32>
      %shift_right_arithmetic3A_984 = arith.shrsi %mul3A_981, %shift_right_arithmetic3A_983 : vector<16xi32>
      %mul3A_985 = arith.constant 16 : i32
      %mul3A_986 = vector.broadcast %mul3A_985 : i32 to vector<16xi32>
      %mul3A_987 = arith.muli %select_n3A, %mul3A_986 : vector<16xi32>
      %add3A_988 = arith.addi %mul3A_987, %shift_right_arithmetic3A_984 : vector<16xi32>
      %lt3A_989 = arith.constant 0 : i32
      %lt3A_990 = vector.broadcast %lt3A_989 : i32 to vector<16xi32>
      %lt3A_991 = arith.cmpi slt, %scan3A_914, %lt3A_990 : vector<16xi32>
      %and3A_992 = arith.andi %lt3A_991, %ne3A_938 : vector<16xi1>
      %select_n3A_993 = arith.select %and3A_992, %add3A_988, %scan3A_914 : vector<16xi1>, vector<16xi32>
      %max3A_994 = arith.constant 0 : i32
      %max3A_995 = vector.broadcast %max3A_994 : i32 to vector<16xi32>
      %max3A_996 = arith.maxsi %select_n3A_993, %max3A_995 : vector<16xi32>
      %select_n3A_997 = arith.select %ne3A_938, %add3A_988, %max3A_996 : vector<16xi1>, vector<16xi32>
      %mul3A_998 = arith.constant 32 : i32
      %mul3A_999 = vector.broadcast %mul3A_998 : i32 to vector<16xi32>
      %mul3A_1000 = arith.muli %add3A_917, %mul3A_999 : vector<16xi32>
      %min3A = arith.constant 31 : i32
      %min3A_1001 = vector.broadcast %min3A : i32 to vector<16xi32>
      %min3A_1002 = arith.minsi %scan3A_913, %min3A_1001 : vector<16xi32>
      %add3A_1003 = arith.addi %mul3A_1000, %min3A_1002 : vector<16xi32>
      %shift_right_arithmetic3A_1004 = arith.constant 7 : i32
      %shift_right_arithmetic3A_1005 = vector.broadcast %shift_right_arithmetic3A_1004 : i32 to vector<16xi32>
      %shift_right_arithmetic3A_1006 = arith.shrsi %add3A_1003, %shift_right_arithmetic3A_1005 : vector<16xi32>
      %and3A_1007 = arith.constant 127 : i32
      %and3A_1008 = vector.broadcast %and3A_1007 : i32 to vector<16xi32>
      %and3A_1009 = arith.andi %add3A_1003, %and3A_1008 : vector<16xi32>
      %add3A_1010 = arith.addi %mul3A_926, %select_n3A_997 : vector<16xi32>
      tpu.vector_store_idx %arg6[%shift_right_arithmetic3A_1006, %and3A_1009], %add3A_1010 masked %and3A_948 : memref<32x128xi32, #tpu.memory_space<vmem>>[vector<16xi32>, vector<16xi32>], vector<16xi32>, vector<16xi1>
      %add3A_1011 = arith.constant 1 : i32
      %add3A_1012 = vector.broadcast %add3A_1011 : i32 to vector<16xi32>
      %add3A_1013 = arith.addi %scan3A_913, %add3A_1012 : vector<16xi32>
      %select_n3A_1014 = arith.select %and3A_948, %add3A_1013, %scan3A_913 : vector<16xi1>, vector<16xi32>
      %sub3A_1015 = arith.subi %select_n3A_936, %and3A_951 : vector<16xi32>
      scf.yield %select_n3A, %sub3A_1015, %select_n3A_1014, %select_n3A_993 : vector<16xi32>, vector<16xi32>, vector<16xi32>, vector<16xi32>
    }
    %scan3A_289 = arith.constant 288 : i32
    %dma_wait3A_290 = arith.constant 8 : i32
    %dma_wait3A_291 = arith.constant 0 : i32
    %dma_wait3A_292 = tpu.memref_slice %arg6[%dma_wait3A_290, %dma_wait3A_291] : memref<32x128xi32, #tpu.memory_space<vmem>> -> memref<1x128xi32, #tpu.memory_space<vmem>>
    %dma_wait3A_293 = tpu.memref_squeeze %dma_wait3A_292 : memref<1x128xi32, #tpu.memory_space<vmem>> -> memref<128xi32, #tpu.memory_space<vmem>>
    %dma_wait3A_294 = arith.constant 0 : i32
    %dma_wait3A_295 = arith.constant 0 : i32
    %dma_wait3A_296 = tpu.memref_slice %arg2[%dma_wait3A_294, %dma_wait3A_295] : memref<32768x128xf32, #tpu.memory_space<hbm>> -> memref<32768x128xf32, #tpu.memory_space<hbm>>
    tpu.wait_indirect_dma semaphore(%arg11 : memref<!tpu.dma_semaphore, #tpu.memory_space<semaphore_mem>>) src(%dma_wait3A_296 : memref<32768x128xf32, #tpu.memory_space<hbm>>) dst(%arg7 : memref<128x128xf32, #tpu.memory_space<vmem>>)
    %mul3A_297 = arith.constant 4096 : i32
    %mul3A_298 = arith.muli %add3A, %mul3A_297 : i32
    %add3A_299 = arith.constant 1024 : i32
    %add3A_300 = arith.addi %mul3A_298, %add3A_299 : i32
    %dma_start3A_301 = arith.constant 0 : i32
    %dma_start3A_302 = tpu.memref_slice %arg4[%add3A_300, %dma_start3A_301] : memref<131072x128xf32, #tpu.memory_space<hbm>> -> memref<128x128xf32, #tpu.memory_space<hbm>>
    %dma_start3A_303 = arith.constant 0 : i32
    %dma_start3A_304 = tpu.memref_slice %arg4[%add3A_300, %dma_start3A_303] : memref<131072x128xf32, #tpu.memory_space<hbm>> -> memref<128x128xf32, #tpu.memory_space<hbm>>
    tpu.enqueue_dma source(%arg7 : memref<128x128xf32, #tpu.memory_space<vmem>>) target(%dma_start3A_304 : memref<128x128xf32, #tpu.memory_space<hbm>>) target_semaphore(%arg15 : memref<!tpu.dma_semaphore, #tpu.memory_space<semaphore_mem>>)
    %dma_wait3A_305 = arith.constant 9 : i32
    %dma_wait3A_306 = arith.constant 0 : i32
    %dma_wait3A_307 = tpu.memref_slice %arg6[%dma_wait3A_305, %dma_wait3A_306] : memref<32x128xi32, #tpu.memory_space<vmem>> -> memref<1x128xi32, #tpu.memory_space<vmem>>
    %dma_wait3A_308 = tpu.memref_squeeze %dma_wait3A_307 : memref<1x128xi32, #tpu.memory_space<vmem>> -> memref<128xi32, #tpu.memory_space<vmem>>
    %dma_wait3A_309 = arith.constant 0 : i32
    %dma_wait3A_310 = arith.constant 0 : i32
    %dma_wait3A_311 = tpu.memref_slice %arg2[%dma_wait3A_309, %dma_wait3A_310] : memref<32768x128xf32, #tpu.memory_space<hbm>> -> memref<32768x128xf32, #tpu.memory_space<hbm>>
    tpu.wait_indirect_dma semaphore(%arg12 : memref<!tpu.dma_semaphore, #tpu.memory_space<semaphore_mem>>) src(%dma_wait3A_311 : memref<32768x128xf32, #tpu.memory_space<hbm>>) dst(%arg8 : memref<128x128xf32, #tpu.memory_space<vmem>>)
    %mul3A_312 = arith.constant 4096 : i32
    %mul3A_313 = arith.muli %add3A, %mul3A_312 : i32
    %add3A_314 = arith.constant 1152 : i32
    %add3A_315 = arith.addi %mul3A_313, %add3A_314 : i32
    %dma_start3A_316 = arith.constant 0 : i32
    %dma_start3A_317 = tpu.memref_slice %arg4[%add3A_315, %dma_start3A_316] : memref<131072x128xf32, #tpu.memory_space<hbm>> -> memref<128x128xf32, #tpu.memory_space<hbm>>
    %dma_start3A_318 = arith.constant 0 : i32
    %dma_start3A_319 = tpu.memref_slice %arg4[%add3A_315, %dma_start3A_318] : memref<131072x128xf32, #tpu.memory_space<hbm>> -> memref<128x128xf32, #tpu.memory_space<hbm>>
    tpu.enqueue_dma source(%arg8 : memref<128x128xf32, #tpu.memory_space<vmem>>) target(%dma_start3A_319 : memref<128x128xf32, #tpu.memory_space<hbm>>) target_semaphore(%arg16 : memref<!tpu.dma_semaphore, #tpu.memory_space<semaphore_mem>>)
    %dma_wait3A_320 = arith.constant 10 : i32
    %dma_wait3A_321 = arith.constant 0 : i32
    %dma_wait3A_322 = tpu.memref_slice %arg6[%dma_wait3A_320, %dma_wait3A_321] : memref<32x128xi32, #tpu.memory_space<vmem>> -> memref<1x128xi32, #tpu.memory_space<vmem>>
    %dma_wait3A_323 = tpu.memref_squeeze %dma_wait3A_322 : memref<1x128xi32, #tpu.memory_space<vmem>> -> memref<128xi32, #tpu.memory_space<vmem>>
    %dma_wait3A_324 = arith.constant 0 : i32
    %dma_wait3A_325 = arith.constant 0 : i32
    %dma_wait3A_326 = tpu.memref_slice %arg2[%dma_wait3A_324, %dma_wait3A_325] : memref<32768x128xf32, #tpu.memory_space<hbm>> -> memref<32768x128xf32, #tpu.memory_space<hbm>>
    tpu.wait_indirect_dma semaphore(%arg13 : memref<!tpu.dma_semaphore, #tpu.memory_space<semaphore_mem>>) src(%dma_wait3A_326 : memref<32768x128xf32, #tpu.memory_space<hbm>>) dst(%arg9 : memref<128x128xf32, #tpu.memory_space<vmem>>)
    %mul3A_327 = arith.constant 4096 : i32
    %mul3A_328 = arith.muli %add3A, %mul3A_327 : i32
    %add3A_329 = arith.constant 1280 : i32
    %add3A_330 = arith.addi %mul3A_328, %add3A_329 : i32
    %dma_start3A_331 = arith.constant 0 : i32
    %dma_start3A_332 = tpu.memref_slice %arg4[%add3A_330, %dma_start3A_331] : memref<131072x128xf32, #tpu.memory_space<hbm>> -> memref<128x128xf32, #tpu.memory_space<hbm>>
    %dma_start3A_333 = arith.constant 0 : i32
    %dma_start3A_334 = tpu.memref_slice %arg4[%add3A_330, %dma_start3A_333] : memref<131072x128xf32, #tpu.memory_space<hbm>> -> memref<128x128xf32, #tpu.memory_space<hbm>>
    tpu.enqueue_dma source(%arg9 : memref<128x128xf32, #tpu.memory_space<vmem>>) target(%dma_start3A_334 : memref<128x128xf32, #tpu.memory_space<hbm>>) target_semaphore(%arg17 : memref<!tpu.dma_semaphore, #tpu.memory_space<semaphore_mem>>)
    %dma_wait3A_335 = arith.constant 11 : i32
    %dma_wait3A_336 = arith.constant 0 : i32
    %dma_wait3A_337 = tpu.memref_slice %arg6[%dma_wait3A_335, %dma_wait3A_336] : memref<32x128xi32, #tpu.memory_space<vmem>> -> memref<1x128xi32, #tpu.memory_space<vmem>>
    %dma_wait3A_338 = tpu.memref_squeeze %dma_wait3A_337 : memref<1x128xi32, #tpu.memory_space<vmem>> -> memref<128xi32, #tpu.memory_space<vmem>>
    %dma_wait3A_339 = arith.constant 0 : i32
    %dma_wait3A_340 = arith.constant 0 : i32
    %dma_wait3A_341 = tpu.memref_slice %arg2[%dma_wait3A_339, %dma_wait3A_340] : memref<32768x128xf32, #tpu.memory_space<hbm>> -> memref<32768x128xf32, #tpu.memory_space<hbm>>
    tpu.wait_indirect_dma semaphore(%arg14 : memref<!tpu.dma_semaphore, #tpu.memory_space<semaphore_mem>>) src(%dma_wait3A_341 : memref<32768x128xf32, #tpu.memory_space<hbm>>) dst(%arg10 : memref<128x128xf32, #tpu.memory_space<vmem>>)
    %mul3A_342 = arith.constant 4096 : i32
    %mul3A_343 = arith.muli %add3A, %mul3A_342 : i32
    %add3A_344 = arith.constant 1408 : i32
    %add3A_345 = arith.addi %mul3A_343, %add3A_344 : i32
    %dma_start3A_346 = arith.constant 0 : i32
    %dma_start3A_347 = tpu.memref_slice %arg4[%add3A_345, %dma_start3A_346] : memref<131072x128xf32, #tpu.memory_space<hbm>> -> memref<128x128xf32, #tpu.memory_space<hbm>>
    %dma_start3A_348 = arith.constant 0 : i32
    %dma_start3A_349 = tpu.memref_slice %arg4[%add3A_345, %dma_start3A_348] : memref<131072x128xf32, #tpu.memory_space<hbm>> -> memref<128x128xf32, #tpu.memory_space<hbm>>
    tpu.enqueue_dma source(%arg10 : memref<128x128xf32, #tpu.memory_space<vmem>>) target(%dma_start3A_349 : memref<128x128xf32, #tpu.memory_space<hbm>>) target_semaphore(%arg18 : memref<!tpu.dma_semaphore, #tpu.memory_space<semaphore_mem>>)
    %dma_wait3A_350 = arith.constant 0 : i32
    %dma_wait3A_351 = tpu.memref_slice %arg4[%add3A_300, %dma_wait3A_350] : memref<131072x128xf32, #tpu.memory_space<hbm>> -> memref<128x128xf32, #tpu.memory_space<hbm>>
    %dma_wait3A_352 = arith.constant 0 : i32
    %dma_wait3A_353 = tpu.memref_slice %arg4[%add3A_300, %dma_wait3A_352] : memref<131072x128xf32, #tpu.memory_space<hbm>> -> memref<128x128xf32, #tpu.memory_space<hbm>>
    tpu.wait_dma2 semaphore(%arg15 : memref<!tpu.dma_semaphore, #tpu.memory_space<semaphore_mem>>) src(%arg7 : memref<128x128xf32, #tpu.memory_space<vmem>>) dst(%dma_wait3A_353 : memref<128x128xf32, #tpu.memory_space<hbm>>)
    %dma_start3A_354 = arith.constant 12 : i32
    %dma_start3A_355 = arith.constant 0 : i32
    %dma_start3A_356 = tpu.memref_slice %arg6[%dma_start3A_354, %dma_start3A_355] : memref<32x128xi32, #tpu.memory_space<vmem>> -> memref<1x128xi32, #tpu.memory_space<vmem>>
    %dma_start3A_357 = tpu.memref_squeeze %dma_start3A_356 : memref<1x128xi32, #tpu.memory_space<vmem>> -> memref<128xi32, #tpu.memory_space<vmem>>
    %dma_start3A_358 = arith.constant 0 : i32
    %dma_start3A_359 = arith.constant 0 : i32
    %dma_start3A_360 = tpu.memref_slice %arg2[%dma_start3A_358, %dma_start3A_359] : memref<32768x128xf32, #tpu.memory_space<hbm>> -> memref<32768x128xf32, #tpu.memory_space<hbm>>
    tpu.enqueue_indirect_dma source(%dma_start3A_360 : memref<32768x128xf32, #tpu.memory_space<hbm>>) target(%arg7 : memref<128x128xf32, #tpu.memory_space<vmem>>) offsets(%dma_start3A_357 : memref<128xi32, #tpu.memory_space<vmem>>) semaphore(%arg11 : memref<!tpu.dma_semaphore, #tpu.memory_space<semaphore_mem>>)
    %dma_wait3A_361 = arith.constant 0 : i32
    %dma_wait3A_362 = tpu.memref_slice %arg4[%add3A_315, %dma_wait3A_361] : memref<131072x128xf32, #tpu.memory_space<hbm>> -> memref<128x128xf32, #tpu.memory_space<hbm>>
    %dma_wait3A_363 = arith.constant 0 : i32
    %dma_wait3A_364 = tpu.memref_slice %arg4[%add3A_315, %dma_wait3A_363] : memref<131072x128xf32, #tpu.memory_space<hbm>> -> memref<128x128xf32, #tpu.memory_space<hbm>>
    tpu.wait_dma2 semaphore(%arg16 : memref<!tpu.dma_semaphore, #tpu.memory_space<semaphore_mem>>) src(%arg8 : memref<128x128xf32, #tpu.memory_space<vmem>>) dst(%dma_wait3A_364 : memref<128x128xf32, #tpu.memory_space<hbm>>)
    %dma_start3A_365 = arith.constant 13 : i32
    %dma_start3A_366 = arith.constant 0 : i32
    %dma_start3A_367 = tpu.memref_slice %arg6[%dma_start3A_365, %dma_start3A_366] : memref<32x128xi32, #tpu.memory_space<vmem>> -> memref<1x128xi32, #tpu.memory_space<vmem>>
    %dma_start3A_368 = tpu.memref_squeeze %dma_start3A_367 : memref<1x128xi32, #tpu.memory_space<vmem>> -> memref<128xi32, #tpu.memory_space<vmem>>
    %dma_start3A_369 = arith.constant 0 : i32
    %dma_start3A_370 = arith.constant 0 : i32
    %dma_start3A_371 = tpu.memref_slice %arg2[%dma_start3A_369, %dma_start3A_370] : memref<32768x128xf32, #tpu.memory_space<hbm>> -> memref<32768x128xf32, #tpu.memory_space<hbm>>
    tpu.enqueue_indirect_dma source(%dma_start3A_371 : memref<32768x128xf32, #tpu.memory_space<hbm>>) target(%arg8 : memref<128x128xf32, #tpu.memory_space<vmem>>) offsets(%dma_start3A_368 : memref<128xi32, #tpu.memory_space<vmem>>) semaphore(%arg12 : memref<!tpu.dma_semaphore, #tpu.memory_space<semaphore_mem>>)
    %dma_wait3A_372 = arith.constant 0 : i32
    %dma_wait3A_373 = tpu.memref_slice %arg4[%add3A_330, %dma_wait3A_372] : memref<131072x128xf32, #tpu.memory_space<hbm>> -> memref<128x128xf32, #tpu.memory_space<hbm>>
    %dma_wait3A_374 = arith.constant 0 : i32
    %dma_wait3A_375 = tpu.memref_slice %arg4[%add3A_330, %dma_wait3A_374] : memref<131072x128xf32, #tpu.memory_space<hbm>> -> memref<128x128xf32, #tpu.memory_space<hbm>>
    tpu.wait_dma2 semaphore(%arg17 : memref<!tpu.dma_semaphore, #tpu.memory_space<semaphore_mem>>) src(%arg9 : memref<128x128xf32, #tpu.memory_space<vmem>>) dst(%dma_wait3A_375 : memref<128x128xf32, #tpu.memory_space<hbm>>)
    %dma_start3A_376 = arith.constant 14 : i32
    %dma_start3A_377 = arith.constant 0 : i32
    %dma_start3A_378 = tpu.memref_slice %arg6[%dma_start3A_376, %dma_start3A_377] : memref<32x128xi32, #tpu.memory_space<vmem>> -> memref<1x128xi32, #tpu.memory_space<vmem>>
    %dma_start3A_379 = tpu.memref_squeeze %dma_start3A_378 : memref<1x128xi32, #tpu.memory_space<vmem>> -> memref<128xi32, #tpu.memory_space<vmem>>
    %dma_start3A_380 = arith.constant 0 : i32
    %dma_start3A_381 = arith.constant 0 : i32
    %dma_start3A_382 = tpu.memref_slice %arg2[%dma_start3A_380, %dma_start3A_381] : memref<32768x128xf32, #tpu.memory_space<hbm>> -> memref<32768x128xf32, #tpu.memory_space<hbm>>
    tpu.enqueue_indirect_dma source(%dma_start3A_382 : memref<32768x128xf32, #tpu.memory_space<hbm>>) target(%arg9 : memref<128x128xf32, #tpu.memory_space<vmem>>) offsets(%dma_start3A_379 : memref<128xi32, #tpu.memory_space<vmem>>) semaphore(%arg13 : memref<!tpu.dma_semaphore, #tpu.memory_space<semaphore_mem>>)
    %dma_wait3A_383 = arith.constant 0 : i32
    %dma_wait3A_384 = tpu.memref_slice %arg4[%add3A_345, %dma_wait3A_383] : memref<131072x128xf32, #tpu.memory_space<hbm>> -> memref<128x128xf32, #tpu.memory_space<hbm>>
    %dma_wait3A_385 = arith.constant 0 : i32
    %dma_wait3A_386 = tpu.memref_slice %arg4[%add3A_345, %dma_wait3A_385] : memref<131072x128xf32, #tpu.memory_space<hbm>> -> memref<128x128xf32, #tpu.memory_space<hbm>>
    tpu.wait_dma2 semaphore(%arg18 : memref<!tpu.dma_semaphore, #tpu.memory_space<semaphore_mem>>) src(%arg10 : memref<128x128xf32, #tpu.memory_space<vmem>>) dst(%dma_wait3A_386 : memref<128x128xf32, #tpu.memory_space<hbm>>)
    %dma_start3A_387 = arith.constant 15 : i32
    %dma_start3A_388 = arith.constant 0 : i32
    %dma_start3A_389 = tpu.memref_slice %arg6[%dma_start3A_387, %dma_start3A_388] : memref<32x128xi32, #tpu.memory_space<vmem>> -> memref<1x128xi32, #tpu.memory_space<vmem>>
    %dma_start3A_390 = tpu.memref_squeeze %dma_start3A_389 : memref<1x128xi32, #tpu.memory_space<vmem>> -> memref<128xi32, #tpu.memory_space<vmem>>
    %dma_start3A_391 = arith.constant 0 : i32
    %dma_start3A_392 = arith.constant 0 : i32
    %dma_start3A_393 = tpu.memref_slice %arg2[%dma_start3A_391, %dma_start3A_392] : memref<32768x128xf32, #tpu.memory_space<hbm>> -> memref<32768x128xf32, #tpu.memory_space<hbm>>
    tpu.enqueue_indirect_dma source(%dma_start3A_393 : memref<32768x128xf32, #tpu.memory_space<hbm>>) target(%arg10 : memref<128x128xf32, #tpu.memory_space<vmem>>) offsets(%dma_start3A_390 : memref<128xi32, #tpu.memory_space<vmem>>) semaphore(%arg14 : memref<!tpu.dma_semaphore, #tpu.memory_space<semaphore_mem>>)
    %broadcast_in_dim3A_394 = arith.constant 0 : i32
    %broadcast_in_dim3A_395 = vector.broadcast %broadcast_in_dim3A_394 : i32 to vector<16xi32>
    %sub3A_396 = arith.constant 1 : i32
    %sub3A_397 = vector.broadcast %sub3A_396 : i32 to vector<16xi32>
    %sub3A_398 = arith.subi %broadcast_in_dim3A_395, %sub3A_397 : vector<16xi32>
    %sub3A_399 = arith.constant 1 : i32
    %sub3A_400 = vector.broadcast %sub3A_399 : i32 to vector<16xi32>
    %sub3A_401 = arith.subi %broadcast_in_dim3A_395, %sub3A_400 : vector<16xi32>
    %scan3A_402 = arith.constant 0 : i32
    %scan3A_403 = arith.constant 288 : i32
    %scan3A_404 = arith.addi %scan3A_402, %scan3A_403 : i32
    %scan3A_405 = arith.constant 1 : i32
    %scan3A_406:4 = scf.for %scan3A_910 = %scan3A_402 to %scan3A_404 step %scan3A_405 iter_args(%scan3A_911 = %sub3A_398, %scan3A_912 = %broadcast_in_dim3A_395, %scan3A_913 = %broadcast_in_dim3A_395, %scan3A_914 = %sub3A_401) -> (vector<16xi32>, vector<16xi32>, vector<16xi32>, vector<16xi32>)  : i32 {
      %iota3A = tpu.iota {dimensions = array<i32: 0>} : vector<16xi32>
      %add3A_915 = arith.constant 64 : i32
      %add3A_916 = vector.broadcast %add3A_915 : i32 to vector<16xi32>
      %add3A_917 = arith.addi %add3A_916, %iota3A : vector<16xi32>
      %mul3A_918 = arith.constant 128 : i32
      %mul3A_919 = arith.muli %add3A, %mul3A_918 : i32
      %add3A_920 = vector.broadcast %mul3A_919 : i32 to vector<16xi32>
      %add3A_921 = arith.addi %add3A_920, %add3A_917 : vector<16xi32>
      %shift_right_arithmetic3A = arith.constant 9 : i32
      %shift_right_arithmetic3A_922 = vector.broadcast %shift_right_arithmetic3A : i32 to vector<16xi32>
      %shift_right_arithmetic3A_923 = arith.shrsi %add3A_921, %shift_right_arithmetic3A_922 : vector<16xi32>
      %mul3A_924 = arith.constant 4096 : i32
      %mul3A_925 = vector.broadcast %mul3A_924 : i32 to vector<16xi32>
      %mul3A_926 = arith.muli %shift_right_arithmetic3A_923, %mul3A_925 : vector<16xi32>
      %eq3A = arith.constant 0 : i32
      %eq3A_927 = vector.broadcast %eq3A : i32 to vector<16xi32>
      %eq3A_928 = arith.cmpi eq, %scan3A_912, %eq3A_927 : vector<16xi32>
      %lt3A = arith.constant 255 : i32
      %lt3A_929 = vector.broadcast %lt3A : i32 to vector<16xi32>
      %lt3A_930 = arith.cmpi slt, %scan3A_911, %lt3A_929 : vector<16xi32>
      %and3A = arith.andi %eq3A_928, %lt3A_930 : vector<16xi1>
      %add3A_931 = arith.constant 1 : i32
      %add3A_932 = vector.broadcast %add3A_931 : i32 to vector<16xi32>
      %add3A_933 = arith.addi %scan3A_911, %add3A_932 : vector<16xi32>
      %select_n3A = arith.select %and3A, %add3A_933, %scan3A_911 : vector<16xi1>, vector<16xi32>
      %max3A = arith.constant 0 : i32
      %max3A_934 = vector.broadcast %max3A : i32 to vector<16xi32>
      %max3A_935 = arith.maxsi %select_n3A, %max3A_934 : vector<16xi32>
      %gather3A = tpu.vector_load_idx %arg5[%add3A_917, %max3A_935] : memref<128x256xi32, #tpu.memory_space<vmem>>[vector<16xi32>, vector<16xi32>], vector<16xi32>,
      %select_n3A_936 = arith.select %and3A, %gather3A, %scan3A_912 : vector<16xi1>, vector<16xi32>
      %ne3A = arith.constant 0 : i32
      %ne3A_937 = vector.broadcast %ne3A : i32 to vector<16xi32>
      %ne3A_938 = arith.cmpi ne, %select_n3A_936, %ne3A_937 : vector<16xi32>
      %eq3A_939 = arith.constant 0 : i32
      %eq3A_940 = vector.broadcast %eq3A_939 : i32 to vector<16xi32>
      %eq3A_941 = arith.cmpi eq, %select_n3A_936, %eq3A_940 : vector<16xi32>
      %ge3A = arith.constant 255 : i32
      %ge3A_942 = vector.broadcast %ge3A : i32 to vector<16xi32>
      %ge3A_943 = arith.cmpi sge, %select_n3A, %ge3A_942 : vector<16xi32>
      %and3A_944 = arith.andi %eq3A_941, %ge3A_943 : vector<16xi1>
      %or3A = arith.ori %ne3A_938, %and3A_944 : vector<16xi1>
      %lt3A_945 = arith.constant 32 : i32
      %lt3A_946 = vector.broadcast %lt3A_945 : i32 to vector<16xi32>
      %lt3A_947 = arith.cmpi slt, %scan3A_913, %lt3A_946 : vector<16xi32>
      %and3A_948 = arith.andi %or3A, %lt3A_947 : vector<16xi1>
      %neg3A = arith.constant 0 : i32
      %neg3A_949 = vector.broadcast %neg3A : i32 to vector<16xi32>
      %neg3A_950 = arith.subi %neg3A_949, %select_n3A_936 : vector<16xi32>
      %and3A_951 = arith.andi %select_n3A_936, %neg3A_950 : vector<16xi32>
      %sub3A_952 = arith.constant 1 : i32
      %sub3A_953 = vector.broadcast %sub3A_952 : i32 to vector<16xi32>
      %sub3A_954 = arith.subi %and3A_951, %sub3A_953 : vector<16xi32>
      %shift_right_arithmetic3A_955 = arith.constant 1 : i32
      %shift_right_arithmetic3A_956 = vector.broadcast %shift_right_arithmetic3A_955 : i32 to vector<16xi32>
      %shift_right_arithmetic3A_957 = arith.shrsi %sub3A_954, %shift_right_arithmetic3A_956 : vector<16xi32>
      %and3A_958 = arith.constant 1431655765 : i32
      %and3A_959 = vector.broadcast %and3A_958 : i32 to vector<16xi32>
      %and3A_960 = arith.andi %shift_right_arithmetic3A_957, %and3A_959 : vector<16xi32>
      %sub3A_961 = arith.subi %sub3A_954, %and3A_960 : vector<16xi32>
      %and3A_962 = arith.constant 858993459 : i32
      %and3A_963 = vector.broadcast %and3A_962 : i32 to vector<16xi32>
      %and3A_964 = arith.andi %sub3A_961, %and3A_963 : vector<16xi32>
      %shift_right_arithmetic3A_965 = arith.constant 2 : i32
      %shift_right_arithmetic3A_966 = vector.broadcast %shift_right_arithmetic3A_965 : i32 to vector<16xi32>
      %shift_right_arithmetic3A_967 = arith.shrsi %sub3A_961, %shift_right_arithmetic3A_966 : vector<16xi32>
      %and3A_968 = arith.constant 858993459 : i32
      %and3A_969 = vector.broadcast %and3A_968 : i32 to vector<16xi32>
      %and3A_970 = arith.andi %shift_right_arithmetic3A_967, %and3A_969 : vector<16xi32>
      %add3A_971 = arith.addi %and3A_964, %and3A_970 : vector<16xi32>
      %shift_right_arithmetic3A_972 = arith.constant 4 : i32
      %shift_right_arithmetic3A_973 = vector.broadcast %shift_right_arithmetic3A_972 : i32 to vector<16xi32>
      %shift_right_arithmetic3A_974 = arith.shrsi %add3A_971, %shift_right_arithmetic3A_973 : vector<16xi32>
      %add3A_975 = arith.addi %add3A_971, %shift_right_arithmetic3A_974 : vector<16xi32>
      %and3A_976 = arith.constant 252645135 : i32
      %and3A_977 = vector.broadcast %and3A_976 : i32 to vector<16xi32>
      %and3A_978 = arith.andi %add3A_975, %and3A_977 : vector<16xi32>
      %mul3A_979 = arith.constant 16843009 : i32
      %mul3A_980 = vector.broadcast %mul3A_979 : i32 to vector<16xi32>
      %mul3A_981 = arith.muli %and3A_978, %mul3A_980 : vector<16xi32>
      %shift_right_arithmetic3A_982 = arith.constant 24 : i32
      %shift_right_arithmetic3A_983 = vector.broadcast %shift_right_arithmetic3A_982 : i32 to vector<16xi32>
      %shift_right_arithmetic3A_984 = arith.shrsi %mul3A_981, %shift_right_arithmetic3A_983 : vector<16xi32>
      %mul3A_985 = arith.constant 16 : i32
      %mul3A_986 = vector.broadcast %mul3A_985 : i32 to vector<16xi32>
      %mul3A_987 = arith.muli %select_n3A, %mul3A_986 : vector<16xi32>
      %add3A_988 = arith.addi %mul3A_987, %shift_right_arithmetic3A_984 : vector<16xi32>
      %lt3A_989 = arith.constant 0 : i32
      %lt3A_990 = vector.broadcast %lt3A_989 : i32 to vector<16xi32>
      %lt3A_991 = arith.cmpi slt, %scan3A_914, %lt3A_990 : vector<16xi32>
      %and3A_992 = arith.andi %lt3A_991, %ne3A_938 : vector<16xi1>
      %select_n3A_993 = arith.select %and3A_992, %add3A_988, %scan3A_914 : vector<16xi1>, vector<16xi32>
      %max3A_994 = arith.constant 0 : i32
      %max3A_995 = vector.broadcast %max3A_994 : i32 to vector<16xi32>
      %max3A_996 = arith.maxsi %select_n3A_993, %max3A_995 : vector<16xi32>
      %select_n3A_997 = arith.select %ne3A_938, %add3A_988, %max3A_996 : vector<16xi1>, vector<16xi32>
      %mul3A_998 = arith.constant 32 : i32
      %mul3A_999 = vector.broadcast %mul3A_998 : i32 to vector<16xi32>
      %mul3A_1000 = arith.muli %add3A_917, %mul3A_999 : vector<16xi32>
      %min3A = arith.constant 31 : i32
      %min3A_1001 = vector.broadcast %min3A : i32 to vector<16xi32>
      %min3A_1002 = arith.minsi %scan3A_913, %min3A_1001 : vector<16xi32>
      %add3A_1003 = arith.addi %mul3A_1000, %min3A_1002 : vector<16xi32>
      %shift_right_arithmetic3A_1004 = arith.constant 7 : i32
      %shift_right_arithmetic3A_1005 = vector.broadcast %shift_right_arithmetic3A_1004 : i32 to vector<16xi32>
      %shift_right_arithmetic3A_1006 = arith.shrsi %add3A_1003, %shift_right_arithmetic3A_1005 : vector<16xi32>
      %and3A_1007 = arith.constant 127 : i32
      %and3A_1008 = vector.broadcast %and3A_1007 : i32 to vector<16xi32>
      %and3A_1009 = arith.andi %add3A_1003, %and3A_1008 : vector<16xi32>
      %add3A_1010 = arith.addi %mul3A_926, %select_n3A_997 : vector<16xi32>
      tpu.vector_store_idx %arg6[%shift_right_arithmetic3A_1006, %and3A_1009], %add3A_1010 masked %and3A_948 : memref<32x128xi32, #tpu.memory_space<vmem>>[vector<16xi32>, vector<16xi32>], vector<16xi32>, vector<16xi1>
      %add3A_1011 = arith.constant 1 : i32
      %add3A_1012 = vector.broadcast %add3A_1011 : i32 to vector<16xi32>
      %add3A_1013 = arith.addi %scan3A_913, %add3A_1012 : vector<16xi32>
      %select_n3A_1014 = arith.select %and3A_948, %add3A_1013, %scan3A_913 : vector<16xi1>, vector<16xi32>
      %sub3A_1015 = arith.subi %select_n3A_936, %and3A_951 : vector<16xi32>
      scf.yield %select_n3A, %sub3A_1015, %select_n3A_1014, %select_n3A_993 : vector<16xi32>, vector<16xi32>, vector<16xi32>, vector<16xi32>
    }
    %scan3A_407 = arith.constant 288 : i32
    %dma_wait3A_408 = arith.constant 12 : i32
    %dma_wait3A_409 = arith.constant 0 : i32
    %dma_wait3A_410 = tpu.memref_slice %arg6[%dma_wait3A_408, %dma_wait3A_409] : memref<32x128xi32, #tpu.memory_space<vmem>> -> memref<1x128xi32, #tpu.memory_space<vmem>>
    %dma_wait3A_411 = tpu.memref_squeeze %dma_wait3A_410 : memref<1x128xi32, #tpu.memory_space<vmem>> -> memref<128xi32, #tpu.memory_space<vmem>>
    %dma_wait3A_412 = arith.constant 0 : i32
    %dma_wait3A_413 = arith.constant 0 : i32
    %dma_wait3A_414 = tpu.memref_slice %arg2[%dma_wait3A_412, %dma_wait3A_413] : memref<32768x128xf32, #tpu.memory_space<hbm>> -> memref<32768x128xf32, #tpu.memory_space<hbm>>
    tpu.wait_indirect_dma semaphore(%arg11 : memref<!tpu.dma_semaphore, #tpu.memory_space<semaphore_mem>>) src(%dma_wait3A_414 : memref<32768x128xf32, #tpu.memory_space<hbm>>) dst(%arg7 : memref<128x128xf32, #tpu.memory_space<vmem>>)
    %mul3A_415 = arith.constant 4096 : i32
    %mul3A_416 = arith.muli %add3A, %mul3A_415 : i32
    %add3A_417 = arith.constant 1536 : i32
    %add3A_418 = arith.addi %mul3A_416, %add3A_417 : i32
    %dma_start3A_419 = arith.constant 0 : i32
    %dma_start3A_420 = tpu.memref_slice %arg4[%add3A_418, %dma_start3A_419] : memref<131072x128xf32, #tpu.memory_space<hbm>> -> memref<128x128xf32, #tpu.memory_space<hbm>>
    %dma_start3A_421 = arith.constant 0 : i32
    %dma_start3A_422 = tpu.memref_slice %arg4[%add3A_418, %dma_start3A_421] : memref<131072x128xf32, #tpu.memory_space<hbm>> -> memref<128x128xf32, #tpu.memory_space<hbm>>
    tpu.enqueue_dma source(%arg7 : memref<128x128xf32, #tpu.memory_space<vmem>>) target(%dma_start3A_422 : memref<128x128xf32, #tpu.memory_space<hbm>>) target_semaphore(%arg15 : memref<!tpu.dma_semaphore, #tpu.memory_space<semaphore_mem>>)
    %dma_wait3A_423 = arith.constant 13 : i32
    %dma_wait3A_424 = arith.constant 0 : i32
    %dma_wait3A_425 = tpu.memref_slice %arg6[%dma_wait3A_423, %dma_wait3A_424] : memref<32x128xi32, #tpu.memory_space<vmem>> -> memref<1x128xi32, #tpu.memory_space<vmem>>
    %dma_wait3A_426 = tpu.memref_squeeze %dma_wait3A_425 : memref<1x128xi32, #tpu.memory_space<vmem>> -> memref<128xi32, #tpu.memory_space<vmem>>
    %dma_wait3A_427 = arith.constant 0 : i32
    %dma_wait3A_428 = arith.constant 0 : i32
    %dma_wait3A_429 = tpu.memref_slice %arg2[%dma_wait3A_427, %dma_wait3A_428] : memref<32768x128xf32, #tpu.memory_space<hbm>> -> memref<32768x128xf32, #tpu.memory_space<hbm>>
    tpu.wait_indirect_dma semaphore(%arg12 : memref<!tpu.dma_semaphore, #tpu.memory_space<semaphore_mem>>) src(%dma_wait3A_429 : memref<32768x128xf32, #tpu.memory_space<hbm>>) dst(%arg8 : memref<128x128xf32, #tpu.memory_space<vmem>>)
    %mul3A_430 = arith.constant 4096 : i32
    %mul3A_431 = arith.muli %add3A, %mul3A_430 : i32
    %add3A_432 = arith.constant 1664 : i32
    %add3A_433 = arith.addi %mul3A_431, %add3A_432 : i32
    %dma_start3A_434 = arith.constant 0 : i32
    %dma_start3A_435 = tpu.memref_slice %arg4[%add3A_433, %dma_start3A_434] : memref<131072x128xf32, #tpu.memory_space<hbm>> -> memref<128x128xf32, #tpu.memory_space<hbm>>
    %dma_start3A_436 = arith.constant 0 : i32
    %dma_start3A_437 = tpu.memref_slice %arg4[%add3A_433, %dma_start3A_436] : memref<131072x128xf32, #tpu.memory_space<hbm>> -> memref<128x128xf32, #tpu.memory_space<hbm>>
    tpu.enqueue_dma source(%arg8 : memref<128x128xf32, #tpu.memory_space<vmem>>) target(%dma_start3A_437 : memref<128x128xf32, #tpu.memory_space<hbm>>) target_semaphore(%arg16 : memref<!tpu.dma_semaphore, #tpu.memory_space<semaphore_mem>>)
    %dma_wait3A_438 = arith.constant 14 : i32
    %dma_wait3A_439 = arith.constant 0 : i32
    %dma_wait3A_440 = tpu.memref_slice %arg6[%dma_wait3A_438, %dma_wait3A_439] : memref<32x128xi32, #tpu.memory_space<vmem>> -> memref<1x128xi32, #tpu.memory_space<vmem>>
    %dma_wait3A_441 = tpu.memref_squeeze %dma_wait3A_440 : memref<1x128xi32, #tpu.memory_space<vmem>> -> memref<128xi32, #tpu.memory_space<vmem>>
    %dma_wait3A_442 = arith.constant 0 : i32
    %dma_wait3A_443 = arith.constant 0 : i32
    %dma_wait3A_444 = tpu.memref_slice %arg2[%dma_wait3A_442, %dma_wait3A_443] : memref<32768x128xf32, #tpu.memory_space<hbm>> -> memref<32768x128xf32, #tpu.memory_space<hbm>>
    tpu.wait_indirect_dma semaphore(%arg13 : memref<!tpu.dma_semaphore, #tpu.memory_space<semaphore_mem>>) src(%dma_wait3A_444 : memref<32768x128xf32, #tpu.memory_space<hbm>>) dst(%arg9 : memref<128x128xf32, #tpu.memory_space<vmem>>)
    %mul3A_445 = arith.constant 4096 : i32
    %mul3A_446 = arith.muli %add3A, %mul3A_445 : i32
    %add3A_447 = arith.constant 1792 : i32
    %add3A_448 = arith.addi %mul3A_446, %add3A_447 : i32
    %dma_start3A_449 = arith.constant 0 : i32
    %dma_start3A_450 = tpu.memref_slice %arg4[%add3A_448, %dma_start3A_449] : memref<131072x128xf32, #tpu.memory_space<hbm>> -> memref<128x128xf32, #tpu.memory_space<hbm>>
    %dma_start3A_451 = arith.constant 0 : i32
    %dma_start3A_452 = tpu.memref_slice %arg4[%add3A_448, %dma_start3A_451] : memref<131072x128xf32, #tpu.memory_space<hbm>> -> memref<128x128xf32, #tpu.memory_space<hbm>>
    tpu.enqueue_dma source(%arg9 : memref<128x128xf32, #tpu.memory_space<vmem>>) target(%dma_start3A_452 : memref<128x128xf32, #tpu.memory_space<hbm>>) target_semaphore(%arg17 : memref<!tpu.dma_semaphore, #tpu.memory_space<semaphore_mem>>)
    %dma_wait3A_453 = arith.constant 15 : i32
    %dma_wait3A_454 = arith.constant 0 : i32
    %dma_wait3A_455 = tpu.memref_slice %arg6[%dma_wait3A_453, %dma_wait3A_454] : memref<32x128xi32, #tpu.memory_space<vmem>> -> memref<1x128xi32, #tpu.memory_space<vmem>>
    %dma_wait3A_456 = tpu.memref_squeeze %dma_wait3A_455 : memref<1x128xi32, #tpu.memory_space<vmem>> -> memref<128xi32, #tpu.memory_space<vmem>>
    %dma_wait3A_457 = arith.constant 0 : i32
    %dma_wait3A_458 = arith.constant 0 : i32
    %dma_wait3A_459 = tpu.memref_slice %arg2[%dma_wait3A_457, %dma_wait3A_458] : memref<32768x128xf32, #tpu.memory_space<hbm>> -> memref<32768x128xf32, #tpu.memory_space<hbm>>
    tpu.wait_indirect_dma semaphore(%arg14 : memref<!tpu.dma_semaphore, #tpu.memory_space<semaphore_mem>>) src(%dma_wait3A_459 : memref<32768x128xf32, #tpu.memory_space<hbm>>) dst(%arg10 : memref<128x128xf32, #tpu.memory_space<vmem>>)
    %mul3A_460 = arith.constant 4096 : i32
    %mul3A_461 = arith.muli %add3A, %mul3A_460 : i32
    %add3A_462 = arith.constant 1920 : i32
    %add3A_463 = arith.addi %mul3A_461, %add3A_462 : i32
    %dma_start3A_464 = arith.constant 0 : i32
    %dma_start3A_465 = tpu.memref_slice %arg4[%add3A_463, %dma_start3A_464] : memref<131072x128xf32, #tpu.memory_space<hbm>> -> memref<128x128xf32, #tpu.memory_space<hbm>>
    %dma_start3A_466 = arith.constant 0 : i32
    %dma_start3A_467 = tpu.memref_slice %arg4[%add3A_463, %dma_start3A_466] : memref<131072x128xf32, #tpu.memory_space<hbm>> -> memref<128x128xf32, #tpu.memory_space<hbm>>
    tpu.enqueue_dma source(%arg10 : memref<128x128xf32, #tpu.memory_space<vmem>>) target(%dma_start3A_467 : memref<128x128xf32, #tpu.memory_space<hbm>>) target_semaphore(%arg18 : memref<!tpu.dma_semaphore, #tpu.memory_space<semaphore_mem>>)
    %dma_wait3A_468 = arith.constant 0 : i32
    %dma_wait3A_469 = tpu.memref_slice %arg4[%add3A_418, %dma_wait3A_468] : memref<131072x128xf32, #tpu.memory_space<hbm>> -> memref<128x128xf32, #tpu.memory_space<hbm>>
    %dma_wait3A_470 = arith.constant 0 : i32
    %dma_wait3A_471 = tpu.memref_slice %arg4[%add3A_418, %dma_wait3A_470] : memref<131072x128xf32, #tpu.memory_space<hbm>> -> memref<128x128xf32, #tpu.memory_space<hbm>>
    tpu.wait_dma2 semaphore(%arg15 : memref<!tpu.dma_semaphore, #tpu.memory_space<semaphore_mem>>) src(%arg7 : memref<128x128xf32, #tpu.memory_space<vmem>>) dst(%dma_wait3A_471 : memref<128x128xf32, #tpu.memory_space<hbm>>)
    %dma_start3A_472 = arith.constant 16 : i32
    %dma_start3A_473 = arith.constant 0 : i32
    %dma_start3A_474 = tpu.memref_slice %arg6[%dma_start3A_472, %dma_start3A_473] : memref<32x128xi32, #tpu.memory_space<vmem>> -> memref<1x128xi32, #tpu.memory_space<vmem>>
    %dma_start3A_475 = tpu.memref_squeeze %dma_start3A_474 : memref<1x128xi32, #tpu.memory_space<vmem>> -> memref<128xi32, #tpu.memory_space<vmem>>
    %dma_start3A_476 = arith.constant 0 : i32
    %dma_start3A_477 = arith.constant 0 : i32
    %dma_start3A_478 = tpu.memref_slice %arg2[%dma_start3A_476, %dma_start3A_477] : memref<32768x128xf32, #tpu.memory_space<hbm>> -> memref<32768x128xf32, #tpu.memory_space<hbm>>
    tpu.enqueue_indirect_dma source(%dma_start3A_478 : memref<32768x128xf32, #tpu.memory_space<hbm>>) target(%arg7 : memref<128x128xf32, #tpu.memory_space<vmem>>) offsets(%dma_start3A_475 : memref<128xi32, #tpu.memory_space<vmem>>) semaphore(%arg11 : memref<!tpu.dma_semaphore, #tpu.memory_space<semaphore_mem>>)
    %dma_wait3A_479 = arith.constant 0 : i32
    %dma_wait3A_480 = tpu.memref_slice %arg4[%add3A_433, %dma_wait3A_479] : memref<131072x128xf32, #tpu.memory_space<hbm>> -> memref<128x128xf32, #tpu.memory_space<hbm>>
    %dma_wait3A_481 = arith.constant 0 : i32
    %dma_wait3A_482 = tpu.memref_slice %arg4[%add3A_433, %dma_wait3A_481] : memref<131072x128xf32, #tpu.memory_space<hbm>> -> memref<128x128xf32, #tpu.memory_space<hbm>>
    tpu.wait_dma2 semaphore(%arg16 : memref<!tpu.dma_semaphore, #tpu.memory_space<semaphore_mem>>) src(%arg8 : memref<128x128xf32, #tpu.memory_space<vmem>>) dst(%dma_wait3A_482 : memref<128x128xf32, #tpu.memory_space<hbm>>)
    %dma_start3A_483 = arith.constant 17 : i32
    %dma_start3A_484 = arith.constant 0 : i32
    %dma_start3A_485 = tpu.memref_slice %arg6[%dma_start3A_483, %dma_start3A_484] : memref<32x128xi32, #tpu.memory_space<vmem>> -> memref<1x128xi32, #tpu.memory_space<vmem>>
    %dma_start3A_486 = tpu.memref_squeeze %dma_start3A_485 : memref<1x128xi32, #tpu.memory_space<vmem>> -> memref<128xi32, #tpu.memory_space<vmem>>
    %dma_start3A_487 = arith.constant 0 : i32
    %dma_start3A_488 = arith.constant 0 : i32
    %dma_start3A_489 = tpu.memref_slice %arg2[%dma_start3A_487, %dma_start3A_488] : memref<32768x128xf32, #tpu.memory_space<hbm>> -> memref<32768x128xf32, #tpu.memory_space<hbm>>
    tpu.enqueue_indirect_dma source(%dma_start3A_489 : memref<32768x128xf32, #tpu.memory_space<hbm>>) target(%arg8 : memref<128x128xf32, #tpu.memory_space<vmem>>) offsets(%dma_start3A_486 : memref<128xi32, #tpu.memory_space<vmem>>) semaphore(%arg12 : memref<!tpu.dma_semaphore, #tpu.memory_space<semaphore_mem>>)
    %dma_wait3A_490 = arith.constant 0 : i32
    %dma_wait3A_491 = tpu.memref_slice %arg4[%add3A_448, %dma_wait3A_490] : memref<131072x128xf32, #tpu.memory_space<hbm>> -> memref<128x128xf32, #tpu.memory_space<hbm>>
    %dma_wait3A_492 = arith.constant 0 : i32
    %dma_wait3A_493 = tpu.memref_slice %arg4[%add3A_448, %dma_wait3A_492] : memref<131072x128xf32, #tpu.memory_space<hbm>> -> memref<128x128xf32, #tpu.memory_space<hbm>>
    tpu.wait_dma2 semaphore(%arg17 : memref<!tpu.dma_semaphore, #tpu.memory_space<semaphore_mem>>) src(%arg9 : memref<128x128xf32, #tpu.memory_space<vmem>>) dst(%dma_wait3A_493 : memref<128x128xf32, #tpu.memory_space<hbm>>)
    %dma_start3A_494 = arith.constant 18 : i32
    %dma_start3A_495 = arith.constant 0 : i32
    %dma_start3A_496 = tpu.memref_slice %arg6[%dma_start3A_494, %dma_start3A_495] : memref<32x128xi32, #tpu.memory_space<vmem>> -> memref<1x128xi32, #tpu.memory_space<vmem>>
    %dma_start3A_497 = tpu.memref_squeeze %dma_start3A_496 : memref<1x128xi32, #tpu.memory_space<vmem>> -> memref<128xi32, #tpu.memory_space<vmem>>
    %dma_start3A_498 = arith.constant 0 : i32
    %dma_start3A_499 = arith.constant 0 : i32
    %dma_start3A_500 = tpu.memref_slice %arg2[%dma_start3A_498, %dma_start3A_499] : memref<32768x128xf32, #tpu.memory_space<hbm>> -> memref<32768x128xf32, #tpu.memory_space<hbm>>
    tpu.enqueue_indirect_dma source(%dma_start3A_500 : memref<32768x128xf32, #tpu.memory_space<hbm>>) target(%arg9 : memref<128x128xf32, #tpu.memory_space<vmem>>) offsets(%dma_start3A_497 : memref<128xi32, #tpu.memory_space<vmem>>) semaphore(%arg13 : memref<!tpu.dma_semaphore, #tpu.memory_space<semaphore_mem>>)
    %dma_wait3A_501 = arith.constant 0 : i32
    %dma_wait3A_502 = tpu.memref_slice %arg4[%add3A_463, %dma_wait3A_501] : memref<131072x128xf32, #tpu.memory_space<hbm>> -> memref<128x128xf32, #tpu.memory_space<hbm>>
    %dma_wait3A_503 = arith.constant 0 : i32
    %dma_wait3A_504 = tpu.memref_slice %arg4[%add3A_463, %dma_wait3A_503] : memref<131072x128xf32, #tpu.memory_space<hbm>> -> memref<128x128xf32, #tpu.memory_space<hbm>>
    tpu.wait_dma2 semaphore(%arg18 : memref<!tpu.dma_semaphore, #tpu.memory_space<semaphore_mem>>) src(%arg10 : memref<128x128xf32, #tpu.memory_space<vmem>>) dst(%dma_wait3A_504 : memref<128x128xf32, #tpu.memory_space<hbm>>)
    %dma_start3A_505 = arith.constant 19 : i32
    %dma_start3A_506 = arith.constant 0 : i32
    %dma_start3A_507 = tpu.memref_slice %arg6[%dma_start3A_505, %dma_start3A_506] : memref<32x128xi32, #tpu.memory_space<vmem>> -> memref<1x128xi32, #tpu.memory_space<vmem>>
    %dma_start3A_508 = tpu.memref_squeeze %dma_start3A_507 : memref<1x128xi32, #tpu.memory_space<vmem>> -> memref<128xi32, #tpu.memory_space<vmem>>
    %dma_start3A_509 = arith.constant 0 : i32
    %dma_start3A_510 = arith.constant 0 : i32
    %dma_start3A_511 = tpu.memref_slice %arg2[%dma_start3A_509, %dma_start3A_510] : memref<32768x128xf32, #tpu.memory_space<hbm>> -> memref<32768x128xf32, #tpu.memory_space<hbm>>
    tpu.enqueue_indirect_dma source(%dma_start3A_511 : memref<32768x128xf32, #tpu.memory_space<hbm>>) target(%arg10 : memref<128x128xf32, #tpu.memory_space<vmem>>) offsets(%dma_start3A_508 : memref<128xi32, #tpu.memory_space<vmem>>) semaphore(%arg14 : memref<!tpu.dma_semaphore, #tpu.memory_space<semaphore_mem>>)
    %broadcast_in_dim3A_512 = arith.constant 0 : i32
    %broadcast_in_dim3A_513 = vector.broadcast %broadcast_in_dim3A_512 : i32 to vector<16xi32>
    %sub3A_514 = arith.constant 1 : i32
    %sub3A_515 = vector.broadcast %sub3A_514 : i32 to vector<16xi32>
    %sub3A_516 = arith.subi %broadcast_in_dim3A_513, %sub3A_515 : vector<16xi32>
    %sub3A_517 = arith.constant 1 : i32
    %sub3A_518 = vector.broadcast %sub3A_517 : i32 to vector<16xi32>
    %sub3A_519 = arith.subi %broadcast_in_dim3A_513, %sub3A_518 : vector<16xi32>
    %scan3A_520 = arith.constant 0 : i32
    %scan3A_521 = arith.constant 288 : i32
    %scan3A_522 = arith.addi %scan3A_520, %scan3A_521 : i32
    %scan3A_523 = arith.constant 1 : i32
    %scan3A_524:4 = scf.for %scan3A_910 = %scan3A_520 to %scan3A_522 step %scan3A_523 iter_args(%scan3A_911 = %sub3A_516, %scan3A_912 = %broadcast_in_dim3A_513, %scan3A_913 = %broadcast_in_dim3A_513, %scan3A_914 = %sub3A_519) -> (vector<16xi32>, vector<16xi32>, vector<16xi32>, vector<16xi32>)  : i32 {
      %iota3A = tpu.iota {dimensions = array<i32: 0>} : vector<16xi32>
      %add3A_915 = arith.constant 80 : i32
      %add3A_916 = vector.broadcast %add3A_915 : i32 to vector<16xi32>
      %add3A_917 = arith.addi %add3A_916, %iota3A : vector<16xi32>
      %mul3A_918 = arith.constant 128 : i32
      %mul3A_919 = arith.muli %add3A, %mul3A_918 : i32
      %add3A_920 = vector.broadcast %mul3A_919 : i32 to vector<16xi32>
      %add3A_921 = arith.addi %add3A_920, %add3A_917 : vector<16xi32>
      %shift_right_arithmetic3A = arith.constant 9 : i32
      %shift_right_arithmetic3A_922 = vector.broadcast %shift_right_arithmetic3A : i32 to vector<16xi32>
      %shift_right_arithmetic3A_923 = arith.shrsi %add3A_921, %shift_right_arithmetic3A_922 : vector<16xi32>
      %mul3A_924 = arith.constant 4096 : i32
      %mul3A_925 = vector.broadcast %mul3A_924 : i32 to vector<16xi32>
      %mul3A_926 = arith.muli %shift_right_arithmetic3A_923, %mul3A_925 : vector<16xi32>
      %eq3A = arith.constant 0 : i32
      %eq3A_927 = vector.broadcast %eq3A : i32 to vector<16xi32>
      %eq3A_928 = arith.cmpi eq, %scan3A_912, %eq3A_927 : vector<16xi32>
      %lt3A = arith.constant 255 : i32
      %lt3A_929 = vector.broadcast %lt3A : i32 to vector<16xi32>
      %lt3A_930 = arith.cmpi slt, %scan3A_911, %lt3A_929 : vector<16xi32>
      %and3A = arith.andi %eq3A_928, %lt3A_930 : vector<16xi1>
      %add3A_931 = arith.constant 1 : i32
      %add3A_932 = vector.broadcast %add3A_931 : i32 to vector<16xi32>
      %add3A_933 = arith.addi %scan3A_911, %add3A_932 : vector<16xi32>
      %select_n3A = arith.select %and3A, %add3A_933, %scan3A_911 : vector<16xi1>, vector<16xi32>
      %max3A = arith.constant 0 : i32
      %max3A_934 = vector.broadcast %max3A : i32 to vector<16xi32>
      %max3A_935 = arith.maxsi %select_n3A, %max3A_934 : vector<16xi32>
      %gather3A = tpu.vector_load_idx %arg5[%add3A_917, %max3A_935] : memref<128x256xi32, #tpu.memory_space<vmem>>[vector<16xi32>, vector<16xi32>], vector<16xi32>,
      %select_n3A_936 = arith.select %and3A, %gather3A, %scan3A_912 : vector<16xi1>, vector<16xi32>
      %ne3A = arith.constant 0 : i32
      %ne3A_937 = vector.broadcast %ne3A : i32 to vector<16xi32>
      %ne3A_938 = arith.cmpi ne, %select_n3A_936, %ne3A_937 : vector<16xi32>
      %eq3A_939 = arith.constant 0 : i32
      %eq3A_940 = vector.broadcast %eq3A_939 : i32 to vector<16xi32>
      %eq3A_941 = arith.cmpi eq, %select_n3A_936, %eq3A_940 : vector<16xi32>
      %ge3A = arith.constant 255 : i32
      %ge3A_942 = vector.broadcast %ge3A : i32 to vector<16xi32>
      %ge3A_943 = arith.cmpi sge, %select_n3A, %ge3A_942 : vector<16xi32>
      %and3A_944 = arith.andi %eq3A_941, %ge3A_943 : vector<16xi1>
      %or3A = arith.ori %ne3A_938, %and3A_944 : vector<16xi1>
      %lt3A_945 = arith.constant 32 : i32
      %lt3A_946 = vector.broadcast %lt3A_945 : i32 to vector<16xi32>
      %lt3A_947 = arith.cmpi slt, %scan3A_913, %lt3A_946 : vector<16xi32>
      %and3A_948 = arith.andi %or3A, %lt3A_947 : vector<16xi1>
      %neg3A = arith.constant 0 : i32
      %neg3A_949 = vector.broadcast %neg3A : i32 to vector<16xi32>
      %neg3A_950 = arith.subi %neg3A_949, %select_n3A_936 : vector<16xi32>
      %and3A_951 = arith.andi %select_n3A_936, %neg3A_950 : vector<16xi32>
      %sub3A_952 = arith.constant 1 : i32
      %sub3A_953 = vector.broadcast %sub3A_952 : i32 to vector<16xi32>
      %sub3A_954 = arith.subi %and3A_951, %sub3A_953 : vector<16xi32>
      %shift_right_arithmetic3A_955 = arith.constant 1 : i32
      %shift_right_arithmetic3A_956 = vector.broadcast %shift_right_arithmetic3A_955 : i32 to vector<16xi32>
      %shift_right_arithmetic3A_957 = arith.shrsi %sub3A_954, %shift_right_arithmetic3A_956 : vector<16xi32>
      %and3A_958 = arith.constant 1431655765 : i32
      %and3A_959 = vector.broadcast %and3A_958 : i32 to vector<16xi32>
      %and3A_960 = arith.andi %shift_right_arithmetic3A_957, %and3A_959 : vector<16xi32>
      %sub3A_961 = arith.subi %sub3A_954, %and3A_960 : vector<16xi32>
      %and3A_962 = arith.constant 858993459 : i32
      %and3A_963 = vector.broadcast %and3A_962 : i32 to vector<16xi32>
      %and3A_964 = arith.andi %sub3A_961, %and3A_963 : vector<16xi32>
      %shift_right_arithmetic3A_965 = arith.constant 2 : i32
      %shift_right_arithmetic3A_966 = vector.broadcast %shift_right_arithmetic3A_965 : i32 to vector<16xi32>
      %shift_right_arithmetic3A_967 = arith.shrsi %sub3A_961, %shift_right_arithmetic3A_966 : vector<16xi32>
      %and3A_968 = arith.constant 858993459 : i32
      %and3A_969 = vector.broadcast %and3A_968 : i32 to vector<16xi32>
      %and3A_970 = arith.andi %shift_right_arithmetic3A_967, %and3A_969 : vector<16xi32>
      %add3A_971 = arith.addi %and3A_964, %and3A_970 : vector<16xi32>
      %shift_right_arithmetic3A_972 = arith.constant 4 : i32
      %shift_right_arithmetic3A_973 = vector.broadcast %shift_right_arithmetic3A_972 : i32 to vector<16xi32>
      %shift_right_arithmetic3A_974 = arith.shrsi %add3A_971, %shift_right_arithmetic3A_973 : vector<16xi32>
      %add3A_975 = arith.addi %add3A_971, %shift_right_arithmetic3A_974 : vector<16xi32>
      %and3A_976 = arith.constant 252645135 : i32
      %and3A_977 = vector.broadcast %and3A_976 : i32 to vector<16xi32>
      %and3A_978 = arith.andi %add3A_975, %and3A_977 : vector<16xi32>
      %mul3A_979 = arith.constant 16843009 : i32
      %mul3A_980 = vector.broadcast %mul3A_979 : i32 to vector<16xi32>
      %mul3A_981 = arith.muli %and3A_978, %mul3A_980 : vector<16xi32>
      %shift_right_arithmetic3A_982 = arith.constant 24 : i32
      %shift_right_arithmetic3A_983 = vector.broadcast %shift_right_arithmetic3A_982 : i32 to vector<16xi32>
      %shift_right_arithmetic3A_984 = arith.shrsi %mul3A_981, %shift_right_arithmetic3A_983 : vector<16xi32>
      %mul3A_985 = arith.constant 16 : i32
      %mul3A_986 = vector.broadcast %mul3A_985 : i32 to vector<16xi32>
      %mul3A_987 = arith.muli %select_n3A, %mul3A_986 : vector<16xi32>
      %add3A_988 = arith.addi %mul3A_987, %shift_right_arithmetic3A_984 : vector<16xi32>
      %lt3A_989 = arith.constant 0 : i32
      %lt3A_990 = vector.broadcast %lt3A_989 : i32 to vector<16xi32>
      %lt3A_991 = arith.cmpi slt, %scan3A_914, %lt3A_990 : vector<16xi32>
      %and3A_992 = arith.andi %lt3A_991, %ne3A_938 : vector<16xi1>
      %select_n3A_993 = arith.select %and3A_992, %add3A_988, %scan3A_914 : vector<16xi1>, vector<16xi32>
      %max3A_994 = arith.constant 0 : i32
      %max3A_995 = vector.broadcast %max3A_994 : i32 to vector<16xi32>
      %max3A_996 = arith.maxsi %select_n3A_993, %max3A_995 : vector<16xi32>
      %select_n3A_997 = arith.select %ne3A_938, %add3A_988, %max3A_996 : vector<16xi1>, vector<16xi32>
      %mul3A_998 = arith.constant 32 : i32
      %mul3A_999 = vector.broadcast %mul3A_998 : i32 to vector<16xi32>
      %mul3A_1000 = arith.muli %add3A_917, %mul3A_999 : vector<16xi32>
      %min3A = arith.constant 31 : i32
      %min3A_1001 = vector.broadcast %min3A : i32 to vector<16xi32>
      %min3A_1002 = arith.minsi %scan3A_913, %min3A_1001 : vector<16xi32>
      %add3A_1003 = arith.addi %mul3A_1000, %min3A_1002 : vector<16xi32>
      %shift_right_arithmetic3A_1004 = arith.constant 7 : i32
      %shift_right_arithmetic3A_1005 = vector.broadcast %shift_right_arithmetic3A_1004 : i32 to vector<16xi32>
      %shift_right_arithmetic3A_1006 = arith.shrsi %add3A_1003, %shift_right_arithmetic3A_1005 : vector<16xi32>
      %and3A_1007 = arith.constant 127 : i32
      %and3A_1008 = vector.broadcast %and3A_1007 : i32 to vector<16xi32>
      %and3A_1009 = arith.andi %add3A_1003, %and3A_1008 : vector<16xi32>
      %add3A_1010 = arith.addi %mul3A_926, %select_n3A_997 : vector<16xi32>
      tpu.vector_store_idx %arg6[%shift_right_arithmetic3A_1006, %and3A_1009], %add3A_1010 masked %and3A_948 : memref<32x128xi32, #tpu.memory_space<vmem>>[vector<16xi32>, vector<16xi32>], vector<16xi32>, vector<16xi1>
      %add3A_1011 = arith.constant 1 : i32
      %add3A_1012 = vector.broadcast %add3A_1011 : i32 to vector<16xi32>
      %add3A_1013 = arith.addi %scan3A_913, %add3A_1012 : vector<16xi32>
      %select_n3A_1014 = arith.select %and3A_948, %add3A_1013, %scan3A_913 : vector<16xi1>, vector<16xi32>
      %sub3A_1015 = arith.subi %select_n3A_936, %and3A_951 : vector<16xi32>
      scf.yield %select_n3A, %sub3A_1015, %select_n3A_1014, %select_n3A_993 : vector<16xi32>, vector<16xi32>, vector<16xi32>, vector<16xi32>
    }
    %scan3A_525 = arith.constant 288 : i32
    %dma_wait3A_526 = arith.constant 16 : i32
    %dma_wait3A_527 = arith.constant 0 : i32
    %dma_wait3A_528 = tpu.memref_slice %arg6[%dma_wait3A_526, %dma_wait3A_527] : memref<32x128xi32, #tpu.memory_space<vmem>> -> memref<1x128xi32, #tpu.memory_space<vmem>>
    %dma_wait3A_529 = tpu.memref_squeeze %dma_wait3A_528 : memref<1x128xi32, #tpu.memory_space<vmem>> -> memref<128xi32, #tpu.memory_space<vmem>>
    %dma_wait3A_530 = arith.constant 0 : i32
    %dma_wait3A_531 = arith.constant 0 : i32
    %dma_wait3A_532 = tpu.memref_slice %arg2[%dma_wait3A_530, %dma_wait3A_531] : memref<32768x128xf32, #tpu.memory_space<hbm>> -> memref<32768x128xf32, #tpu.memory_space<hbm>>
    tpu.wait_indirect_dma semaphore(%arg11 : memref<!tpu.dma_semaphore, #tpu.memory_space<semaphore_mem>>) src(%dma_wait3A_532 : memref<32768x128xf32, #tpu.memory_space<hbm>>) dst(%arg7 : memref<128x128xf32, #tpu.memory_space<vmem>>)
    %mul3A_533 = arith.constant 4096 : i32
    %mul3A_534 = arith.muli %add3A, %mul3A_533 : i32
    %add3A_535 = arith.constant 2048 : i32
    %add3A_536 = arith.addi %mul3A_534, %add3A_535 : i32
    %dma_start3A_537 = arith.constant 0 : i32
    %dma_start3A_538 = tpu.memref_slice %arg4[%add3A_536, %dma_start3A_537] : memref<131072x128xf32, #tpu.memory_space<hbm>> -> memref<128x128xf32, #tpu.memory_space<hbm>>
    %dma_start3A_539 = arith.constant 0 : i32
    %dma_start3A_540 = tpu.memref_slice %arg4[%add3A_536, %dma_start3A_539] : memref<131072x128xf32, #tpu.memory_space<hbm>> -> memref<128x128xf32, #tpu.memory_space<hbm>>
    tpu.enqueue_dma source(%arg7 : memref<128x128xf32, #tpu.memory_space<vmem>>) target(%dma_start3A_540 : memref<128x128xf32, #tpu.memory_space<hbm>>) target_semaphore(%arg15 : memref<!tpu.dma_semaphore, #tpu.memory_space<semaphore_mem>>)
    %dma_wait3A_541 = arith.constant 17 : i32
    %dma_wait3A_542 = arith.constant 0 : i32
    %dma_wait3A_543 = tpu.memref_slice %arg6[%dma_wait3A_541, %dma_wait3A_542] : memref<32x128xi32, #tpu.memory_space<vmem>> -> memref<1x128xi32, #tpu.memory_space<vmem>>
    %dma_wait3A_544 = tpu.memref_squeeze %dma_wait3A_543 : memref<1x128xi32, #tpu.memory_space<vmem>> -> memref<128xi32, #tpu.memory_space<vmem>>
    %dma_wait3A_545 = arith.constant 0 : i32
    %dma_wait3A_546 = arith.constant 0 : i32
    %dma_wait3A_547 = tpu.memref_slice %arg2[%dma_wait3A_545, %dma_wait3A_546] : memref<32768x128xf32, #tpu.memory_space<hbm>> -> memref<32768x128xf32, #tpu.memory_space<hbm>>
    tpu.wait_indirect_dma semaphore(%arg12 : memref<!tpu.dma_semaphore, #tpu.memory_space<semaphore_mem>>) src(%dma_wait3A_547 : memref<32768x128xf32, #tpu.memory_space<hbm>>) dst(%arg8 : memref<128x128xf32, #tpu.memory_space<vmem>>)
    %mul3A_548 = arith.constant 4096 : i32
    %mul3A_549 = arith.muli %add3A, %mul3A_548 : i32
    %add3A_550 = arith.constant 2176 : i32
    %add3A_551 = arith.addi %mul3A_549, %add3A_550 : i32
    %dma_start3A_552 = arith.constant 0 : i32
    %dma_start3A_553 = tpu.memref_slice %arg4[%add3A_551, %dma_start3A_552] : memref<131072x128xf32, #tpu.memory_space<hbm>> -> memref<128x128xf32, #tpu.memory_space<hbm>>
    %dma_start3A_554 = arith.constant 0 : i32
    %dma_start3A_555 = tpu.memref_slice %arg4[%add3A_551, %dma_start3A_554] : memref<131072x128xf32, #tpu.memory_space<hbm>> -> memref<128x128xf32, #tpu.memory_space<hbm>>
    tpu.enqueue_dma source(%arg8 : memref<128x128xf32, #tpu.memory_space<vmem>>) target(%dma_start3A_555 : memref<128x128xf32, #tpu.memory_space<hbm>>) target_semaphore(%arg16 : memref<!tpu.dma_semaphore, #tpu.memory_space<semaphore_mem>>)
    %dma_wait3A_556 = arith.constant 18 : i32
    %dma_wait3A_557 = arith.constant 0 : i32
    %dma_wait3A_558 = tpu.memref_slice %arg6[%dma_wait3A_556, %dma_wait3A_557] : memref<32x128xi32, #tpu.memory_space<vmem>> -> memref<1x128xi32, #tpu.memory_space<vmem>>
    %dma_wait3A_559 = tpu.memref_squeeze %dma_wait3A_558 : memref<1x128xi32, #tpu.memory_space<vmem>> -> memref<128xi32, #tpu.memory_space<vmem>>
    %dma_wait3A_560 = arith.constant 0 : i32
    %dma_wait3A_561 = arith.constant 0 : i32
    %dma_wait3A_562 = tpu.memref_slice %arg2[%dma_wait3A_560, %dma_wait3A_561] : memref<32768x128xf32, #tpu.memory_space<hbm>> -> memref<32768x128xf32, #tpu.memory_space<hbm>>
    tpu.wait_indirect_dma semaphore(%arg13 : memref<!tpu.dma_semaphore, #tpu.memory_space<semaphore_mem>>) src(%dma_wait3A_562 : memref<32768x128xf32, #tpu.memory_space<hbm>>) dst(%arg9 : memref<128x128xf32, #tpu.memory_space<vmem>>)
    %mul3A_563 = arith.constant 4096 : i32
    %mul3A_564 = arith.muli %add3A, %mul3A_563 : i32
    %add3A_565 = arith.constant 2304 : i32
    %add3A_566 = arith.addi %mul3A_564, %add3A_565 : i32
    %dma_start3A_567 = arith.constant 0 : i32
    %dma_start3A_568 = tpu.memref_slice %arg4[%add3A_566, %dma_start3A_567] : memref<131072x128xf32, #tpu.memory_space<hbm>> -> memref<128x128xf32, #tpu.memory_space<hbm>>
    %dma_start3A_569 = arith.constant 0 : i32
    %dma_start3A_570 = tpu.memref_slice %arg4[%add3A_566, %dma_start3A_569] : memref<131072x128xf32, #tpu.memory_space<hbm>> -> memref<128x128xf32, #tpu.memory_space<hbm>>
    tpu.enqueue_dma source(%arg9 : memref<128x128xf32, #tpu.memory_space<vmem>>) target(%dma_start3A_570 : memref<128x128xf32, #tpu.memory_space<hbm>>) target_semaphore(%arg17 : memref<!tpu.dma_semaphore, #tpu.memory_space<semaphore_mem>>)
    %dma_wait3A_571 = arith.constant 19 : i32
    %dma_wait3A_572 = arith.constant 0 : i32
    %dma_wait3A_573 = tpu.memref_slice %arg6[%dma_wait3A_571, %dma_wait3A_572] : memref<32x128xi32, #tpu.memory_space<vmem>> -> memref<1x128xi32, #tpu.memory_space<vmem>>
    %dma_wait3A_574 = tpu.memref_squeeze %dma_wait3A_573 : memref<1x128xi32, #tpu.memory_space<vmem>> -> memref<128xi32, #tpu.memory_space<vmem>>
    %dma_wait3A_575 = arith.constant 0 : i32
    %dma_wait3A_576 = arith.constant 0 : i32
    %dma_wait3A_577 = tpu.memref_slice %arg2[%dma_wait3A_575, %dma_wait3A_576] : memref<32768x128xf32, #tpu.memory_space<hbm>> -> memref<32768x128xf32, #tpu.memory_space<hbm>>
    tpu.wait_indirect_dma semaphore(%arg14 : memref<!tpu.dma_semaphore, #tpu.memory_space<semaphore_mem>>) src(%dma_wait3A_577 : memref<32768x128xf32, #tpu.memory_space<hbm>>) dst(%arg10 : memref<128x128xf32, #tpu.memory_space<vmem>>)
    %mul3A_578 = arith.constant 4096 : i32
    %mul3A_579 = arith.muli %add3A, %mul3A_578 : i32
    %add3A_580 = arith.constant 2432 : i32
    %add3A_581 = arith.addi %mul3A_579, %add3A_580 : i32
    %dma_start3A_582 = arith.constant 0 : i32
    %dma_start3A_583 = tpu.memref_slice %arg4[%add3A_581, %dma_start3A_582] : memref<131072x128xf32, #tpu.memory_space<hbm>> -> memref<128x128xf32, #tpu.memory_space<hbm>>
    %dma_start3A_584 = arith.constant 0 : i32
    %dma_start3A_585 = tpu.memref_slice %arg4[%add3A_581, %dma_start3A_584] : memref<131072x128xf32, #tpu.memory_space<hbm>> -> memref<128x128xf32, #tpu.memory_space<hbm>>
    tpu.enqueue_dma source(%arg10 : memref<128x128xf32, #tpu.memory_space<vmem>>) target(%dma_start3A_585 : memref<128x128xf32, #tpu.memory_space<hbm>>) target_semaphore(%arg18 : memref<!tpu.dma_semaphore, #tpu.memory_space<semaphore_mem>>)
    %dma_wait3A_586 = arith.constant 0 : i32
    %dma_wait3A_587 = tpu.memref_slice %arg4[%add3A_536, %dma_wait3A_586] : memref<131072x128xf32, #tpu.memory_space<hbm>> -> memref<128x128xf32, #tpu.memory_space<hbm>>
    %dma_wait3A_588 = arith.constant 0 : i32
    %dma_wait3A_589 = tpu.memref_slice %arg4[%add3A_536, %dma_wait3A_588] : memref<131072x128xf32, #tpu.memory_space<hbm>> -> memref<128x128xf32, #tpu.memory_space<hbm>>
    tpu.wait_dma2 semaphore(%arg15 : memref<!tpu.dma_semaphore, #tpu.memory_space<semaphore_mem>>) src(%arg7 : memref<128x128xf32, #tpu.memory_space<vmem>>) dst(%dma_wait3A_589 : memref<128x128xf32, #tpu.memory_space<hbm>>)
    %dma_start3A_590 = arith.constant 20 : i32
    %dma_start3A_591 = arith.constant 0 : i32
    %dma_start3A_592 = tpu.memref_slice %arg6[%dma_start3A_590, %dma_start3A_591] : memref<32x128xi32, #tpu.memory_space<vmem>> -> memref<1x128xi32, #tpu.memory_space<vmem>>
    %dma_start3A_593 = tpu.memref_squeeze %dma_start3A_592 : memref<1x128xi32, #tpu.memory_space<vmem>> -> memref<128xi32, #tpu.memory_space<vmem>>
    %dma_start3A_594 = arith.constant 0 : i32
    %dma_start3A_595 = arith.constant 0 : i32
    %dma_start3A_596 = tpu.memref_slice %arg2[%dma_start3A_594, %dma_start3A_595] : memref<32768x128xf32, #tpu.memory_space<hbm>> -> memref<32768x128xf32, #tpu.memory_space<hbm>>
    tpu.enqueue_indirect_dma source(%dma_start3A_596 : memref<32768x128xf32, #tpu.memory_space<hbm>>) target(%arg7 : memref<128x128xf32, #tpu.memory_space<vmem>>) offsets(%dma_start3A_593 : memref<128xi32, #tpu.memory_space<vmem>>) semaphore(%arg11 : memref<!tpu.dma_semaphore, #tpu.memory_space<semaphore_mem>>)
    %dma_wait3A_597 = arith.constant 0 : i32
    %dma_wait3A_598 = tpu.memref_slice %arg4[%add3A_551, %dma_wait3A_597] : memref<131072x128xf32, #tpu.memory_space<hbm>> -> memref<128x128xf32, #tpu.memory_space<hbm>>
    %dma_wait3A_599 = arith.constant 0 : i32
    %dma_wait3A_600 = tpu.memref_slice %arg4[%add3A_551, %dma_wait3A_599] : memref<131072x128xf32, #tpu.memory_space<hbm>> -> memref<128x128xf32, #tpu.memory_space<hbm>>
    tpu.wait_dma2 semaphore(%arg16 : memref<!tpu.dma_semaphore, #tpu.memory_space<semaphore_mem>>) src(%arg8 : memref<128x128xf32, #tpu.memory_space<vmem>>) dst(%dma_wait3A_600 : memref<128x128xf32, #tpu.memory_space<hbm>>)
    %dma_start3A_601 = arith.constant 21 : i32
    %dma_start3A_602 = arith.constant 0 : i32
    %dma_start3A_603 = tpu.memref_slice %arg6[%dma_start3A_601, %dma_start3A_602] : memref<32x128xi32, #tpu.memory_space<vmem>> -> memref<1x128xi32, #tpu.memory_space<vmem>>
    %dma_start3A_604 = tpu.memref_squeeze %dma_start3A_603 : memref<1x128xi32, #tpu.memory_space<vmem>> -> memref<128xi32, #tpu.memory_space<vmem>>
    %dma_start3A_605 = arith.constant 0 : i32
    %dma_start3A_606 = arith.constant 0 : i32
    %dma_start3A_607 = tpu.memref_slice %arg2[%dma_start3A_605, %dma_start3A_606] : memref<32768x128xf32, #tpu.memory_space<hbm>> -> memref<32768x128xf32, #tpu.memory_space<hbm>>
    tpu.enqueue_indirect_dma source(%dma_start3A_607 : memref<32768x128xf32, #tpu.memory_space<hbm>>) target(%arg8 : memref<128x128xf32, #tpu.memory_space<vmem>>) offsets(%dma_start3A_604 : memref<128xi32, #tpu.memory_space<vmem>>) semaphore(%arg12 : memref<!tpu.dma_semaphore, #tpu.memory_space<semaphore_mem>>)
    %dma_wait3A_608 = arith.constant 0 : i32
    %dma_wait3A_609 = tpu.memref_slice %arg4[%add3A_566, %dma_wait3A_608] : memref<131072x128xf32, #tpu.memory_space<hbm>> -> memref<128x128xf32, #tpu.memory_space<hbm>>
    %dma_wait3A_610 = arith.constant 0 : i32
    %dma_wait3A_611 = tpu.memref_slice %arg4[%add3A_566, %dma_wait3A_610] : memref<131072x128xf32, #tpu.memory_space<hbm>> -> memref<128x128xf32, #tpu.memory_space<hbm>>
    tpu.wait_dma2 semaphore(%arg17 : memref<!tpu.dma_semaphore, #tpu.memory_space<semaphore_mem>>) src(%arg9 : memref<128x128xf32, #tpu.memory_space<vmem>>) dst(%dma_wait3A_611 : memref<128x128xf32, #tpu.memory_space<hbm>>)
    %dma_start3A_612 = arith.constant 22 : i32
    %dma_start3A_613 = arith.constant 0 : i32
    %dma_start3A_614 = tpu.memref_slice %arg6[%dma_start3A_612, %dma_start3A_613] : memref<32x128xi32, #tpu.memory_space<vmem>> -> memref<1x128xi32, #tpu.memory_space<vmem>>
    %dma_start3A_615 = tpu.memref_squeeze %dma_start3A_614 : memref<1x128xi32, #tpu.memory_space<vmem>> -> memref<128xi32, #tpu.memory_space<vmem>>
    %dma_start3A_616 = arith.constant 0 : i32
    %dma_start3A_617 = arith.constant 0 : i32
    %dma_start3A_618 = tpu.memref_slice %arg2[%dma_start3A_616, %dma_start3A_617] : memref<32768x128xf32, #tpu.memory_space<hbm>> -> memref<32768x128xf32, #tpu.memory_space<hbm>>
    tpu.enqueue_indirect_dma source(%dma_start3A_618 : memref<32768x128xf32, #tpu.memory_space<hbm>>) target(%arg9 : memref<128x128xf32, #tpu.memory_space<vmem>>) offsets(%dma_start3A_615 : memref<128xi32, #tpu.memory_space<vmem>>) semaphore(%arg13 : memref<!tpu.dma_semaphore, #tpu.memory_space<semaphore_mem>>)
    %dma_wait3A_619 = arith.constant 0 : i32
    %dma_wait3A_620 = tpu.memref_slice %arg4[%add3A_581, %dma_wait3A_619] : memref<131072x128xf32, #tpu.memory_space<hbm>> -> memref<128x128xf32, #tpu.memory_space<hbm>>
    %dma_wait3A_621 = arith.constant 0 : i32
    %dma_wait3A_622 = tpu.memref_slice %arg4[%add3A_581, %dma_wait3A_621] : memref<131072x128xf32, #tpu.memory_space<hbm>> -> memref<128x128xf32, #tpu.memory_space<hbm>>
    tpu.wait_dma2 semaphore(%arg18 : memref<!tpu.dma_semaphore, #tpu.memory_space<semaphore_mem>>) src(%arg10 : memref<128x128xf32, #tpu.memory_space<vmem>>) dst(%dma_wait3A_622 : memref<128x128xf32, #tpu.memory_space<hbm>>)
    %dma_start3A_623 = arith.constant 23 : i32
    %dma_start3A_624 = arith.constant 0 : i32
    %dma_start3A_625 = tpu.memref_slice %arg6[%dma_start3A_623, %dma_start3A_624] : memref<32x128xi32, #tpu.memory_space<vmem>> -> memref<1x128xi32, #tpu.memory_space<vmem>>
    %dma_start3A_626 = tpu.memref_squeeze %dma_start3A_625 : memref<1x128xi32, #tpu.memory_space<vmem>> -> memref<128xi32, #tpu.memory_space<vmem>>
    %dma_start3A_627 = arith.constant 0 : i32
    %dma_start3A_628 = arith.constant 0 : i32
    %dma_start3A_629 = tpu.memref_slice %arg2[%dma_start3A_627, %dma_start3A_628] : memref<32768x128xf32, #tpu.memory_space<hbm>> -> memref<32768x128xf32, #tpu.memory_space<hbm>>
    tpu.enqueue_indirect_dma source(%dma_start3A_629 : memref<32768x128xf32, #tpu.memory_space<hbm>>) target(%arg10 : memref<128x128xf32, #tpu.memory_space<vmem>>) offsets(%dma_start3A_626 : memref<128xi32, #tpu.memory_space<vmem>>) semaphore(%arg14 : memref<!tpu.dma_semaphore, #tpu.memory_space<semaphore_mem>>)
    %broadcast_in_dim3A_630 = arith.constant 0 : i32
    %broadcast_in_dim3A_631 = vector.broadcast %broadcast_in_dim3A_630 : i32 to vector<16xi32>
    %sub3A_632 = arith.constant 1 : i32
    %sub3A_633 = vector.broadcast %sub3A_632 : i32 to vector<16xi32>
    %sub3A_634 = arith.subi %broadcast_in_dim3A_631, %sub3A_633 : vector<16xi32>
    %sub3A_635 = arith.constant 1 : i32
    %sub3A_636 = vector.broadcast %sub3A_635 : i32 to vector<16xi32>
    %sub3A_637 = arith.subi %broadcast_in_dim3A_631, %sub3A_636 : vector<16xi32>
    %scan3A_638 = arith.constant 0 : i32
    %scan3A_639 = arith.constant 288 : i32
    %scan3A_640 = arith.addi %scan3A_638, %scan3A_639 : i32
    %scan3A_641 = arith.constant 1 : i32
    %scan3A_642:4 = scf.for %scan3A_910 = %scan3A_638 to %scan3A_640 step %scan3A_641 iter_args(%scan3A_911 = %sub3A_634, %scan3A_912 = %broadcast_in_dim3A_631, %scan3A_913 = %broadcast_in_dim3A_631, %scan3A_914 = %sub3A_637) -> (vector<16xi32>, vector<16xi32>, vector<16xi32>, vector<16xi32>)  : i32 {
      %iota3A = tpu.iota {dimensions = array<i32: 0>} : vector<16xi32>
      %add3A_915 = arith.constant 96 : i32
      %add3A_916 = vector.broadcast %add3A_915 : i32 to vector<16xi32>
      %add3A_917 = arith.addi %add3A_916, %iota3A : vector<16xi32>
      %mul3A_918 = arith.constant 128 : i32
      %mul3A_919 = arith.muli %add3A, %mul3A_918 : i32
      %add3A_920 = vector.broadcast %mul3A_919 : i32 to vector<16xi32>
      %add3A_921 = arith.addi %add3A_920, %add3A_917 : vector<16xi32>
      %shift_right_arithmetic3A = arith.constant 9 : i32
      %shift_right_arithmetic3A_922 = vector.broadcast %shift_right_arithmetic3A : i32 to vector<16xi32>
      %shift_right_arithmetic3A_923 = arith.shrsi %add3A_921, %shift_right_arithmetic3A_922 : vector<16xi32>
      %mul3A_924 = arith.constant 4096 : i32
      %mul3A_925 = vector.broadcast %mul3A_924 : i32 to vector<16xi32>
      %mul3A_926 = arith.muli %shift_right_arithmetic3A_923, %mul3A_925 : vector<16xi32>
      %eq3A = arith.constant 0 : i32
      %eq3A_927 = vector.broadcast %eq3A : i32 to vector<16xi32>
      %eq3A_928 = arith.cmpi eq, %scan3A_912, %eq3A_927 : vector<16xi32>
      %lt3A = arith.constant 255 : i32
      %lt3A_929 = vector.broadcast %lt3A : i32 to vector<16xi32>
      %lt3A_930 = arith.cmpi slt, %scan3A_911, %lt3A_929 : vector<16xi32>
      %and3A = arith.andi %eq3A_928, %lt3A_930 : vector<16xi1>
      %add3A_931 = arith.constant 1 : i32
      %add3A_932 = vector.broadcast %add3A_931 : i32 to vector<16xi32>
      %add3A_933 = arith.addi %scan3A_911, %add3A_932 : vector<16xi32>
      %select_n3A = arith.select %and3A, %add3A_933, %scan3A_911 : vector<16xi1>, vector<16xi32>
      %max3A = arith.constant 0 : i32
      %max3A_934 = vector.broadcast %max3A : i32 to vector<16xi32>
      %max3A_935 = arith.maxsi %select_n3A, %max3A_934 : vector<16xi32>
      %gather3A = tpu.vector_load_idx %arg5[%add3A_917, %max3A_935] : memref<128x256xi32, #tpu.memory_space<vmem>>[vector<16xi32>, vector<16xi32>], vector<16xi32>,
      %select_n3A_936 = arith.select %and3A, %gather3A, %scan3A_912 : vector<16xi1>, vector<16xi32>
      %ne3A = arith.constant 0 : i32
      %ne3A_937 = vector.broadcast %ne3A : i32 to vector<16xi32>
      %ne3A_938 = arith.cmpi ne, %select_n3A_936, %ne3A_937 : vector<16xi32>
      %eq3A_939 = arith.constant 0 : i32
      %eq3A_940 = vector.broadcast %eq3A_939 : i32 to vector<16xi32>
      %eq3A_941 = arith.cmpi eq, %select_n3A_936, %eq3A_940 : vector<16xi32>
      %ge3A = arith.constant 255 : i32
      %ge3A_942 = vector.broadcast %ge3A : i32 to vector<16xi32>
      %ge3A_943 = arith.cmpi sge, %select_n3A, %ge3A_942 : vector<16xi32>
      %and3A_944 = arith.andi %eq3A_941, %ge3A_943 : vector<16xi1>
      %or3A = arith.ori %ne3A_938, %and3A_944 : vector<16xi1>
      %lt3A_945 = arith.constant 32 : i32
      %lt3A_946 = vector.broadcast %lt3A_945 : i32 to vector<16xi32>
      %lt3A_947 = arith.cmpi slt, %scan3A_913, %lt3A_946 : vector<16xi32>
      %and3A_948 = arith.andi %or3A, %lt3A_947 : vector<16xi1>
      %neg3A = arith.constant 0 : i32
      %neg3A_949 = vector.broadcast %neg3A : i32 to vector<16xi32>
      %neg3A_950 = arith.subi %neg3A_949, %select_n3A_936 : vector<16xi32>
      %and3A_951 = arith.andi %select_n3A_936, %neg3A_950 : vector<16xi32>
      %sub3A_952 = arith.constant 1 : i32
      %sub3A_953 = vector.broadcast %sub3A_952 : i32 to vector<16xi32>
      %sub3A_954 = arith.subi %and3A_951, %sub3A_953 : vector<16xi32>
      %shift_right_arithmetic3A_955 = arith.constant 1 : i32
      %shift_right_arithmetic3A_956 = vector.broadcast %shift_right_arithmetic3A_955 : i32 to vector<16xi32>
      %shift_right_arithmetic3A_957 = arith.shrsi %sub3A_954, %shift_right_arithmetic3A_956 : vector<16xi32>
      %and3A_958 = arith.constant 1431655765 : i32
      %and3A_959 = vector.broadcast %and3A_958 : i32 to vector<16xi32>
      %and3A_960 = arith.andi %shift_right_arithmetic3A_957, %and3A_959 : vector<16xi32>
      %sub3A_961 = arith.subi %sub3A_954, %and3A_960 : vector<16xi32>
      %and3A_962 = arith.constant 858993459 : i32
      %and3A_963 = vector.broadcast %and3A_962 : i32 to vector<16xi32>
      %and3A_964 = arith.andi %sub3A_961, %and3A_963 : vector<16xi32>
      %shift_right_arithmetic3A_965 = arith.constant 2 : i32
      %shift_right_arithmetic3A_966 = vector.broadcast %shift_right_arithmetic3A_965 : i32 to vector<16xi32>
      %shift_right_arithmetic3A_967 = arith.shrsi %sub3A_961, %shift_right_arithmetic3A_966 : vector<16xi32>
      %and3A_968 = arith.constant 858993459 : i32
      %and3A_969 = vector.broadcast %and3A_968 : i32 to vector<16xi32>
      %and3A_970 = arith.andi %shift_right_arithmetic3A_967, %and3A_969 : vector<16xi32>
      %add3A_971 = arith.addi %and3A_964, %and3A_970 : vector<16xi32>
      %shift_right_arithmetic3A_972 = arith.constant 4 : i32
      %shift_right_arithmetic3A_973 = vector.broadcast %shift_right_arithmetic3A_972 : i32 to vector<16xi32>
      %shift_right_arithmetic3A_974 = arith.shrsi %add3A_971, %shift_right_arithmetic3A_973 : vector<16xi32>
      %add3A_975 = arith.addi %add3A_971, %shift_right_arithmetic3A_974 : vector<16xi32>
      %and3A_976 = arith.constant 252645135 : i32
      %and3A_977 = vector.broadcast %and3A_976 : i32 to vector<16xi32>
      %and3A_978 = arith.andi %add3A_975, %and3A_977 : vector<16xi32>
      %mul3A_979 = arith.constant 16843009 : i32
      %mul3A_980 = vector.broadcast %mul3A_979 : i32 to vector<16xi32>
      %mul3A_981 = arith.muli %and3A_978, %mul3A_980 : vector<16xi32>
      %shift_right_arithmetic3A_982 = arith.constant 24 : i32
      %shift_right_arithmetic3A_983 = vector.broadcast %shift_right_arithmetic3A_982 : i32 to vector<16xi32>
      %shift_right_arithmetic3A_984 = arith.shrsi %mul3A_981, %shift_right_arithmetic3A_983 : vector<16xi32>
      %mul3A_985 = arith.constant 16 : i32
      %mul3A_986 = vector.broadcast %mul3A_985 : i32 to vector<16xi32>
      %mul3A_987 = arith.muli %select_n3A, %mul3A_986 : vector<16xi32>
      %add3A_988 = arith.addi %mul3A_987, %shift_right_arithmetic3A_984 : vector<16xi32>
      %lt3A_989 = arith.constant 0 : i32
      %lt3A_990 = vector.broadcast %lt3A_989 : i32 to vector<16xi32>
      %lt3A_991 = arith.cmpi slt, %scan3A_914, %lt3A_990 : vector<16xi32>
      %and3A_992 = arith.andi %lt3A_991, %ne3A_938 : vector<16xi1>
      %select_n3A_993 = arith.select %and3A_992, %add3A_988, %scan3A_914 : vector<16xi1>, vector<16xi32>
      %max3A_994 = arith.constant 0 : i32
      %max3A_995 = vector.broadcast %max3A_994 : i32 to vector<16xi32>
      %max3A_996 = arith.maxsi %select_n3A_993, %max3A_995 : vector<16xi32>
      %select_n3A_997 = arith.select %ne3A_938, %add3A_988, %max3A_996 : vector<16xi1>, vector<16xi32>
      %mul3A_998 = arith.constant 32 : i32
      %mul3A_999 = vector.broadcast %mul3A_998 : i32 to vector<16xi32>
      %mul3A_1000 = arith.muli %add3A_917, %mul3A_999 : vector<16xi32>
      %min3A = arith.constant 31 : i32
      %min3A_1001 = vector.broadcast %min3A : i32 to vector<16xi32>
      %min3A_1002 = arith.minsi %scan3A_913, %min3A_1001 : vector<16xi32>
      %add3A_1003 = arith.addi %mul3A_1000, %min3A_1002 : vector<16xi32>
      %shift_right_arithmetic3A_1004 = arith.constant 7 : i32
      %shift_right_arithmetic3A_1005 = vector.broadcast %shift_right_arithmetic3A_1004 : i32 to vector<16xi32>
      %shift_right_arithmetic3A_1006 = arith.shrsi %add3A_1003, %shift_right_arithmetic3A_1005 : vector<16xi32>
      %and3A_1007 = arith.constant 127 : i32
      %and3A_1008 = vector.broadcast %and3A_1007 : i32 to vector<16xi32>
      %and3A_1009 = arith.andi %add3A_1003, %and3A_1008 : vector<16xi32>
      %add3A_1010 = arith.addi %mul3A_926, %select_n3A_997 : vector<16xi32>
      tpu.vector_store_idx %arg6[%shift_right_arithmetic3A_1006, %and3A_1009], %add3A_1010 masked %and3A_948 : memref<32x128xi32, #tpu.memory_space<vmem>>[vector<16xi32>, vector<16xi32>], vector<16xi32>, vector<16xi1>
      %add3A_1011 = arith.constant 1 : i32
      %add3A_1012 = vector.broadcast %add3A_1011 : i32 to vector<16xi32>
      %add3A_1013 = arith.addi %scan3A_913, %add3A_1012 : vector<16xi32>
      %select_n3A_1014 = arith.select %and3A_948, %add3A_1013, %scan3A_913 : vector<16xi1>, vector<16xi32>
      %sub3A_1015 = arith.subi %select_n3A_936, %and3A_951 : vector<16xi32>
      scf.yield %select_n3A, %sub3A_1015, %select_n3A_1014, %select_n3A_993 : vector<16xi32>, vector<16xi32>, vector<16xi32>, vector<16xi32>
    }
    %scan3A_643 = arith.constant 288 : i32
    %dma_wait3A_644 = arith.constant 20 : i32
    %dma_wait3A_645 = arith.constant 0 : i32
    %dma_wait3A_646 = tpu.memref_slice %arg6[%dma_wait3A_644, %dma_wait3A_645] : memref<32x128xi32, #tpu.memory_space<vmem>> -> memref<1x128xi32, #tpu.memory_space<vmem>>
    %dma_wait3A_647 = tpu.memref_squeeze %dma_wait3A_646 : memref<1x128xi32, #tpu.memory_space<vmem>> -> memref<128xi32, #tpu.memory_space<vmem>>
    %dma_wait3A_648 = arith.constant 0 : i32
    %dma_wait3A_649 = arith.constant 0 : i32
    %dma_wait3A_650 = tpu.memref_slice %arg2[%dma_wait3A_648, %dma_wait3A_649] : memref<32768x128xf32, #tpu.memory_space<hbm>> -> memref<32768x128xf32, #tpu.memory_space<hbm>>
    tpu.wait_indirect_dma semaphore(%arg11 : memref<!tpu.dma_semaphore, #tpu.memory_space<semaphore_mem>>) src(%dma_wait3A_650 : memref<32768x128xf32, #tpu.memory_space<hbm>>) dst(%arg7 : memref<128x128xf32, #tpu.memory_space<vmem>>)
    %mul3A_651 = arith.constant 4096 : i32
    %mul3A_652 = arith.muli %add3A, %mul3A_651 : i32
    %add3A_653 = arith.constant 2560 : i32
    %add3A_654 = arith.addi %mul3A_652, %add3A_653 : i32
    %dma_start3A_655 = arith.constant 0 : i32
    %dma_start3A_656 = tpu.memref_slice %arg4[%add3A_654, %dma_start3A_655] : memref<131072x128xf32, #tpu.memory_space<hbm>> -> memref<128x128xf32, #tpu.memory_space<hbm>>
    %dma_start3A_657 = arith.constant 0 : i32
    %dma_start3A_658 = tpu.memref_slice %arg4[%add3A_654, %dma_start3A_657] : memref<131072x128xf32, #tpu.memory_space<hbm>> -> memref<128x128xf32, #tpu.memory_space<hbm>>
    tpu.enqueue_dma source(%arg7 : memref<128x128xf32, #tpu.memory_space<vmem>>) target(%dma_start3A_658 : memref<128x128xf32, #tpu.memory_space<hbm>>) target_semaphore(%arg15 : memref<!tpu.dma_semaphore, #tpu.memory_space<semaphore_mem>>)
    %dma_wait3A_659 = arith.constant 21 : i32
    %dma_wait3A_660 = arith.constant 0 : i32
    %dma_wait3A_661 = tpu.memref_slice %arg6[%dma_wait3A_659, %dma_wait3A_660] : memref<32x128xi32, #tpu.memory_space<vmem>> -> memref<1x128xi32, #tpu.memory_space<vmem>>
    %dma_wait3A_662 = tpu.memref_squeeze %dma_wait3A_661 : memref<1x128xi32, #tpu.memory_space<vmem>> -> memref<128xi32, #tpu.memory_space<vmem>>
    %dma_wait3A_663 = arith.constant 0 : i32
    %dma_wait3A_664 = arith.constant 0 : i32
    %dma_wait3A_665 = tpu.memref_slice %arg2[%dma_wait3A_663, %dma_wait3A_664] : memref<32768x128xf32, #tpu.memory_space<hbm>> -> memref<32768x128xf32, #tpu.memory_space<hbm>>
    tpu.wait_indirect_dma semaphore(%arg12 : memref<!tpu.dma_semaphore, #tpu.memory_space<semaphore_mem>>) src(%dma_wait3A_665 : memref<32768x128xf32, #tpu.memory_space<hbm>>) dst(%arg8 : memref<128x128xf32, #tpu.memory_space<vmem>>)
    %mul3A_666 = arith.constant 4096 : i32
    %mul3A_667 = arith.muli %add3A, %mul3A_666 : i32
    %add3A_668 = arith.constant 2688 : i32
    %add3A_669 = arith.addi %mul3A_667, %add3A_668 : i32
    %dma_start3A_670 = arith.constant 0 : i32
    %dma_start3A_671 = tpu.memref_slice %arg4[%add3A_669, %dma_start3A_670] : memref<131072x128xf32, #tpu.memory_space<hbm>> -> memref<128x128xf32, #tpu.memory_space<hbm>>
    %dma_start3A_672 = arith.constant 0 : i32
    %dma_start3A_673 = tpu.memref_slice %arg4[%add3A_669, %dma_start3A_672] : memref<131072x128xf32, #tpu.memory_space<hbm>> -> memref<128x128xf32, #tpu.memory_space<hbm>>
    tpu.enqueue_dma source(%arg8 : memref<128x128xf32, #tpu.memory_space<vmem>>) target(%dma_start3A_673 : memref<128x128xf32, #tpu.memory_space<hbm>>) target_semaphore(%arg16 : memref<!tpu.dma_semaphore, #tpu.memory_space<semaphore_mem>>)
    %dma_wait3A_674 = arith.constant 22 : i32
    %dma_wait3A_675 = arith.constant 0 : i32
    %dma_wait3A_676 = tpu.memref_slice %arg6[%dma_wait3A_674, %dma_wait3A_675] : memref<32x128xi32, #tpu.memory_space<vmem>> -> memref<1x128xi32, #tpu.memory_space<vmem>>
    %dma_wait3A_677 = tpu.memref_squeeze %dma_wait3A_676 : memref<1x128xi32, #tpu.memory_space<vmem>> -> memref<128xi32, #tpu.memory_space<vmem>>
    %dma_wait3A_678 = arith.constant 0 : i32
    %dma_wait3A_679 = arith.constant 0 : i32
    %dma_wait3A_680 = tpu.memref_slice %arg2[%dma_wait3A_678, %dma_wait3A_679] : memref<32768x128xf32, #tpu.memory_space<hbm>> -> memref<32768x128xf32, #tpu.memory_space<hbm>>
    tpu.wait_indirect_dma semaphore(%arg13 : memref<!tpu.dma_semaphore, #tpu.memory_space<semaphore_mem>>) src(%dma_wait3A_680 : memref<32768x128xf32, #tpu.memory_space<hbm>>) dst(%arg9 : memref<128x128xf32, #tpu.memory_space<vmem>>)
    %mul3A_681 = arith.constant 4096 : i32
    %mul3A_682 = arith.muli %add3A, %mul3A_681 : i32
    %add3A_683 = arith.constant 2816 : i32
    %add3A_684 = arith.addi %mul3A_682, %add3A_683 : i32
    %dma_start3A_685 = arith.constant 0 : i32
    %dma_start3A_686 = tpu.memref_slice %arg4[%add3A_684, %dma_start3A_685] : memref<131072x128xf32, #tpu.memory_space<hbm>> -> memref<128x128xf32, #tpu.memory_space<hbm>>
    %dma_start3A_687 = arith.constant 0 : i32
    %dma_start3A_688 = tpu.memref_slice %arg4[%add3A_684, %dma_start3A_687] : memref<131072x128xf32, #tpu.memory_space<hbm>> -> memref<128x128xf32, #tpu.memory_space<hbm>>
    tpu.enqueue_dma source(%arg9 : memref<128x128xf32, #tpu.memory_space<vmem>>) target(%dma_start3A_688 : memref<128x128xf32, #tpu.memory_space<hbm>>) target_semaphore(%arg17 : memref<!tpu.dma_semaphore, #tpu.memory_space<semaphore_mem>>)
    %dma_wait3A_689 = arith.constant 23 : i32
    %dma_wait3A_690 = arith.constant 0 : i32
    %dma_wait3A_691 = tpu.memref_slice %arg6[%dma_wait3A_689, %dma_wait3A_690] : memref<32x128xi32, #tpu.memory_space<vmem>> -> memref<1x128xi32, #tpu.memory_space<vmem>>
    %dma_wait3A_692 = tpu.memref_squeeze %dma_wait3A_691 : memref<1x128xi32, #tpu.memory_space<vmem>> -> memref<128xi32, #tpu.memory_space<vmem>>
    %dma_wait3A_693 = arith.constant 0 : i32
    %dma_wait3A_694 = arith.constant 0 : i32
    %dma_wait3A_695 = tpu.memref_slice %arg2[%dma_wait3A_693, %dma_wait3A_694] : memref<32768x128xf32, #tpu.memory_space<hbm>> -> memref<32768x128xf32, #tpu.memory_space<hbm>>
    tpu.wait_indirect_dma semaphore(%arg14 : memref<!tpu.dma_semaphore, #tpu.memory_space<semaphore_mem>>) src(%dma_wait3A_695 : memref<32768x128xf32, #tpu.memory_space<hbm>>) dst(%arg10 : memref<128x128xf32, #tpu.memory_space<vmem>>)
    %mul3A_696 = arith.constant 4096 : i32
    %mul3A_697 = arith.muli %add3A, %mul3A_696 : i32
    %add3A_698 = arith.constant 2944 : i32
    %add3A_699 = arith.addi %mul3A_697, %add3A_698 : i32
    %dma_start3A_700 = arith.constant 0 : i32
    %dma_start3A_701 = tpu.memref_slice %arg4[%add3A_699, %dma_start3A_700] : memref<131072x128xf32, #tpu.memory_space<hbm>> -> memref<128x128xf32, #tpu.memory_space<hbm>>
    %dma_start3A_702 = arith.constant 0 : i32
    %dma_start3A_703 = tpu.memref_slice %arg4[%add3A_699, %dma_start3A_702] : memref<131072x128xf32, #tpu.memory_space<hbm>> -> memref<128x128xf32, #tpu.memory_space<hbm>>
    tpu.enqueue_dma source(%arg10 : memref<128x128xf32, #tpu.memory_space<vmem>>) target(%dma_start3A_703 : memref<128x128xf32, #tpu.memory_space<hbm>>) target_semaphore(%arg18 : memref<!tpu.dma_semaphore, #tpu.memory_space<semaphore_mem>>)
    %dma_wait3A_704 = arith.constant 0 : i32
    %dma_wait3A_705 = tpu.memref_slice %arg4[%add3A_654, %dma_wait3A_704] : memref<131072x128xf32, #tpu.memory_space<hbm>> -> memref<128x128xf32, #tpu.memory_space<hbm>>
    %dma_wait3A_706 = arith.constant 0 : i32
    %dma_wait3A_707 = tpu.memref_slice %arg4[%add3A_654, %dma_wait3A_706] : memref<131072x128xf32, #tpu.memory_space<hbm>> -> memref<128x128xf32, #tpu.memory_space<hbm>>
    tpu.wait_dma2 semaphore(%arg15 : memref<!tpu.dma_semaphore, #tpu.memory_space<semaphore_mem>>) src(%arg7 : memref<128x128xf32, #tpu.memory_space<vmem>>) dst(%dma_wait3A_707 : memref<128x128xf32, #tpu.memory_space<hbm>>)
    %dma_start3A_708 = arith.constant 24 : i32
    %dma_start3A_709 = arith.constant 0 : i32
    %dma_start3A_710 = tpu.memref_slice %arg6[%dma_start3A_708, %dma_start3A_709] : memref<32x128xi32, #tpu.memory_space<vmem>> -> memref<1x128xi32, #tpu.memory_space<vmem>>
    %dma_start3A_711 = tpu.memref_squeeze %dma_start3A_710 : memref<1x128xi32, #tpu.memory_space<vmem>> -> memref<128xi32, #tpu.memory_space<vmem>>
    %dma_start3A_712 = arith.constant 0 : i32
    %dma_start3A_713 = arith.constant 0 : i32
    %dma_start3A_714 = tpu.memref_slice %arg2[%dma_start3A_712, %dma_start3A_713] : memref<32768x128xf32, #tpu.memory_space<hbm>> -> memref<32768x128xf32, #tpu.memory_space<hbm>>
    tpu.enqueue_indirect_dma source(%dma_start3A_714 : memref<32768x128xf32, #tpu.memory_space<hbm>>) target(%arg7 : memref<128x128xf32, #tpu.memory_space<vmem>>) offsets(%dma_start3A_711 : memref<128xi32, #tpu.memory_space<vmem>>) semaphore(%arg11 : memref<!tpu.dma_semaphore, #tpu.memory_space<semaphore_mem>>)
    %dma_wait3A_715 = arith.constant 0 : i32
    %dma_wait3A_716 = tpu.memref_slice %arg4[%add3A_669, %dma_wait3A_715] : memref<131072x128xf32, #tpu.memory_space<hbm>> -> memref<128x128xf32, #tpu.memory_space<hbm>>
    %dma_wait3A_717 = arith.constant 0 : i32
    %dma_wait3A_718 = tpu.memref_slice %arg4[%add3A_669, %dma_wait3A_717] : memref<131072x128xf32, #tpu.memory_space<hbm>> -> memref<128x128xf32, #tpu.memory_space<hbm>>
    tpu.wait_dma2 semaphore(%arg16 : memref<!tpu.dma_semaphore, #tpu.memory_space<semaphore_mem>>) src(%arg8 : memref<128x128xf32, #tpu.memory_space<vmem>>) dst(%dma_wait3A_718 : memref<128x128xf32, #tpu.memory_space<hbm>>)
    %dma_start3A_719 = arith.constant 25 : i32
    %dma_start3A_720 = arith.constant 0 : i32
    %dma_start3A_721 = tpu.memref_slice %arg6[%dma_start3A_719, %dma_start3A_720] : memref<32x128xi32, #tpu.memory_space<vmem>> -> memref<1x128xi32, #tpu.memory_space<vmem>>
    %dma_start3A_722 = tpu.memref_squeeze %dma_start3A_721 : memref<1x128xi32, #tpu.memory_space<vmem>> -> memref<128xi32, #tpu.memory_space<vmem>>
    %dma_start3A_723 = arith.constant 0 : i32
    %dma_start3A_724 = arith.constant 0 : i32
    %dma_start3A_725 = tpu.memref_slice %arg2[%dma_start3A_723, %dma_start3A_724] : memref<32768x128xf32, #tpu.memory_space<hbm>> -> memref<32768x128xf32, #tpu.memory_space<hbm>>
    tpu.enqueue_indirect_dma source(%dma_start3A_725 : memref<32768x128xf32, #tpu.memory_space<hbm>>) target(%arg8 : memref<128x128xf32, #tpu.memory_space<vmem>>) offsets(%dma_start3A_722 : memref<128xi32, #tpu.memory_space<vmem>>) semaphore(%arg12 : memref<!tpu.dma_semaphore, #tpu.memory_space<semaphore_mem>>)
    %dma_wait3A_726 = arith.constant 0 : i32
    %dma_wait3A_727 = tpu.memref_slice %arg4[%add3A_684, %dma_wait3A_726] : memref<131072x128xf32, #tpu.memory_space<hbm>> -> memref<128x128xf32, #tpu.memory_space<hbm>>
    %dma_wait3A_728 = arith.constant 0 : i32
    %dma_wait3A_729 = tpu.memref_slice %arg4[%add3A_684, %dma_wait3A_728] : memref<131072x128xf32, #tpu.memory_space<hbm>> -> memref<128x128xf32, #tpu.memory_space<hbm>>
    tpu.wait_dma2 semaphore(%arg17 : memref<!tpu.dma_semaphore, #tpu.memory_space<semaphore_mem>>) src(%arg9 : memref<128x128xf32, #tpu.memory_space<vmem>>) dst(%dma_wait3A_729 : memref<128x128xf32, #tpu.memory_space<hbm>>)
    %dma_start3A_730 = arith.constant 26 : i32
    %dma_start3A_731 = arith.constant 0 : i32
    %dma_start3A_732 = tpu.memref_slice %arg6[%dma_start3A_730, %dma_start3A_731] : memref<32x128xi32, #tpu.memory_space<vmem>> -> memref<1x128xi32, #tpu.memory_space<vmem>>
    %dma_start3A_733 = tpu.memref_squeeze %dma_start3A_732 : memref<1x128xi32, #tpu.memory_space<vmem>> -> memref<128xi32, #tpu.memory_space<vmem>>
    %dma_start3A_734 = arith.constant 0 : i32
    %dma_start3A_735 = arith.constant 0 : i32
    %dma_start3A_736 = tpu.memref_slice %arg2[%dma_start3A_734, %dma_start3A_735] : memref<32768x128xf32, #tpu.memory_space<hbm>> -> memref<32768x128xf32, #tpu.memory_space<hbm>>
    tpu.enqueue_indirect_dma source(%dma_start3A_736 : memref<32768x128xf32, #tpu.memory_space<hbm>>) target(%arg9 : memref<128x128xf32, #tpu.memory_space<vmem>>) offsets(%dma_start3A_733 : memref<128xi32, #tpu.memory_space<vmem>>) semaphore(%arg13 : memref<!tpu.dma_semaphore, #tpu.memory_space<semaphore_mem>>)
    %dma_wait3A_737 = arith.constant 0 : i32
    %dma_wait3A_738 = tpu.memref_slice %arg4[%add3A_699, %dma_wait3A_737] : memref<131072x128xf32, #tpu.memory_space<hbm>> -> memref<128x128xf32, #tpu.memory_space<hbm>>
    %dma_wait3A_739 = arith.constant 0 : i32
    %dma_wait3A_740 = tpu.memref_slice %arg4[%add3A_699, %dma_wait3A_739] : memref<131072x128xf32, #tpu.memory_space<hbm>> -> memref<128x128xf32, #tpu.memory_space<hbm>>
    tpu.wait_dma2 semaphore(%arg18 : memref<!tpu.dma_semaphore, #tpu.memory_space<semaphore_mem>>) src(%arg10 : memref<128x128xf32, #tpu.memory_space<vmem>>) dst(%dma_wait3A_740 : memref<128x128xf32, #tpu.memory_space<hbm>>)
    %dma_start3A_741 = arith.constant 27 : i32
    %dma_start3A_742 = arith.constant 0 : i32
    %dma_start3A_743 = tpu.memref_slice %arg6[%dma_start3A_741, %dma_start3A_742] : memref<32x128xi32, #tpu.memory_space<vmem>> -> memref<1x128xi32, #tpu.memory_space<vmem>>
    %dma_start3A_744 = tpu.memref_squeeze %dma_start3A_743 : memref<1x128xi32, #tpu.memory_space<vmem>> -> memref<128xi32, #tpu.memory_space<vmem>>
    %dma_start3A_745 = arith.constant 0 : i32
    %dma_start3A_746 = arith.constant 0 : i32
    %dma_start3A_747 = tpu.memref_slice %arg2[%dma_start3A_745, %dma_start3A_746] : memref<32768x128xf32, #tpu.memory_space<hbm>> -> memref<32768x128xf32, #tpu.memory_space<hbm>>
    tpu.enqueue_indirect_dma source(%dma_start3A_747 : memref<32768x128xf32, #tpu.memory_space<hbm>>) target(%arg10 : memref<128x128xf32, #tpu.memory_space<vmem>>) offsets(%dma_start3A_744 : memref<128xi32, #tpu.memory_space<vmem>>) semaphore(%arg14 : memref<!tpu.dma_semaphore, #tpu.memory_space<semaphore_mem>>)
    %broadcast_in_dim3A_748 = arith.constant 0 : i32
    %broadcast_in_dim3A_749 = vector.broadcast %broadcast_in_dim3A_748 : i32 to vector<16xi32>
    %sub3A_750 = arith.constant 1 : i32
    %sub3A_751 = vector.broadcast %sub3A_750 : i32 to vector<16xi32>
    %sub3A_752 = arith.subi %broadcast_in_dim3A_749, %sub3A_751 : vector<16xi32>
    %sub3A_753 = arith.constant 1 : i32
    %sub3A_754 = vector.broadcast %sub3A_753 : i32 to vector<16xi32>
    %sub3A_755 = arith.subi %broadcast_in_dim3A_749, %sub3A_754 : vector<16xi32>
    %scan3A_756 = arith.constant 0 : i32
    %scan3A_757 = arith.constant 288 : i32
    %scan3A_758 = arith.addi %scan3A_756, %scan3A_757 : i32
    %scan3A_759 = arith.constant 1 : i32
    %scan3A_760:4 = scf.for %scan3A_910 = %scan3A_756 to %scan3A_758 step %scan3A_759 iter_args(%scan3A_911 = %sub3A_752, %scan3A_912 = %broadcast_in_dim3A_749, %scan3A_913 = %broadcast_in_dim3A_749, %scan3A_914 = %sub3A_755) -> (vector<16xi32>, vector<16xi32>, vector<16xi32>, vector<16xi32>)  : i32 {
      %iota3A = tpu.iota {dimensions = array<i32: 0>} : vector<16xi32>
      %add3A_915 = arith.constant 112 : i32
      %add3A_916 = vector.broadcast %add3A_915 : i32 to vector<16xi32>
      %add3A_917 = arith.addi %add3A_916, %iota3A : vector<16xi32>
      %mul3A_918 = arith.constant 128 : i32
      %mul3A_919 = arith.muli %add3A, %mul3A_918 : i32
      %add3A_920 = vector.broadcast %mul3A_919 : i32 to vector<16xi32>
      %add3A_921 = arith.addi %add3A_920, %add3A_917 : vector<16xi32>
      %shift_right_arithmetic3A = arith.constant 9 : i32
      %shift_right_arithmetic3A_922 = vector.broadcast %shift_right_arithmetic3A : i32 to vector<16xi32>
      %shift_right_arithmetic3A_923 = arith.shrsi %add3A_921, %shift_right_arithmetic3A_922 : vector<16xi32>
      %mul3A_924 = arith.constant 4096 : i32
      %mul3A_925 = vector.broadcast %mul3A_924 : i32 to vector<16xi32>
      %mul3A_926 = arith.muli %shift_right_arithmetic3A_923, %mul3A_925 : vector<16xi32>
      %eq3A = arith.constant 0 : i32
      %eq3A_927 = vector.broadcast %eq3A : i32 to vector<16xi32>
      %eq3A_928 = arith.cmpi eq, %scan3A_912, %eq3A_927 : vector<16xi32>
      %lt3A = arith.constant 255 : i32
      %lt3A_929 = vector.broadcast %lt3A : i32 to vector<16xi32>
      %lt3A_930 = arith.cmpi slt, %scan3A_911, %lt3A_929 : vector<16xi32>
      %and3A = arith.andi %eq3A_928, %lt3A_930 : vector<16xi1>
      %add3A_931 = arith.constant 1 : i32
      %add3A_932 = vector.broadcast %add3A_931 : i32 to vector<16xi32>
      %add3A_933 = arith.addi %scan3A_911, %add3A_932 : vector<16xi32>
      %select_n3A = arith.select %and3A, %add3A_933, %scan3A_911 : vector<16xi1>, vector<16xi32>
      %max3A = arith.constant 0 : i32
      %max3A_934 = vector.broadcast %max3A : i32 to vector<16xi32>
      %max3A_935 = arith.maxsi %select_n3A, %max3A_934 : vector<16xi32>
      %gather3A = tpu.vector_load_idx %arg5[%add3A_917, %max3A_935] : memref<128x256xi32, #tpu.memory_space<vmem>>[vector<16xi32>, vector<16xi32>], vector<16xi32>,
      %select_n3A_936 = arith.select %and3A, %gather3A, %scan3A_912 : vector<16xi1>, vector<16xi32>
      %ne3A = arith.constant 0 : i32
      %ne3A_937 = vector.broadcast %ne3A : i32 to vector<16xi32>
      %ne3A_938 = arith.cmpi ne, %select_n3A_936, %ne3A_937 : vector<16xi32>
      %eq3A_939 = arith.constant 0 : i32
      %eq3A_940 = vector.broadcast %eq3A_939 : i32 to vector<16xi32>
      %eq3A_941 = arith.cmpi eq, %select_n3A_936, %eq3A_940 : vector<16xi32>
      %ge3A = arith.constant 255 : i32
      %ge3A_942 = vector.broadcast %ge3A : i32 to vector<16xi32>
      %ge3A_943 = arith.cmpi sge, %select_n3A, %ge3A_942 : vector<16xi32>
      %and3A_944 = arith.andi %eq3A_941, %ge3A_943 : vector<16xi1>
      %or3A = arith.ori %ne3A_938, %and3A_944 : vector<16xi1>
      %lt3A_945 = arith.constant 32 : i32
      %lt3A_946 = vector.broadcast %lt3A_945 : i32 to vector<16xi32>
      %lt3A_947 = arith.cmpi slt, %scan3A_913, %lt3A_946 : vector<16xi32>
      %and3A_948 = arith.andi %or3A, %lt3A_947 : vector<16xi1>
      %neg3A = arith.constant 0 : i32
      %neg3A_949 = vector.broadcast %neg3A : i32 to vector<16xi32>
      %neg3A_950 = arith.subi %neg3A_949, %select_n3A_936 : vector<16xi32>
      %and3A_951 = arith.andi %select_n3A_936, %neg3A_950 : vector<16xi32>
      %sub3A_952 = arith.constant 1 : i32
      %sub3A_953 = vector.broadcast %sub3A_952 : i32 to vector<16xi32>
      %sub3A_954 = arith.subi %and3A_951, %sub3A_953 : vector<16xi32>
      %shift_right_arithmetic3A_955 = arith.constant 1 : i32
      %shift_right_arithmetic3A_956 = vector.broadcast %shift_right_arithmetic3A_955 : i32 to vector<16xi32>
      %shift_right_arithmetic3A_957 = arith.shrsi %sub3A_954, %shift_right_arithmetic3A_956 : vector<16xi32>
      %and3A_958 = arith.constant 1431655765 : i32
      %and3A_959 = vector.broadcast %and3A_958 : i32 to vector<16xi32>
      %and3A_960 = arith.andi %shift_right_arithmetic3A_957, %and3A_959 : vector<16xi32>
      %sub3A_961 = arith.subi %sub3A_954, %and3A_960 : vector<16xi32>
      %and3A_962 = arith.constant 858993459 : i32
      %and3A_963 = vector.broadcast %and3A_962 : i32 to vector<16xi32>
      %and3A_964 = arith.andi %sub3A_961, %and3A_963 : vector<16xi32>
      %shift_right_arithmetic3A_965 = arith.constant 2 : i32
      %shift_right_arithmetic3A_966 = vector.broadcast %shift_right_arithmetic3A_965 : i32 to vector<16xi32>
      %shift_right_arithmetic3A_967 = arith.shrsi %sub3A_961, %shift_right_arithmetic3A_966 : vector<16xi32>
      %and3A_968 = arith.constant 858993459 : i32
      %and3A_969 = vector.broadcast %and3A_968 : i32 to vector<16xi32>
      %and3A_970 = arith.andi %shift_right_arithmetic3A_967, %and3A_969 : vector<16xi32>
      %add3A_971 = arith.addi %and3A_964, %and3A_970 : vector<16xi32>
      %shift_right_arithmetic3A_972 = arith.constant 4 : i32
      %shift_right_arithmetic3A_973 = vector.broadcast %shift_right_arithmetic3A_972 : i32 to vector<16xi32>
      %shift_right_arithmetic3A_974 = arith.shrsi %add3A_971, %shift_right_arithmetic3A_973 : vector<16xi32>
      %add3A_975 = arith.addi %add3A_971, %shift_right_arithmetic3A_974 : vector<16xi32>
      %and3A_976 = arith.constant 252645135 : i32
      %and3A_977 = vector.broadcast %and3A_976 : i32 to vector<16xi32>
      %and3A_978 = arith.andi %add3A_975, %and3A_977 : vector<16xi32>
      %mul3A_979 = arith.constant 16843009 : i32
      %mul3A_980 = vector.broadcast %mul3A_979 : i32 to vector<16xi32>
      %mul3A_981 = arith.muli %and3A_978, %mul3A_980 : vector<16xi32>
      %shift_right_arithmetic3A_982 = arith.constant 24 : i32
      %shift_right_arithmetic3A_983 = vector.broadcast %shift_right_arithmetic3A_982 : i32 to vector<16xi32>
      %shift_right_arithmetic3A_984 = arith.shrsi %mul3A_981, %shift_right_arithmetic3A_983 : vector<16xi32>
      %mul3A_985 = arith.constant 16 : i32
      %mul3A_986 = vector.broadcast %mul3A_985 : i32 to vector<16xi32>
      %mul3A_987 = arith.muli %select_n3A, %mul3A_986 : vector<16xi32>
      %add3A_988 = arith.addi %mul3A_987, %shift_right_arithmetic3A_984 : vector<16xi32>
      %lt3A_989 = arith.constant 0 : i32
      %lt3A_990 = vector.broadcast %lt3A_989 : i32 to vector<16xi32>
      %lt3A_991 = arith.cmpi slt, %scan3A_914, %lt3A_990 : vector<16xi32>
      %and3A_992 = arith.andi %lt3A_991, %ne3A_938 : vector<16xi1>
      %select_n3A_993 = arith.select %and3A_992, %add3A_988, %scan3A_914 : vector<16xi1>, vector<16xi32>
      %max3A_994 = arith.constant 0 : i32
      %max3A_995 = vector.broadcast %max3A_994 : i32 to vector<16xi32>
      %max3A_996 = arith.maxsi %select_n3A_993, %max3A_995 : vector<16xi32>
      %select_n3A_997 = arith.select %ne3A_938, %add3A_988, %max3A_996 : vector<16xi1>, vector<16xi32>
      %mul3A_998 = arith.constant 32 : i32
      %mul3A_999 = vector.broadcast %mul3A_998 : i32 to vector<16xi32>
      %mul3A_1000 = arith.muli %add3A_917, %mul3A_999 : vector<16xi32>
      %min3A = arith.constant 31 : i32
      %min3A_1001 = vector.broadcast %min3A : i32 to vector<16xi32>
      %min3A_1002 = arith.minsi %scan3A_913, %min3A_1001 : vector<16xi32>
      %add3A_1003 = arith.addi %mul3A_1000, %min3A_1002 : vector<16xi32>
      %shift_right_arithmetic3A_1004 = arith.constant 7 : i32
      %shift_right_arithmetic3A_1005 = vector.broadcast %shift_right_arithmetic3A_1004 : i32 to vector<16xi32>
      %shift_right_arithmetic3A_1006 = arith.shrsi %add3A_1003, %shift_right_arithmetic3A_1005 : vector<16xi32>
      %and3A_1007 = arith.constant 127 : i32
      %and3A_1008 = vector.broadcast %and3A_1007 : i32 to vector<16xi32>
      %and3A_1009 = arith.andi %add3A_1003, %and3A_1008 : vector<16xi32>
      %add3A_1010 = arith.addi %mul3A_926, %select_n3A_997 : vector<16xi32>
      tpu.vector_store_idx %arg6[%shift_right_arithmetic3A_1006, %and3A_1009], %add3A_1010 masked %and3A_948 : memref<32x128xi32, #tpu.memory_space<vmem>>[vector<16xi32>, vector<16xi32>], vector<16xi32>, vector<16xi1>
      %add3A_1011 = arith.constant 1 : i32
      %add3A_1012 = vector.broadcast %add3A_1011 : i32 to vector<16xi32>
      %add3A_1013 = arith.addi %scan3A_913, %add3A_1012 : vector<16xi32>
      %select_n3A_1014 = arith.select %and3A_948, %add3A_1013, %scan3A_913 : vector<16xi1>, vector<16xi32>
      %sub3A_1015 = arith.subi %select_n3A_936, %and3A_951 : vector<16xi32>
      scf.yield %select_n3A, %sub3A_1015, %select_n3A_1014, %select_n3A_993 : vector<16xi32>, vector<16xi32>, vector<16xi32>, vector<16xi32>
    }
    %scan3A_761 = arith.constant 288 : i32
    %dma_wait3A_762 = arith.constant 24 : i32
    %dma_wait3A_763 = arith.constant 0 : i32
    %dma_wait3A_764 = tpu.memref_slice %arg6[%dma_wait3A_762, %dma_wait3A_763] : memref<32x128xi32, #tpu.memory_space<vmem>> -> memref<1x128xi32, #tpu.memory_space<vmem>>
    %dma_wait3A_765 = tpu.memref_squeeze %dma_wait3A_764 : memref<1x128xi32, #tpu.memory_space<vmem>> -> memref<128xi32, #tpu.memory_space<vmem>>
    %dma_wait3A_766 = arith.constant 0 : i32
    %dma_wait3A_767 = arith.constant 0 : i32
    %dma_wait3A_768 = tpu.memref_slice %arg2[%dma_wait3A_766, %dma_wait3A_767] : memref<32768x128xf32, #tpu.memory_space<hbm>> -> memref<32768x128xf32, #tpu.memory_space<hbm>>
    tpu.wait_indirect_dma semaphore(%arg11 : memref<!tpu.dma_semaphore, #tpu.memory_space<semaphore_mem>>) src(%dma_wait3A_768 : memref<32768x128xf32, #tpu.memory_space<hbm>>) dst(%arg7 : memref<128x128xf32, #tpu.memory_space<vmem>>)
    %mul3A_769 = arith.constant 4096 : i32
    %mul3A_770 = arith.muli %add3A, %mul3A_769 : i32
    %add3A_771 = arith.constant 3072 : i32
    %add3A_772 = arith.addi %mul3A_770, %add3A_771 : i32
    %dma_start3A_773 = arith.constant 0 : i32
    %dma_start3A_774 = tpu.memref_slice %arg4[%add3A_772, %dma_start3A_773] : memref<131072x128xf32, #tpu.memory_space<hbm>> -> memref<128x128xf32, #tpu.memory_space<hbm>>
    %dma_start3A_775 = arith.constant 0 : i32
    %dma_start3A_776 = tpu.memref_slice %arg4[%add3A_772, %dma_start3A_775] : memref<131072x128xf32, #tpu.memory_space<hbm>> -> memref<128x128xf32, #tpu.memory_space<hbm>>
    tpu.enqueue_dma source(%arg7 : memref<128x128xf32, #tpu.memory_space<vmem>>) target(%dma_start3A_776 : memref<128x128xf32, #tpu.memory_space<hbm>>) target_semaphore(%arg15 : memref<!tpu.dma_semaphore, #tpu.memory_space<semaphore_mem>>)
    %dma_wait3A_777 = arith.constant 25 : i32
    %dma_wait3A_778 = arith.constant 0 : i32
    %dma_wait3A_779 = tpu.memref_slice %arg6[%dma_wait3A_777, %dma_wait3A_778] : memref<32x128xi32, #tpu.memory_space<vmem>> -> memref<1x128xi32, #tpu.memory_space<vmem>>
    %dma_wait3A_780 = tpu.memref_squeeze %dma_wait3A_779 : memref<1x128xi32, #tpu.memory_space<vmem>> -> memref<128xi32, #tpu.memory_space<vmem>>
    %dma_wait3A_781 = arith.constant 0 : i32
    %dma_wait3A_782 = arith.constant 0 : i32
    %dma_wait3A_783 = tpu.memref_slice %arg2[%dma_wait3A_781, %dma_wait3A_782] : memref<32768x128xf32, #tpu.memory_space<hbm>> -> memref<32768x128xf32, #tpu.memory_space<hbm>>
    tpu.wait_indirect_dma semaphore(%arg12 : memref<!tpu.dma_semaphore, #tpu.memory_space<semaphore_mem>>) src(%dma_wait3A_783 : memref<32768x128xf32, #tpu.memory_space<hbm>>) dst(%arg8 : memref<128x128xf32, #tpu.memory_space<vmem>>)
    %mul3A_784 = arith.constant 4096 : i32
    %mul3A_785 = arith.muli %add3A, %mul3A_784 : i32
    %add3A_786 = arith.constant 3200 : i32
    %add3A_787 = arith.addi %mul3A_785, %add3A_786 : i32
    %dma_start3A_788 = arith.constant 0 : i32
    %dma_start3A_789 = tpu.memref_slice %arg4[%add3A_787, %dma_start3A_788] : memref<131072x128xf32, #tpu.memory_space<hbm>> -> memref<128x128xf32, #tpu.memory_space<hbm>>
    %dma_start3A_790 = arith.constant 0 : i32
    %dma_start3A_791 = tpu.memref_slice %arg4[%add3A_787, %dma_start3A_790] : memref<131072x128xf32, #tpu.memory_space<hbm>> -> memref<128x128xf32, #tpu.memory_space<hbm>>
    tpu.enqueue_dma source(%arg8 : memref<128x128xf32, #tpu.memory_space<vmem>>) target(%dma_start3A_791 : memref<128x128xf32, #tpu.memory_space<hbm>>) target_semaphore(%arg16 : memref<!tpu.dma_semaphore, #tpu.memory_space<semaphore_mem>>)
    %dma_wait3A_792 = arith.constant 26 : i32
    %dma_wait3A_793 = arith.constant 0 : i32
    %dma_wait3A_794 = tpu.memref_slice %arg6[%dma_wait3A_792, %dma_wait3A_793] : memref<32x128xi32, #tpu.memory_space<vmem>> -> memref<1x128xi32, #tpu.memory_space<vmem>>
    %dma_wait3A_795 = tpu.memref_squeeze %dma_wait3A_794 : memref<1x128xi32, #tpu.memory_space<vmem>> -> memref<128xi32, #tpu.memory_space<vmem>>
    %dma_wait3A_796 = arith.constant 0 : i32
    %dma_wait3A_797 = arith.constant 0 : i32
    %dma_wait3A_798 = tpu.memref_slice %arg2[%dma_wait3A_796, %dma_wait3A_797] : memref<32768x128xf32, #tpu.memory_space<hbm>> -> memref<32768x128xf32, #tpu.memory_space<hbm>>
    tpu.wait_indirect_dma semaphore(%arg13 : memref<!tpu.dma_semaphore, #tpu.memory_space<semaphore_mem>>) src(%dma_wait3A_798 : memref<32768x128xf32, #tpu.memory_space<hbm>>) dst(%arg9 : memref<128x128xf32, #tpu.memory_space<vmem>>)
    %mul3A_799 = arith.constant 4096 : i32
    %mul3A_800 = arith.muli %add3A, %mul3A_799 : i32
    %add3A_801 = arith.constant 3328 : i32
    %add3A_802 = arith.addi %mul3A_800, %add3A_801 : i32
    %dma_start3A_803 = arith.constant 0 : i32
    %dma_start3A_804 = tpu.memref_slice %arg4[%add3A_802, %dma_start3A_803] : memref<131072x128xf32, #tpu.memory_space<hbm>> -> memref<128x128xf32, #tpu.memory_space<hbm>>
    %dma_start3A_805 = arith.constant 0 : i32
    %dma_start3A_806 = tpu.memref_slice %arg4[%add3A_802, %dma_start3A_805] : memref<131072x128xf32, #tpu.memory_space<hbm>> -> memref<128x128xf32, #tpu.memory_space<hbm>>
    tpu.enqueue_dma source(%arg9 : memref<128x128xf32, #tpu.memory_space<vmem>>) target(%dma_start3A_806 : memref<128x128xf32, #tpu.memory_space<hbm>>) target_semaphore(%arg17 : memref<!tpu.dma_semaphore, #tpu.memory_space<semaphore_mem>>)
    %dma_wait3A_807 = arith.constant 27 : i32
    %dma_wait3A_808 = arith.constant 0 : i32
    %dma_wait3A_809 = tpu.memref_slice %arg6[%dma_wait3A_807, %dma_wait3A_808] : memref<32x128xi32, #tpu.memory_space<vmem>> -> memref<1x128xi32, #tpu.memory_space<vmem>>
    %dma_wait3A_810 = tpu.memref_squeeze %dma_wait3A_809 : memref<1x128xi32, #tpu.memory_space<vmem>> -> memref<128xi32, #tpu.memory_space<vmem>>
    %dma_wait3A_811 = arith.constant 0 : i32
    %dma_wait3A_812 = arith.constant 0 : i32
    %dma_wait3A_813 = tpu.memref_slice %arg2[%dma_wait3A_811, %dma_wait3A_812] : memref<32768x128xf32, #tpu.memory_space<hbm>> -> memref<32768x128xf32, #tpu.memory_space<hbm>>
    tpu.wait_indirect_dma semaphore(%arg14 : memref<!tpu.dma_semaphore, #tpu.memory_space<semaphore_mem>>) src(%dma_wait3A_813 : memref<32768x128xf32, #tpu.memory_space<hbm>>) dst(%arg10 : memref<128x128xf32, #tpu.memory_space<vmem>>)
    %mul3A_814 = arith.constant 4096 : i32
    %mul3A_815 = arith.muli %add3A, %mul3A_814 : i32
    %add3A_816 = arith.constant 3456 : i32
    %add3A_817 = arith.addi %mul3A_815, %add3A_816 : i32
    %dma_start3A_818 = arith.constant 0 : i32
    %dma_start3A_819 = tpu.memref_slice %arg4[%add3A_817, %dma_start3A_818] : memref<131072x128xf32, #tpu.memory_space<hbm>> -> memref<128x128xf32, #tpu.memory_space<hbm>>
    %dma_start3A_820 = arith.constant 0 : i32
    %dma_start3A_821 = tpu.memref_slice %arg4[%add3A_817, %dma_start3A_820] : memref<131072x128xf32, #tpu.memory_space<hbm>> -> memref<128x128xf32, #tpu.memory_space<hbm>>
    tpu.enqueue_dma source(%arg10 : memref<128x128xf32, #tpu.memory_space<vmem>>) target(%dma_start3A_821 : memref<128x128xf32, #tpu.memory_space<hbm>>) target_semaphore(%arg18 : memref<!tpu.dma_semaphore, #tpu.memory_space<semaphore_mem>>)
    %dma_wait3A_822 = arith.constant 0 : i32
    %dma_wait3A_823 = tpu.memref_slice %arg4[%add3A_772, %dma_wait3A_822] : memref<131072x128xf32, #tpu.memory_space<hbm>> -> memref<128x128xf32, #tpu.memory_space<hbm>>
    %dma_wait3A_824 = arith.constant 0 : i32
    %dma_wait3A_825 = tpu.memref_slice %arg4[%add3A_772, %dma_wait3A_824] : memref<131072x128xf32, #tpu.memory_space<hbm>> -> memref<128x128xf32, #tpu.memory_space<hbm>>
    tpu.wait_dma2 semaphore(%arg15 : memref<!tpu.dma_semaphore, #tpu.memory_space<semaphore_mem>>) src(%arg7 : memref<128x128xf32, #tpu.memory_space<vmem>>) dst(%dma_wait3A_825 : memref<128x128xf32, #tpu.memory_space<hbm>>)
    %dma_start3A_826 = arith.constant 28 : i32
    %dma_start3A_827 = arith.constant 0 : i32
    %dma_start3A_828 = tpu.memref_slice %arg6[%dma_start3A_826, %dma_start3A_827] : memref<32x128xi32, #tpu.memory_space<vmem>> -> memref<1x128xi32, #tpu.memory_space<vmem>>
    %dma_start3A_829 = tpu.memref_squeeze %dma_start3A_828 : memref<1x128xi32, #tpu.memory_space<vmem>> -> memref<128xi32, #tpu.memory_space<vmem>>
    %dma_start3A_830 = arith.constant 0 : i32
    %dma_start3A_831 = arith.constant 0 : i32
    %dma_start3A_832 = tpu.memref_slice %arg2[%dma_start3A_830, %dma_start3A_831] : memref<32768x128xf32, #tpu.memory_space<hbm>> -> memref<32768x128xf32, #tpu.memory_space<hbm>>
    tpu.enqueue_indirect_dma source(%dma_start3A_832 : memref<32768x128xf32, #tpu.memory_space<hbm>>) target(%arg7 : memref<128x128xf32, #tpu.memory_space<vmem>>) offsets(%dma_start3A_829 : memref<128xi32, #tpu.memory_space<vmem>>) semaphore(%arg11 : memref<!tpu.dma_semaphore, #tpu.memory_space<semaphore_mem>>)
    %dma_wait3A_833 = arith.constant 0 : i32
    %dma_wait3A_834 = tpu.memref_slice %arg4[%add3A_787, %dma_wait3A_833] : memref<131072x128xf32, #tpu.memory_space<hbm>> -> memref<128x128xf32, #tpu.memory_space<hbm>>
    %dma_wait3A_835 = arith.constant 0 : i32
    %dma_wait3A_836 = tpu.memref_slice %arg4[%add3A_787, %dma_wait3A_835] : memref<131072x128xf32, #tpu.memory_space<hbm>> -> memref<128x128xf32, #tpu.memory_space<hbm>>
    tpu.wait_dma2 semaphore(%arg16 : memref<!tpu.dma_semaphore, #tpu.memory_space<semaphore_mem>>) src(%arg8 : memref<128x128xf32, #tpu.memory_space<vmem>>) dst(%dma_wait3A_836 : memref<128x128xf32, #tpu.memory_space<hbm>>)
    %dma_start3A_837 = arith.constant 29 : i32
    %dma_start3A_838 = arith.constant 0 : i32
    %dma_start3A_839 = tpu.memref_slice %arg6[%dma_start3A_837, %dma_start3A_838] : memref<32x128xi32, #tpu.memory_space<vmem>> -> memref<1x128xi32, #tpu.memory_space<vmem>>
    %dma_start3A_840 = tpu.memref_squeeze %dma_start3A_839 : memref<1x128xi32, #tpu.memory_space<vmem>> -> memref<128xi32, #tpu.memory_space<vmem>>
    %dma_start3A_841 = arith.constant 0 : i32
    %dma_start3A_842 = arith.constant 0 : i32
    %dma_start3A_843 = tpu.memref_slice %arg2[%dma_start3A_841, %dma_start3A_842] : memref<32768x128xf32, #tpu.memory_space<hbm>> -> memref<32768x128xf32, #tpu.memory_space<hbm>>
    tpu.enqueue_indirect_dma source(%dma_start3A_843 : memref<32768x128xf32, #tpu.memory_space<hbm>>) target(%arg8 : memref<128x128xf32, #tpu.memory_space<vmem>>) offsets(%dma_start3A_840 : memref<128xi32, #tpu.memory_space<vmem>>) semaphore(%arg12 : memref<!tpu.dma_semaphore, #tpu.memory_space<semaphore_mem>>)
    %dma_wait3A_844 = arith.constant 0 : i32
    %dma_wait3A_845 = tpu.memref_slice %arg4[%add3A_802, %dma_wait3A_844] : memref<131072x128xf32, #tpu.memory_space<hbm>> -> memref<128x128xf32, #tpu.memory_space<hbm>>
    %dma_wait3A_846 = arith.constant 0 : i32
    %dma_wait3A_847 = tpu.memref_slice %arg4[%add3A_802, %dma_wait3A_846] : memref<131072x128xf32, #tpu.memory_space<hbm>> -> memref<128x128xf32, #tpu.memory_space<hbm>>
    tpu.wait_dma2 semaphore(%arg17 : memref<!tpu.dma_semaphore, #tpu.memory_space<semaphore_mem>>) src(%arg9 : memref<128x128xf32, #tpu.memory_space<vmem>>) dst(%dma_wait3A_847 : memref<128x128xf32, #tpu.memory_space<hbm>>)
    %dma_start3A_848 = arith.constant 30 : i32
    %dma_start3A_849 = arith.constant 0 : i32
    %dma_start3A_850 = tpu.memref_slice %arg6[%dma_start3A_848, %dma_start3A_849] : memref<32x128xi32, #tpu.memory_space<vmem>> -> memref<1x128xi32, #tpu.memory_space<vmem>>
    %dma_start3A_851 = tpu.memref_squeeze %dma_start3A_850 : memref<1x128xi32, #tpu.memory_space<vmem>> -> memref<128xi32, #tpu.memory_space<vmem>>
    %dma_start3A_852 = arith.constant 0 : i32
    %dma_start3A_853 = arith.constant 0 : i32
    %dma_start3A_854 = tpu.memref_slice %arg2[%dma_start3A_852, %dma_start3A_853] : memref<32768x128xf32, #tpu.memory_space<hbm>> -> memref<32768x128xf32, #tpu.memory_space<hbm>>
    tpu.enqueue_indirect_dma source(%dma_start3A_854 : memref<32768x128xf32, #tpu.memory_space<hbm>>) target(%arg9 : memref<128x128xf32, #tpu.memory_space<vmem>>) offsets(%dma_start3A_851 : memref<128xi32, #tpu.memory_space<vmem>>) semaphore(%arg13 : memref<!tpu.dma_semaphore, #tpu.memory_space<semaphore_mem>>)
    %dma_wait3A_855 = arith.constant 0 : i32
    %dma_wait3A_856 = tpu.memref_slice %arg4[%add3A_817, %dma_wait3A_855] : memref<131072x128xf32, #tpu.memory_space<hbm>> -> memref<128x128xf32, #tpu.memory_space<hbm>>
    %dma_wait3A_857 = arith.constant 0 : i32
    %dma_wait3A_858 = tpu.memref_slice %arg4[%add3A_817, %dma_wait3A_857] : memref<131072x128xf32, #tpu.memory_space<hbm>> -> memref<128x128xf32, #tpu.memory_space<hbm>>
    tpu.wait_dma2 semaphore(%arg18 : memref<!tpu.dma_semaphore, #tpu.memory_space<semaphore_mem>>) src(%arg10 : memref<128x128xf32, #tpu.memory_space<vmem>>) dst(%dma_wait3A_858 : memref<128x128xf32, #tpu.memory_space<hbm>>)
    %dma_start3A_859 = arith.constant 31 : i32
    %dma_start3A_860 = arith.constant 0 : i32
    %dma_start3A_861 = tpu.memref_slice %arg6[%dma_start3A_859, %dma_start3A_860] : memref<32x128xi32, #tpu.memory_space<vmem>> -> memref<1x128xi32, #tpu.memory_space<vmem>>
    %dma_start3A_862 = tpu.memref_squeeze %dma_start3A_861 : memref<1x128xi32, #tpu.memory_space<vmem>> -> memref<128xi32, #tpu.memory_space<vmem>>
    %dma_start3A_863 = arith.constant 0 : i32
    %dma_start3A_864 = arith.constant 0 : i32
    %dma_start3A_865 = tpu.memref_slice %arg2[%dma_start3A_863, %dma_start3A_864] : memref<32768x128xf32, #tpu.memory_space<hbm>> -> memref<32768x128xf32, #tpu.memory_space<hbm>>
    tpu.enqueue_indirect_dma source(%dma_start3A_865 : memref<32768x128xf32, #tpu.memory_space<hbm>>) target(%arg10 : memref<128x128xf32, #tpu.memory_space<vmem>>) offsets(%dma_start3A_862 : memref<128xi32, #tpu.memory_space<vmem>>) semaphore(%arg14 : memref<!tpu.dma_semaphore, #tpu.memory_space<semaphore_mem>>)
    %dma_wait3A_866 = arith.constant 28 : i32
    %dma_wait3A_867 = arith.constant 0 : i32
    %dma_wait3A_868 = tpu.memref_slice %arg6[%dma_wait3A_866, %dma_wait3A_867] : memref<32x128xi32, #tpu.memory_space<vmem>> -> memref<1x128xi32, #tpu.memory_space<vmem>>
    %dma_wait3A_869 = tpu.memref_squeeze %dma_wait3A_868 : memref<1x128xi32, #tpu.memory_space<vmem>> -> memref<128xi32, #tpu.memory_space<vmem>>
    %dma_wait3A_870 = arith.constant 0 : i32
    %dma_wait3A_871 = arith.constant 0 : i32
    %dma_wait3A_872 = tpu.memref_slice %arg2[%dma_wait3A_870, %dma_wait3A_871] : memref<32768x128xf32, #tpu.memory_space<hbm>> -> memref<32768x128xf32, #tpu.memory_space<hbm>>
    tpu.wait_indirect_dma semaphore(%arg11 : memref<!tpu.dma_semaphore, #tpu.memory_space<semaphore_mem>>) src(%dma_wait3A_872 : memref<32768x128xf32, #tpu.memory_space<hbm>>) dst(%arg7 : memref<128x128xf32, #tpu.memory_space<vmem>>)
    %mul3A_873 = arith.constant 4096 : i32
    %mul3A_874 = arith.muli %add3A, %mul3A_873 : i32
    %add3A_875 = arith.constant 3584 : i32
    %add3A_876 = arith.addi %mul3A_874, %add3A_875 : i32
    "tpu.region"() ({
      %run_scoped3A = tpu.sem_alloc : memref<!tpu.dma_semaphore, #tpu.memory_space<semaphore_mem>>
      %dma_start3A_910 = arith.constant 0 : i32
      %dma_start3A_911 = tpu.memref_slice %arg4[%add3A_876, %dma_start3A_910] : memref<131072x128xf32, #tpu.memory_space<hbm>> -> memref<128x128xf32, #tpu.memory_space<hbm>>
      %dma_start3A_912 = arith.constant 0 : i32
      %dma_start3A_913 = tpu.memref_slice %arg4[%add3A_876, %dma_start3A_912] : memref<131072x128xf32, #tpu.memory_space<hbm>> -> memref<128x128xf32, #tpu.memory_space<hbm>>
      tpu.enqueue_dma source(%arg7 : memref<128x128xf32, #tpu.memory_space<vmem>>) target(%dma_start3A_913 : memref<128x128xf32, #tpu.memory_space<hbm>>) target_semaphore(%run_scoped3A : memref<!tpu.dma_semaphore, #tpu.memory_space<semaphore_mem>>)
      %dma_wait3A_914 = arith.constant 0 : i32
      %dma_wait3A_915 = tpu.memref_slice %arg4[%add3A_876, %dma_wait3A_914] : memref<131072x128xf32, #tpu.memory_space<hbm>> -> memref<128x128xf32, #tpu.memory_space<hbm>>
      %dma_wait3A_916 = arith.constant 0 : i32
      %dma_wait3A_917 = tpu.memref_slice %arg4[%add3A_876, %dma_wait3A_916] : memref<131072x128xf32, #tpu.memory_space<hbm>> -> memref<128x128xf32, #tpu.memory_space<hbm>>
      tpu.wait_dma2 semaphore(%run_scoped3A : memref<!tpu.dma_semaphore, #tpu.memory_space<semaphore_mem>>) src(%arg7 : memref<128x128xf32, #tpu.memory_space<vmem>>) dst(%dma_wait3A_917 : memref<128x128xf32, #tpu.memory_space<hbm>>)
      tpu.yield
    }) : () -> ()
    %dma_wait3A_877 = arith.constant 29 : i32
    %dma_wait3A_878 = arith.constant 0 : i32
    %dma_wait3A_879 = tpu.memref_slice %arg6[%dma_wait3A_877, %dma_wait3A_878] : memref<32x128xi32, #tpu.memory_space<vmem>> -> memref<1x128xi32, #tpu.memory_space<vmem>>
    %dma_wait3A_880 = tpu.memref_squeeze %dma_wait3A_879 : memref<1x128xi32, #tpu.memory_space<vmem>> -> memref<128xi32, #tpu.memory_space<vmem>>
    %dma_wait3A_881 = arith.constant 0 : i32
    %dma_wait3A_882 = arith.constant 0 : i32
    %dma_wait3A_883 = tpu.memref_slice %arg2[%dma_wait3A_881, %dma_wait3A_882] : memref<32768x128xf32, #tpu.memory_space<hbm>> -> memref<32768x128xf32, #tpu.memory_space<hbm>>
    tpu.wait_indirect_dma semaphore(%arg12 : memref<!tpu.dma_semaphore, #tpu.memory_space<semaphore_mem>>) src(%dma_wait3A_883 : memref<32768x128xf32, #tpu.memory_space<hbm>>) dst(%arg8 : memref<128x128xf32, #tpu.memory_space<vmem>>)
    %mul3A_884 = arith.constant 4096 : i32
    %mul3A_885 = arith.muli %add3A, %mul3A_884 : i32
    %add3A_886 = arith.constant 3712 : i32
    %add3A_887 = arith.addi %mul3A_885, %add3A_886 : i32
    "tpu.region"() ({
      %run_scoped3A = tpu.sem_alloc : memref<!tpu.dma_semaphore, #tpu.memory_space<semaphore_mem>>
      %dma_start3A_910 = arith.constant 0 : i32
      %dma_start3A_911 = tpu.memref_slice %arg4[%add3A_887, %dma_start3A_910] : memref<131072x128xf32, #tpu.memory_space<hbm>> -> memref<128x128xf32, #tpu.memory_space<hbm>>
      %dma_start3A_912 = arith.constant 0 : i32
      %dma_start3A_913 = tpu.memref_slice %arg4[%add3A_887, %dma_start3A_912] : memref<131072x128xf32, #tpu.memory_space<hbm>> -> memref<128x128xf32, #tpu.memory_space<hbm>>
      tpu.enqueue_dma source(%arg8 : memref<128x128xf32, #tpu.memory_space<vmem>>) target(%dma_start3A_913 : memref<128x128xf32, #tpu.memory_space<hbm>>) target_semaphore(%run_scoped3A : memref<!tpu.dma_semaphore, #tpu.memory_space<semaphore_mem>>)
      %dma_wait3A_914 = arith.constant 0 : i32
      %dma_wait3A_915 = tpu.memref_slice %arg4[%add3A_887, %dma_wait3A_914] : memref<131072x128xf32, #tpu.memory_space<hbm>> -> memref<128x128xf32, #tpu.memory_space<hbm>>
      %dma_wait3A_916 = arith.constant 0 : i32
      %dma_wait3A_917 = tpu.memref_slice %arg4[%add3A_887, %dma_wait3A_916] : memref<131072x128xf32, #tpu.memory_space<hbm>> -> memref<128x128xf32, #tpu.memory_space<hbm>>
      tpu.wait_dma2 semaphore(%run_scoped3A : memref<!tpu.dma_semaphore, #tpu.memory_space<semaphore_mem>>) src(%arg8 : memref<128x128xf32, #tpu.memory_space<vmem>>) dst(%dma_wait3A_917 : memref<128x128xf32, #tpu.memory_space<hbm>>)
      tpu.yield
    }) : () -> ()
    %dma_wait3A_888 = arith.constant 30 : i32
    %dma_wait3A_889 = arith.constant 0 : i32
    %dma_wait3A_890 = tpu.memref_slice %arg6[%dma_wait3A_888, %dma_wait3A_889] : memref<32x128xi32, #tpu.memory_space<vmem>> -> memref<1x128xi32, #tpu.memory_space<vmem>>
    %dma_wait3A_891 = tpu.memref_squeeze %dma_wait3A_890 : memref<1x128xi32, #tpu.memory_space<vmem>> -> memref<128xi32, #tpu.memory_space<vmem>>
    %dma_wait3A_892 = arith.constant 0 : i32
    %dma_wait3A_893 = arith.constant 0 : i32
    %dma_wait3A_894 = tpu.memref_slice %arg2[%dma_wait3A_892, %dma_wait3A_893] : memref<32768x128xf32, #tpu.memory_space<hbm>> -> memref<32768x128xf32, #tpu.memory_space<hbm>>
    tpu.wait_indirect_dma semaphore(%arg13 : memref<!tpu.dma_semaphore, #tpu.memory_space<semaphore_mem>>) src(%dma_wait3A_894 : memref<32768x128xf32, #tpu.memory_space<hbm>>) dst(%arg9 : memref<128x128xf32, #tpu.memory_space<vmem>>)
    %mul3A_895 = arith.constant 4096 : i32
    %mul3A_896 = arith.muli %add3A, %mul3A_895 : i32
    %add3A_897 = arith.constant 3840 : i32
    %add3A_898 = arith.addi %mul3A_896, %add3A_897 : i32
    "tpu.region"() ({
      %run_scoped3A = tpu.sem_alloc : memref<!tpu.dma_semaphore, #tpu.memory_space<semaphore_mem>>
      %dma_start3A_910 = arith.constant 0 : i32
      %dma_start3A_911 = tpu.memref_slice %arg4[%add3A_898, %dma_start3A_910] : memref<131072x128xf32, #tpu.memory_space<hbm>> -> memref<128x128xf32, #tpu.memory_space<hbm>>
      %dma_start3A_912 = arith.constant 0 : i32
      %dma_start3A_913 = tpu.memref_slice %arg4[%add3A_898, %dma_start3A_912] : memref<131072x128xf32, #tpu.memory_space<hbm>> -> memref<128x128xf32, #tpu.memory_space<hbm>>
      tpu.enqueue_dma source(%arg9 : memref<128x128xf32, #tpu.memory_space<vmem>>) target(%dma_start3A_913 : memref<128x128xf32, #tpu.memory_space<hbm>>) target_semaphore(%run_scoped3A : memref<!tpu.dma_semaphore, #tpu.memory_space<semaphore_mem>>)
      %dma_wait3A_914 = arith.constant 0 : i32
      %dma_wait3A_915 = tpu.memref_slice %arg4[%add3A_898, %dma_wait3A_914] : memref<131072x128xf32, #tpu.memory_space<hbm>> -> memref<128x128xf32, #tpu.memory_space<hbm>>
      %dma_wait3A_916 = arith.constant 0 : i32
      %dma_wait3A_917 = tpu.memref_slice %arg4[%add3A_898, %dma_wait3A_916] : memref<131072x128xf32, #tpu.memory_space<hbm>> -> memref<128x128xf32, #tpu.memory_space<hbm>>
      tpu.wait_dma2 semaphore(%run_scoped3A : memref<!tpu.dma_semaphore, #tpu.memory_space<semaphore_mem>>) src(%arg9 : memref<128x128xf32, #tpu.memory_space<vmem>>) dst(%dma_wait3A_917 : memref<128x128xf32, #tpu.memory_space<hbm>>)
      tpu.yield
    }) : () -> ()
    %dma_wait3A_899 = arith.constant 31 : i32
    %dma_wait3A_900 = arith.constant 0 : i32
    %dma_wait3A_901 = tpu.memref_slice %arg6[%dma_wait3A_899, %dma_wait3A_900] : memref<32x128xi32, #tpu.memory_space<vmem>> -> memref<1x128xi32, #tpu.memory_space<vmem>>
    %dma_wait3A_902 = tpu.memref_squeeze %dma_wait3A_901 : memref<1x128xi32, #tpu.memory_space<vmem>> -> memref<128xi32, #tpu.memory_space<vmem>>
    %dma_wait3A_903 = arith.constant 0 : i32
    %dma_wait3A_904 = arith.constant 0 : i32
    %dma_wait3A_905 = tpu.memref_slice %arg2[%dma_wait3A_903, %dma_wait3A_904] : memref<32768x128xf32, #tpu.memory_space<hbm>> -> memref<32768x128xf32, #tpu.memory_space<hbm>>
    tpu.wait_indirect_dma semaphore(%arg14 : memref<!tpu.dma_semaphore, #tpu.memory_space<semaphore_mem>>) src(%dma_wait3A_905 : memref<32768x128xf32, #tpu.memory_space<hbm>>) dst(%arg10 : memref<128x128xf32, #tpu.memory_space<vmem>>)
    %mul3A_906 = arith.constant 4096 : i32
    %mul3A_907 = arith.muli %add3A, %mul3A_906 : i32
    %add3A_908 = arith.constant 3968 : i32
    %add3A_909 = arith.addi %mul3A_907, %add3A_908 : i32
    "tpu.region"() ({
      %run_scoped3A = tpu.sem_alloc : memref<!tpu.dma_semaphore, #tpu.memory_space<semaphore_mem>>
      %dma_start3A_910 = arith.constant 0 : i32
      %dma_start3A_911 = tpu.memref_slice %arg4[%add3A_909, %dma_start3A_910] : memref<131072x128xf32, #tpu.memory_space<hbm>> -> memref<128x128xf32, #tpu.memory_space<hbm>>
      %dma_start3A_912 = arith.constant 0 : i32
      %dma_start3A_913 = tpu.memref_slice %arg4[%add3A_909, %dma_start3A_912] : memref<131072x128xf32, #tpu.memory_space<hbm>> -> memref<128x128xf32, #tpu.memory_space<hbm>>
      tpu.enqueue_dma source(%arg10 : memref<128x128xf32, #tpu.memory_space<vmem>>) target(%dma_start3A_913 : memref<128x128xf32, #tpu.memory_space<hbm>>) target_semaphore(%run_scoped3A : memref<!tpu.dma_semaphore, #tpu.memory_space<semaphore_mem>>)
      %dma_wait3A_914 = arith.constant 0 : i32
      %dma_wait3A_915 = tpu.memref_slice %arg4[%add3A_909, %dma_wait3A_914] : memref<131072x128xf32, #tpu.memory_space<hbm>> -> memref<128x128xf32, #tpu.memory_space<hbm>>
      %dma_wait3A_916 = arith.constant 0 : i32
      %dma_wait3A_917 = tpu.memref_slice %arg4[%add3A_909, %dma_wait3A_916] : memref<131072x128xf32, #tpu.memory_space<hbm>> -> memref<128x128xf32, #tpu.memory_space<hbm>>
      tpu.wait_dma2 semaphore(%run_scoped3A : memref<!tpu.dma_semaphore, #tpu.memory_space<semaphore_mem>>) src(%arg10 : memref<128x128xf32, #tpu.memory_space<vmem>>) dst(%dma_wait3A_917 : memref<128x128xf32, #tpu.memory_space<hbm>>)
      tpu.yield
    }) : () -> ()
    return
  }
}

module attributes {stable_mosaic.version = 14 : i64} {
  func.func @_fps_body(%arg0: memref<3x8x4096xf32, #tpu.memory_space<vmem>>, %arg1: memref<3x512x8xf32, #tpu.memory_space<vmem>>) attributes {dimension_semantics = [], scalar_prefetch = 0 : i64, scratch_operands = 0 : i64, tpu.core_type = #tpu.core_type<tc>} {
    %get3A = arith.constant 0 : index
    %get3A_0 = arith.constant 0 : index
    %get3A_1 = arith.constant 0 : index
    %get3A_2 = vector.load %arg0[%get3A, %get3A_0, %get3A_1] : memref<3x8x4096xf32, #tpu.memory_space<vmem>>, vector<1x8x4096xf32>
    %get3A_3 = vector.shape_cast %get3A_2 : vector<1x8x4096xf32> to vector<8x4096xf32>
    %get3A_4 = arith.constant 1 : index
    %get3A_5 = arith.constant 0 : index
    %get3A_6 = arith.constant 0 : index
    %get3A_7 = vector.load %arg0[%get3A_4, %get3A_5, %get3A_6] : memref<3x8x4096xf32, #tpu.memory_space<vmem>>, vector<1x8x4096xf32>
    %get3A_8 = vector.shape_cast %get3A_7 : vector<1x8x4096xf32> to vector<8x4096xf32>
    %get3A_9 = arith.constant 2 : index
    %get3A_10 = arith.constant 0 : index
    %get3A_11 = arith.constant 0 : index
    %get3A_12 = vector.load %arg0[%get3A_9, %get3A_10, %get3A_11] : memref<3x8x4096xf32, #tpu.memory_space<vmem>>, vector<1x8x4096xf32>
    %get3A_13 = vector.shape_cast %get3A_12 : vector<1x8x4096xf32> to vector<8x4096xf32>
    %iota3A = tpu.iota {dimensions = array<i32: 1>} : vector<8x4096xi32>
    %broadcast_in_dim3A = arith.constant 1.000000e+10 : f32
    %broadcast_in_dim3A_14 = vector.broadcast %broadcast_in_dim3A : f32 to vector<8x4096xf32>
    %broadcast_in_dim3A_15 = arith.constant 0 : i32
    %broadcast_in_dim3A_16 = vector.broadcast %broadcast_in_dim3A_15 : i32 to vector<8x1xi32>
    %scan3A = arith.constant 0 : i32
    %scan3A_17 = arith.constant 512 : i32
    %scan3A_18 = arith.addi %scan3A, %scan3A_17 : i32
    %scan3A_19 = arith.constant 1 : i32
    %scan3A_20:2 = scf.for %scan3A_22 = %scan3A to %scan3A_18 step %scan3A_19 iter_args(%scan3A_23 = %broadcast_in_dim3A_14, %scan3A_24 = %broadcast_in_dim3A_16) -> (vector<8x4096xf32>, vector<8x1xi32>)  : i32 {
      %eq3A = vector.broadcast %scan3A_24 : vector<8x1xi32> to vector<8x4096xi32>
      %eq3A_25 = arith.cmpi eq, %iota3A, %eq3A : vector<8x4096xi32>
      %convert_element_type3A = arith.extui %eq3A_25 : vector<8x4096xi1> to vector<8x4096xi32>
      %convert_element_type3A_26 = arith.sitofp %convert_element_type3A : vector<8x4096xi32> to vector<8x4096xf32>
      %mul3A = arith.mulf %get3A_3, %convert_element_type3A_26 : vector<8x4096xf32>
      %reduce_sum3A = arith.constant dense<0.000000e+00> : vector<8xf32>
      %reduce_sum3A_27 = vector.multi_reduction <add>, %mul3A, %reduce_sum3A [1] : vector<8x4096xf32> to vector<8xf32>
      %broadcast_in_dim3A_28 = vector.shape_cast %reduce_sum3A_27 : vector<8xf32> to vector<8x1xf32>
      %mul3A_29 = arith.mulf %get3A_8, %convert_element_type3A_26 : vector<8x4096xf32>
      %reduce_sum3A_30 = arith.constant dense<0.000000e+00> : vector<8xf32>
      %reduce_sum3A_31 = vector.multi_reduction <add>, %mul3A_29, %reduce_sum3A_30 [1] : vector<8x4096xf32> to vector<8xf32>
      %broadcast_in_dim3A_32 = vector.shape_cast %reduce_sum3A_31 : vector<8xf32> to vector<8x1xf32>
      %mul3A_33 = arith.mulf %get3A_13, %convert_element_type3A_26 : vector<8x4096xf32>
      %reduce_sum3A_34 = arith.constant dense<0.000000e+00> : vector<8xf32>
      %reduce_sum3A_35 = vector.multi_reduction <add>, %mul3A_33, %reduce_sum3A_34 [1] : vector<8x4096xf32> to vector<8xf32>
      %broadcast_in_dim3A_36 = vector.shape_cast %reduce_sum3A_35 : vector<8xf32> to vector<8x1xf32>
      %reshape3A = vector.shape_cast %broadcast_in_dim3A_28 : vector<8x1xf32> to vector<1x1x8xf32>
      %swap3A = arith.constant 0 : index
      %swap3A_37 = arith.index_cast %scan3A_22 : i32 to index
      %swap3A_38 = arith.constant 0 : index
      %swap3A_39 = vector.load %arg1[%swap3A, %swap3A_37, %swap3A_38] : memref<3x512x8xf32, #tpu.memory_space<vmem>>, vector<1x1x8xf32>
      tpu.vector_store %arg1[%swap3A, %swap3A_37, %swap3A_38], %reshape3A {strides = array<i32>} : memref<3x512x8xf32, #tpu.memory_space<vmem>>, vector<1x1x8xf32>,
      %reshape3A_40 = vector.shape_cast %broadcast_in_dim3A_32 : vector<8x1xf32> to vector<1x1x8xf32>
      %swap3A_41 = arith.constant 1 : index
      %swap3A_42 = arith.index_cast %scan3A_22 : i32 to index
      %swap3A_43 = arith.constant 0 : index
      %swap3A_44 = vector.load %arg1[%swap3A_41, %swap3A_42, %swap3A_43] : memref<3x512x8xf32, #tpu.memory_space<vmem>>, vector<1x1x8xf32>
      tpu.vector_store %arg1[%swap3A_41, %swap3A_42, %swap3A_43], %reshape3A_40 {strides = array<i32>} : memref<3x512x8xf32, #tpu.memory_space<vmem>>, vector<1x1x8xf32>,
      %reshape3A_45 = vector.shape_cast %broadcast_in_dim3A_36 : vector<8x1xf32> to vector<1x1x8xf32>
      %swap3A_46 = arith.constant 2 : index
      %swap3A_47 = arith.index_cast %scan3A_22 : i32 to index
      %swap3A_48 = arith.constant 0 : index
      %swap3A_49 = vector.load %arg1[%swap3A_46, %swap3A_47, %swap3A_48] : memref<3x512x8xf32, #tpu.memory_space<vmem>>, vector<1x1x8xf32>
      tpu.vector_store %arg1[%swap3A_46, %swap3A_47, %swap3A_48], %reshape3A_45 {strides = array<i32>} : memref<3x512x8xf32, #tpu.memory_space<vmem>>, vector<1x1x8xf32>,
      %sub3A = vector.broadcast %broadcast_in_dim3A_28 : vector<8x1xf32> to vector<8x4096xf32>
      %sub3A_50 = arith.subf %get3A_3, %sub3A : vector<8x4096xf32>
      %sub3A_51 = vector.broadcast %broadcast_in_dim3A_32 : vector<8x1xf32> to vector<8x4096xf32>
      %sub3A_52 = arith.subf %get3A_8, %sub3A_51 : vector<8x4096xf32>
      %sub3A_53 = vector.broadcast %broadcast_in_dim3A_36 : vector<8x1xf32> to vector<8x4096xf32>
      %sub3A_54 = arith.subf %get3A_13, %sub3A_53 : vector<8x4096xf32>
      %mul3A_55 = arith.mulf %sub3A_50, %sub3A_50 : vector<8x4096xf32>
      %mul3A_56 = arith.mulf %sub3A_52, %sub3A_52 : vector<8x4096xf32>
      %add3A = arith.addf %mul3A_55, %mul3A_56 : vector<8x4096xf32>
      %mul3A_57 = arith.mulf %sub3A_54, %sub3A_54 : vector<8x4096xf32>
      %add3A_58 = arith.addf %add3A, %mul3A_57 : vector<8x4096xf32>
      %min3A = arith.minimumf %scan3A_23, %add3A_58 : vector<8x4096xf32>
      %reduce_max3A = arith.constant dense<0xFF800000> : vector<8xf32>
      %reduce_max3A_59 = vector.multi_reduction <maximumf>, %min3A, %reduce_max3A [1] : vector<8x4096xf32> to vector<8xf32>
      %broadcast_in_dim3A_60 = vector.shape_cast %reduce_max3A_59 : vector<8xf32> to vector<8x1xf32>
      %eq3A_61 = vector.broadcast %broadcast_in_dim3A_60 : vector<8x1xf32> to vector<8x4096xf32>
      %eq3A_62 = arith.cmpf oeq, %min3A, %eq3A_61 : vector<8x4096xf32>
      %jit3A = arith.constant 4096 : i32
      %broadcast_in_dim3A_63 = vector.broadcast %jit3A : i32 to vector<8x4096xi32>
      %select_n3A = arith.select %eq3A_62, %iota3A, %broadcast_in_dim3A_63 : vector<8x4096xi1>, vector<8x4096xi32>
      %reduce_min3A = arith.constant dense<2147483647> : vector<8xi32>
      %reduce_min3A_64 = vector.multi_reduction <minsi>, %select_n3A, %reduce_min3A [1] : vector<8x4096xi32> to vector<8xi32>
      %broadcast_in_dim3A_65 = vector.shape_cast %reduce_min3A_64 : vector<8xi32> to vector<8x1xi32>
      scf.yield %min3A, %broadcast_in_dim3A_65 : vector<8x4096xf32>, vector<8x1xi32>
    }
    %scan3A_21 = arith.constant 512 : i32
    return
  }
}

module attributes {stable_mosaic.version = 14 : i64} {
  func.func @_ballq_body(%arg0: i32, %arg1: i32, %arg2: memref<1x3x4096xf32, #tpu.memory_space<vmem>>, %arg3: memref<1x128x3xf32, #tpu.memory_space<vmem>>, %arg4: memref<4096x256xf32, #tpu.memory_space<vmem>>, %arg5: memref<1x64x4096xf32, #tpu.memory_space<vmem>>, %arg6: memref<64x67xf32, #tpu.memory_space<vmem>>, %arg7: memref<1x64xf32, #tpu.memory_space<vmem>>, %arg8: memref<1x3x512xf32, #tpu.memory_space<vmem>>, %arg9: memref<1x128x256xi32, #tpu.memory_space<vmem>>, %arg10: memref<1x4096x128xf32, #tpu.memory_space<vmem>>, %arg11: memref<1x512x64xf32, #tpu.memory_space<vmem>>) attributes {dimension_semantics = [#tpu.dimension_semantics<arbitrary>, #tpu.dimension_semantics<arbitrary>], iteration_bounds = array<i64: 8, 4>, scalar_prefetch = 0 : i64, scratch_operands = 0 : i64, tpu.core_type = #tpu.core_type<tc>, window_params = [{transform_indices = @transform_0, window_bounds = array<i64: 1, 3, 4096>}, {transform_indices = @transform_1, window_bounds = array<i64: 1, 128, 3>}, {pipeline_mode = #tpu.pipeline_mode<synchronous>, transform_indices = @transform_2, window_bounds = array<i64: 4096, 256>}, {transform_indices = @transform_3, window_bounds = array<i64: 1, 64, 4096>}, {pipeline_mode = #tpu.pipeline_mode<synchronous>, transform_indices = @transform_4, window_bounds = array<i64: 64, 67>}, {pipeline_mode = #tpu.pipeline_mode<synchronous>, transform_indices = @transform_5, window_bounds = array<i64: 1, 64>}, {transform_indices = @transform_6, window_bounds = array<i64: 1, 3, 512>}, {transform_indices = @transform_7, window_bounds = array<i64: 1, 128, 256>}, {transform_indices = @transform_8, window_bounds = array<i64: 1, 4096, 128>}, {transform_indices = @transform_9, window_bounds = array<i64: 1, 512, 64>}]} {
    %get3A = arith.constant 0 : index
    %get3A_0 = arith.constant 0 : index
    %get3A_1 = arith.constant 0 : index
    %get3A_2 = vector.load %arg2[%get3A, %get3A_0, %get3A_1] : memref<1x3x4096xf32, #tpu.memory_space<vmem>>, vector<1x3x4096xf32>
    %get3A_3 = vector.shape_cast %get3A_2 : vector<1x3x4096xf32> to vector<3x4096xf32>
    %get3A_4 = arith.constant 0 : index
    %get3A_5 = arith.constant 0 : index
    %get3A_6 = arith.constant 0 : index
    %get3A_7 = vector.load %arg3[%get3A_4, %get3A_5, %get3A_6] : memref<1x128x3xf32, #tpu.memory_space<vmem>>, vector<1x128x3xf32>
    %get3A_8 = vector.shape_cast %get3A_7 : vector<1x128x3xf32> to vector<128x3xf32>
    %slice3A = vector.extract_strided_slice %get3A_8 {offsets = [0, 0], sizes = [128, 1], strides = [1, 1]} : vector<128x3xf32> to vector<128x1xf32>
    %slice3A_9 = vector.extract_strided_slice %get3A_3 {offsets = [0, 0], sizes = [1, 4096], strides = [1, 1]} : vector<3x4096xf32> to vector<1x4096xf32>
    %sub3A = vector.broadcast %slice3A : vector<128x1xf32> to vector<128x4096xf32>
    %sub3A_10 = vector.broadcast %slice3A_9 : vector<1x4096xf32> to vector<128x4096xf32>
    %sub3A_11 = arith.subf %sub3A, %sub3A_10 : vector<128x4096xf32>
    %slice3A_12 = vector.extract_strided_slice %get3A_8 {offsets = [0, 1], sizes = [128, 1], strides = [1, 1]} : vector<128x3xf32> to vector<128x1xf32>
    %slice3A_13 = vector.extract_strided_slice %get3A_3 {offsets = [1, 0], sizes = [1, 4096], strides = [1, 1]} : vector<3x4096xf32> to vector<1x4096xf32>
    %sub3A_14 = vector.broadcast %slice3A_12 : vector<128x1xf32> to vector<128x4096xf32>
    %sub3A_15 = vector.broadcast %slice3A_13 : vector<1x4096xf32> to vector<128x4096xf32>
    %sub3A_16 = arith.subf %sub3A_14, %sub3A_15 : vector<128x4096xf32>
    %slice3A_17 = vector.extract_strided_slice %get3A_8 {offsets = [0, 2], sizes = [128, 1], strides = [1, 1]} : vector<128x3xf32> to vector<128x1xf32>
    %slice3A_18 = vector.extract_strided_slice %get3A_3 {offsets = [2, 0], sizes = [1, 4096], strides = [1, 1]} : vector<3x4096xf32> to vector<1x4096xf32>
    %sub3A_19 = vector.broadcast %slice3A_17 : vector<128x1xf32> to vector<128x4096xf32>
    %sub3A_20 = vector.broadcast %slice3A_18 : vector<1x4096xf32> to vector<128x4096xf32>
    %sub3A_21 = arith.subf %sub3A_19, %sub3A_20 : vector<128x4096xf32>
    %mul3A = arith.mulf %sub3A_11, %sub3A_11 : vector<128x4096xf32>
    %mul3A_22 = arith.mulf %sub3A_16, %sub3A_16 : vector<128x4096xf32>
    %add3A = arith.addf %mul3A, %mul3A_22 : vector<128x4096xf32>
    %mul3A_23 = arith.mulf %sub3A_21, %sub3A_21 : vector<128x4096xf32>
    %add3A_24 = arith.addf %add3A, %mul3A_23 : vector<128x4096xf32>
    %le3A = arith.constant 4.000000e-02 : f32
    %le3A_25 = vector.broadcast %le3A : f32 to vector<128x4096xf32>
    %le3A_26 = arith.cmpf ole, %add3A_24, %le3A_25 : vector<128x4096xf32>
    %convert_element_type3A = arith.extui %le3A_26 : vector<128x4096xi1> to vector<128x4096xi32>
    %convert_element_type3A_27 = arith.sitofp %convert_element_type3A : vector<128x4096xi32> to vector<128x4096xf32>
    %get3A_28 = arith.constant 0 : index
    %get3A_29 = arith.constant 0 : index
    %get3A_30 = vector.load %arg4[%get3A_28, %get3A_29] : memref<4096x256xf32, #tpu.memory_space<vmem>>, vector<4096x256xf32>
    %dot_general3A = arith.constant dense<0.000000e+00> : vector<128x256xf32>
    %dot_general3A_31 = tpu.matmul %convert_element_type3A_27, %get3A_30, %dot_general3A {dimension_numbers = #tpu.dot_dimension_numbers<[1], [0], [0], [1], [0, 0, 1, 1], [], []>, transpose_lhs_hint = false} : vector<128x4096xf32>, vector<4096x256xf32>, vector<128x256xf32> -> vector<128x256xf32>
    %convert_element_type3A_32 = arith.fptosi %dot_general3A_31 : vector<128x256xf32> to vector<128x256xi32>
    %swap3A = arith.constant 0 : index
    %swap3A_33 = arith.constant 0 : index
    %swap3A_34 = arith.constant 0 : index
    %swap3A_35 = vector.load %arg9[%swap3A, %swap3A_33, %swap3A_34] : memref<1x128x256xi32, #tpu.memory_space<vmem>>, vector<1x128x256xi32>
    %swap3A_36 = vector.shape_cast %swap3A_35 : vector<1x128x256xi32> to vector<128x256xi32>
    %swap3A_37 = vector.shape_cast %convert_element_type3A_32 : vector<128x256xi32> to vector<1x128x256xi32>
    tpu.vector_store %arg9[%swap3A, %swap3A_33, %swap3A_34], %swap3A_37 {strides = array<i32>} : memref<1x128x256xi32, #tpu.memory_space<vmem>>, vector<1x128x256xi32>,
    %eq3A = arith.constant 0 : i32
    %eq3A_38 = arith.cmpi eq, %arg1, %eq3A : i32
    %convert_element_type3A_39 = arith.extui %eq3A_38 : i1 to i32
    %cond3A = arith.constant 0 : i32
    %cond3A_40 = arith.cmpi ne, %convert_element_type3A_39, %cond3A : i32
    scf.if %cond3A_40 {
      %get3A_41 = arith.constant 0 : index
      %get3A_42 = arith.constant 0 : index
      %get3A_43 = arith.constant 0 : index
      %get3A_44 = vector.load %arg5[%get3A_41, %get3A_42, %get3A_43] : memref<1x64x4096xf32, #tpu.memory_space<vmem>>, vector<1x64x4096xf32>
      %get3A_45 = vector.shape_cast %get3A_44 : vector<1x64x4096xf32> to vector<64x4096xf32>
      %get3A_46 = arith.constant 0 : index
      %get3A_47 = arith.constant 0 : index
      %get3A_48 = vector.load %arg6[%get3A_46, %get3A_47] : memref<64x67xf32, #tpu.memory_space<vmem>>, vector<64x67xf32>
      %slice3A_49 = vector.extract_strided_slice %get3A_48 {offsets = [0, 0], sizes = [64, 3], strides = [1, 1]} : vector<64x67xf32> to vector<64x3xf32>
      %slice3A_50 = vector.extract_strided_slice %get3A_48 {offsets = [0, 3], sizes = [64, 64], strides = [1, 1]} : vector<64x67xf32> to vector<64x64xf32>
      %dot_general3A_51 = arith.constant dense<0.000000e+00> : vector<4096x64xf32>
      %dot_general3A_52 = tpu.matmul %get3A_3, %slice3A_49, %dot_general3A_51 {dimension_numbers = #tpu.dot_dimension_numbers<[0], [1], [1], [0], [0, 1, 1, 0], [], []>, transpose_lhs_hint = false} : vector<3x4096xf32>, vector<64x3xf32>, vector<4096x64xf32> -> vector<4096x64xf32>
      %dot_general3A_53 = arith.constant dense<0.000000e+00> : vector<4096x64xf32>
      %dot_general3A_54 = tpu.matmul %get3A_45, %slice3A_50, %dot_general3A_53 {dimension_numbers = #tpu.dot_dimension_numbers<[0], [1], [1], [0], [0, 1, 1, 0], [], []>, transpose_lhs_hint = false} : vector<64x4096xf32>, vector<64x64xf32>, vector<4096x64xf32> -> vector<4096x64xf32>
      %add3A_55 = arith.addf %dot_general3A_52, %dot_general3A_54 : vector<4096x64xf32>
      %broadcast_in_dim3A = arith.constant 0.000000e+00 : f32
      %broadcast_in_dim3A_56 = vector.broadcast %broadcast_in_dim3A : f32 to vector<4096x64xf32>
      %concatenate3A = tpu.concatenate %add3A_55, %broadcast_in_dim3A_56 in 1 : vector<4096x64xf32>, vector<4096x64xf32> -> vector<4096x128xf32>
      %swap3A_57 = arith.constant 0 : index
      %swap3A_58 = arith.constant 0 : index
      %swap3A_59 = arith.constant 0 : index
      %swap3A_60 = vector.load %arg10[%swap3A_57, %swap3A_58, %swap3A_59] : memref<1x4096x128xf32, #tpu.memory_space<vmem>>, vector<1x4096x128xf32>
      %swap3A_61 = vector.shape_cast %swap3A_60 : vector<1x4096x128xf32> to vector<4096x128xf32>
      %swap3A_62 = vector.shape_cast %concatenate3A : vector<4096x128xf32> to vector<1x4096x128xf32>
      tpu.vector_store %arg10[%swap3A_57, %swap3A_58, %swap3A_59], %swap3A_62 {strides = array<i32>} : memref<1x4096x128xf32, #tpu.memory_space<vmem>>, vector<1x4096x128xf32>,
      %get3A_63 = arith.constant 0 : index
      %get3A_64 = arith.constant 0 : index
      %get3A_65 = arith.constant 0 : index
      %get3A_66 = vector.load %arg8[%get3A_63, %get3A_64, %get3A_65] : memref<1x3x512xf32, #tpu.memory_space<vmem>>, vector<1x3x512xf32>
      %get3A_67 = vector.shape_cast %get3A_66 : vector<1x3x512xf32> to vector<3x512xf32>
      %dot_general3A_68 = arith.constant dense<0.000000e+00> : vector<512x64xf32>
      %dot_general3A_69 = tpu.matmul %get3A_67, %slice3A_49, %dot_general3A_68 {dimension_numbers = #tpu.dot_dimension_numbers<[0], [1], [1], [0], [0, 1, 1, 0], [], []>, transpose_lhs_hint = false} : vector<3x512xf32>, vector<64x3xf32>, vector<512x64xf32> -> vector<512x64xf32>
      %get3A_70 = arith.constant 0 : index
      %get3A_71 = arith.constant 0 : index
      %get3A_72 = vector.load %arg7[%get3A_70, %get3A_71] : memref<1x64xf32, #tpu.memory_space<vmem>>, vector<1x64xf32>
      %sub3A_73 = vector.broadcast %get3A_72 : vector<1x64xf32> to vector<512x64xf32>
      %sub3A_74 = arith.subf %dot_general3A_69, %sub3A_73 : vector<512x64xf32>
      %swap3A_75 = arith.constant 0 : index
      %swap3A_76 = arith.constant 0 : index
      %swap3A_77 = arith.constant 0 : index
      %swap3A_78 = vector.load %arg11[%swap3A_75, %swap3A_76, %swap3A_77] : memref<1x512x64xf32, #tpu.memory_space<vmem>>, vector<1x512x64xf32>
      %swap3A_79 = vector.shape_cast %swap3A_78 : vector<1x512x64xf32> to vector<512x64xf32>
      %swap3A_80 = vector.shape_cast %sub3A_74 : vector<512x64xf32> to vector<1x512x64xf32>
      tpu.vector_store %arg11[%swap3A_75, %swap3A_76, %swap3A_77], %swap3A_80 {strides = array<i32>} : memref<1x512x64xf32, #tpu.memory_space<vmem>>, vector<1x512x64xf32>,
    } else {
    }
    return
  }
  func.func @transform_0(%arg0: i32, %arg1: i32) -> (i32, i32, i32) {
    %c0_i32 = arith.constant 0 : i32
    %c0_i32_0 = arith.constant 0 : i32
    %c0_i32_1 = arith.constant 0 : i32
    return %arg0, %c0_i32, %c0_i32_0 : i32, i32, i32
  }
  func.func @transform_1(%arg0: i32, %arg1: i32) -> (i32, i32, i32) {
    %c0_i32 = arith.constant 0 : i32
    %c0_i32_0 = arith.constant 0 : i32
    return %arg0, %arg1, %c0_i32 : i32, i32, i32
  }
  func.func @transform_2(%arg0: i32, %arg1: i32) -> (i32, i32) {
    %c0_i32 = arith.constant 0 : i32
    %c0_i32_0 = arith.constant 0 : i32
    %c0_i32_1 = arith.constant 0 : i32
    return %c0_i32, %c0_i32_0 : i32, i32
  }
  func.func @transform_3(%arg0: i32, %arg1: i32) -> (i32, i32, i32) {
    %c0_i32 = arith.constant 0 : i32
    %c0_i32_0 = arith.constant 0 : i32
    %c0_i32_1 = arith.constant 0 : i32
    return %arg0, %c0_i32, %c0_i32_0 : i32, i32, i32
  }
  func.func @transform_4(%arg0: i32, %arg1: i32) -> (i32, i32) {
    %c0_i32 = arith.constant 0 : i32
    %c0_i32_0 = arith.constant 0 : i32
    %c0_i32_1 = arith.constant 0 : i32
    return %c0_i32, %c0_i32_0 : i32, i32
  }
  func.func @transform_5(%arg0: i32, %arg1: i32) -> (i32, i32) {
    %c0_i32 = arith.constant 0 : i32
    %c0_i32_0 = arith.constant 0 : i32
    %c0_i32_1 = arith.constant 0 : i32
    return %c0_i32, %c0_i32_0 : i32, i32
  }
  func.func @transform_6(%arg0: i32, %arg1: i32) -> (i32, i32, i32) {
    %c0_i32 = arith.constant 0 : i32
    %c0_i32_0 = arith.constant 0 : i32
    %c0_i32_1 = arith.constant 0 : i32
    return %arg0, %c0_i32, %c0_i32_0 : i32, i32, i32
  }
  func.func @transform_7(%arg0: i32, %arg1: i32) -> (i32, i32, i32) {
    %c0_i32 = arith.constant 0 : i32
    %c0_i32_0 = arith.constant 0 : i32
    return %arg0, %arg1, %c0_i32 : i32, i32, i32
  }
  func.func @transform_8(%arg0: i32, %arg1: i32) -> (i32, i32, i32) {
    %c0_i32 = arith.constant 0 : i32
    %c0_i32_0 = arith.constant 0 : i32
    %c0_i32_1 = arith.constant 0 : i32
    return %arg0, %c0_i32, %c0_i32_0 : i32, i32, i32
  }
  func.func @transform_9(%arg0: i32, %arg1: i32) -> (i32, i32, i32) {
    %c0_i32 = arith.constant 0 : i32
    %c0_i32_0 = arith.constant 0 : i32
    %c0_i32_1 = arith.constant 0 : i32
    return %arg0, %c0_i32, %c0_i32_0 : i32, i32, i32
  }
}

module attributes {stable_mosaic.version = 14 : i64} {
  func.func @_p1_body(%arg0: i32, %arg1: memref<128x32x128xf32, #tpu.memory_space<vmem>>, %arg2: memref<128x64xf32, #tpu.memory_space<vmem>>, %arg3: memref<2x64xf32, #tpu.memory_space<vmem>>) attributes {dimension_semantics = [#tpu.dimension_semantics<arbitrary>], iteration_bounds = array<i64: 32>, scalar_prefetch = 0 : i64, scratch_operands = 0 : i64, tpu.core_type = #tpu.core_type<tc>, window_params = [{transform_indices = @transform_0, window_bounds = array<i64: 128, 32, 128>}, {transform_indices = @transform_1, window_bounds = array<i64: 128, 64>}, {pipeline_mode = #tpu.pipeline_mode<synchronous>, transform_indices = @transform_2, window_bounds = array<i64: 2, 64>}]} {
    %get3A = arith.constant 0 : index
    %get3A_0 = arith.constant 0 : index
    %get3A_1 = arith.constant 0 : index
    %get3A_2 = vector.load %arg1[%get3A, %get3A_0, %get3A_1] : memref<128x32x128xf32, #tpu.memory_space<vmem>>, vector<128x32x64xf32>
    %get3A_3 = arith.constant 0 : index
    %get3A_4 = arith.constant 0 : index
    %get3A_5 = vector.load %arg2[%get3A_3, %get3A_4] : memref<128x64xf32, #tpu.memory_space<vmem>>, vector<128x64xf32>
    %broadcast_in_dim3A = vector.shape_cast %get3A_5 : vector<128x64xf32> to vector<128x1x64xf32>
    %sub3A = vector.broadcast %broadcast_in_dim3A : vector<128x1x64xf32> to vector<128x32x64xf32>
    %sub3A_6 = arith.subf %get3A_2, %sub3A : vector<128x32x64xf32>
    %eq3A = arith.constant 0 : i32
    %eq3A_7 = arith.cmpi eq, %arg0, %eq3A : i32
    %convert_element_type3A = arith.extui %eq3A_7 : i1 to i32
    %cond3A = arith.constant 0 : i32
    %cond3A_8 = arith.cmpi ne, %convert_element_type3A, %cond3A : i32
    scf.if %cond3A_8 {
      %broadcast_in_dim3A_19 = arith.constant 0.000000e+00 : f32
      %broadcast_in_dim3A_20 = vector.broadcast %broadcast_in_dim3A_19 : f32 to vector<2x64xf32>
      %swap3A_21 = arith.constant 0 : index
      %swap3A_22 = arith.constant 0 : index
      %swap3A_23 = vector.load %arg3[%swap3A_21, %swap3A_22] : memref<2x64xf32, #tpu.memory_space<vmem>>, vector<2x64xf32>
      tpu.vector_store %arg3[%swap3A_21, %swap3A_22], %broadcast_in_dim3A_20 {strides = array<i32>} : memref<2x64xf32, #tpu.memory_space<vmem>>, vector<2x64xf32>,
    } else {
    }
    %reduce_sum3A = arith.constant dense<0.000000e+00> : vector<64xf32>
    %reduce_sum3A_9 = vector.multi_reduction <add>, %sub3A_6, %reduce_sum3A [0, 1] : vector<128x32x64xf32> to vector<64xf32>
    %mul3A = arith.mulf %sub3A_6, %sub3A_6 : vector<128x32x64xf32>
    %reduce_sum3A_10 = arith.constant dense<0.000000e+00> : vector<64xf32>
    %reduce_sum3A_11 = vector.multi_reduction <add>, %mul3A, %reduce_sum3A_10 [0, 1] : vector<128x32x64xf32> to vector<64xf32>
    %get3A_12 = arith.constant 0 : index
    %get3A_13 = arith.constant 0 : index
    %get3A_14 = vector.load %arg3[%get3A_12, %get3A_13] : memref<2x64xf32, #tpu.memory_space<vmem>>, vector<2x64xf32>
    %stack3A = vector.shape_cast %reduce_sum3A_9 : vector<64xf32> to vector<1x64xf32>
    %stack3A_15 = vector.shape_cast %reduce_sum3A_11 : vector<64xf32> to vector<1x64xf32>
    %stack3A_16 = tpu.concatenate %stack3A, %stack3A_15 in 0 : vector<1x64xf32>, vector<1x64xf32> -> vector<2x64xf32>
    %add3A = arith.addf %get3A_14, %stack3A_16 : vector<2x64xf32>
    %swap3A = arith.constant 0 : index
    %swap3A_17 = arith.constant 0 : index
    %swap3A_18 = vector.load %arg3[%swap3A, %swap3A_17] : memref<2x64xf32, #tpu.memory_space<vmem>>, vector<2x64xf32>
    tpu.vector_store %arg3[%swap3A, %swap3A_17], %add3A {strides = array<i32>} : memref<2x64xf32, #tpu.memory_space<vmem>>, vector<2x64xf32>,
    return
  }
  func.func @transform_0(%arg0: i32) -> (i32, i32, i32) {
    %c0_i32 = arith.constant 0 : i32
    %c0_i32_0 = arith.constant 0 : i32
    %c0_i32_1 = arith.constant 0 : i32
    return %arg0, %c0_i32, %c0_i32_0 : i32, i32, i32
  }
  func.func @transform_1(%arg0: i32) -> (i32, i32) {
    %c0_i32 = arith.constant 0 : i32
    %c0_i32_0 = arith.constant 0 : i32
    return %arg0, %c0_i32 : i32, i32
  }
  func.func @transform_2(%arg0: i32) -> (i32, i32) {
    %c0_i32 = arith.constant 0 : i32
    %c0_i32_0 = arith.constant 0 : i32
    %c0_i32_1 = arith.constant 0 : i32
    return %c0_i32, %c0_i32_0 : i32, i32
  }
}

module attributes {stable_mosaic.version = 14 : i64} {
  func.func @_p2_body(%arg0: i32, %arg1: memref<128x32x128xf32, #tpu.memory_space<vmem>>, %arg2: memref<128x64xf32, #tpu.memory_space<vmem>>, %arg3: memref<2x64xf32, #tpu.memory_space<vmem>>, %arg4: memref<1x64xf32, #tpu.memory_space<vmem>>, %arg5: memref<1x64xf32, #tpu.memory_space<vmem>>, %arg6: memref<64x64xf32, #tpu.memory_space<vmem>>, %arg7: memref<1x64xf32, #tpu.memory_space<vmem>>, %arg8: memref<2x64xf32, #tpu.memory_space<vmem>>, %arg9: memref<64x64xf32, #tpu.memory_space<vmem>>, %arg10: memref<1x64xf32, #tpu.memory_space<vmem>>) attributes {dimension_semantics = [#tpu.dimension_semantics<arbitrary>], iteration_bounds = array<i64: 32>, scalar_prefetch = 0 : i64, scratch_operands = 2 : i64, tpu.core_type = #tpu.core_type<tc>, window_params = [{transform_indices = @transform_0, window_bounds = array<i64: 128, 32, 128>}, {transform_indices = @transform_1, window_bounds = array<i64: 128, 64>}, {pipeline_mode = #tpu.pipeline_mode<synchronous>, transform_indices = @transform_2, window_bounds = array<i64: 2, 64>}, {pipeline_mode = #tpu.pipeline_mode<synchronous>, transform_indices = @transform_3, window_bounds = array<i64: 1, 64>}, {pipeline_mode = #tpu.pipeline_mode<synchronous>, transform_indices = @transform_4, window_bounds = array<i64: 1, 64>}, {pipeline_mode = #tpu.pipeline_mode<synchronous>, transform_indices = @transform_5, window_bounds = array<i64: 64, 64>}, {pipeline_mode = #tpu.pipeline_mode<synchronous>, transform_indices = @transform_6, window_bounds = array<i64: 1, 64>}, {pipeline_mode = #tpu.pipeline_mode<synchronous>, transform_indices = @transform_7, window_bounds = array<i64: 2, 64>}]} {
    %get3A = arith.constant 0 : index
    %get3A_0 = arith.constant 0 : index
    %get3A_1 = vector.load %arg3[%get3A, %get3A_0] : memref<2x64xf32, #tpu.memory_space<vmem>>, vector<1x64xf32>
    %div3A = arith.constant 1.310720e+05 : f32
    %div3A_2 = vector.broadcast %div3A : f32 to vector<1x64xf32>
    %div3A_3 = arith.divf %get3A_1, %div3A_2 : vector<1x64xf32>
    %get3A_4 = arith.constant 1 : index
    %get3A_5 = arith.constant 0 : index
    %get3A_6 = vector.load %arg3[%get3A_4, %get3A_5] : memref<2x64xf32, #tpu.memory_space<vmem>>, vector<1x64xf32>
    %div3A_7 = arith.constant 1.310720e+05 : f32
    %div3A_8 = vector.broadcast %div3A_7 : f32 to vector<1x64xf32>
    %div3A_9 = arith.divf %get3A_6, %div3A_8 : vector<1x64xf32>
    %mul3A = arith.mulf %div3A_3, %div3A_3 : vector<1x64xf32>
    %sub3A = arith.subf %div3A_9, %mul3A : vector<1x64xf32>
    %get3A_10 = arith.constant 0 : index
    %get3A_11 = arith.constant 0 : index
    %get3A_12 = vector.load %arg4[%get3A_10, %get3A_11] : memref<1x64xf32, #tpu.memory_space<vmem>>, vector<1x64xf32>
    %add3A = arith.constant 9.99999974E-6 : f32
    %add3A_13 = vector.broadcast %add3A : f32 to vector<1x64xf32>
    %add3A_14 = arith.addf %sub3A, %add3A_13 : vector<1x64xf32>
    %sqrt3A = math.sqrt %add3A_14 : vector<1x64xf32>
    %div3A_15 = arith.divf %get3A_12, %sqrt3A : vector<1x64xf32>
    %get3A_16 = arith.constant 0 : index
    %get3A_17 = arith.constant 0 : index
    %get3A_18 = vector.load %arg5[%get3A_16, %get3A_17] : memref<1x64xf32, #tpu.memory_space<vmem>>, vector<1x64xf32>
    %mul3A_19 = arith.mulf %div3A_3, %div3A_15 : vector<1x64xf32>
    %sub3A_20 = arith.subf %get3A_18, %mul3A_19 : vector<1x64xf32>
    %div3A_21 = arith.divf %sub3A_20, %div3A_15 : vector<1x64xf32>
    %get3A_22 = arith.constant 0 : index
    %get3A_23 = arith.constant 0 : index
    %get3A_24 = vector.load %arg6[%get3A_22, %get3A_23] : memref<64x64xf32, #tpu.memory_space<vmem>>, vector<64x64xf32>
    %mul3A_25 = vector.broadcast %div3A_15 : vector<1x64xf32> to vector<64x64xf32>
    %mul3A_26 = arith.mulf %get3A_24, %mul3A_25 : vector<64x64xf32>
    %get3A_27 = arith.constant 0 : index
    %get3A_28 = arith.constant 0 : index
    %get3A_29 = arith.constant 0 : index
    %get3A_30 = vector.load %arg1[%get3A_27, %get3A_28, %get3A_29] : memref<128x32x128xf32, #tpu.memory_space<vmem>>, vector<128x32x64xf32>
    %get3A_31 = arith.constant 0 : index
    %get3A_32 = arith.constant 0 : index
    %get3A_33 = vector.load %arg2[%get3A_31, %get3A_32] : memref<128x64xf32, #tpu.memory_space<vmem>>, vector<128x64xf32>
    %broadcast_in_dim3A = vector.shape_cast %get3A_33 : vector<128x64xf32> to vector<128x1x64xf32>
    %sub3A_34 = vector.broadcast %broadcast_in_dim3A : vector<128x1x64xf32> to vector<128x32x64xf32>
    %sub3A_35 = arith.subf %get3A_30, %sub3A_34 : vector<128x32x64xf32>
    %broadcast_in_dim3A_36 = vector.shape_cast %div3A_21 : vector<1x64xf32> to vector<1x1x64xf32>
    %add3A_37 = vector.broadcast %broadcast_in_dim3A_36 : vector<1x1x64xf32> to vector<128x32x64xf32>
    %add3A_38 = arith.addf %sub3A_35, %add3A_37 : vector<128x32x64xf32>
    %max3A = arith.constant 0.000000e+00 : f32
    %max3A_39 = vector.broadcast %max3A : f32 to vector<128x32x64xf32>
    %max3A_40 = arith.maximumf %add3A_38, %max3A_39 : vector<128x32x64xf32>
    %get3A_41 = arith.constant 0 : index
    %get3A_42 = arith.constant 0 : index
    %get3A_43 = vector.load %arg7[%get3A_41, %get3A_42] : memref<1x64xf32, #tpu.memory_space<vmem>>, vector<1x64xf32>
    %eq3A = arith.constant 0 : i32
    %eq3A_44 = arith.cmpi eq, %arg0, %eq3A : i32
    %convert_element_type3A = arith.extui %eq3A_44 : i1 to i32
    %cond3A = arith.constant 0 : i32
    %cond3A_45 = arith.cmpi ne, %convert_element_type3A, %cond3A : i32
    scf.if %cond3A_45 {
      %broadcast_in_dim3A_67 = arith.constant 0.000000e+00 : f32
      %broadcast_in_dim3A_68 = vector.broadcast %broadcast_in_dim3A_67 : f32 to vector<64x64xf32>
      %swap3A_69 = arith.constant 0 : index
      %swap3A_70 = arith.constant 0 : index
      %swap3A_71 = vector.load %arg9[%swap3A_69, %swap3A_70] : memref<64x64xf32, #tpu.memory_space<vmem>>, vector<64x64xf32>
      tpu.vector_store %arg9[%swap3A_69, %swap3A_70], %broadcast_in_dim3A_68 {strides = array<i32>} : memref<64x64xf32, #tpu.memory_space<vmem>>, vector<64x64xf32>,
      %broadcast_in_dim3A_72 = arith.constant 0.000000e+00 : f32
      %broadcast_in_dim3A_73 = vector.broadcast %broadcast_in_dim3A_72 : f32 to vector<1x64xf32>
      %swap3A_74 = arith.constant 0 : index
      %swap3A_75 = arith.constant 0 : index
      %swap3A_76 = vector.load %arg10[%swap3A_74, %swap3A_75] : memref<1x64xf32, #tpu.memory_space<vmem>>, vector<1x64xf32>
      tpu.vector_store %arg10[%swap3A_74, %swap3A_75], %broadcast_in_dim3A_73 {strides = array<i32>} : memref<1x64xf32, #tpu.memory_space<vmem>>, vector<1x64xf32>,
    } else {
    }
    %reshape3A = vector.shape_cast %max3A_40 : vector<128x32x64xf32> to vector<4096x64xf32>
    %get3A_46 = arith.constant 0 : index
    %get3A_47 = arith.constant 0 : index
    %get3A_48 = vector.load %arg9[%get3A_46, %get3A_47] : memref<64x64xf32, #tpu.memory_space<vmem>>, vector<64x64xf32>
    %dot_general3A = arith.constant dense<0.000000e+00> : vector<64x64xf32>
    %dot_general3A_49 = tpu.matmul %reshape3A, %reshape3A, %dot_general3A {dimension_numbers = #tpu.dot_dimension_numbers<[0], [0], [1], [1], [0, 1, 1, 1], [], []>, transpose_lhs_hint = false} : vector<4096x64xf32>, vector<4096x64xf32>, vector<64x64xf32> -> vector<64x64xf32>
    %add3A_50 = arith.addf %get3A_48, %dot_general3A_49 : vector<64x64xf32>
    %swap3A = arith.constant 0 : index
    %swap3A_51 = arith.constant 0 : index
    %swap3A_52 = vector.load %arg9[%swap3A, %swap3A_51] : memref<64x64xf32, #tpu.memory_space<vmem>>, vector<64x64xf32>
    tpu.vector_store %arg9[%swap3A, %swap3A_51], %add3A_50 {strides = array<i32>} : memref<64x64xf32, #tpu.memory_space<vmem>>, vector<64x64xf32>,
    %get3A_53 = arith.constant 0 : index
    %get3A_54 = arith.constant 0 : index
    %get3A_55 = vector.load %arg10[%get3A_53, %get3A_54] : memref<1x64xf32, #tpu.memory_space<vmem>>, vector<1x64xf32>
    %reduce_sum3A = arith.constant dense<0.000000e+00> : vector<64xf32>
    %reduce_sum3A_56 = vector.multi_reduction <add>, %max3A_40, %reduce_sum3A [0, 1] : vector<128x32x64xf32> to vector<64xf32>
    %reshape3A_57 = vector.shape_cast %reduce_sum3A_56 : vector<64xf32> to vector<1x64xf32>
    %add3A_58 = arith.addf %get3A_55, %reshape3A_57 : vector<1x64xf32>
    %swap3A_59 = arith.constant 0 : index
    %swap3A_60 = arith.constant 0 : index
    %swap3A_61 = vector.load %arg10[%swap3A_59, %swap3A_60] : memref<1x64xf32, #tpu.memory_space<vmem>>, vector<1x64xf32>
    tpu.vector_store %arg10[%swap3A_59, %swap3A_60], %add3A_58 {strides = array<i32>} : memref<1x64xf32, #tpu.memory_space<vmem>>, vector<1x64xf32>,
    %eq3A_62 = arith.constant 31 : i32
    %eq3A_63 = arith.cmpi eq, %arg0, %eq3A_62 : i32
    %convert_element_type3A_64 = arith.extui %eq3A_63 : i1 to i32
    %cond3A_65 = arith.constant 0 : i32
    %cond3A_66 = arith.cmpi ne, %convert_element_type3A_64, %cond3A_65 : i32
    scf.if %cond3A_66 {
      %get3A_67 = arith.constant 0 : index
      %get3A_68 = arith.constant 0 : index
      %get3A_69 = vector.load %arg10[%get3A_67, %get3A_68] : memref<1x64xf32, #tpu.memory_space<vmem>>, vector<1x64xf32>
      %dot_general3A_70 = arith.constant dense<0.000000e+00> : vector<1x64xf32>
      %dot_general3A_71 = tpu.matmul %get3A_69, %mul3A_26, %dot_general3A_70 {dimension_numbers = #tpu.dot_dimension_numbers<[1], [1], [0], [0], [0, 0, 1, 0], [], []>, transpose_lhs_hint = false} : vector<1x64xf32>, vector<64x64xf32>, vector<1x64xf32> -> vector<1x64xf32>
      %get3A_72 = arith.constant 0 : index
      %get3A_73 = arith.constant 0 : index
      %get3A_74 = vector.load %arg9[%get3A_72, %get3A_73] : memref<64x64xf32, #tpu.memory_space<vmem>>, vector<64x64xf32>
      %dot_general3A_75 = arith.constant dense<0.000000e+00> : vector<64x64xf32>
      %dot_general3A_76 = tpu.matmul %mul3A_26, %get3A_74, %dot_general3A_75 {dimension_numbers = #tpu.dot_dimension_numbers<[1], [0], [0], [1], [0, 0, 1, 1], [], []>, transpose_lhs_hint = false} : vector<64x64xf32>, vector<64x64xf32>, vector<64x64xf32> -> vector<64x64xf32>
      %mul3A_77 = arith.mulf %dot_general3A_76, %mul3A_26 : vector<64x64xf32>
      %reduce_sum3A_78 = arith.constant dense<0.000000e+00> : vector<64xf32>
      %reduce_sum3A_79 = vector.multi_reduction <add>, %mul3A_77, %reduce_sum3A_78 [1] : vector<64x64xf32> to vector<64xf32>
      %reshape3A_80 = vector.shape_cast %reduce_sum3A_79 : vector<64xf32> to vector<1x64xf32>
      %mul3A_81 = arith.constant 1.310720e+05 : f32
      %mul3A_82 = vector.broadcast %mul3A_81 : f32 to vector<1x64xf32>
      %mul3A_83 = arith.mulf %mul3A_82, %get3A_43 : vector<1x64xf32>
      %add3A_84 = arith.addf %dot_general3A_71, %mul3A_83 : vector<1x64xf32>
      %mul3A_85 = arith.constant 2.000000e+00 : f32
      %mul3A_86 = vector.broadcast %mul3A_85 : f32 to vector<1x64xf32>
      %mul3A_87 = arith.mulf %mul3A_86, %get3A_43 : vector<1x64xf32>
      %mul3A_88 = arith.mulf %mul3A_87, %dot_general3A_71 : vector<1x64xf32>
      %add3A_89 = arith.addf %reshape3A_80, %mul3A_88 : vector<1x64xf32>
      %mul3A_90 = arith.mulf %get3A_43, %get3A_43 : vector<1x64xf32>
      %mul3A_91 = arith.constant 1.310720e+05 : f32
      %mul3A_92 = vector.broadcast %mul3A_91 : f32 to vector<1x64xf32>
      %mul3A_93 = arith.mulf %mul3A_92, %mul3A_90 : vector<1x64xf32>
      %add3A_94 = arith.addf %add3A_89, %mul3A_93 : vector<1x64xf32>
      %concatenate3A = tpu.concatenate %add3A_84, %add3A_94 in 0 : vector<1x64xf32>, vector<1x64xf32> -> vector<2x64xf32>
      %swap3A_95 = arith.constant 0 : index
      %swap3A_96 = arith.constant 0 : index
      %swap3A_97 = vector.load %arg8[%swap3A_95, %swap3A_96] : memref<2x64xf32, #tpu.memory_space<vmem>>, vector<2x64xf32>
      tpu.vector_store %arg8[%swap3A_95, %swap3A_96], %concatenate3A {strides = array<i32>} : memref<2x64xf32, #tpu.memory_space<vmem>>, vector<2x64xf32>,
    } else {
    }
    return
  }
  func.func @transform_0(%arg0: i32) -> (i32, i32, i32) {
    %c0_i32 = arith.constant 0 : i32
    %c0_i32_0 = arith.constant 0 : i32
    %c0_i32_1 = arith.constant 0 : i32
    return %arg0, %c0_i32, %c0_i32_0 : i32, i32, i32
  }
  func.func @transform_1(%arg0: i32) -> (i32, i32) {
    %c0_i32 = arith.constant 0 : i32
    %c0_i32_0 = arith.constant 0 : i32
    return %arg0, %c0_i32 : i32, i32
  }
  func.func @transform_2(%arg0: i32) -> (i32, i32) {
    %c0_i32 = arith.constant 0 : i32
    %c0_i32_0 = arith.constant 0 : i32
    %c0_i32_1 = arith.constant 0 : i32
    return %c0_i32, %c0_i32_0 : i32, i32
  }
  func.func @transform_3(%arg0: i32) -> (i32, i32) {
    %c0_i32 = arith.constant 0 : i32
    %c0_i32_0 = arith.constant 0 : i32
    %c0_i32_1 = arith.constant 0 : i32
    return %c0_i32, %c0_i32_0 : i32, i32
  }
  func.func @transform_4(%arg0: i32) -> (i32, i32) {
    %c0_i32 = arith.constant 0 : i32
    %c0_i32_0 = arith.constant 0 : i32
    %c0_i32_1 = arith.constant 0 : i32
    return %c0_i32, %c0_i32_0 : i32, i32
  }
  func.func @transform_5(%arg0: i32) -> (i32, i32) {
    %c0_i32 = arith.constant 0 : i32
    %c0_i32_0 = arith.constant 0 : i32
    %c0_i32_1 = arith.constant 0 : i32
    return %c0_i32, %c0_i32_0 : i32, i32
  }
  func.func @transform_6(%arg0: i32) -> (i32, i32) {
    %c0_i32 = arith.constant 0 : i32
    %c0_i32_0 = arith.constant 0 : i32
    %c0_i32_1 = arith.constant 0 : i32
    return %c0_i32, %c0_i32_0 : i32, i32
  }
  func.func @transform_7(%arg0: i32) -> (i32, i32) {
    %c0_i32 = arith.constant 0 : i32
    %c0_i32_0 = arith.constant 0 : i32
    %c0_i32_1 = arith.constant 0 : i32
    return %c0_i32, %c0_i32_0 : i32, i32
  }
}

module attributes {stable_mosaic.version = 14 : i64} {
  func.func @_p3_body(%arg0: i32, %arg1: memref<128x32x128xf32, #tpu.memory_space<vmem>>, %arg2: memref<128x64xf32, #tpu.memory_space<vmem>>, %arg3: memref<2x64xf32, #tpu.memory_space<vmem>>, %arg4: memref<1x64xf32, #tpu.memory_space<vmem>>, %arg5: memref<1x64xf32, #tpu.memory_space<vmem>>, %arg6: memref<64x64xf32, #tpu.memory_space<vmem>>, %arg7: memref<1x64xf32, #tpu.memory_space<vmem>>, %arg8: memref<2x64xf32, #tpu.memory_space<vmem>>, %arg9: memref<1x64xf32, #tpu.memory_space<vmem>>, %arg10: memref<1x64xf32, #tpu.memory_space<vmem>>, %arg11: memref<128x64xf32, #tpu.memory_space<vmem>>, %arg12: memref<1x128xf32, #tpu.memory_space<vmem>>, %arg13: memref<2x128xf32, #tpu.memory_space<vmem>>, %arg14: memref<64x64xf32, #tpu.memory_space<vmem>>, %arg15: memref<1x64xf32, #tpu.memory_space<vmem>>) attributes {dimension_semantics = [#tpu.dimension_semantics<arbitrary>], iteration_bounds = array<i64: 32>, scalar_prefetch = 0 : i64, scratch_operands = 2 : i64, tpu.core_type = #tpu.core_type<tc>, window_params = [{transform_indices = @transform_0, window_bounds = array<i64: 128, 32, 128>}, {transform_indices = @transform_1, window_bounds = array<i64: 128, 64>}, {pipeline_mode = #tpu.pipeline_mode<synchronous>, transform_indices = @transform_2, window_bounds = array<i64: 2, 64>}, {pipeline_mode = #tpu.pipeline_mode<synchronous>, transform_indices = @transform_3, window_bounds = array<i64: 1, 64>}, {pipeline_mode = #tpu.pipeline_mode<synchronous>, transform_indices = @transform_4, window_bounds = array<i64: 1, 64>}, {pipeline_mode = #tpu.pipeline_mode<synchronous>, transform_indices = @transform_5, window_bounds = array<i64: 64, 64>}, {pipeline_mode = #tpu.pipeline_mode<synchronous>, transform_indices = @transform_6, window_bounds = array<i64: 1, 64>}, {pipeline_mode = #tpu.pipeline_mode<synchronous>, transform_indices = @transform_7, window_bounds = array<i64: 2, 64>}, {pipeline_mode = #tpu.pipeline_mode<synchronous>, transform_indices = @transform_8, window_bounds = array<i64: 1, 64>}, {pipeline_mode = #tpu.pipeline_mode<synchronous>, transform_indices = @transform_9, window_bounds = array<i64: 1, 64>}, {pipeline_mode = #tpu.pipeline_mode<synchronous>, transform_indices = @transform_10, window_bounds = array<i64: 128, 64>}, {pipeline_mode = #tpu.pipeline_mode<synchronous>, transform_indices = @transform_11, window_bounds = array<i64: 1, 128>}, {pipeline_mode = #tpu.pipeline_mode<synchronous>, transform_indices = @transform_12, window_bounds = array<i64: 2, 128>}]} {
    %get3A = arith.constant 0 : index
    %get3A_0 = arith.constant 0 : index
    %get3A_1 = vector.load %arg3[%get3A, %get3A_0] : memref<2x64xf32, #tpu.memory_space<vmem>>, vector<1x64xf32>
    %div3A = arith.constant 1.310720e+05 : f32
    %div3A_2 = vector.broadcast %div3A : f32 to vector<1x64xf32>
    %div3A_3 = arith.divf %get3A_1, %div3A_2 : vector<1x64xf32>
    %get3A_4 = arith.constant 1 : index
    %get3A_5 = arith.constant 0 : index
    %get3A_6 = vector.load %arg3[%get3A_4, %get3A_5] : memref<2x64xf32, #tpu.memory_space<vmem>>, vector<1x64xf32>
    %div3A_7 = arith.constant 1.310720e+05 : f32
    %div3A_8 = vector.broadcast %div3A_7 : f32 to vector<1x64xf32>
    %div3A_9 = arith.divf %get3A_6, %div3A_8 : vector<1x64xf32>
    %mul3A = arith.mulf %div3A_3, %div3A_3 : vector<1x64xf32>
    %sub3A = arith.subf %div3A_9, %mul3A : vector<1x64xf32>
    %get3A_10 = arith.constant 0 : index
    %get3A_11 = arith.constant 0 : index
    %get3A_12 = vector.load %arg4[%get3A_10, %get3A_11] : memref<1x64xf32, #tpu.memory_space<vmem>>, vector<1x64xf32>
    %add3A = arith.constant 9.99999974E-6 : f32
    %add3A_13 = vector.broadcast %add3A : f32 to vector<1x64xf32>
    %add3A_14 = arith.addf %sub3A, %add3A_13 : vector<1x64xf32>
    %sqrt3A = math.sqrt %add3A_14 : vector<1x64xf32>
    %div3A_15 = arith.divf %get3A_12, %sqrt3A : vector<1x64xf32>
    %get3A_16 = arith.constant 0 : index
    %get3A_17 = arith.constant 0 : index
    %get3A_18 = vector.load %arg5[%get3A_16, %get3A_17] : memref<1x64xf32, #tpu.memory_space<vmem>>, vector<1x64xf32>
    %mul3A_19 = arith.mulf %div3A_3, %div3A_15 : vector<1x64xf32>
    %sub3A_20 = arith.subf %get3A_18, %mul3A_19 : vector<1x64xf32>
    %div3A_21 = arith.divf %sub3A_20, %div3A_15 : vector<1x64xf32>
    %get3A_22 = arith.constant 0 : index
    %get3A_23 = arith.constant 0 : index
    %get3A_24 = vector.load %arg6[%get3A_22, %get3A_23] : memref<64x64xf32, #tpu.memory_space<vmem>>, vector<64x64xf32>
    %mul3A_25 = vector.broadcast %div3A_15 : vector<1x64xf32> to vector<64x64xf32>
    %mul3A_26 = arith.mulf %get3A_24, %mul3A_25 : vector<64x64xf32>
    %get3A_27 = arith.constant 0 : index
    %get3A_28 = arith.constant 0 : index
    %get3A_29 = arith.constant 0 : index
    %get3A_30 = vector.load %arg1[%get3A_27, %get3A_28, %get3A_29] : memref<128x32x128xf32, #tpu.memory_space<vmem>>, vector<128x32x64xf32>
    %get3A_31 = arith.constant 0 : index
    %get3A_32 = arith.constant 0 : index
    %get3A_33 = vector.load %arg2[%get3A_31, %get3A_32] : memref<128x64xf32, #tpu.memory_space<vmem>>, vector<128x64xf32>
    %broadcast_in_dim3A = vector.shape_cast %get3A_33 : vector<128x64xf32> to vector<128x1x64xf32>
    %sub3A_34 = vector.broadcast %broadcast_in_dim3A : vector<128x1x64xf32> to vector<128x32x64xf32>
    %sub3A_35 = arith.subf %get3A_30, %sub3A_34 : vector<128x32x64xf32>
    %broadcast_in_dim3A_36 = vector.shape_cast %div3A_21 : vector<1x64xf32> to vector<1x1x64xf32>
    %add3A_37 = vector.broadcast %broadcast_in_dim3A_36 : vector<1x1x64xf32> to vector<128x32x64xf32>
    %add3A_38 = arith.addf %sub3A_35, %add3A_37 : vector<128x32x64xf32>
    %max3A = arith.constant 0.000000e+00 : f32
    %max3A_39 = vector.broadcast %max3A : f32 to vector<128x32x64xf32>
    %max3A_40 = arith.maximumf %add3A_38, %max3A_39 : vector<128x32x64xf32>
    %get3A_41 = arith.constant 0 : index
    %get3A_42 = arith.constant 0 : index
    %get3A_43 = vector.load %arg8[%get3A_41, %get3A_42] : memref<2x64xf32, #tpu.memory_space<vmem>>, vector<1x64xf32>
    %div3A_44 = arith.constant 1.310720e+05 : f32
    %div3A_45 = vector.broadcast %div3A_44 : f32 to vector<1x64xf32>
    %div3A_46 = arith.divf %get3A_43, %div3A_45 : vector<1x64xf32>
    %get3A_47 = arith.constant 1 : index
    %get3A_48 = arith.constant 0 : index
    %get3A_49 = vector.load %arg8[%get3A_47, %get3A_48] : memref<2x64xf32, #tpu.memory_space<vmem>>, vector<1x64xf32>
    %div3A_50 = arith.constant 1.310720e+05 : f32
    %div3A_51 = vector.broadcast %div3A_50 : f32 to vector<1x64xf32>
    %div3A_52 = arith.divf %get3A_49, %div3A_51 : vector<1x64xf32>
    %mul3A_53 = arith.mulf %div3A_46, %div3A_46 : vector<1x64xf32>
    %sub3A_54 = arith.subf %div3A_52, %mul3A_53 : vector<1x64xf32>
    %get3A_55 = arith.constant 0 : index
    %get3A_56 = arith.constant 0 : index
    %get3A_57 = vector.load %arg9[%get3A_55, %get3A_56] : memref<1x64xf32, #tpu.memory_space<vmem>>, vector<1x64xf32>
    %add3A_58 = arith.constant 9.99999974E-6 : f32
    %add3A_59 = vector.broadcast %add3A_58 : f32 to vector<1x64xf32>
    %add3A_60 = arith.addf %sub3A_54, %add3A_59 : vector<1x64xf32>
    %sqrt3A_61 = math.sqrt %add3A_60 : vector<1x64xf32>
    %div3A_62 = arith.divf %get3A_57, %sqrt3A_61 : vector<1x64xf32>
    %get3A_63 = arith.constant 0 : index
    %get3A_64 = arith.constant 0 : index
    %get3A_65 = vector.load %arg10[%get3A_63, %get3A_64] : memref<1x64xf32, #tpu.memory_space<vmem>>, vector<1x64xf32>
    %mul3A_66 = arith.mulf %div3A_46, %div3A_62 : vector<1x64xf32>
    %sub3A_67 = arith.subf %get3A_65, %mul3A_66 : vector<1x64xf32>
    %div3A_68 = arith.divf %sub3A_67, %div3A_62 : vector<1x64xf32>
    %dot_general3A = arith.constant dense<0.000000e+00> : vector<128x32x64xf32>
    %dot_general3A_69 = tpu.matmul %max3A_40, %mul3A_26, %dot_general3A {dimension_numbers = #tpu.dot_dimension_numbers<[2], [1], [0, 1], [0], [0, 0, 0, 1, 1, 0], [], []>, transpose_lhs_hint = false} : vector<128x32x64xf32>, vector<64x64xf32>, vector<128x32x64xf32> -> vector<128x32x64xf32>
    %get3A_70 = arith.constant 0 : index
    %get3A_71 = arith.constant 0 : index
    %get3A_72 = vector.load %arg7[%get3A_70, %get3A_71] : memref<1x64xf32, #tpu.memory_space<vmem>>, vector<1x64xf32>
    %broadcast_in_dim3A_73 = vector.shape_cast %get3A_72 : vector<1x64xf32> to vector<1x1x64xf32>
    %add3A_74 = vector.broadcast %broadcast_in_dim3A_73 : vector<1x1x64xf32> to vector<128x32x64xf32>
    %add3A_75 = arith.addf %dot_general3A_69, %add3A_74 : vector<128x32x64xf32>
    %broadcast_in_dim3A_76 = vector.shape_cast %div3A_68 : vector<1x64xf32> to vector<1x1x64xf32>
    %add3A_77 = vector.broadcast %broadcast_in_dim3A_76 : vector<1x1x64xf32> to vector<128x32x64xf32>
    %add3A_78 = arith.addf %add3A_75, %add3A_77 : vector<128x32x64xf32>
    %max3A_79 = arith.constant 0.000000e+00 : f32
    %max3A_80 = vector.broadcast %max3A_79 : f32 to vector<128x32x64xf32>
    %max3A_81 = arith.maximumf %add3A_78, %max3A_80 : vector<128x32x64xf32>
    %get3A_82 = arith.constant 0 : index
    %get3A_83 = arith.constant 0 : index
    %get3A_84 = vector.load %arg11[%get3A_82, %get3A_83] : memref<128x64xf32, #tpu.memory_space<vmem>>, vector<128x64xf32>
    %mul3A_85 = vector.broadcast %div3A_62 : vector<1x64xf32> to vector<128x64xf32>
    %mul3A_86 = arith.mulf %get3A_84, %mul3A_85 : vector<128x64xf32>
    %get3A_87 = arith.constant 0 : index
    %get3A_88 = arith.constant 0 : index
    %get3A_89 = vector.load %arg12[%get3A_87, %get3A_88] : memref<1x128xf32, #tpu.memory_space<vmem>>, vector<1x128xf32>
    %eq3A = arith.constant 0 : i32
    %eq3A_90 = arith.cmpi eq, %arg0, %eq3A : i32
    %convert_element_type3A = arith.extui %eq3A_90 : i1 to i32
    %cond3A = arith.constant 0 : i32
    %cond3A_91 = arith.cmpi ne, %convert_element_type3A, %cond3A : i32
    scf.if %cond3A_91 {
      %broadcast_in_dim3A_114 = arith.constant 0.000000e+00 : f32
      %broadcast_in_dim3A_115 = vector.broadcast %broadcast_in_dim3A_114 : f32 to vector<64x64xf32>
      %swap3A_116 = arith.constant 0 : index
      %swap3A_117 = arith.constant 0 : index
      %swap3A_118 = vector.load %arg14[%swap3A_116, %swap3A_117] : memref<64x64xf32, #tpu.memory_space<vmem>>, vector<64x64xf32>
      tpu.vector_store %arg14[%swap3A_116, %swap3A_117], %broadcast_in_dim3A_115 {strides = array<i32>} : memref<64x64xf32, #tpu.memory_space<vmem>>, vector<64x64xf32>,
      %broadcast_in_dim3A_119 = arith.constant 0.000000e+00 : f32
      %broadcast_in_dim3A_120 = vector.broadcast %broadcast_in_dim3A_119 : f32 to vector<1x64xf32>
      %swap3A_121 = arith.constant 0 : index
      %swap3A_122 = arith.constant 0 : index
      %swap3A_123 = vector.load %arg15[%swap3A_121, %swap3A_122] : memref<1x64xf32, #tpu.memory_space<vmem>>, vector<1x64xf32>
      tpu.vector_store %arg15[%swap3A_121, %swap3A_122], %broadcast_in_dim3A_120 {strides = array<i32>} : memref<1x64xf32, #tpu.memory_space<vmem>>, vector<1x64xf32>,
    } else {
    }
    %reshape3A = vector.shape_cast %max3A_81 : vector<128x32x64xf32> to vector<4096x64xf32>
    %get3A_92 = arith.constant 0 : index
    %get3A_93 = arith.constant 0 : index
    %get3A_94 = vector.load %arg14[%get3A_92, %get3A_93] : memref<64x64xf32, #tpu.memory_space<vmem>>, vector<64x64xf32>
    %dot_general3A_95 = arith.constant dense<0.000000e+00> : vector<64x64xf32>
    %dot_general3A_96 = tpu.matmul %reshape3A, %reshape3A, %dot_general3A_95 {dimension_numbers = #tpu.dot_dimension_numbers<[0], [0], [1], [1], [0, 1, 1, 1], [], []>, transpose_lhs_hint = false} : vector<4096x64xf32>, vector<4096x64xf32>, vector<64x64xf32> -> vector<64x64xf32>
    %add3A_97 = arith.addf %get3A_94, %dot_general3A_96 : vector<64x64xf32>
    %swap3A = arith.constant 0 : index
    %swap3A_98 = arith.constant 0 : index
    %swap3A_99 = vector.load %arg14[%swap3A, %swap3A_98] : memref<64x64xf32, #tpu.memory_space<vmem>>, vector<64x64xf32>
    tpu.vector_store %arg14[%swap3A, %swap3A_98], %add3A_97 {strides = array<i32>} : memref<64x64xf32, #tpu.memory_space<vmem>>, vector<64x64xf32>,
    %get3A_100 = arith.constant 0 : index
    %get3A_101 = arith.constant 0 : index
    %get3A_102 = vector.load %arg15[%get3A_100, %get3A_101] : memref<1x64xf32, #tpu.memory_space<vmem>>, vector<1x64xf32>
    %reduce_sum3A = arith.constant dense<0.000000e+00> : vector<64xf32>
    %reduce_sum3A_103 = vector.multi_reduction <add>, %max3A_81, %reduce_sum3A [0, 1] : vector<128x32x64xf32> to vector<64xf32>
    %reshape3A_104 = vector.shape_cast %reduce_sum3A_103 : vector<64xf32> to vector<1x64xf32>
    %add3A_105 = arith.addf %get3A_102, %reshape3A_104 : vector<1x64xf32>
    %swap3A_106 = arith.constant 0 : index
    %swap3A_107 = arith.constant 0 : index
    %swap3A_108 = vector.load %arg15[%swap3A_106, %swap3A_107] : memref<1x64xf32, #tpu.memory_space<vmem>>, vector<1x64xf32>
    tpu.vector_store %arg15[%swap3A_106, %swap3A_107], %add3A_105 {strides = array<i32>} : memref<1x64xf32, #tpu.memory_space<vmem>>, vector<1x64xf32>,
    %eq3A_109 = arith.constant 31 : i32
    %eq3A_110 = arith.cmpi eq, %arg0, %eq3A_109 : i32
    %convert_element_type3A_111 = arith.extui %eq3A_110 : i1 to i32
    %cond3A_112 = arith.constant 0 : i32
    %cond3A_113 = arith.cmpi ne, %convert_element_type3A_111, %cond3A_112 : i32
    scf.if %cond3A_113 {
      %get3A_114 = arith.constant 0 : index
      %get3A_115 = arith.constant 0 : index
      %get3A_116 = vector.load %arg15[%get3A_114, %get3A_115] : memref<1x64xf32, #tpu.memory_space<vmem>>, vector<1x64xf32>
      %dot_general3A_117 = arith.constant dense<0.000000e+00> : vector<1x128xf32>
      %dot_general3A_118 = tpu.matmul %get3A_116, %mul3A_86, %dot_general3A_117 {dimension_numbers = #tpu.dot_dimension_numbers<[1], [1], [0], [0], [0, 0, 1, 0], [], []>, transpose_lhs_hint = false} : vector<1x64xf32>, vector<128x64xf32>, vector<1x128xf32> -> vector<1x128xf32>
      %get3A_119 = arith.constant 0 : index
      %get3A_120 = arith.constant 0 : index
      %get3A_121 = vector.load %arg14[%get3A_119, %get3A_120] : memref<64x64xf32, #tpu.memory_space<vmem>>, vector<64x64xf32>
      %dot_general3A_122 = arith.constant dense<0.000000e+00> : vector<128x64xf32>
      %dot_general3A_123 = tpu.matmul %mul3A_86, %get3A_121, %dot_general3A_122 {dimension_numbers = #tpu.dot_dimension_numbers<[1], [0], [0], [1], [0, 0, 1, 1], [], []>, transpose_lhs_hint = false} : vector<128x64xf32>, vector<64x64xf32>, vector<128x64xf32> -> vector<128x64xf32>
      %mul3A_124 = arith.mulf %dot_general3A_123, %mul3A_86 : vector<128x64xf32>
      %reduce_sum3A_125 = arith.constant dense<0.000000e+00> : vector<128xf32>
      %reduce_sum3A_126 = vector.multi_reduction <add>, %mul3A_124, %reduce_sum3A_125 [1] : vector<128x64xf32> to vector<128xf32>
      %reshape3A_127 = vector.shape_cast %reduce_sum3A_126 : vector<128xf32> to vector<1x128xf32>
      %mul3A_128 = arith.constant 1.310720e+05 : f32
      %mul3A_129 = vector.broadcast %mul3A_128 : f32 to vector<1x128xf32>
      %mul3A_130 = arith.mulf %mul3A_129, %get3A_89 : vector<1x128xf32>
      %add3A_131 = arith.addf %dot_general3A_118, %mul3A_130 : vector<1x128xf32>
      %mul3A_132 = arith.constant 2.000000e+00 : f32
      %mul3A_133 = vector.broadcast %mul3A_132 : f32 to vector<1x128xf32>
      %mul3A_134 = arith.mulf %mul3A_133, %get3A_89 : vector<1x128xf32>
      %mul3A_135 = arith.mulf %mul3A_134, %dot_general3A_118 : vector<1x128xf32>
      %add3A_136 = arith.addf %reshape3A_127, %mul3A_135 : vector<1x128xf32>
      %mul3A_137 = arith.mulf %get3A_89, %get3A_89 : vector<1x128xf32>
      %mul3A_138 = arith.constant 1.310720e+05 : f32
      %mul3A_139 = vector.broadcast %mul3A_138 : f32 to vector<1x128xf32>
      %mul3A_140 = arith.mulf %mul3A_139, %mul3A_137 : vector<1x128xf32>
      %add3A_141 = arith.addf %add3A_136, %mul3A_140 : vector<1x128xf32>
      %concatenate3A = tpu.concatenate %add3A_131, %add3A_141 in 0 : vector<1x128xf32>, vector<1x128xf32> -> vector<2x128xf32>
      %swap3A_142 = arith.constant 0 : index
      %swap3A_143 = arith.constant 0 : index
      %swap3A_144 = vector.load %arg13[%swap3A_142, %swap3A_143] : memref<2x128xf32, #tpu.memory_space<vmem>>, vector<2x128xf32>
      tpu.vector_store %arg13[%swap3A_142, %swap3A_143], %concatenate3A {strides = array<i32>} : memref<2x128xf32, #tpu.memory_space<vmem>>, vector<2x128xf32>,
    } else {
    }
    return
  }
  func.func @transform_0(%arg0: i32) -> (i32, i32, i32) {
    %c0_i32 = arith.constant 0 : i32
    %c0_i32_0 = arith.constant 0 : i32
    %c0_i32_1 = arith.constant 0 : i32
    return %arg0, %c0_i32, %c0_i32_0 : i32, i32, i32
  }
  func.func @transform_1(%arg0: i32) -> (i32, i32) {
    %c0_i32 = arith.constant 0 : i32
    %c0_i32_0 = arith.constant 0 : i32
    return %arg0, %c0_i32 : i32, i32
  }
  func.func @transform_2(%arg0: i32) -> (i32, i32) {
    %c0_i32 = arith.constant 0 : i32
    %c0_i32_0 = arith.constant 0 : i32
    %c0_i32_1 = arith.constant 0 : i32
    return %c0_i32, %c0_i32_0 : i32, i32
  }
  func.func @transform_3(%arg0: i32) -> (i32, i32) {
    %c0_i32 = arith.constant 0 : i32
    %c0_i32_0 = arith.constant 0 : i32
    %c0_i32_1 = arith.constant 0 : i32
    return %c0_i32, %c0_i32_0 : i32, i32
  }
  func.func @transform_4(%arg0: i32) -> (i32, i32) {
    %c0_i32 = arith.constant 0 : i32
    %c0_i32_0 = arith.constant 0 : i32
    %c0_i32_1 = arith.constant 0 : i32
    return %c0_i32, %c0_i32_0 : i32, i32
  }
  func.func @transform_5(%arg0: i32) -> (i32, i32) {
    %c0_i32 = arith.constant 0 : i32
    %c0_i32_0 = arith.constant 0 : i32
    %c0_i32_1 = arith.constant 0 : i32
    return %c0_i32, %c0_i32_0 : i32, i32
  }
  func.func @transform_6(%arg0: i32) -> (i32, i32) {
    %c0_i32 = arith.constant 0 : i32
    %c0_i32_0 = arith.constant 0 : i32
    %c0_i32_1 = arith.constant 0 : i32
    return %c0_i32, %c0_i32_0 : i32, i32
  }
  func.func @transform_7(%arg0: i32) -> (i32, i32) {
    %c0_i32 = arith.constant 0 : i32
    %c0_i32_0 = arith.constant 0 : i32
    %c0_i32_1 = arith.constant 0 : i32
    return %c0_i32, %c0_i32_0 : i32, i32
  }
  func.func @transform_8(%arg0: i32) -> (i32, i32) {
    %c0_i32 = arith.constant 0 : i32
    %c0_i32_0 = arith.constant 0 : i32
    %c0_i32_1 = arith.constant 0 : i32
    return %c0_i32, %c0_i32_0 : i32, i32
  }
  func.func @transform_9(%arg0: i32) -> (i32, i32) {
    %c0_i32 = arith.constant 0 : i32
    %c0_i32_0 = arith.constant 0 : i32
    %c0_i32_1 = arith.constant 0 : i32
    return %c0_i32, %c0_i32_0 : i32, i32
  }
  func.func @transform_10(%arg0: i32) -> (i32, i32) {
    %c0_i32 = arith.constant 0 : i32
    %c0_i32_0 = arith.constant 0 : i32
    %c0_i32_1 = arith.constant 0 : i32
    return %c0_i32, %c0_i32_0 : i32, i32
  }
  func.func @transform_11(%arg0: i32) -> (i32, i32) {
    %c0_i32 = arith.constant 0 : i32
    %c0_i32_0 = arith.constant 0 : i32
    %c0_i32_1 = arith.constant 0 : i32
    return %c0_i32, %c0_i32_0 : i32, i32
  }
  func.func @transform_12(%arg0: i32) -> (i32, i32) {
    %c0_i32 = arith.constant 0 : i32
    %c0_i32_0 = arith.constant 0 : i32
    %c0_i32_1 = arith.constant 0 : i32
    return %c0_i32, %c0_i32_0 : i32, i32
  }
}

module attributes {stable_mosaic.version = 14 : i64} {
  func.func @_p4_body(%arg0: i32, %arg1: memref<128x32x128xf32, #tpu.memory_space<vmem>>, %arg2: memref<128x64xf32, #tpu.memory_space<vmem>>, %arg3: memref<2x64xf32, #tpu.memory_space<vmem>>, %arg4: memref<1x64xf32, #tpu.memory_space<vmem>>, %arg5: memref<1x64xf32, #tpu.memory_space<vmem>>, %arg6: memref<64x64xf32, #tpu.memory_space<vmem>>, %arg7: memref<1x64xf32, #tpu.memory_space<vmem>>, %arg8: memref<2x64xf32, #tpu.memory_space<vmem>>, %arg9: memref<1x64xf32, #tpu.memory_space<vmem>>, %arg10: memref<1x64xf32, #tpu.memory_space<vmem>>, %arg11: memref<128x64xf32, #tpu.memory_space<vmem>>, %arg12: memref<1x128xf32, #tpu.memory_space<vmem>>, %arg13: memref<2x128xf32, #tpu.memory_space<vmem>>, %arg14: memref<1x128xf32, #tpu.memory_space<vmem>>, %arg15: memref<1x128xf32, #tpu.memory_space<vmem>>, %arg16: memref<128x128xf32, #tpu.memory_space<vmem>>) attributes {dimension_semantics = [#tpu.dimension_semantics<arbitrary>], iteration_bounds = array<i64: 32>, scalar_prefetch = 0 : i64, scratch_operands = 0 : i64, tpu.core_type = #tpu.core_type<tc>, window_params = [{transform_indices = @transform_0, window_bounds = array<i64: 128, 32, 128>}, {transform_indices = @transform_1, window_bounds = array<i64: 128, 64>}, {pipeline_mode = #tpu.pipeline_mode<synchronous>, transform_indices = @transform_2, window_bounds = array<i64: 2, 64>}, {pipeline_mode = #tpu.pipeline_mode<synchronous>, transform_indices = @transform_3, window_bounds = array<i64: 1, 64>}, {pipeline_mode = #tpu.pipeline_mode<synchronous>, transform_indices = @transform_4, window_bounds = array<i64: 1, 64>}, {pipeline_mode = #tpu.pipeline_mode<synchronous>, transform_indices = @transform_5, window_bounds = array<i64: 64, 64>}, {pipeline_mode = #tpu.pipeline_mode<synchronous>, transform_indices = @transform_6, window_bounds = array<i64: 1, 64>}, {pipeline_mode = #tpu.pipeline_mode<synchronous>, transform_indices = @transform_7, window_bounds = array<i64: 2, 64>}, {pipeline_mode = #tpu.pipeline_mode<synchronous>, transform_indices = @transform_8, window_bounds = array<i64: 1, 64>}, {pipeline_mode = #tpu.pipeline_mode<synchronous>, transform_indices = @transform_9, window_bounds = array<i64: 1, 64>}, {pipeline_mode = #tpu.pipeline_mode<synchronous>, transform_indices = @transform_10, window_bounds = array<i64: 128, 64>}, {pipeline_mode = #tpu.pipeline_mode<synchronous>, transform_indices = @transform_11, window_bounds = array<i64: 1, 128>}, {pipeline_mode = #tpu.pipeline_mode<synchronous>, transform_indices = @transform_12, window_bounds = array<i64: 2, 128>}, {pipeline_mode = #tpu.pipeline_mode<synchronous>, transform_indices = @transform_13, window_bounds = array<i64: 1, 128>}, {pipeline_mode = #tpu.pipeline_mode<synchronous>, transform_indices = @transform_14, window_bounds = array<i64: 1, 128>}, {transform_indices = @transform_15, window_bounds = array<i64: 128, 128>}]} {
    %get3A = arith.constant 0 : index
    %get3A_0 = arith.constant 0 : index
    %get3A_1 = vector.load %arg3[%get3A, %get3A_0] : memref<2x64xf32, #tpu.memory_space<vmem>>, vector<1x64xf32>
    %div3A = arith.constant 1.310720e+05 : f32
    %div3A_2 = vector.broadcast %div3A : f32 to vector<1x64xf32>
    %div3A_3 = arith.divf %get3A_1, %div3A_2 : vector<1x64xf32>
    %get3A_4 = arith.constant 1 : index
    %get3A_5 = arith.constant 0 : index
    %get3A_6 = vector.load %arg3[%get3A_4, %get3A_5] : memref<2x64xf32, #tpu.memory_space<vmem>>, vector<1x64xf32>
    %div3A_7 = arith.constant 1.310720e+05 : f32
    %div3A_8 = vector.broadcast %div3A_7 : f32 to vector<1x64xf32>
    %div3A_9 = arith.divf %get3A_6, %div3A_8 : vector<1x64xf32>
    %mul3A = arith.mulf %div3A_3, %div3A_3 : vector<1x64xf32>
    %sub3A = arith.subf %div3A_9, %mul3A : vector<1x64xf32>
    %get3A_10 = arith.constant 0 : index
    %get3A_11 = arith.constant 0 : index
    %get3A_12 = vector.load %arg4[%get3A_10, %get3A_11] : memref<1x64xf32, #tpu.memory_space<vmem>>, vector<1x64xf32>
    %add3A = arith.constant 9.99999974E-6 : f32
    %add3A_13 = vector.broadcast %add3A : f32 to vector<1x64xf32>
    %add3A_14 = arith.addf %sub3A, %add3A_13 : vector<1x64xf32>
    %sqrt3A = math.sqrt %add3A_14 : vector<1x64xf32>
    %div3A_15 = arith.divf %get3A_12, %sqrt3A : vector<1x64xf32>
    %get3A_16 = arith.constant 0 : index
    %get3A_17 = arith.constant 0 : index
    %get3A_18 = vector.load %arg5[%get3A_16, %get3A_17] : memref<1x64xf32, #tpu.memory_space<vmem>>, vector<1x64xf32>
    %mul3A_19 = arith.mulf %div3A_3, %div3A_15 : vector<1x64xf32>
    %sub3A_20 = arith.subf %get3A_18, %mul3A_19 : vector<1x64xf32>
    %div3A_21 = arith.divf %sub3A_20, %div3A_15 : vector<1x64xf32>
    %get3A_22 = arith.constant 0 : index
    %get3A_23 = arith.constant 0 : index
    %get3A_24 = vector.load %arg6[%get3A_22, %get3A_23] : memref<64x64xf32, #tpu.memory_space<vmem>>, vector<64x64xf32>
    %mul3A_25 = vector.broadcast %div3A_15 : vector<1x64xf32> to vector<64x64xf32>
    %mul3A_26 = arith.mulf %get3A_24, %mul3A_25 : vector<64x64xf32>
    %get3A_27 = arith.constant 0 : index
    %get3A_28 = arith.constant 0 : index
    %get3A_29 = arith.constant 0 : index
    %get3A_30 = vector.load %arg1[%get3A_27, %get3A_28, %get3A_29] : memref<128x32x128xf32, #tpu.memory_space<vmem>>, vector<128x32x64xf32>
    %get3A_31 = arith.constant 0 : index
    %get3A_32 = arith.constant 0 : index
    %get3A_33 = vector.load %arg2[%get3A_31, %get3A_32] : memref<128x64xf32, #tpu.memory_space<vmem>>, vector<128x64xf32>
    %broadcast_in_dim3A = vector.shape_cast %get3A_33 : vector<128x64xf32> to vector<128x1x64xf32>
    %sub3A_34 = vector.broadcast %broadcast_in_dim3A : vector<128x1x64xf32> to vector<128x32x64xf32>
    %sub3A_35 = arith.subf %get3A_30, %sub3A_34 : vector<128x32x64xf32>
    %broadcast_in_dim3A_36 = vector.shape_cast %div3A_21 : vector<1x64xf32> to vector<1x1x64xf32>
    %add3A_37 = vector.broadcast %broadcast_in_dim3A_36 : vector<1x1x64xf32> to vector<128x32x64xf32>
    %add3A_38 = arith.addf %sub3A_35, %add3A_37 : vector<128x32x64xf32>
    %max3A = arith.constant 0.000000e+00 : f32
    %max3A_39 = vector.broadcast %max3A : f32 to vector<128x32x64xf32>
    %max3A_40 = arith.maximumf %add3A_38, %max3A_39 : vector<128x32x64xf32>
    %get3A_41 = arith.constant 0 : index
    %get3A_42 = arith.constant 0 : index
    %get3A_43 = vector.load %arg8[%get3A_41, %get3A_42] : memref<2x64xf32, #tpu.memory_space<vmem>>, vector<1x64xf32>
    %div3A_44 = arith.constant 1.310720e+05 : f32
    %div3A_45 = vector.broadcast %div3A_44 : f32 to vector<1x64xf32>
    %div3A_46 = arith.divf %get3A_43, %div3A_45 : vector<1x64xf32>
    %get3A_47 = arith.constant 1 : index
    %get3A_48 = arith.constant 0 : index
    %get3A_49 = vector.load %arg8[%get3A_47, %get3A_48] : memref<2x64xf32, #tpu.memory_space<vmem>>, vector<1x64xf32>
    %div3A_50 = arith.constant 1.310720e+05 : f32
    %div3A_51 = vector.broadcast %div3A_50 : f32 to vector<1x64xf32>
    %div3A_52 = arith.divf %get3A_49, %div3A_51 : vector<1x64xf32>
    %mul3A_53 = arith.mulf %div3A_46, %div3A_46 : vector<1x64xf32>
    %sub3A_54 = arith.subf %div3A_52, %mul3A_53 : vector<1x64xf32>
    %get3A_55 = arith.constant 0 : index
    %get3A_56 = arith.constant 0 : index
    %get3A_57 = vector.load %arg9[%get3A_55, %get3A_56] : memref<1x64xf32, #tpu.memory_space<vmem>>, vector<1x64xf32>
    %add3A_58 = arith.constant 9.99999974E-6 : f32
    %add3A_59 = vector.broadcast %add3A_58 : f32 to vector<1x64xf32>
    %add3A_60 = arith.addf %sub3A_54, %add3A_59 : vector<1x64xf32>
    %sqrt3A_61 = math.sqrt %add3A_60 : vector<1x64xf32>
    %div3A_62 = arith.divf %get3A_57, %sqrt3A_61 : vector<1x64xf32>
    %get3A_63 = arith.constant 0 : index
    %get3A_64 = arith.constant 0 : index
    %get3A_65 = vector.load %arg10[%get3A_63, %get3A_64] : memref<1x64xf32, #tpu.memory_space<vmem>>, vector<1x64xf32>
    %mul3A_66 = arith.mulf %div3A_46, %div3A_62 : vector<1x64xf32>
    %sub3A_67 = arith.subf %get3A_65, %mul3A_66 : vector<1x64xf32>
    %div3A_68 = arith.divf %sub3A_67, %div3A_62 : vector<1x64xf32>
    %dot_general3A = arith.constant dense<0.000000e+00> : vector<128x32x64xf32>
    %dot_general3A_69 = tpu.matmul %max3A_40, %mul3A_26, %dot_general3A {dimension_numbers = #tpu.dot_dimension_numbers<[2], [1], [0, 1], [0], [0, 0, 0, 1, 1, 0], [], []>, transpose_lhs_hint = false} : vector<128x32x64xf32>, vector<64x64xf32>, vector<128x32x64xf32> -> vector<128x32x64xf32>
    %get3A_70 = arith.constant 0 : index
    %get3A_71 = arith.constant 0 : index
    %get3A_72 = vector.load %arg7[%get3A_70, %get3A_71] : memref<1x64xf32, #tpu.memory_space<vmem>>, vector<1x64xf32>
    %broadcast_in_dim3A_73 = vector.shape_cast %get3A_72 : vector<1x64xf32> to vector<1x1x64xf32>
    %add3A_74 = vector.broadcast %broadcast_in_dim3A_73 : vector<1x1x64xf32> to vector<128x32x64xf32>
    %add3A_75 = arith.addf %dot_general3A_69, %add3A_74 : vector<128x32x64xf32>
    %broadcast_in_dim3A_76 = vector.shape_cast %div3A_68 : vector<1x64xf32> to vector<1x1x64xf32>
    %add3A_77 = vector.broadcast %broadcast_in_dim3A_76 : vector<1x1x64xf32> to vector<128x32x64xf32>
    %add3A_78 = arith.addf %add3A_75, %add3A_77 : vector<128x32x64xf32>
    %max3A_79 = arith.constant 0.000000e+00 : f32
    %max3A_80 = vector.broadcast %max3A_79 : f32 to vector<128x32x64xf32>
    %max3A_81 = arith.maximumf %add3A_78, %max3A_80 : vector<128x32x64xf32>
    %get3A_82 = arith.constant 0 : index
    %get3A_83 = arith.constant 0 : index
    %get3A_84 = vector.load %arg11[%get3A_82, %get3A_83] : memref<128x64xf32, #tpu.memory_space<vmem>>, vector<128x64xf32>
    %mul3A_85 = vector.broadcast %div3A_62 : vector<1x64xf32> to vector<128x64xf32>
    %mul3A_86 = arith.mulf %get3A_84, %mul3A_85 : vector<128x64xf32>
    %dot_general3A_87 = arith.constant dense<0.000000e+00> : vector<128x32x128xf32>
    %dot_general3A_88 = tpu.matmul %max3A_81, %mul3A_86, %dot_general3A_87 {dimension_numbers = #tpu.dot_dimension_numbers<[2], [1], [0, 1], [0], [0, 0, 0, 1, 1, 0], [], []>, transpose_lhs_hint = false} : vector<128x32x64xf32>, vector<128x64xf32>, vector<128x32x128xf32> -> vector<128x32x128xf32>
    %get3A_89 = arith.constant 0 : index
    %get3A_90 = arith.constant 0 : index
    %get3A_91 = vector.load %arg12[%get3A_89, %get3A_90] : memref<1x128xf32, #tpu.memory_space<vmem>>, vector<1x128xf32>
    %broadcast_in_dim3A_92 = vector.shape_cast %get3A_91 : vector<1x128xf32> to vector<1x1x128xf32>
    %add3A_93 = vector.broadcast %broadcast_in_dim3A_92 : vector<1x1x128xf32> to vector<128x32x128xf32>
    %add3A_94 = arith.addf %dot_general3A_88, %add3A_93 : vector<128x32x128xf32>
    %reduce_max3A = arith.constant dense<0xFF800000> : vector<128x128xf32>
    %reduce_max3A_95 = vector.multi_reduction <maximumf>, %add3A_94, %reduce_max3A [1] : vector<128x32x128xf32> to vector<128x128xf32>
    %get3A_96 = arith.constant 0 : index
    %get3A_97 = arith.constant 0 : index
    %get3A_98 = vector.load %arg13[%get3A_96, %get3A_97] : memref<2x128xf32, #tpu.memory_space<vmem>>, vector<1x128xf32>
    %div3A_99 = arith.constant 1.310720e+05 : f32
    %div3A_100 = vector.broadcast %div3A_99 : f32 to vector<1x128xf32>
    %div3A_101 = arith.divf %get3A_98, %div3A_100 : vector<1x128xf32>
    %get3A_102 = arith.constant 1 : index
    %get3A_103 = arith.constant 0 : index
    %get3A_104 = vector.load %arg13[%get3A_102, %get3A_103] : memref<2x128xf32, #tpu.memory_space<vmem>>, vector<1x128xf32>
    %div3A_105 = arith.constant 1.310720e+05 : f32
    %div3A_106 = vector.broadcast %div3A_105 : f32 to vector<1x128xf32>
    %div3A_107 = arith.divf %get3A_104, %div3A_106 : vector<1x128xf32>
    %mul3A_108 = arith.mulf %div3A_101, %div3A_101 : vector<1x128xf32>
    %sub3A_109 = arith.subf %div3A_107, %mul3A_108 : vector<1x128xf32>
    %get3A_110 = arith.constant 0 : index
    %get3A_111 = arith.constant 0 : index
    %get3A_112 = vector.load %arg14[%get3A_110, %get3A_111] : memref<1x128xf32, #tpu.memory_space<vmem>>, vector<1x128xf32>
    %add3A_113 = arith.constant 9.99999974E-6 : f32
    %add3A_114 = vector.broadcast %add3A_113 : f32 to vector<1x128xf32>
    %add3A_115 = arith.addf %sub3A_109, %add3A_114 : vector<1x128xf32>
    %sqrt3A_116 = math.sqrt %add3A_115 : vector<1x128xf32>
    %div3A_117 = arith.divf %get3A_112, %sqrt3A_116 : vector<1x128xf32>
    %get3A_118 = arith.constant 0 : index
    %get3A_119 = arith.constant 0 : index
    %get3A_120 = vector.load %arg15[%get3A_118, %get3A_119] : memref<1x128xf32, #tpu.memory_space<vmem>>, vector<1x128xf32>
    %mul3A_121 = arith.mulf %div3A_101, %div3A_117 : vector<1x128xf32>
    %sub3A_122 = arith.subf %get3A_120, %mul3A_121 : vector<1x128xf32>
    %mul3A_123 = vector.broadcast %div3A_117 : vector<1x128xf32> to vector<128x128xf32>
    %mul3A_124 = arith.mulf %reduce_max3A_95, %mul3A_123 : vector<128x128xf32>
    %add3A_125 = vector.broadcast %sub3A_122 : vector<1x128xf32> to vector<128x128xf32>
    %add3A_126 = arith.addf %mul3A_124, %add3A_125 : vector<128x128xf32>
    %max3A_127 = arith.constant 0.000000e+00 : f32
    %max3A_128 = vector.broadcast %max3A_127 : f32 to vector<128x128xf32>
    %max3A_129 = arith.maximumf %add3A_126, %max3A_128 : vector<128x128xf32>
    %swap3A = arith.constant 0 : index
    %swap3A_130 = arith.constant 0 : index
    %swap3A_131 = vector.load %arg16[%swap3A, %swap3A_130] : memref<128x128xf32, #tpu.memory_space<vmem>>, vector<128x128xf32>
    tpu.vector_store %arg16[%swap3A, %swap3A_130], %max3A_129 {strides = array<i32>} : memref<128x128xf32, #tpu.memory_space<vmem>>, vector<128x128xf32>,
    return
  }
  func.func @transform_0(%arg0: i32) -> (i32, i32, i32) {
    %c0_i32 = arith.constant 0 : i32
    %c0_i32_0 = arith.constant 0 : i32
    %c0_i32_1 = arith.constant 0 : i32
    return %arg0, %c0_i32, %c0_i32_0 : i32, i32, i32
  }
  func.func @transform_1(%arg0: i32) -> (i32, i32) {
    %c0_i32 = arith.constant 0 : i32
    %c0_i32_0 = arith.constant 0 : i32
    return %arg0, %c0_i32 : i32, i32
  }
  func.func @transform_2(%arg0: i32) -> (i32, i32) {
    %c0_i32 = arith.constant 0 : i32
    %c0_i32_0 = arith.constant 0 : i32
    %c0_i32_1 = arith.constant 0 : i32
    return %c0_i32, %c0_i32_0 : i32, i32
  }
  func.func @transform_3(%arg0: i32) -> (i32, i32) {
    %c0_i32 = arith.constant 0 : i32
    %c0_i32_0 = arith.constant 0 : i32
    %c0_i32_1 = arith.constant 0 : i32
    return %c0_i32, %c0_i32_0 : i32, i32
  }
  func.func @transform_4(%arg0: i32) -> (i32, i32) {
    %c0_i32 = arith.constant 0 : i32
    %c0_i32_0 = arith.constant 0 : i32
    %c0_i32_1 = arith.constant 0 : i32
    return %c0_i32, %c0_i32_0 : i32, i32
  }
  func.func @transform_5(%arg0: i32) -> (i32, i32) {
    %c0_i32 = arith.constant 0 : i32
    %c0_i32_0 = arith.constant 0 : i32
    %c0_i32_1 = arith.constant 0 : i32
    return %c0_i32, %c0_i32_0 : i32, i32
  }
  func.func @transform_6(%arg0: i32) -> (i32, i32) {
    %c0_i32 = arith.constant 0 : i32
    %c0_i32_0 = arith.constant 0 : i32
    %c0_i32_1 = arith.constant 0 : i32
    return %c0_i32, %c0_i32_0 : i32, i32
  }
  func.func @transform_7(%arg0: i32) -> (i32, i32) {
    %c0_i32 = arith.constant 0 : i32
    %c0_i32_0 = arith.constant 0 : i32
    %c0_i32_1 = arith.constant 0 : i32
    return %c0_i32, %c0_i32_0 : i32, i32
  }
  func.func @transform_8(%arg0: i32) -> (i32, i32) {
    %c0_i32 = arith.constant 0 : i32
    %c0_i32_0 = arith.constant 0 : i32
    %c0_i32_1 = arith.constant 0 : i32
    return %c0_i32, %c0_i32_0 : i32, i32
  }
  func.func @transform_9(%arg0: i32) -> (i32, i32) {
    %c0_i32 = arith.constant 0 : i32
    %c0_i32_0 = arith.constant 0 : i32
    %c0_i32_1 = arith.constant 0 : i32
    return %c0_i32, %c0_i32_0 : i32, i32
  }
  func.func @transform_10(%arg0: i32) -> (i32, i32) {
    %c0_i32 = arith.constant 0 : i32
    %c0_i32_0 = arith.constant 0 : i32
    %c0_i32_1 = arith.constant 0 : i32
    return %c0_i32, %c0_i32_0 : i32, i32
  }
  func.func @transform_11(%arg0: i32) -> (i32, i32) {
    %c0_i32 = arith.constant 0 : i32
    %c0_i32_0 = arith.constant 0 : i32
    %c0_i32_1 = arith.constant 0 : i32
    return %c0_i32, %c0_i32_0 : i32, i32
  }
  func.func @transform_12(%arg0: i32) -> (i32, i32) {
    %c0_i32 = arith.constant 0 : i32
    %c0_i32_0 = arith.constant 0 : i32
    %c0_i32_1 = arith.constant 0 : i32
    return %c0_i32, %c0_i32_0 : i32, i32
  }
  func.func @transform_13(%arg0: i32) -> (i32, i32) {
    %c0_i32 = arith.constant 0 : i32
    %c0_i32_0 = arith.constant 0 : i32
    %c0_i32_1 = arith.constant 0 : i32
    return %c0_i32, %c0_i32_0 : i32, i32
  }
  func.func @transform_14(%arg0: i32) -> (i32, i32) {
    %c0_i32 = arith.constant 0 : i32
    %c0_i32_0 = arith.constant 0 : i32
    %c0_i32_1 = arith.constant 0 : i32
    return %c0_i32, %c0_i32_0 : i32, i32
  }
  func.func @transform_15(%arg0: i32) -> (i32, i32) {
    %c0_i32 = arith.constant 0 : i32
    %c0_i32_0 = arith.constant 0 : i32
    return %arg0, %c0_i32 : i32, i32
  }
}

</mosaic_0001>

<sc_bundles>
// kernel: kernel.9.cloned.1.call-start
scs
__scs_entry_jumppad:
0x0: {  	(pc) =	sbr.rel $0x88, $3  }
0x1: {  	(tag) =	ssettag $0x0;
	lr =	simm.s32 $0x1  }
0x2: {  	[smem:$0x3F93] =	sst lr;
	_ =	strace $0xD0000000  }
0x3: {  	_ = 	snop  }
0x4: {  	_ = 	snop  }
0x5: {  	_ = 	snop  }
0x6: {  	_ = 	snop  }
0x7: {  	_ = 	snop  }
__scs_overlays_trampoline_lowered:
0x8: {  	[smem:$0x3FA2] =	sst s0  }
0x9: {  	[smem:$0x3FA3] =	sst s1  }
0xa: {  	[smem:$0x3FA4] =	sst s2  }
0xb: {  	[smem:$0x3FA5] =	sst s3  }
0xc: {  	[smem:$0x3FA6] =	sst s4  }
0xd: {  	[smem:$0x3FA7] =	sst s5  }
0xe: {  	[smem:$0x3FA8] =	sst s6  }
0xf: {  	[smem:$0x3FA9] =	sst s7  }
0x10: {  	[smem:$0x3FAA] =	sst s8  }
0x11: {  	[smem:$0x3FAB] =	sst s9;
	s0 =	simm.s32 @!p0 $0x0  }
0x12: {  	s1 =	sld [smem:$0x3F91];
	s0 =	simm.s32 @p0 $0x1  }
0x13: {  	[smem:$0x3FAC] =	sst s0;
	s0 =	simm.s32 @!p1 $0x0  }
0x14: {  	s2 =	sld [smem:$0x3F90];
	s0 =	simm.s32 @p1 $0x1  }
0x15: {  	[smem:$0x3FAD] =	sst s0;
	s0 =	simm.s32 @!p2 $0x0  }
0x16: {  	s3 =	sld [smem:$0x3FDB];
	s0 =	simm.s32 @p2 $0x1  }
0x17: {  	s4 =	simm.s32 $0x1BF5;
	[smem:$0x3FAF] =	sst s0  }
0x18: {  	s0 =	sld [smem:$0x3F92];
	_ =	swait.ge [sflag:s4], $0x0  }
0x19: {  	s7 =	sld [smem:$0x3F93]  }
0x1a: {  	s8 =	sadd.s32 $0xFFFFE003, lr  }
0x1b: {  	s9 =	sadd.s32 $0xFFFFFEF7, lr;
	s5 =	simm.s32 $0xFFFFFFFF;
	p2 =	slt.u32 s8, $0xFFFFF086  }
0x1c: {  	p1 =	slt.u32 s9, $0xF7A;
	s5 =	simm.s32 @!p2 $0x0  }
0x1d: {  	s5 =	simm.s32 @p1 $0x1;
	p0 =	seq.s32 s7, s2  }
0x1e: {  	s7 =	smul.u32 @!p0 $0xF7A, s2;
	p2 =	seq.s32 @!p0 s5, $0x0  }
0x1f: {  	s9 =	smul.u32 $0xF7A, s1;
	s8 =	simm.s32 @!p0 $0x1BF5;
	p2 =	por !p2, p0  }
0x20: {  	[sflag:s8] =	ssyncset.s32 @!p0 $0xFFFFF086;
	s6 =	sadd.s32 @!p0 s3, s7;
	s7 =	simm.s32 @!p0 $0x108  }
0x21: {  	s3 =	sadd.s32 s3, s9;
	s6 =	sadd.s32 @!p0 $0x88, s6;
	s7 =	simm.s32 @p2 $0x1082  }
0x22: {  	[simem:s7], [sflag:s8] =	dma.local @!p0 [hbm:s6], $0xF7A  }
0x23: {  	s9 =	sor.u32 $0xD0000000, s2;
	s6 =	simm.s32 $0x108;
	_ =	swait.ge @!p0 [sflag:s8], $0x0  }
0x24: {  	s3 =	sadd.s32 $0x88, s3;
	s6 =	simm.s32 @!p1 $0x1082;
	[sflag:s4] =	ssyncset.s32 $0xFFFFF086  }
0x25: {  	[simem:s6], [sflag:s4] =	dma.local [hbm:s3], $0xF7A  }
0x26: {  	[smem:$0x3F93] =	sst s1;
	(tag) =	ssettag s2;
	_ =	strace s9  }
0x27: {  	s1 =	sld [smem:$0x3FA3]  }
0x28: {  	s2 =	sld [smem:$0x3FA4]  }
0x29: {  	s4 =	sld [smem:$0x3FA6]  }
0x2a: {  	p0 =	seq.s32 s5, $0x0;
	s5 =	sld [smem:$0x3FA7]  }
0x2b: {  	s6 =	sld [smem:$0x3FA8]  }
0x2c: {  	s7 =	sld [smem:$0x3FA9]  }
0x2d: {  	s3 =	simm.s32 $0x108;
	s8 =	sld [smem:$0x3FAA]  }
0x2e: {  	s3 =	simm.s32 @!p0 $0x1082;
	s9 =	sld [smem:$0x3FAB]  }
0x2f: {  	lr =	sadd.s32 s0, s3;
	s0 =	sld [smem:$0x3FA2]  }
0x30: {  	s3 =	sld [smem:$0x3FA5]  }
0x31: {  	[smem:$0x3FAE] =	sst s10  }
0x32: {  	s10 =	sld [smem:$0x3FAC];
	_ =	sdelay $0x3  }
0x33: {  	p0 =	seq.s32 s10, $0x1;
	s10 =	sld [smem:$0x3FAE];
	_ =	sdelay $0x3  }
0x34: {  	[smem:$0x3FAE] =	sst s10  }
0x35: {  	s10 =	sld [smem:$0x3FAD];
	_ =	sdelay $0x3  }
0x36: {  	p1 =	seq.s32 s10, $0x1;
	s10 =	sld [smem:$0x3FAE];
	_ =	sdelay $0x3  }
0x37: {  	[smem:$0x3FAE] =	sst s10  }
0x38: {  	s10 =	sld [smem:$0x3FAF]  }
0x39: {  	_ = 	snop;
	(pc) =	sbr.ind lr, $3  }
0x3a: {  	_ = 	snop  }
0x3b: {  	_ = 	snop  }
0x3c: {  	p2 =	seq.s32 s10, $0x1;
	s10 =	sld [smem:$0x3FAE]  }
0x3d: {  	_ =	shalt  }
0x3e: {  	_ =	shalt  }
0x3f: {  	_ =	shalt  }
0x40: {  	_ =	shalt  }
0x41: {  	_ =	shalt  }
0x42: {  	_ =	shalt  }
0x43: {  	_ =	shalt  }
0x44: {  	_ =	shalt  }
0x45: {  	_ =	shalt  }
0x46: {  	_ =	shalt  }
0x47: {  	_ =	shalt  }
0x48: {  	_ =	shalt  }
0x49: {  	_ =	shalt  }
0x4a: {  	_ =	shalt  }
0x4b: {  	_ =	shalt  }
0x4c: {  	_ =	shalt  }
0x4d: {  	_ =	shalt  }
0x4e: {  	_ =	shalt  }
0x4f: {  	_ =	shalt  }
0x50: {  	_ =	shalt  }
0x51: {  	_ =	shalt  }
0x52: {  	_ =	shalt  }
0x53: {  	_ =	shalt  }
0x54: {  	_ =	shalt  }
0x55: {  	_ =	shalt  }
0x56: {  	_ =	shalt  }
0x57: {  	_ =	shalt  }
0x58: {  	_ =	shalt  }
0x59: {  	_ =	shalt  }
0x5a: {  	_ =	shalt  }
0x5b: {  	_ =	shalt  }
0x5c: {  	_ =	shalt  }
0x5d: {  	_ =	shalt  }
0x5e: {  	_ =	shalt  }
0x5f: {  	_ =	shalt  }
0x60: {  	_ =	shalt  }
0x61: {  	_ =	shalt  }
0x62: {  	_ =	shalt  }
0x63: {  	_ =	shalt  }
0x64: {  	_ =	shalt  }
0x65: {  	_ =	shalt  }
0x66: {  	_ =	shalt  }
0x67: {  	_ =	shalt  }
0x68: {  	_ =	shalt  }
0x69: {  	_ =	shalt  }
0x6a: {  	_ =	shalt  }
0x6b: {  	_ =	shalt  }
0x6c: {  	_ =	shalt  }
0x6d: {  	_ =	shalt  }
0x6e: {  	_ =	shalt  }
0x6f: {  	_ =	shalt  }
0x70: {  	_ =	shalt  }
0x71: {  	_ =	shalt  }
0x72: {  	_ =	shalt  }
0x73: {  	_ =	shalt  }
0x74: {  	_ =	shalt  }
0x75: {  	_ =	shalt  }
0x76: {  	_ =	shalt  }
0x77: {  	_ =	shalt  }
0x78: {  	_ =	shalt  }
0x79: {  	_ =	shalt  }
0x7a: {  	_ =	shalt  }
0x7b: {  	_ =	shalt  }
0x7c: {  	_ =	shalt  }
0x7d: {  	_ =	shalt  }
0x7e: {  	_ =	shalt  }
0x7f: {  	_ =	shalt  }
0x80: {  	_ =	shalt  }
0x81: {  	_ =	shalt  }
0x82: {  	_ =	shalt  }
0x83: {  	_ =	shalt  }
0x84: {  	_ =	shalt  }
0x85: {  	_ =	shalt  }
0x86: {  	_ =	shalt  }
0x87: {  	_ =	shalt  }
.Lfunc_end0:
.L_simem_size_0:
called_computation_lowered:
.L_overlay_start_0:
0x88: {  	s2 =	sld [smem:$0x3FD9]  }
0x89: {  	s3 =	sld [smem:$0x3FFE];
	_ =	sdelay $0x1  }
0x8a: {  	s1 =	srdreg.scid  }
0x8b: {  	s0 =	sand.u32 $0x1, s1  }
0x8c: {  	s16 =	sshll.u32 s0, $0xA;
	s2 =	sadd.s32 s3, s2  }
0x8d: {  	s2 =	sadd.s32 s2, s16  }
0x8e: {  	[smem:$0x3FBA] =	sst s2  }
0x8f: {  	_ = 	snop  }
0x90: {  	(tm) =	ssettm $0x1  }
0x91: {  	s17 =	sld [smem:$0x3FFB];
	_ =	sdelay $0x3  }
0x92: {  	_ =	strace s17  }
0x93: {  	s2 =	sld [smem:$0x3FFC];
	_ =	sdelay $0x3  }
0x94: {  	_ =	strace s2  }
0x95: {  	s2 =	sld [smem:$0x3FFD];
	_ =	sdelay $0x3  }
0x96: {  	_ =	strace s2  }
0x97: {  	_ =	strace $0x8FFFFFFF  }
0x98: {  	s18 =	sld [smem:$0x3FDB];
	_ =	sdelay $0x1  }
0x99: {  	s19 =	simm.s32 $_scs_section_size  }
0x9a: {  	s4 =	simm.s32 $_size__tile_overlayer_lowered;
	s5 =	simm.s32 $_tile_overlayer_lowered  }
0x9b: {  	s22 =	simm.s32 $0x1BFF;
	s21 =	sshll.u32 s5, $0x1;
	s2 =	sadd.s32 s19, s18  }
0x9c: {  	s6 =	simm.s32 $0x0;
	s20 =	sshll.u32 s4, $0x1;
	s4 =	sadd.s32 s21, s2  }
0x9d: {  	[timem:s6], [sflag:s22] =	dma.local [hbm:s4], s20  }
0x9e: {  	_ =	swait.ge [sflag:s22], s20  }
0x9f: {  	s3 =	ssub.s32 $0x0, s20;
	[sflag:s22] =	ssyncset.done $0x0  }
0xa0: {  	[sflag:s22] =	ssyncadd.s32 s3;
	_ =	sdelay $0x1  }
0xa1: {  	s23 =	simm.s32 $0x1B8B  }
0xa2: {  	_ =	swait.ge [sflag:s23], $0x1  }
0xa3: {  	[sflag:s23] =	ssyncset.done $0x0  }
0xa4: {  	s25 =	simm.s32 $0x1B8E;
	s24 =	sld [smem:$0x3FFE];
	[sflag:s23] =	ssyncadd.s32 $0xFFFFFFFF  }
0xa5: {  	s26 =	simm.s32 $execute0_lowered;
	[smem:$0x3FD2] =	sst s25  }
0xa6: {  	s4 =	sshll.u32 s26, $0x1;
	_ =	strace $0x80000046;
	[dreg:$0x1] =	wrdreg $0xFFFFFFFF  }
0xa7: {  	s28 =	simm.s32 $_size_execute0_lowered;
	s2 =	sadd.s32 s2, s4;
	[dreg:$0x0] =	wrdreg $0x0  }
0xa8: {  	s4 =	sshll.u32 s28, $0x1;
	[dreg:$0x2] =	wrdreg s2  }
0xa9: {  	[dreg:$0x3] =	wrdreg s4  }
0xaa: {  	[dreg:$0x4] =	wrdreg $0xC0  }
0xab: {  	_ =	task [dreg:s6], $0x5FFFF  }
0xac: {  	[dreg:$0x1] =	wrdreg $0xFFFFFFFF  }
0xad: {  	[dreg:$0x0] =	wrdreg $0x60  }
0xae: {  	[dreg:$0x2] =	wrdreg s24  }
0xaf: {  	[dreg:$0x3] =	wrdreg $0x9  }
0xb0: {  	_ =	task.clear_ibuf [dreg:s6], $0x4FFFF;
	_ =	strace $0x90000046  }
0xb1: {  	s29 =	simm.s32 $0x9;
	_ =	strace $0x80000048  }
0xb2: {  	_ =	swait.ge [sflag:s29], $0x1  }
0xb3: {  	[sflag:s29] =	ssyncadd.s32 $0xFFFFFFFF  }
0xb4: {  	_ =	strace $0x90000048  }
0xb5: {  	_ =	sfence  }
0xb6: {  	s30 =	sld [smem:$0x0];
	_ =	sdelay $0x2  }
0xb7: {  	s31 =	sshll.u32 s1, $0xD;
	s1 =	sshrl.u32 s1, $0x2  }
0xb8: {  	s3 =	sand.u32 $0x4000, s31;
	s1 =	sadd.s32 s1, s30  }
0xb9: {  	s0 =	sor.u32 s3, s0;
	s1 =	sshll.u32 s1, $0x11  }
0xba: {  	s0 =	sor.u32 s1, s0  }
0xbb: {  	s0 =	sadd.s32 $0x8F2B, s0  }
0xbc: {  	[sflag:s0] =	ssyncadd.remote.s32 $0x1  }
0xbd: {  	_ =	sfence.sel $0xFFFF  }
0xbe: {  	[dreg:$0x0] =	wrdreg $0xFFFFFFFF;
	(pc) =	sbr.abs _section_cstart, $3  }
0xbf: {  	[dreg:$0x1] =	wrdreg $0xFFFFFFFF  }
0xc0: {  	_ =	task.clear_ibuf [dreg:s6], $0x2FFFF;
	_ =	strace $0x9FFFFFFF  }
0xc1: {  	(tm) =	ssettm $0x7FFFFFFF  }
tec
execute0_lowered:
.L_overlay_start_1:
0x0: {  	(tag) =	ssettag $0x1  }
0x1: {  	v2 =	vimm.s32 $0xB80;
	vm14 =	vcmask $0x300;
	v1 =	vimm.s32 $0x0  }
0x2: {  	vm13 =	vcmask $0x704;
	vm12 =	vcmask $0xB08;
	v3 =	vimm.s32 $0x1B80  }
0x3: {  	vm11 =	vcmask $0xF0C;
	vm10 =	vcmask $0x1310;
	vm9 =	vcmask $0x1714  }
0x4: {  	vm8 =	vcmask $0x1B18;
	vm7 =	vcmask $0x1F1C;
	vm6 =	vcmask $0x2320  }
0x5: {  	vm5 =	vcmask $0x2724;
	vm4 =	vcmask $0x2B28;
	vm3 =	vcmask $0x2F2C  }
0x6: {  	vm2 =	vcmask $0x3330;
	vm1 =	vcmask $0x3734;
	vm0 =	vcmask $0x3B38  }
0x7: {  	v6 =	vimm.s32 $0x2B80;
	v7 =	vimm.s32 $0x3B80;
	v8 =	vimm.s32 $0x4B80  }
0x8: {  	v11 =	vimm.s32 $0x5B80;
	v12 =	vimm.s32 $0x6B80;
	v13 =	vimm.s32 $0x7B80  }
0x9: {  	s3 =	stileid.u32;
	v2 =	vsel vm14, $0x0, v2;
	v3 =	vsel vm14, $0x1000, v3;
	v6 =	vsel vm14, $0x2000, v6  }
0xa: {  	s0 =	sshll.u32 s3, $0x8;
	v7 =	vsel vm14, $0x3000, v7;
	v8 =	vsel vm14, $0x4000, v8;
	v11 =	vsel vm14, $0x5000, v11  }
0xb: {  	v12 =	vsel vm14, $0x6000, v12;
	v13 =	vsel vm14, $0x7000, v13;
	v0 =	vmov s0  }
0xc: {  	v2 =	vsel vm13, $0x80, v2;
	v3 =	vsel vm13, $0x1080, v3;
	v6 =	vsel vm13, $0x2080, v6  }
0xd: {  	v7 =	vsel vm13, $0x3080, v7;
	v8 =	vsel vm13, $0x4080, v8;
	v11 =	vsel vm13, $0x5080, v11  }
0xe: {  	v12 =	vsel vm13, $0x6080, v12;
	v13 =	vsel vm13, $0x7080, v13;
	v0 =	vshrl.u32 v0, $0x9  }
0xf: {  	v2 =	vsel vm12, $0x100, v2;
	v3 =	vsel vm12, $0x1100, v3;
	v6 =	vsel vm12, $0x2100, v6  }
0x10: {  	v7 =	vsel vm12, $0x3100, v7;
	v8 =	vsel vm12, $0x4100, v8;
	v11 =	vsel vm12, $0x5100, v11  }
0x11: {  	s1 =	srdreg.scid;
	v12 =	vsel vm12, $0x6100, v12;
	v13 =	vsel vm12, $0x7100, v13;
	v0 =	vshll.u32 v0, $0xC  }
0x12: {  	s1 =	sand.u32 $0x1, s1;
	s4 =	sshll.u32 s3, $0x1;
	v2 =	vsel vm11, $0x180, v2;
	v3 =	vsel vm11, $0x1180, v3;
	v6 =	vsel vm11, $0x2180, v6  }
0x13: {  	s26 =	rddreg [dreg:$0x0];
	s2 =	simm.s32 $0x0;
	s4 =	sor.u32 s1, s4;
	v7 =	vsel vm11, $0x3180, v7;
	v8 =	vsel vm11, $0x4180, v8;
	v11 =	vsel vm11, $0x5180, v11  }
0x14: {  	[smem:$0x7FF] =	sst s2;
	s1 =	ssub.s32 $0x2, s1;
	s5 =	sshll.u32 s4, $0xC;
	v12 =	vsel vm11, $0x6180, v12;
	v13 =	vsel vm11, $0x7180, v13;
	v0 =	vbroadcast v0, $0x0  }
0x15: {  	s4 =	sshll.u32 s4, $0x10;
	s6 =	sshrl.u32 s1, $0x1;
	s5 =	sadd.s32 s5, s26;
	v2 =	vsel vm10, $0x200, v2;
	v3 =	vsel vm10, $0x1200, v3;
	v6 =	vsel vm10, $0x2200, v6  }
0x16: {  	s7 =	sadd.s32 s4, s26;
	s8 =	ssub.s32 s1, s6;
	s1 =	sadd.s32 $0x82600, s5;
	v7 =	vsel vm10, $0x3200, v7;
	v8 =	vsel vm10, $0x4200, v8;
	v11 =	vsel vm10, $0x5200, v11  }
0x17: {  	_ =	strace $0x80000047;
	s4 =	sadd.s32 $0xA2600, s7;
	v12 =	vsel vm10, $0x6200, v12;
	v13 =	vsel vm10, $0x7200, v13;
	v2 =	vsel vm9, $0x280, v2;
	[dreg:$0x2] =	wrdreg s1  }
0x18: {  	s5 =	sadd.s32 $0xA2E00, s7;
	v3 =	vsel vm9, $0x1280, v3;
	v6 =	vsel vm9, $0x2280, v6;
	[dreg:$0x3] =	wrdreg s4;
	v7 =	vsel vm9, $0x3280, v7  }
0x19: {  	s6 =	sadd.s32 $0xA3600, s7;
	[dreg:$0x4] =	wrdreg s5;
	v8 =	vsel vm9, $0x4280, v8;
	v11 =	vsel vm9, $0x5280, v11;
	v12 =	vsel vm9, $0x6280, v12  }
0x1a: {  	s9 =	sadd.s32 $0xA3E00, s7;
	[dreg:$0x5] =	wrdreg s6;
	v13 =	vsel vm9, $0x7280, v13;
	v2 =	vsel vm8, $0x300, v2;
	v3 =	vsel vm8, $0x1300, v3  }
0x1b: {  	s10 =	sadd.s32 $0xA4600, s7;
	[dreg:$0x6] =	wrdreg s9;
	v6 =	vsel vm8, $0x2300, v6;
	v7 =	vsel vm8, $0x3300, v7;
	v8 =	vsel vm8, $0x4300, v8  }
0x1c: {  	s11 =	sadd.s32 $0xA4E00, s7;
	[dreg:$0x7] =	wrdreg s10;
	v11 =	vsel vm8, $0x5300, v11;
	v12 =	vsel vm8, $0x6300, v12;
	v13 =	vsel vm8, $0x7300, v13  }
0x1d: {  	s12 =	sadd.s32 $0xA5600, s7;
	[dreg:$0x8] =	wrdreg s11;
	v2 =	vsel vm7, $0x380, v2;
	v3 =	vsel vm7, $0x1380, v3;
	v6 =	vsel vm7, $0x2380, v6  }
0x1e: {  	s13 =	sadd.s32 $0xA5E00, s7;
	[dreg:$0x9] =	wrdreg s12;
	v7 =	vsel vm7, $0x3380, v7;
	v8 =	vsel vm7, $0x4380, v8;
	v11 =	vsel vm7, $0x5380, v11  }
0x1f: {  	s14 =	sadd.s32 $0xA6600, s7;
	[dreg:$0xa] =	wrdreg s13;
	v12 =	vsel vm7, $0x6380, v12;
	v13 =	vsel vm7, $0x7380, v13;
	v2 =	vsel vm6, $0x800, v2  }
0x20: {  	s15 =	sadd.s32 $0xA6E00, s7;
	[dreg:$0xb] =	wrdreg s14;
	v3 =	vsel vm6, $0x1800, v3;
	v6 =	vsel vm6, $0x2800, v6;
	v7 =	vsel vm6, $0x3800, v7  }
0x21: {  	s16 =	sadd.s32 $0xA7600, s7;
	[dreg:$0xc] =	wrdreg s15;
	v8 =	vsel vm6, $0x4800, v8;
	v11 =	vsel vm6, $0x5800, v11;
	v12 =	vsel vm6, $0x6800, v12  }
0x22: {  	s17 =	sadd.s32 $0xA7E00, s7;
	[dreg:$0xd] =	wrdreg s16;
	v13 =	vsel vm6, $0x7800, v13;
	v2 =	vsel vm5, $0x880, v2;
	v3 =	vsel vm5, $0x1880, v3  }
0x23: {  	s18 =	sadd.s32 $0xA8600, s7;
	[dreg:$0xe] =	wrdreg s17;
	v6 =	vsel vm5, $0x2880, v6;
	v7 =	vsel vm5, $0x3880, v7;
	v8 =	vsel vm5, $0x4880, v8  }
0x24: {  	s19 =	sadd.s32 $0xA8E00, s7;
	[dreg:$0xf] =	wrdreg s18;
	v11 =	vsel vm5, $0x5880, v11;
	v12 =	vsel vm5, $0x6880, v12;
	v13 =	vsel vm5, $0x7880, v13  }
0x25: {  	s20 =	sadd.s32 $0xA9600, s7;
	[dreg:$0x10] =	wrdreg s19;
	v2 =	vsel vm4, $0x900, v2;
	v3 =	vsel vm4, $0x1900, v3;
	v6 =	vsel vm4, $0x2900, v6  }
0x26: {  	s3 =	sadd.s32 $0x2600, s26;
	s21 =	sadd.s32 $0xA9E00, s7;
	[dreg:$0x11] =	wrdreg s20;
	v7 =	vsel vm4, $0x3900, v7;
	v8 =	vsel vm4, $0x4900, v8;
	v11 =	vsel vm4, $0x5900, v11  }
0x27: {  	s22 =	sadd.s32 $0xAA600, s7;
	s23 =	sadd.s32 $0xAAE00, s7;
	[dreg:$0x12] =	wrdreg s21;
	v12 =	vsel vm4, $0x6900, v12;
	v13 =	vsel vm4, $0x7900, v13;
	v2 =	vsel vm3, $0x980, v2  }
0x28: {  	s24 =	sadd.s32 $0xAB600, s7;
	s25 =	sadd.s32 $0xABE00, s7;
	[dreg:$0x13] =	wrdreg s22;
	v3 =	vsel vm3, $0x1980, v3;
	v6 =	vsel vm3, $0x2980, v6;
	v7 =	vsel vm3, $0x3980, v7  }
0x29: {  	s26 =	sadd.s32 $0xAC600, s7;
	s28 =	sadd.s32 $0xAD600, s7;
	[dreg:$0x14] =	wrdreg s23;
	v8 =	vsel vm3, $0x4980, v8;
	v11 =	vsel vm3, $0x5980, v11;
	v12 =	vsel vm3, $0x6980, v12  }
0x2a: {  	s29 =	sadd.s32 $0xADE00, s7;
	s30 =	sadd.s32 $0xAE600, s7;
	[dreg:$0x15] =	wrdreg s24;
	v13 =	vsel vm3, $0x7980, v13;
	v2 =	vsel vm2, $0xA00, v2;
	v5 =	vsel vm2, $0x1A00, v3  }
0x2b: {  	s31 =	sadd.s32 $0xAEE00, s7;
	s0 =	sadd.s32 $0xAFE00, s7;
	[dreg:$0x16] =	wrdreg s25;
	v6 =	vsel vm2, $0x2A00, v6;
	v9 =	vsel vm2, $0x3A00, v7;
	v8 =	vsel vm2, $0x4A00, v8  }
0x2c: {  	s8 =	smax.u32 s8, $0x1;
	[dreg:$0x17] =	wrdreg s26;
	s26 =	sadd.s32 $0xACE00, s7;
	v11 =	vsel vm2, $0x5A00, v11;
	v12 =	vsel vm2, $0x6A00, v12;
	v13 =	vsel vm2, $0x7A00, v13  }
0x2d: {  	s1 =	sadd.s32 $0xAF600, s7;
	s4 =	sadd.s32 $0xB0600, s7;
	s5 =	sadd.s32 $0xB0E00, s7;
	v4 =	vsel vm1, $0xA80, v2;
	v2 =	vlaneseq.u32;
	v6 =	vsel vm1, $0x2A80, v6  }
0x2e: {  	s6 =	sadd.s32 $0xB1600, s7;
	s7 =	sadd.s32 $0xB1E00, s7;
	s9 =	simm.s32 $0x9;
	v9 =	vsel vm1, $0x3A80, v9;
	v10 =	vsel vm1, $0x4A80, v8;
	v11 =	vsel vm1, $0x5A80, v11  }
0x2f: {  	s10 =	simm.s32 $0x8000;
	s11 =	simm.s32 $0x80;
	s12 =	simm.s32 $0x9000;
	v12 =	vsel vm1, $0x6A80, v12;
	v13 =	vsel vm1, $0x7A80, v13;
	v2 =	vmul.u32 $0x20, v2  }
0x30: {  	s13 =	simm.s32 $0xD000;
	s14 =	simm.s32 $0x11000;
	s15 =	simm.s32 $0x15000;
	v3 =	vsel vm0, $0xB00, v4;
	v4 =	vsel vm1, $0x1A80, v5;
	v6 =	vsel vm0, $0x2B00, v6  }
0x31: {  	s16 =	simm.s32 $0x1;
	s17 =	simm.s32 $0x2;
	s18 =	simm.s32 $0x3;
	v8 =	vsel vm0, $0x3B00, v9;
	v10 =	vsel vm0, $0x4B00, v10;
	v11 =	vsel vm0, $0x5B00, v11  }
0x32: {  	s19 =	simm.s32 $0x4;
	s20 =	simm.s32 $0x5;
	s21 =	simm.s32 $0x6;
	v12 =	vsel vm0, $0x6B00, v12;
	v13 =	vsel vm0, $0x7B00, v13;
	v4 =	vsel vm0, $0x1B00, v4  }
0x33: {  	s22 =	simm.s32 $0x7;
	s23 =	simm.s32 $0x8;
	s24 =	simm.s32 $0x0;
	v5 =	vor.u32 $0x200, v2;
	v7 =	vor.u32 $0x400, v2;
	v9 =	vor.u32 $0x600, v2  }
.LBB2_1:
0x34: {  	v15 =	vimm.s32 $0xFFFFFFFF  }
0x35: {  	vm0 =	veq.s32 v1, $0x0;
	vm1 =	vlt.s32 v15, $0xFF  }
0x36: {  	vm0 =	vmand vm1, vm0  }
0x37: {  	v14 =	vsel vm0, $0x1, v1  }
0x38: {  	v14 =	vadd.s32 v14, v15  }
0x39: {  	vm1 =	vgt.s32 v14, $0x0  }
0x3a: {  	v16 =	vnsel vm1, $0x0, v14  }
0x3b: {  	v17 =	vshll.u32 v16, $0x3  }
0x3c: {  	v16 =	vand.u32 $0x7F, v16;
	v17 =	vand.u32 $0xFFFFFC00, v17  }
0x3d: {  	v16 =	vor.u32 v16, v17  }
0x3e: {  	s25 =	rddreg [dreg:$0x2];
	v16 =	vadd.s32 v3, v16  }
0x3f: {  	[tilespmem:s2], [sflag:$0x9] =	stream.linear.gather [hbm4b:s25+s2], $0x8000, $0x38;
	[tilespmem:$0x19000] =	vst v63  }
0x40: {  	_ =	swait.ge [sflag:s9], $0x8000  }
0x41: {  	[sflag:s9] =	ssyncset.done $0x0  }
0x42: {  	[sflag:s9] =	ssyncadd.s32 $0xFFFF8000  }
0x43: {  	v16 =	vld.idx.msk [tilespmem:v16+s2+$0x0], $0xffff;
	_ =	sdelay $0x4  }
0x44: {  	v17 =	vsel vm0, v16, v1  }
0x45: {  	v16 =	vsub.s32 $0x0, v17  }
0x46: {  	v16 =	vand.u32 v16, v17  }
0x47: {  	v18 =	vadd.s32 $0xFFFFFFFF, v16  }
0x48: {  	v19 =	vshrl.u32 v18, $0x1  }
0x49: {  	v19 =	vand.u32 $0x55555555, v19  }
0x4a: {  	vm1 =	vlt.s32 v14, $0xFF;
	vm0 =	vlt.s32 v1, $0x1F;
	v18 =	vsub.s32 v18, v19  }
0x4b: {  	v16 =	vsub.s32 v17, v16;
	v19 =	vnsel vm0, $0x1F, v1;
	v20 =	vshrl.u32 v18, $0x2  }
0x4c: {  	vm0 =	veq.s32 v16, $0x0;
	v18 =	vand.u32 $0x33333333, v18;
	v20 =	vand.u32 $0x33333333, v20  }
0x4d: {  	vm4 =	vlt.s32 v1, $0x20;
	vm0 =	vmand vm1, vm0;
	v18 =	vadd.s32 v18, v20  }
0x4e: {  	vm1 =	vgt.s32 v14, $0xFE;
	v22 =	vsel vm0, $0x1, v1;
	v21 =	vshrl.u32 v18, $0x4  }
0x4f: {  	v20 =	vshll.u32 v14, $0x4;
	v14 =	vadd.s32 v22, v14;
	v18 =	vadd.s32 v18, v21  }
0x50: {  	vm2 =	vlt.s32 v15, $0x0;
	vm3 =	vgt.s32 v14, $0x0;
	v18 =	vand.u32 $0xF0F0F0F, v18  }
0x51: {  	v21 =	vnsel vm3, $0x0, v14;
	vm3 =	vne.s32 v1, v17;
	v18 =	vmul.u32 $0x1010101, v18  }
0x52: {  	v19 =	vadd.s32 v2, v19;
	v17 =	vshll.u32 v21, $0x3;
	vm1 =	vmor vm1, vm3  }
0x53: {  	vm2 =	vmand vm2, vm3;
	vm1 =	vmand vm4, vm1;
	v18 =	vshra.s32 v18, $0x18  }
0x54: {  	v22 =	vadd.s32 v20, v18;
	v18 =	vand.u32 $0x7F, v21;
	v21 =	vand.u32 $0xFFFFFC00, v17  }
0x55: {  	v20 =	vsel vm1, $0x1, v1;
	v15 =	vsel vm2, v22, v15;
	v18 =	vor.u32 v18, v21  }
0x56: {  	v17 =	vadd.s32 v20, v1;
	vm2 =	vgt.s32 v15, $0x0;
	v20 =	vadd.s32 v3, v18  }
0x57: {  	vm15 =	vlt.s32 v17, $0x1F;
	v21 =	vnsel vm2, $0x0, v15  }
0x58: {  	s25 =	simm.s32 $0x11E;
	v18 =	vnsel vm15, $0x1F, v17;
	v21 =	vsel vm3, v22, v21  }
.LBB2_2:
0x59: {  	p0 =	sne.s32 s25, $0x1;
	s25 =	sadd.s32 $0xFFFFFFFF, s25;
	v21 =	vadd.s32 v0, v21  }
0x5a: {  	[tilespmem:v19+s10+$0x0] =	vst.idx.msk vm1, v21  }
0x5b: {  	v19 =	vld.idx.msk [tilespmem:v20+s2+$0x0], $0xffff;
	_ =	sdelay $0x5  }
0x5c: {  	v20 =	vsel vm0, v19, v16  }
0x5d: {  	v16 =	vsub.s32 $0x0, v20  }
0x5e: {  	v16 =	vand.u32 v16, v20  }
0x5f: {  	v19 =	vadd.s32 $0xFFFFFFFF, v16;
	v16 =	vsub.s32 v20, v16  }
0x60: {  	v21 =	vshrl.u32 v19, $0x1  }
0x61: {  	v21 =	vand.u32 $0x55555555, v21  }
0x62: {  	v19 =	vsub.s32 v19, v21  }
0x63: {  	v22 =	vshll.u32 v14, $0x4;
	v21 =	vand.u32 $0x33333333, v19;
	v19 =	vshrl.u32 v19, $0x2  }
0x64: {  	vm1 =	vlt.s32 v14, $0xFF;
	vm0 =	veq.s32 v16, $0x0;
	v19 =	vand.u32 $0x33333333, v19  }
0x65: {  	vm0 =	vmand vm1, vm0;
	vm1 =	vgt.s32 v14, $0xFE;
	v21 =	vadd.s32 v21, v19  }
0x66: {  	v23 =	vsel vm0, $0x1, v1;
	v19 =	vadd.s32 v2, v18;
	v24 =	vshrl.u32 v21, $0x4  }
0x67: {  	vm2 =	vlt.s32 v15, $0x0;
	v14 =	vadd.s32 v23, v14;
	v18 =	vadd.s32 v21, v24  }
0x68: {  	vm4 =	vlt.s32 v17, $0x20;
	vm3 =	vgt.s32 v14, $0x0;
	v18 =	vand.u32 $0xF0F0F0F, v18  }
0x69: {  	v21 =	vnsel vm3, $0x0, v14;
	vm3 =	vne.s32 v1, v20;
	v18 =	vmul.u32 $0x1010101, v18  }
0x6a: {  	v20 =	vshll.u32 v21, $0x3;
	vm1 =	vmor vm1, vm3;
	vm2 =	vmand vm2, vm3  }
0x6b: {  	v21 =	vand.u32 $0x7F, v21;
	v20 =	vand.u32 $0xFFFFFC00, v20;
	v18 =	vshra.s32 v18, $0x18  }
.Ltmp0:
0x6c: {  	vm1 =	vmand vm4, vm1;
	v20 =	vor.u32 v21, v20;
	v21 =	vadd.s32 v22, v18;
	(pc) =	sbr.rel @p0 .LBB2_2-.Ltmp0, $4  }
0x6d: {  	v20 =	vadd.s32 v3, v20;
	v18 =	vsel vm1, $0x1, v1;
	v15 =	vsel vm2, v21, v15  }
0x6e: {  	v17 =	vadd.s32 v18, v17;
	vm2 =	vgt.s32 v15, $0x0  }
0x6f: {  	vm4 =	vlt.s32 v17, $0x1F;
	v22 =	vnsel vm2, $0x0, v15  }
0x70: {  	v18 =	vnsel vm4, $0x1F, v17;
	v21 =	vsel vm3, v21, v22  }
0x71: {  	_ =	sdelay $0x3  }
0x72: {  	v21 =	vadd.s32 v0, v21  }
0x73: {  	[tilespmem:v19+s10+$0x0] =	vst.idx.msk vm1, v21  }
0x74: {  	v19 =	vld.idx.msk [tilespmem:v20+s2+$0x0], $0xffff;
	_ =	sdelay $0x4  }
0x75: {  	v16 =	vsel vm0, v19, v16  }
0x76: {  	v19 =	vsub.s32 $0x0, v16  }
0x77: {  	v19 =	vand.u32 v19, v16  }
0x78: {  	v19 =	vadd.s32 $0xFFFFFFFF, v19  }
0x79: {  	v20 =	vshrl.u32 v19, $0x1  }
0x7a: {  	v20 =	vand.u32 $0x55555555, v20  }
0x7b: {  	v19 =	vsub.s32 v19, v20  }
0x7c: {  	v20 =	vshrl.u32 v19, $0x2  }
0x7d: {  	v19 =	vand.u32 $0x33333333, v19;
	v20 =	vand.u32 $0x33333333, v20  }
0x7e: {  	v19 =	vadd.s32 v19, v20  }
0x7f: {  	v20 =	vshrl.u32 v19, $0x4  }
0x80: {  	vm2 =	vlt.s32 v17, $0x20;
	v19 =	vadd.s32 v19, v20  }
0x81: {  	v17 =	vimm.s32 $0x0;
	v21 =	vimm.s32 $0xFFFFFFFF;
	v19 =	vand.u32 $0xF0F0F0F, v19  }
0x82: {  	vm0 =	vgt.s32 v14, $0xFE;
	v20 =	vshll.u32 v14, $0x4;
	v14 =	vmul.u32 $0x1010101, v19  }
0x83: {  	vm1 =	vlt.s32 v15, $0x0;
	vm4 =	vlt.s32 v21, $0xFF;
	vm3 =	vne.s32 v1, v16  }
0x84: {  	vm0 =	vmor vm0, vm3;
	vm1 =	vmand vm1, vm3;
	v14 =	vshra.s32 v14, $0x18  }
0x85: {  	vm0 =	vmand vm2, vm0;
	vm2 =	veq.s32 v17, $0x0;
	v14 =	vadd.s32 v20, v14  }
0x86: {  	v16 =	vadd.s32 v2, v18;
	v15 =	vsel vm1, v14, v15;
	vm1 =	vmand vm4, vm2  }
0x87: {  	vm2 =	vgt.s32 v15, $0x0;
	v18 =	vsel vm1, $0x1, v1  }
0x88: {  	v15 =	vnsel vm2, $0x0, v15;
	v18 =	vadd.s32 v18, v21  }
0x89: {  	v14 =	vsel vm3, v14, v15;
	vm2 =	vgt.s32 v18, $0x0  }
0x8a: {  	v14 =	vadd.s32 v0, v14;
	v15 =	vnsel vm2, $0x0, v18  }
0x8b: {  	[tilespmem:v16+s10+$0x0] =	vst.idx.msk vm0, v14;
	v14 =	vshll.u32 v15, $0x3  }
0x8c: {  	v15 =	vand.u32 $0x7F, v15;
	[tilespmem:s12], [sflag:$0x1] =	stream.indirect.gather [hbm4b:s3+s11], $0x80, s10, s11, $0xb8;
	v14 =	vand.u32 $0xFFFFFC00, v14;
	[tilespmem:$0x19000] =	vst v63  }
0x8d: {  	s25 =	simm.s32 $0x8080;
	v14 =	vor.u32 v15, v14  }
0x8e: {  	[tilespmem:s13], [sflag:$0x2] =	stream.indirect.gather [hbm4b:s3+s11], $0x80, s25, s11, $0xb8;
	v14 =	vadd.s32 v4, v14;
	[tilespmem:$0x19000] =	vst v63  }
0x8f: {  	s25 =	simm.s32 $0x8100  }
0x90: {  	[tilespmem:s14], [sflag:$0x3] =	stream.indirect.gather [hbm4b:s3+s11], $0x80, s25, s11, $0xb8;
	[tilespmem:$0x19000] =	vst v63  }
0x91: {  	s25 =	simm.s32 $0x8180  }
0x92: {  	[tilespmem:s15], [sflag:$0x4] =	stream.indirect.gather [hbm4b:s3+s11], $0x80, s25, s11, $0xb8;
	[tilespmem:$0x19000] =	vst v63  }
0x93: {  	v14 =	vld.idx.msk [tilespmem:v14+s2+$0x0], $0xffff;
	_ =	sdelay $0x4  }
0x94: {  	v15 =	vsel vm1, v14, v17  }
0x95: {  	v14 =	vsub.s32 $0x0, v15  }
0x96: {  	v14 =	vand.u32 v14, v15  }
0x97: {  	v16 =	vadd.s32 $0xFFFFFFFF, v14  }
0x98: {  	v19 =	vshrl.u32 v16, $0x1  }
0x99: {  	v19 =	vand.u32 $0x55555555, v19  }
0x9a: {  	vm0 =	vlt.s32 v17, $0x1F;
	v19 =	vsub.s32 v16, v19  }
0x9b: {  	v20 =	vnsel vm0, $0x1F, v17;
	v22 =	vshrl.u32 v19, $0x2  }
0x9c: {  	v16 =	vsub.s32 v15, v14;
	v14 =	vand.u32 $0x33333333, v19;
	v19 =	vand.u32 $0x33333333, v22  }
0x9d: {  	vm1 =	vlt.s32 v18, $0xFF;
	vm0 =	veq.s32 v16, $0x0;
	v14 =	vadd.s32 v14, v19  }
0x9e: {  	vm14 =	vlt.s32 v17, $0x20;
	vm0 =	vmand vm1, vm0;
	v19 =	vshrl.u32 v14, $0x4  }
0x9f: {  	v22 =	vshll.u32 v18, $0x4;
	v23 =	vsel vm0, $0x1, v1;
	v24 =	vadd.s32 v14, v19  }
0xa0: {  	vm1 =	vgt.s32 v18, $0xFE;
	v14 =	vadd.s32 v23, v18;
	v18 =	vand.u32 $0xF0F0F0F, v24  }
0xa1: {  	vm2 =	vlt.s32 v21, $0x0;
	vm3 =	vgt.s32 v14, $0x0;
	v18 =	vmul.u32 $0x1010101, v18  }
0xa2: {  	v19 =	vadd.s32 v5, v20;
	v20 =	vnsel vm3, $0x0, v14;
	vm3 =	vne.s32 v1, v15  }
0xa3: {  	v23 =	vshll.u32 v20, $0x3;
	vm1 =	vmor vm1, vm3;
	v15 =	vshra.s32 v18, $0x18  }
0xa4: {  	vm2 =	vmand vm2, vm3;
	vm1 =	vmand vm14, vm1;
	v22 =	vadd.s32 v22, v15  }
0xa5: {  	v18 =	vand.u32 $0x7F, v20;
	v15 =	vsel vm2, v22, v21;
	v21 =	vand.u32 $0xFFFFFC00, v23  }
0xa6: {  	v20 =	vsel vm1, $0x1, v1;
	v18 =	vor.u32 v18, v21  }
0xa7: {  	v17 =	vadd.s32 v20, v17;
	vm2 =	vgt.s32 v15, $0x0;
	v20 =	vadd.s32 v4, v18  }
0xa8: {  	vm15 =	vlt.s32 v17, $0x1F;
	v21 =	vnsel vm2, $0x0, v15  }
0xa9: {  	s25 =	simm.s32 $0x11E;
	v18 =	vnsel vm15, $0x1F, v17;
	v21 =	vsel vm3, v22, v21  }
.LBB2_4:
0xaa: {  	p0 =	sne.s32 s25, $0x1;
	s25 =	sadd.s32 $0xFFFFFFFF, s25;
	v21 =	vadd.s32 v0, v21  }
0xab: {  	[tilespmem:v19+s10+$0x0] =	vst.idx.msk vm1, v21  }
0xac: {  	v19 =	vld.idx.msk [tilespmem:v20+s2+$0x0], $0xffff;
	_ =	sdelay $0x5  }
0xad: {  	v20 =	vsel vm0, v19, v16  }
0xae: {  	v16 =	vsub.s32 $0x0, v20  }
0xaf: {  	v16 =	vand.u32 v16, v20  }
0xb0: {  	v19 =	vadd.s32 $0xFFFFFFFF, v16;
	v16 =	vsub.s32 v20, v16  }
0xb1: {  	v21 =	vshrl.u32 v19, $0x1  }
0xb2: {  	v21 =	vand.u32 $0x55555555, v21  }
0xb3: {  	v19 =	vsub.s32 v19, v21  }
0xb4: {  	v22 =	vshll.u32 v14, $0x4;
	v21 =	vand.u32 $0x33333333, v19;
	v19 =	vshrl.u32 v19, $0x2  }
0xb5: {  	vm1 =	vlt.s32 v14, $0xFF;
	vm0 =	veq.s32 v16, $0x0;
	v19 =	vand.u32 $0x33333333, v19  }
0xb6: {  	vm0 =	vmand vm1, vm0;
	vm1 =	vgt.s32 v14, $0xFE;
	v21 =	vadd.s32 v21, v19  }
0xb7: {  	v23 =	vsel vm0, $0x1, v1;
	v19 =	vadd.s32 v5, v18;
	v24 =	vshrl.u32 v21, $0x4  }
0xb8: {  	vm2 =	vlt.s32 v15, $0x0;
	v14 =	vadd.s32 v23, v14;
	v18 =	vadd.s32 v21, v24  }
0xb9: {  	vm4 =	vlt.s32 v17, $0x20;
	vm3 =	vgt.s32 v14, $0x0;
	v18 =	vand.u32 $0xF0F0F0F, v18  }
0xba: {  	v21 =	vnsel vm3, $0x0, v14;
	vm3 =	vne.s32 v1, v20;
	v18 =	vmul.u32 $0x1010101, v18  }
0xbb: {  	v20 =	vshll.u32 v21, $0x3;
	vm1 =	vmor vm1, vm3;
	vm2 =	vmand vm2, vm3  }
0xbc: {  	v21 =	vand.u32 $0x7F, v21;
	v20 =	vand.u32 $0xFFFFFC00, v20;
	v18 =	vshra.s32 v18, $0x18  }
.Ltmp1:
0xbd: {  	vm1 =	vmand vm4, vm1;
	v20 =	vor.u32 v21, v20;
	v21 =	vadd.s32 v22, v18;
	(pc) =	sbr.rel @p0 .LBB2_4-.Ltmp1, $4  }
0xbe: {  	v20 =	vadd.s32 v4, v20;
	v18 =	vsel vm1, $0x1, v1;
	v15 =	vsel vm2, v21, v15  }
0xbf: {  	v17 =	vadd.s32 v18, v17;
	vm2 =	vgt.s32 v15, $0x0  }
0xc0: {  	vm4 =	vlt.s32 v17, $0x1F;
	v22 =	vnsel vm2, $0x0, v15  }
0xc1: {  	v18 =	vnsel vm4, $0x1F, v17;
	v21 =	vsel vm3, v21, v22  }
0xc2: {  	_ =	sdelay $0x3  }
0xc3: {  	v21 =	vadd.s32 v0, v21  }
0xc4: {  	[tilespmem:v19+s10+$0x0] =	vst.idx.msk vm1, v21  }
0xc5: {  	v19 =	vld.idx.msk [tilespmem:v20+s2+$0x0], $0xffff;
	_ =	sdelay $0x4  }
0xc6: {  	v16 =	vsel vm0, v19, v16  }
0xc7: {  	v19 =	vsub.s32 $0x0, v16  }
0xc8: {  	v19 =	vand.u32 v19, v16  }
0xc9: {  	v19 =	vadd.s32 $0xFFFFFFFF, v19  }
0xca: {  	v20 =	vshrl.u32 v19, $0x1  }
0xcb: {  	v20 =	vand.u32 $0x55555555, v20  }
0xcc: {  	v19 =	vsub.s32 v19, v20  }
0xcd: {  	v20 =	vshrl.u32 v19, $0x2  }
0xce: {  	v19 =	vand.u32 $0x33333333, v19;
	v20 =	vand.u32 $0x33333333, v20  }
0xcf: {  	v19 =	vadd.s32 v19, v20  }
0xd0: {  	v20 =	vshrl.u32 v19, $0x4  }
0xd1: {  	v19 =	vadd.s32 v19, v20  }
0xd2: {  	v19 =	vand.u32 $0xF0F0F0F, v19  }
0xd3: {  	vm3 =	vlt.s32 v17, $0x20;
	v19 =	vmul.u32 $0x1010101, v19  }
0xd4: {  	vm1 =	vlt.s32 v15, $0x0;
	vm0 =	vgt.s32 v14, $0xFE;
	vm2 =	vne.s32 v1, v16  }
0xd5: {  	vm0 =	vmor vm0, vm2;
	v20 =	vshll.u32 v14, $0x4;
	v14 =	vshra.s32 v19, $0x18  }
0xd6: {  	vm1 =	vmand vm1, vm2;
	vm0 =	vmand vm3, vm0;
	v14 =	vadd.s32 v20, v14  }
0xd7: {  	v16 =	vadd.s32 v5, v18;
	v15 =	vsel vm1, v14, v15  }
0xd8: {  	vm1 =	vgt.s32 v15, $0x0  }
0xd9: {  	v15 =	vnsel vm1, $0x0, v15  }
0xda: {  	v14 =	vsel vm2, v14, v15  }
0xdb: {  	v14 =	vadd.s32 v0, v14  }
0xdc: {  	[tilespmem:v16+s10+$0x0] =	vst.idx.msk vm0, v14  }
0xdd: {  	_ =	swait.ge [sflag:s16], $0x4000  }
0xde: {  	[sflag:s16] =	ssyncset.done $0x0  }
0xdf: {  	s25 =	rddreg [dreg:$0x3];
	[sflag:s16] =	ssyncadd.s32 $0xFFFFC000  }
0xe0: {  	[hbm4b:s25+s2] =	stream.linear.scatter [tilespmem:s12], [sflag:$0x5], $0x4000, $0x38;
	[tilespmem:$0x19000] =	vst v63  }
0xe1: {  	_ =	swait.ge [sflag:s17], $0x4000  }
0xe2: {  	[sflag:s17] =	ssyncset.done $0x0  }
0xe3: {  	s25 =	rddreg [dreg:$0x4];
	[sflag:s17] =	ssyncadd.s32 $0xFFFFC000  }
0xe4: {  	[hbm4b:s25+s2] =	stream.linear.scatter [tilespmem:s13], [sflag:$0x6], $0x4000, $0x38;
	[tilespmem:$0x19000] =	vst v63  }
0xe5: {  	_ =	swait.ge [sflag:s18], $0x4000  }
0xe6: {  	[sflag:s18] =	ssyncset.done $0x0  }
0xe7: {  	s25 =	rddreg [dreg:$0x5];
	[sflag:s18] =	ssyncadd.s32 $0xFFFFC000  }
0xe8: {  	[hbm4b:s25+s2] =	stream.linear.scatter [tilespmem:s14], [sflag:$0x7], $0x4000, $0x38;
	[tilespmem:$0x19000] =	vst v63  }
0xe9: {  	_ =	swait.ge [sflag:s19], $0x4000  }
0xea: {  	[sflag:s19] =	ssyncset.done $0x0  }
0xeb: {  	s25 =	rddreg [dreg:$0x6];
	[sflag:s19] =	ssyncadd.s32 $0xFFFFC000  }
0xec: {  	[hbm4b:s25+s2] =	stream.linear.scatter [tilespmem:s15], [sflag:$0x8], $0x4000, $0x38;
	[tilespmem:$0x19000] =	vst v63  }
0xed: {  	_ =	swait.ge [sflag:s20], $0x4000  }
0xee: {  	v17 =	vimm.s32 $0x0;
	v15 =	vimm.s32 $0xFFFFFFFF;
	[sflag:s20] =	ssyncset.done $0x0  }
0xef: {  	vm1 =	vlt.s32 v15, $0xFF;
	vm0 =	veq.s32 v17, $0x0;
	s25 =	simm.s32 $0x8200;
	[sflag:s20] =	ssyncadd.s32 $0xFFFFC000  }
0xf0: {  	vm0 =	vmand vm1, vm0;
	[tilespmem:s12], [sflag:$0x1] =	stream.indirect.gather [hbm4b:s3+s11], $0x80, s25, s11, $0xb8;
	[tilespmem:$0x19000] =	vst v63  }
0xf1: {  	v14 =	vsel vm0, $0x1, v1;
	_ =	swait.ge [sflag:s21], $0x4000  }
0xf2: {  	v14 =	vadd.s32 v14, v15;
	[sflag:s21] =	ssyncset.done $0x0  }
0xf3: {  	vm1 =	vgt.s32 v14, $0x0;
	s25 =	simm.s32 $0x8280;
	[sflag:s21] =	ssyncadd.s32 $0xFFFFC000  }
0xf4: {  	v16 =	vnsel vm1, $0x0, v14;
	[tilespmem:s13], [sflag:$0x2] =	stream.indirect.gather [hbm4b:s3+s11], $0x80, s25, s11, $0xb8;
	[tilespmem:$0x19000] =	vst v63  }
0xf5: {  	v18 =	vshll.u32 v16, $0x3;
	_ =	swait.ge [sflag:s22], $0x4000  }
0xf6: {  	v16 =	vand.u32 $0x7F, v16;
	v18 =	vand.u32 $0xFFFFFC00, v18;
	[sflag:s22] =	ssyncset.done $0x0  }
0xf7: {  	v16 =	vor.u32 v16, v18;
	s25 =	simm.s32 $0x8300;
	[sflag:s22] =	ssyncadd.s32 $0xFFFFC000  }
0xf8: {  	v16 =	vadd.s32 v6, v16;
	[tilespmem:s14], [sflag:$0x3] =	stream.indirect.gather [hbm4b:s3+s11], $0x80, s25, s11, $0xb8;
	[tilespmem:$0x19000] =	vst v63  }
0xf9: {  	_ =	swait.ge [sflag:s23], $0x4000  }
0xfa: {  	[sflag:s23] =	ssyncset.done $0x0  }
0xfb: {  	s25 =	simm.s32 $0x8380;
	[sflag:s23] =	ssyncadd.s32 $0xFFFFC000  }
0xfc: {  	[tilespmem:s15], [sflag:$0x4] =	stream.indirect.gather [hbm4b:s3+s11], $0x80, s25, s11, $0xb8;
	[tilespmem:$0x19000] =	vst v63  }
0xfd: {  	v16 =	vld.idx.msk [tilespmem:v16+s2+$0x0], $0xffff;
	_ =	sdelay $0x4  }
0xfe: {  	v18 =	vsel vm0, v16, v17  }
0xff: {  	v16 =	vsub.s32 $0x0, v18  }
0x100: {  	v16 =	vand.u32 v16, v18  }
0x101: {  	v19 =	vadd.s32 $0xFFFFFFFF, v16  }
0x102: {  	v20 =	vshrl.u32 v19, $0x1  }
0x103: {  	v20 =	vand.u32 $0x55555555, v20  }
0x104: {  	vm1 =	vlt.s32 v14, $0xFF;
	vm0 =	vlt.s32 v17, $0x1F;
	v19 =	vsub.s32 v19, v20  }
0x105: {  	v16 =	vsub.s32 v18, v16;
	v20 =	vnsel vm0, $0x1F, v17;
	v21 =	vshrl.u32 v19, $0x2  }
0x106: {  	vm0 =	veq.s32 v16, $0x0;
	v19 =	vand.u32 $0x33333333, v19;
	v21 =	vand.u32 $0x33333333, v21  }
0x107: {  	vm4 =	vlt.s32 v17, $0x20;
	vm0 =	vmand vm1, vm0;
	v19 =	vadd.s32 v19, v21  }
0x108: {  	vm1 =	vgt.s32 v14, $0xFE;
	v23 =	vsel vm0, $0x1, v1;
	v22 =	vshrl.u32 v19, $0x4  }
0x109: {  	v21 =	vshll.u32 v14, $0x4;
	v14 =	vadd.s32 v23, v14;
	v22 =	vadd.s32 v19, v22  }
0x10a: {  	vm3 =	vgt.s32 v14, $0x0;
	v19 =	vadd.s32 v7, v20;
	v20 =	vand.u32 $0xF0F0F0F, v22  }
0x10b: {  	v22 =	vnsel vm3, $0x0, v14;
	vm3 =	vne.s32 v1, v18;
	v20 =	vmul.u32 $0x1010101, v20  }
0x10c: {  	vm2 =	vlt.s32 v15, $0x0;
	v18 =	vshll.u32 v22, $0x3;
	vm1 =	vmor vm1, vm3  }
0x10d: {  	vm2 =	vmand vm2, vm3;
	vm1 =	vmand vm4, vm1;
	v20 =	vshra.s32 v20, $0x18  }
0x10e: {  	v18 =	vand.u32 $0xFFFFFC00, v18;
	v21 =	vadd.s32 v21, v20;
	v20 =	vand.u32 $0x7F, v22  }
0x10f: {  	v22 =	vsel vm1, $0x1, v1;
	v15 =	vsel vm2, v21, v15;
	v18 =	vor.u32 v20, v18  }
0x110: {  	v17 =	vadd.s32 v22, v17;
	vm2 =	vgt.s32 v15, $0x0;
	v20 =	vadd.s32 v6, v18  }
0x111: {  	vm15 =	vlt.s32 v17, $0x1F;
	v22 =	vnsel vm2, $0x0, v15  }
0x112: {  	s25 =	simm.s32 $0x11E;
	v18 =	vnsel vm15, $0x1F, v17;
	v21 =	vsel vm3, v21, v22  }
.LBB2_6:
0x113: {  	p0 =	sne.s32 s25, $0x1;
	s25 =	sadd.s32 $0xFFFFFFFF, s25;
	v21 =	vadd.s32 v0, v21  }
0x114: {  	[tilespmem:v19+s10+$0x0] =	vst.idx.msk vm1, v21  }
0x115: {  	v19 =	vld.idx.msk [tilespmem:v20+s2+$0x0], $0xffff;
	_ =	sdelay $0x5  }
0x116: {  	v20 =	vsel vm0, v19, v16  }
0x117: {  	v16 =	vsub.s32 $0x0, v20  }
0x118: {  	v16 =	vand.u32 v16, v20  }
0x119: {  	v19 =	vadd.s32 $0xFFFFFFFF, v16;
	v16 =	vsub.s32 v20, v16  }
0x11a: {  	v21 =	vshrl.u32 v19, $0x1  }
0x11b: {  	v21 =	vand.u32 $0x55555555, v21  }
0x11c: {  	v19 =	vsub.s32 v19, v21  }
0x11d: {  	v22 =	vshll.u32 v14, $0x4;
	v21 =	vand.u32 $0x33333333, v19;
	v19 =	vshrl.u32 v19, $0x2  }
0x11e: {  	vm1 =	vlt.s32 v14, $0xFF;
	vm0 =	veq.s32 v16, $0x0;
	v19 =	vand.u32 $0x33333333, v19  }
0x11f: {  	vm0 =	vmand vm1, vm0;
	vm1 =	vgt.s32 v14, $0xFE;
	v21 =	vadd.s32 v21, v19  }
0x120: {  	v23 =	vsel vm0, $0x1, v1;
	v19 =	vadd.s32 v7, v18;
	v24 =	vshrl.u32 v21, $0x4  }
0x121: {  	vm2 =	vlt.s32 v15, $0x0;
	v14 =	vadd.s32 v23, v14;
	v18 =	vadd.s32 v21, v24  }
0x122: {  	vm4 =	vlt.s32 v17, $0x20;
	vm3 =	vgt.s32 v14, $0x0;
	v18 =	vand.u32 $0xF0F0F0F, v18  }
0x123: {  	v21 =	vnsel vm3, $0x0, v14;
	vm3 =	vne.s32 v1, v20;
	v18 =	vmul.u32 $0x1010101, v18  }
0x124: {  	v20 =	vshll.u32 v21, $0x3;
	vm1 =	vmor vm1, vm3;
	vm2 =	vmand vm2, vm3  }
0x125: {  	v21 =	vand.u32 $0x7F, v21;
	v20 =	vand.u32 $0xFFFFFC00, v20;
	v18 =	vshra.s32 v18, $0x18  }
.Ltmp2:
0x126: {  	vm1 =	vmand vm4, vm1;
	v20 =	vor.u32 v21, v20;
	v21 =	vadd.s32 v22, v18;
	(pc) =	sbr.rel @p0 .LBB2_6-.Ltmp2, $4  }
0x127: {  	v20 =	vadd.s32 v6, v20;
	v18 =	vsel vm1, $0x1, v1;
	v15 =	vsel vm2, v21, v15  }
0x128: {  	v17 =	vadd.s32 v18, v17;
	vm2 =	vgt.s32 v15, $0x0  }
0x129: {  	vm4 =	vlt.s32 v17, $0x1F;
	v22 =	vnsel vm2, $0x0, v15  }
0x12a: {  	v18 =	vnsel vm4, $0x1F, v17;
	v21 =	vsel vm3, v21, v22  }
0x12b: {  	_ =	sdelay $0x3  }
0x12c: {  	v21 =	vadd.s32 v0, v21  }
0x12d: {  	[tilespmem:v19+s10+$0x0] =	vst.idx.msk vm1, v21  }
0x12e: {  	v19 =	vld.idx.msk [tilespmem:v20+s2+$0x0], $0xffff;
	_ =	sdelay $0x4  }
0x12f: {  	v16 =	vsel vm0, v19, v16  }
0x130: {  	v19 =	vsub.s32 $0x0, v16  }
0x131: {  	v19 =	vand.u32 v19, v16  }
0x132: {  	v19 =	vadd.s32 $0xFFFFFFFF, v19  }
0x133: {  	v20 =	vshrl.u32 v19, $0x1  }
0x134: {  	v20 =	vand.u32 $0x55555555, v20  }
0x135: {  	v19 =	vsub.s32 v19, v20  }
0x136: {  	v20 =	vshrl.u32 v19, $0x2  }
0x137: {  	v19 =	vand.u32 $0x33333333, v19;
	v20 =	vand.u32 $0x33333333, v20  }
0x138: {  	v19 =	vadd.s32 v19, v20  }
0x139: {  	v20 =	vshrl.u32 v19, $0x4  }
0x13a: {  	v19 =	vadd.s32 v19, v20  }
0x13b: {  	v19 =	vand.u32 $0xF0F0F0F, v19  }
0x13c: {  	vm3 =	vlt.s32 v17, $0x20;
	v19 =	vmul.u32 $0x1010101, v19  }
0x13d: {  	vm1 =	vlt.s32 v15, $0x0;
	vm0 =	vgt.s32 v14, $0xFE;
	vm2 =	vne.s32 v1, v16  }
0x13e: {  	vm0 =	vmor vm0, vm2;
	v20 =	vshll.u32 v14, $0x4;
	v14 =	vshra.s32 v19, $0x18  }
0x13f: {  	vm1 =	vmand vm1, vm2;
	vm0 =	vmand vm3, vm0;
	v14 =	vadd.s32 v20, v14  }
0x140: {  	v16 =	vadd.s32 v7, v18;
	v15 =	vsel vm1, v14, v15  }
0x141: {  	vm1 =	vgt.s32 v15, $0x0  }
0x142: {  	v15 =	vnsel vm1, $0x0, v15  }
0x143: {  	v14 =	vsel vm2, v14, v15  }
0x144: {  	v14 =	vadd.s32 v0, v14  }
0x145: {  	[tilespmem:v16+s10+$0x0] =	vst.idx.msk vm0, v14  }
0x146: {  	_ =	swait.ge [sflag:s16], $0x4000  }
0x147: {  	[sflag:s16] =	ssyncset.done $0x0  }
0x148: {  	s25 =	rddreg [dreg:$0x7];
	[sflag:s16] =	ssyncadd.s32 $0xFFFFC000  }
0x149: {  	[hbm4b:s25+s2] =	stream.linear.scatter [tilespmem:s12], [sflag:$0x5], $0x4000, $0x38;
	[tilespmem:$0x19000] =	vst v63  }
0x14a: {  	_ =	swait.ge [sflag:s17], $0x4000  }
0x14b: {  	[sflag:s17] =	ssyncset.done $0x0  }
0x14c: {  	s25 =	rddreg [dreg:$0x8];
	[sflag:s17] =	ssyncadd.s32 $0xFFFFC000  }
0x14d: {  	[hbm4b:s25+s2] =	stream.linear.scatter [tilespmem:s13], [sflag:$0x6], $0x4000, $0x38;
	[tilespmem:$0x19000] =	vst v63  }
0x14e: {  	_ =	swait.ge [sflag:s18], $0x4000  }
0x14f: {  	[sflag:s18] =	ssyncset.done $0x0  }
0x150: {  	s25 =	rddreg [dreg:$0x9];
	[sflag:s18] =	ssyncadd.s32 $0xFFFFC000  }
0x151: {  	[hbm4b:s25+s2] =	stream.linear.scatter [tilespmem:s14], [sflag:$0x7], $0x4000, $0x38;
	[tilespmem:$0x19000] =	vst v63  }
0x152: {  	_ =	swait.ge [sflag:s19], $0x4000  }
0x153: {  	[sflag:s19] =	ssyncset.done $0x0  }
0x154: {  	s25 =	rddreg [dreg:$0xa];
	[sflag:s19] =	ssyncadd.s32 $0xFFFFC000  }
0x155: {  	[hbm4b:s25+s2] =	stream.linear.scatter [tilespmem:s15], [sflag:$0x8], $0x4000, $0x38;
	[tilespmem:$0x19000] =	vst v63  }
0x156: {  	_ =	swait.ge [sflag:s20], $0x4000  }
0x157: {  	v17 =	vimm.s32 $0x0;
	v15 =	vimm.s32 $0xFFFFFFFF;
	[sflag:s20] =	ssyncset.done $0x0  }
0x158: {  	vm1 =	vlt.s32 v15, $0xFF;
	vm0 =	veq.s32 v17, $0x0;
	s25 =	simm.s32 $0x8400;
	[sflag:s20] =	ssyncadd.s32 $0xFFFFC000  }
0x159: {  	vm0 =	vmand vm1, vm0;
	[tilespmem:s12], [sflag:$0x1] =	stream.indirect.gather [hbm4b:s3+s11], $0x80, s25, s11, $0xb8;
	[tilespmem:$0x19000] =	vst v63  }
0x15a: {  	v14 =	vsel vm0, $0x1, v1;
	_ =	swait.ge [sflag:s21], $0x4000  }
0x15b: {  	v14 =	vadd.s32 v14, v15;
	[sflag:s21] =	ssyncset.done $0x0  }
0x15c: {  	vm1 =	vgt.s32 v14, $0x0;
	s25 =	simm.s32 $0x8480;
	[sflag:s21] =	ssyncadd.s32 $0xFFFFC000  }
0x15d: {  	v16 =	vnsel vm1, $0x0, v14;
	[tilespmem:s13], [sflag:$0x2] =	stream.indirect.gather [hbm4b:s3+s11], $0x80, s25, s11, $0xb8;
	[tilespmem:$0x19000] =	vst v63  }
0x15e: {  	v18 =	vshll.u32 v16, $0x3;
	_ =	swait.ge [sflag:s22], $0x4000  }
0x15f: {  	v16 =	vand.u32 $0x7F, v16;
	v18 =	vand.u32 $0xFFFFFC00, v18;
	[sflag:s22] =	ssyncset.done $0x0  }
0x160: {  	v16 =	vor.u32 v16, v18;
	s25 =	simm.s32 $0x8500;
	[sflag:s22] =	ssyncadd.s32 $0xFFFFC000  }
0x161: {  	v16 =	vadd.s32 v8, v16;
	[tilespmem:s14], [sflag:$0x3] =	stream.indirect.gather [hbm4b:s3+s11], $0x80, s25, s11, $0xb8;
	[tilespmem:$0x19000] =	vst v63  }
0x162: {  	_ =	swait.ge [sflag:s23], $0x4000  }
0x163: {  	[sflag:s23] =	ssyncset.done $0x0  }
0x164: {  	s25 =	simm.s32 $0x8580;
	[sflag:s23] =	ssyncadd.s32 $0xFFFFC000  }
0x165: {  	[tilespmem:s15], [sflag:$0x4] =	stream.indirect.gather [hbm4b:s3+s11], $0x80, s25, s11, $0xb8;
	[tilespmem:$0x19000] =	vst v63  }
0x166: {  	v16 =	vld.idx.msk [tilespmem:v16+s2+$0x0], $0xffff;
	_ =	sdelay $0x4  }
0x167: {  	v18 =	vsel vm0, v16, v17  }
0x168: {  	v16 =	vsub.s32 $0x0, v18  }
0x169: {  	v16 =	vand.u32 v16, v18  }
0x16a: {  	v19 =	vadd.s32 $0xFFFFFFFF, v16  }
0x16b: {  	v20 =	vshrl.u32 v19, $0x1  }
0x16c: {  	v20 =	vand.u32 $0x55555555, v20  }
0x16d: {  	vm1 =	vlt.s32 v14, $0xFF;
	vm0 =	vlt.s32 v17, $0x1F;
	v19 =	vsub.s32 v19, v20  }
0x16e: {  	v16 =	vsub.s32 v18, v16;
	v20 =	vnsel vm0, $0x1F, v17;
	v21 =	vshrl.u32 v19, $0x2  }
0x16f: {  	vm0 =	veq.s32 v16, $0x0;
	v19 =	vand.u32 $0x33333333, v19;
	v21 =	vand.u32 $0x33333333, v21  }
0x170: {  	vm4 =	vlt.s32 v17, $0x20;
	vm0 =	vmand vm1, vm0;
	v19 =	vadd.s32 v19, v21  }
0x171: {  	vm1 =	vgt.s32 v14, $0xFE;
	v23 =	vsel vm0, $0x1, v1;
	v22 =	vshrl.u32 v19, $0x4  }
0x172: {  	v21 =	vshll.u32 v14, $0x4;
	v14 =	vadd.s32 v23, v14;
	v22 =	vadd.s32 v19, v22  }
0x173: {  	vm3 =	vgt.s32 v14, $0x0;
	v19 =	vadd.s32 v9, v20;
	v20 =	vand.u32 $0xF0F0F0F, v22  }
0x174: {  	v22 =	vnsel vm3, $0x0, v14;
	vm3 =	vne.s32 v1, v18;
	v20 =	vmul.u32 $0x1010101, v20  }
0x175: {  	vm2 =	vlt.s32 v15, $0x0;
	v18 =	vshll.u32 v22, $0x3;
	vm1 =	vmor vm1, vm3  }
0x176: {  	vm2 =	vmand vm2, vm3;
	vm1 =	vmand vm4, vm1;
	v20 =	vshra.s32 v20, $0x18  }
0x177: {  	v18 =	vand.u32 $0xFFFFFC00, v18;
	v21 =	vadd.s32 v21, v20;
	v20 =	vand.u32 $0x7F, v22  }
0x178: {  	v22 =	vsel vm1, $0x1, v1;
	v15 =	vsel vm2, v21, v15;
	v18 =	vor.u32 v20, v18  }
0x179: {  	v17 =	vadd.s32 v22, v17;
	vm2 =	vgt.s32 v15, $0x0;
	v20 =	vadd.s32 v8, v18  }
0x17a: {  	vm15 =	vlt.s32 v17, $0x1F;
	v22 =	vnsel vm2, $0x0, v15  }
0x17b: {  	s25 =	simm.s32 $0x11E;
	v18 =	vnsel vm15, $0x1F, v17;
	v21 =	vsel vm3, v21, v22  }
.LBB2_8:
0x17c: {  	p0 =	sne.s32 s25, $0x1;
	s25 =	sadd.s32 $0xFFFFFFFF, s25;
	v21 =	vadd.s32 v0, v21  }
0x17d: {  	[tilespmem:v19+s10+$0x0] =	vst.idx.msk vm1, v21  }
0x17e: {  	v19 =	vld.idx.msk [tilespmem:v20+s2+$0x0], $0xffff;
	_ =	sdelay $0x5  }
0x17f: {  	v20 =	vsel vm0, v19, v16  }
0x180: {  	v16 =	vsub.s32 $0x0, v20  }
0x181: {  	v16 =	vand.u32 v16, v20  }
0x182: {  	v19 =	vadd.s32 $0xFFFFFFFF, v16;
	v16 =	vsub.s32 v20, v16  }
0x183: {  	v21 =	vshrl.u32 v19, $0x1  }
0x184: {  	v21 =	vand.u32 $0x55555555, v21  }
0x185: {  	v19 =	vsub.s32 v19, v21  }
0x186: {  	v22 =	vshll.u32 v14, $0x4;
	v21 =	vand.u32 $0x33333333, v19;
	v19 =	vshrl.u32 v19, $0x2  }
0x187: {  	vm1 =	vlt.s32 v14, $0xFF;
	vm0 =	veq.s32 v16, $0x0;
	v19 =	vand.u32 $0x33333333, v19  }
0x188: {  	vm0 =	vmand vm1, vm0;
	vm1 =	vgt.s32 v14, $0xFE;
	v21 =	vadd.s32 v21, v19  }
0x189: {  	v23 =	vsel vm0, $0x1, v1;
	v19 =	vadd.s32 v9, v18;
	v24 =	vshrl.u32 v21, $0x4  }
0x18a: {  	vm2 =	vlt.s32 v15, $0x0;
	v14 =	vadd.s32 v23, v14;
	v18 =	vadd.s32 v21, v24  }
0x18b: {  	vm4 =	vlt.s32 v17, $0x20;
	vm3 =	vgt.s32 v14, $0x0;
	v18 =	vand.u32 $0xF0F0F0F, v18  }
0x18c: {  	v21 =	vnsel vm3, $0x0, v14;
	vm3 =	vne.s32 v1, v20;
	v18 =	vmul.u32 $0x1010101, v18  }
0x18d: {  	v20 =	vshll.u32 v21, $0x3;
	vm1 =	vmor vm1, vm3;
	vm2 =	vmand vm2, vm3  }
0x18e: {  	v21 =	vand.u32 $0x7F, v21;
	v20 =	vand.u32 $0xFFFFFC00, v20;
	v18 =	vshra.s32 v18, $0x18  }
.Ltmp3:
0x18f: {  	vm1 =	vmand vm4, vm1;
	v20 =	vor.u32 v21, v20;
	v21 =	vadd.s32 v22, v18;
	(pc) =	sbr.rel @p0 .LBB2_8-.Ltmp3, $4  }
0x190: {  	v20 =	vadd.s32 v8, v20;
	v18 =	vsel vm1, $0x1, v1;
	v15 =	vsel vm2, v21, v15  }
0x191: {  	v17 =	vadd.s32 v18, v17;
	vm2 =	vgt.s32 v15, $0x0  }
0x192: {  	vm4 =	vlt.s32 v17, $0x1F;
	v22 =	vnsel vm2, $0x0, v15  }
0x193: {  	v18 =	vnsel vm4, $0x1F, v17;
	v21 =	vsel vm3, v21, v22  }
0x194: {  	_ =	sdelay $0x3  }
0x195: {  	v21 =	vadd.s32 v0, v21  }
0x196: {  	[tilespmem:v19+s10+$0x0] =	vst.idx.msk vm1, v21  }
0x197: {  	v19 =	vld.idx.msk [tilespmem:v20+s2+$0x0], $0xffff;
	_ =	sdelay $0x4  }
0x198: {  	v16 =	vsel vm0, v19, v16  }
0x199: {  	v19 =	vsub.s32 $0x0, v16  }
0x19a: {  	v19 =	vand.u32 v19, v16  }
0x19b: {  	v19 =	vadd.s32 $0xFFFFFFFF, v19  }
0x19c: {  	v20 =	vshrl.u32 v19, $0x1  }
0x19d: {  	v20 =	vand.u32 $0x55555555, v20  }
0x19e: {  	v19 =	vsub.s32 v19, v20  }
0x19f: {  	v20 =	vshrl.u32 v19, $0x2  }
0x1a0: {  	v19 =	vand.u32 $0x33333333, v19;
	v20 =	vand.u32 $0x33333333, v20  }
0x1a1: {  	v19 =	vadd.s32 v19, v20  }
0x1a2: {  	v20 =	vshrl.u32 v19, $0x4  }
0x1a3: {  	v19 =	vadd.s32 v19, v20  }
0x1a4: {  	v19 =	vand.u32 $0xF0F0F0F, v19  }
0x1a5: {  	vm3 =	vlt.s32 v17, $0x20;
	v19 =	vmul.u32 $0x1010101, v19  }
0x1a6: {  	vm1 =	vlt.s32 v15, $0x0;
	vm0 =	vgt.s32 v14, $0xFE;
	vm2 =	vne.s32 v1, v16  }
0x1a7: {  	vm0 =	vmor vm0, vm2;
	v20 =	vshll.u32 v14, $0x4;
	v14 =	vshra.s32 v19, $0x18  }
0x1a8: {  	vm1 =	vmand vm1, vm2;
	vm0 =	vmand vm3, vm0;
	v14 =	vadd.s32 v20, v14  }
0x1a9: {  	v16 =	vadd.s32 v9, v18;
	v15 =	vsel vm1, v14, v15  }
0x1aa: {  	vm1 =	vgt.s32 v15, $0x0  }
0x1ab: {  	v15 =	vnsel vm1, $0x0, v15  }
0x1ac: {  	v14 =	vsel vm2, v14, v15  }
0x1ad: {  	v14 =	vadd.s32 v0, v14  }
0x1ae: {  	[tilespmem:v16+s10+$0x0] =	vst.idx.msk vm0, v14  }
0x1af: {  	_ =	swait.ge [sflag:s16], $0x4000  }
0x1b0: {  	[sflag:s16] =	ssyncset.done $0x0  }
0x1b1: {  	s25 =	rddreg [dreg:$0xb];
	[sflag:s16] =	ssyncadd.s32 $0xFFFFC000  }
0x1b2: {  	[hbm4b:s25+s2] =	stream.linear.scatter [tilespmem:s12], [sflag:$0x5], $0x4000, $0x38;
	[tilespmem:$0x19000] =	vst v63  }
0x1b3: {  	_ =	swait.ge [sflag:s17], $0x4000  }
0x1b4: {  	[sflag:s17] =	ssyncset.done $0x0  }
0x1b5: {  	s25 =	rddreg [dreg:$0xc];
	[sflag:s17] =	ssyncadd.s32 $0xFFFFC000  }
0x1b6: {  	[hbm4b:s25+s2] =	stream.linear.scatter [tilespmem:s13], [sflag:$0x6], $0x4000, $0x38;
	[tilespmem:$0x19000] =	vst v63  }
0x1b7: {  	_ =	swait.ge [sflag:s18], $0x4000  }
0x1b8: {  	[sflag:s18] =	ssyncset.done $0x0  }
0x1b9: {  	s25 =	rddreg [dreg:$0xd];
	[sflag:s18] =	ssyncadd.s32 $0xFFFFC000  }
0x1ba: {  	[hbm4b:s25+s2] =	stream.linear.scatter [tilespmem:s14], [sflag:$0x7], $0x4000, $0x38;
	[tilespmem:$0x19000] =	vst v63  }
0x1bb: {  	_ =	swait.ge [sflag:s19], $0x4000  }
0x1bc: {  	[sflag:s19] =	ssyncset.done $0x0  }
0x1bd: {  	s25 =	rddreg [dreg:$0xe];
	[sflag:s19] =	ssyncadd.s32 $0xFFFFC000  }
0x1be: {  	[hbm4b:s25+s2] =	stream.linear.scatter [tilespmem:s15], [sflag:$0x8], $0x4000, $0x38;
	[tilespmem:$0x19000] =	vst v63  }
0x1bf: {  	_ =	swait.ge [sflag:s20], $0x4000  }
0x1c0: {  	v18 =	vimm.s32 $0x0;
	v16 =	vimm.s32 $0xFFFFFFFF;
	[sflag:s20] =	ssyncset.done $0x0  }
0x1c1: {  	vm0 =	veq.s32 v18, $0x0;
	vm1 =	vlt.s32 v16, $0xFF;
	s25 =	simm.s32 $0x8600;
	[sflag:s20] =	ssyncadd.s32 $0xFFFFC000  }
0x1c2: {  	vm0 =	vmand vm1, vm0;
	[tilespmem:s12], [sflag:$0x1] =	stream.indirect.gather [hbm4b:s3+s11], $0x80, s25, s11, $0xb8;
	[tilespmem:$0x19000] =	vst v63  }
0x1c3: {  	v14 =	vsel vm0, $0x1, v1;
	_ =	swait.ge [sflag:s21], $0x4000  }
0x1c4: {  	v15 =	vadd.s32 v14, v16;
	[sflag:s21] =	ssyncset.done $0x0  }
0x1c5: {  	vm1 =	vgt.s32 v15, $0x0;
	s25 =	simm.s32 $0x8680;
	[sflag:s21] =	ssyncadd.s32 $0xFFFFC000  }
0x1c6: {  	v14 =	vnsel vm1, $0x0, v15;
	[tilespmem:s13], [sflag:$0x2] =	stream.indirect.gather [hbm4b:s3+s11], $0x80, s25, s11, $0xb8;
	[tilespmem:$0x19000] =	vst v63  }
0x1c7: {  	v17 =	vshll.u32 v14, $0x3;
	_ =	swait.ge [sflag:s22], $0x4000  }
0x1c8: {  	v14 =	vand.u32 $0x7F, v14;
	v17 =	vand.u32 $0xFFFFFC00, v17;
	[sflag:s22] =	ssyncset.done $0x0  }
0x1c9: {  	v14 =	vor.u32 v14, v17;
	s25 =	simm.s32 $0x8700;
	[sflag:s22] =	ssyncadd.s32 $0xFFFFC000  }
0x1ca: {  	v14 =	vadd.s32 v10, v14;
	[tilespmem:s14], [sflag:$0x3] =	stream.indirect.gather [hbm4b:s3+s11], $0x80, s25, s11, $0xb8;
	[tilespmem:$0x19000] =	vst v63  }
0x1cb: {  	_ =	swait.ge [sflag:s23], $0x4000  }
0x1cc: {  	[sflag:s23] =	ssyncset.done $0x0  }
0x1cd: {  	s25 =	simm.s32 $0x8780;
	[sflag:s23] =	ssyncadd.s32 $0xFFFFC000  }
0x1ce: {  	[tilespmem:s15], [sflag:$0x4] =	stream.indirect.gather [hbm4b:s3+s11], $0x80, s25, s11, $0xb8;
	[tilespmem:$0x19000] =	vst v63  }
0x1cf: {  	v14 =	vld.idx.msk [tilespmem:v14+s2+$0x0], $0xffff;
	_ =	sdelay $0x4  }
0x1d0: {  	v19 =	vsel vm0, v14, v18  }
0x1d1: {  	v14 =	vsub.s32 $0x0, v19  }
0x1d2: {  	v14 =	vand.u32 v14, v19  }
0x1d3: {  	v17 =	vadd.s32 $0xFFFFFFFF, v14  }
0x1d4: {  	v20 =	vshrl.u32 v17, $0x1  }
0x1d5: {  	vm4 =	vlt.s32 v18, $0x20;
	v20 =	vand.u32 $0x55555555, v20  }
0x1d6: {  	vm1 =	vlt.s32 v15, $0xFF;
	vm0 =	vlt.s32 v18, $0x1F;
	v20 =	vsub.s32 v17, v20  }
0x1d7: {  	v21 =	vnsel vm0, $0x1F, v18;
	v17 =	vsub.s32 v19, v14;
	v22 =	vshrl.u32 v20, $0x2  }
0x1d8: {  	v20 =	vand.u32 $0x33333333, v20;
	vm0 =	veq.s32 v17, $0x0;
	v22 =	vand.u32 $0x33333333, v22  }
0x1d9: {  	v14 =	vor.u32 $0x800, v2;
	vm0 =	vmand vm1, vm0;
	v20 =	vadd.s32 v20, v22  }
0x1da: {  	vm1 =	vgt.s32 v15, $0xFE;
	v24 =	vsel vm0, $0x1, v1;
	v23 =	vshrl.u32 v20, $0x4  }
0x1db: {  	v22 =	vshll.u32 v15, $0x4;
	v15 =	vadd.s32 v24, v15;
	v23 =	vadd.s32 v20, v23  }
0x1dc: {  	v20 =	vadd.s32 v14, v21;
	vm3 =	vgt.s32 v15, $0x0;
	v21 =	vand.u32 $0xF0F0F0F, v23  }
0x1dd: {  	v23 =	vnsel vm3, $0x0, v15;
	vm3 =	vne.s32 v1, v19;
	v21 =	vmul.u32 $0x1010101, v21  }
0x1de: {  	vm2 =	vlt.s32 v16, $0x0;
	v19 =	vshll.u32 v23, $0x3;
	vm1 =	vmor vm1, vm3  }
0x1df: {  	vm2 =	vmand vm2, vm3;
	vm1 =	vmand vm4, vm1;
	v21 =	vshra.s32 v21, $0x18  }
0x1e0: {  	v19 =	vand.u32 $0xFFFFFC00, v19;
	v22 =	vadd.s32 v22, v21;
	v21 =	vand.u32 $0x7F, v23  }
0x1e1: {  	v23 =	vsel vm1, $0x1, v1;
	v16 =	vsel vm2, v22, v16;
	v19 =	vor.u32 v21, v19  }
0x1e2: {  	v18 =	vadd.s32 v23, v18;
	vm2 =	vgt.s32 v16, $0x0;
	v21 =	vadd.s32 v10, v19  }
0x1e3: {  	vm15 =	vlt.s32 v18, $0x1F;
	v23 =	vnsel vm2, $0x0, v16  }
0x1e4: {  	s25 =	simm.s32 $0x11E;
	v19 =	vnsel vm15, $0x1F, v18;
	v22 =	vsel vm3, v22, v23  }
.LBB2_10:
0x1e5: {  	p0 =	sne.s32 s25, $0x1;
	s25 =	sadd.s32 $0xFFFFFFFF, s25;
	v22 =	vadd.s32 v0, v22  }
0x1e6: {  	[tilespmem:v20+s10+$0x0] =	vst.idx.msk vm1, v22  }
0x1e7: {  	v20 =	vld.idx.msk [tilespmem:v21+s2+$0x0], $0xffff;
	_ =	sdelay $0x5  }
0x1e8: {  	v21 =	vsel vm0, v20, v17  }
0x1e9: {  	v17 =	vsub.s32 $0x0, v21  }
0x1ea: {  	v17 =	vand.u32 v17, v21  }
0x1eb: {  	v20 =	vadd.s32 $0xFFFFFFFF, v17;
	v17 =	vsub.s32 v21, v17  }
0x1ec: {  	v22 =	vshrl.u32 v20, $0x1  }
0x1ed: {  	v22 =	vand.u32 $0x55555555, v22  }
0x1ee: {  	v20 =	vsub.s32 v20, v22  }
0x1ef: {  	v23 =	vshll.u32 v15, $0x4;
	v22 =	vand.u32 $0x33333333, v20;
	v20 =	vshrl.u32 v20, $0x2  }
0x1f0: {  	vm1 =	vlt.s32 v15, $0xFF;
	vm0 =	veq.s32 v17, $0x0;
	v20 =	vand.u32 $0x33333333, v20  }
0x1f1: {  	vm0 =	vmand vm1, vm0;
	vm1 =	vgt.s32 v15, $0xFE;
	v22 =	vadd.s32 v22, v20  }
0x1f2: {  	v24 =	vsel vm0, $0x1, v1;
	v20 =	vadd.s32 v14, v19;
	v25 =	vshrl.u32 v22, $0x4  }
0x1f3: {  	vm2 =	vlt.s32 v16, $0x0;
	v15 =	vadd.s32 v24, v15;
	v19 =	vadd.s32 v22, v25  }
0x1f4: {  	vm4 =	vlt.s32 v18, $0x20;
	vm3 =	vgt.s32 v15, $0x0;
	v19 =	vand.u32 $0xF0F0F0F, v19  }
0x1f5: {  	v22 =	vnsel vm3, $0x0, v15;
	vm3 =	vne.s32 v1, v21;
	v19 =	vmul.u32 $0x1010101, v19  }
0x1f6: {  	v21 =	vshll.u32 v22, $0x3;
	vm1 =	vmor vm1, vm3;
	vm2 =	vmand vm2, vm3  }
0x1f7: {  	v22 =	vand.u32 $0x7F, v22;
	v21 =	vand.u32 $0xFFFFFC00, v21;
	v19 =	vshra.s32 v19, $0x18  }
.Ltmp4:
0x1f8: {  	vm1 =	vmand vm4, vm1;
	v21 =	vor.u32 v22, v21;
	v22 =	vadd.s32 v23, v19;
	(pc) =	sbr.rel @p0 .LBB2_10-.Ltmp4, $4  }
0x1f9: {  	v21 =	vadd.s32 v10, v21;
	v19 =	vsel vm1, $0x1, v1;
	v16 =	vsel vm2, v22, v16  }
0x1fa: {  	v18 =	vadd.s32 v19, v18;
	vm2 =	vgt.s32 v16, $0x0  }
0x1fb: {  	vm4 =	vlt.s32 v18, $0x1F;
	v23 =	vnsel vm2, $0x0, v16  }
0x1fc: {  	v19 =	vnsel vm4, $0x1F, v18;
	v22 =	vsel vm3, v22, v23  }
0x1fd: {  	_ =	sdelay $0x3  }
0x1fe: {  	v22 =	vadd.s32 v0, v22  }
0x1ff: {  	[tilespmem:v20+s10+$0x0] =	vst.idx.msk vm1, v22  }
0x200: {  	v20 =	vld.idx.msk [tilespmem:v21+s2+$0x0], $0xffff;
	_ =	sdelay $0x4  }
0x201: {  	v17 =	vsel vm0, v20, v17  }
0x202: {  	v20 =	vsub.s32 $0x0, v17  }
0x203: {  	v20 =	vand.u32 v20, v17  }
0x204: {  	v20 =	vadd.s32 $0xFFFFFFFF, v20  }
0x205: {  	v21 =	vshrl.u32 v20, $0x1  }
0x206: {  	v21 =	vand.u32 $0x55555555, v21  }
0x207: {  	v20 =	vsub.s32 v20, v21  }
0x208: {  	v21 =	vshrl.u32 v20, $0x2  }
0x209: {  	v20 =	vand.u32 $0x33333333, v20;
	v21 =	vand.u32 $0x33333333, v21  }
0x20a: {  	v20 =	vadd.s32 v20, v21  }
0x20b: {  	v21 =	vshrl.u32 v20, $0x4  }
0x20c: {  	v20 =	vadd.s32 v20, v21  }
0x20d: {  	v20 =	vand.u32 $0xF0F0F0F, v20  }
0x20e: {  	vm3 =	vlt.s32 v18, $0x20;
	v20 =	vmul.u32 $0x1010101, v20  }
0x20f: {  	vm1 =	vlt.s32 v16, $0x0;
	vm0 =	vgt.s32 v15, $0xFE;
	vm2 =	vne.s32 v1, v17  }
0x210: {  	vm0 =	vmor vm0, vm2;
	v21 =	vshll.u32 v15, $0x4;
	v15 =	vshra.s32 v20, $0x18  }
0x211: {  	vm1 =	vmand vm1, vm2;
	vm0 =	vmand vm3, vm0;
	v15 =	vadd.s32 v21, v15  }
0x212: {  	v14 =	vadd.s32 v14, v19;
	v16 =	vsel vm1, v15, v16  }
0x213: {  	vm1 =	vgt.s32 v16, $0x0  }
0x214: {  	v16 =	vnsel vm1, $0x0, v16  }
0x215: {  	v15 =	vsel vm2, v15, v16  }
0x216: {  	v15 =	vadd.s32 v0, v15  }
0x217: {  	[tilespmem:v14+s10+$0x0] =	vst.idx.msk vm0, v15  }
0x218: {  	_ =	swait.ge [sflag:s16], $0x4000  }
0x219: {  	[sflag:s16] =	ssyncset.done $0x0  }
0x21a: {  	s25 =	rddreg [dreg:$0xf];
	[sflag:s16] =	ssyncadd.s32 $0xFFFFC000  }
0x21b: {  	[hbm4b:s25+s2] =	stream.linear.scatter [tilespmem:s12], [sflag:$0x5], $0x4000, $0x38;
	[tilespmem:$0x19000] =	vst v63  }
0x21c: {  	_ =	swait.ge [sflag:s17], $0x4000  }
0x21d: {  	[sflag:s17] =	ssyncset.done $0x0  }
0x21e: {  	s25 =	rddreg [dreg:$0x10];
	[sflag:s17] =	ssyncadd.s32 $0xFFFFC000  }
0x21f: {  	[hbm4b:s25+s2] =	stream.linear.scatter [tilespmem:s13], [sflag:$0x6], $0x4000, $0x38;
	[tilespmem:$0x19000] =	vst v63  }
0x220: {  	_ =	swait.ge [sflag:s18], $0x4000  }
0x221: {  	[sflag:s18] =	ssyncset.done $0x0  }
0x222: {  	s25 =	rddreg [dreg:$0x11];
	[sflag:s18] =	ssyncadd.s32 $0xFFFFC000  }
0x223: {  	[hbm4b:s25+s2] =	stream.linear.scatter [tilespmem:s14], [sflag:$0x7], $0x4000, $0x38;
	[tilespmem:$0x19000] =	vst v63  }
0x224: {  	_ =	swait.ge [sflag:s19], $0x4000  }
0x225: {  	[sflag:s19] =	ssyncset.done $0x0  }
0x226: {  	s25 =	rddreg [dreg:$0x12];
	[sflag:s19] =	ssyncadd.s32 $0xFFFFC000  }
0x227: {  	[hbm4b:s25+s2] =	stream.linear.scatter [tilespmem:s15], [sflag:$0x8], $0x4000, $0x38;
	[tilespmem:$0x19000] =	vst v63  }
0x228: {  	_ =	swait.ge [sflag:s20], $0x4000  }
0x229: {  	v18 =	vimm.s32 $0x0;
	v16 =	vimm.s32 $0xFFFFFFFF;
	[sflag:s20] =	ssyncset.done $0x0  }
0x22a: {  	vm1 =	vlt.s32 v16, $0xFF;
	vm0 =	veq.s32 v18, $0x0;
	s25 =	simm.s32 $0x8800;
	[sflag:s20] =	ssyncadd.s32 $0xFFFFC000  }
0x22b: {  	vm0 =	vmand vm1, vm0;
	[tilespmem:s12], [sflag:$0x1] =	stream.indirect.gather [hbm4b:s3+s11], $0x80, s25, s11, $0xb8;
	[tilespmem:$0x19000] =	vst v63  }
0x22c: {  	v14 =	vsel vm0, $0x1, v1;
	_ =	swait.ge [sflag:s21], $0x4000  }
0x22d: {  	v15 =	vadd.s32 v14, v16;
	[sflag:s21] =	ssyncset.done $0x0  }
0x22e: {  	vm1 =	vgt.s32 v15, $0x0;
	s25 =	simm.s32 $0x8880;
	[sflag:s21] =	ssyncadd.s32 $0xFFFFC000  }
0x22f: {  	v14 =	vnsel vm1, $0x0, v15;
	[tilespmem:s13], [sflag:$0x2] =	stream.indirect.gather [hbm4b:s3+s11], $0x80, s25, s11, $0xb8;
	[tilespmem:$0x19000] =	vst v63  }
0x230: {  	v17 =	vshll.u32 v14, $0x3;
	_ =	swait.ge [sflag:s22], $0x4000  }
0x231: {  	v14 =	vand.u32 $0x7F, v14;
	v17 =	vand.u32 $0xFFFFFC00, v17;
	[sflag:s22] =	ssyncset.done $0x0  }
0x232: {  	v14 =	vor.u32 v14, v17;
	s25 =	simm.s32 $0x8900;
	[sflag:s22] =	ssyncadd.s32 $0xFFFFC000  }
0x233: {  	v14 =	vadd.s32 v11, v14;
	[tilespmem:s14], [sflag:$0x3] =	stream.indirect.gather [hbm4b:s3+s11], $0x80, s25, s11, $0xb8;
	[tilespmem:$0x19000] =	vst v63  }
0x234: {  	_ =	swait.ge [sflag:s23], $0x4000  }
0x235: {  	[sflag:s23] =	ssyncset.done $0x0  }
0x236: {  	s25 =	simm.s32 $0x8980;
	[sflag:s23] =	ssyncadd.s32 $0xFFFFC000  }
0x237: {  	[tilespmem:s15], [sflag:$0x4] =	stream.indirect.gather [hbm4b:s3+s11], $0x80, s25, s11, $0xb8;
	[tilespmem:$0x19000] =	vst v63  }
0x238: {  	v14 =	vld.idx.msk [tilespmem:v14+s2+$0x0], $0xffff;
	_ =	sdelay $0x4  }
0x239: {  	v19 =	vsel vm0, v14, v18  }
0x23a: {  	v14 =	vsub.s32 $0x0, v19  }
0x23b: {  	v14 =	vand.u32 v14, v19  }
0x23c: {  	v17 =	vadd.s32 $0xFFFFFFFF, v14  }
0x23d: {  	v20 =	vshrl.u32 v17, $0x1  }
0x23e: {  	vm4 =	vlt.s32 v18, $0x20;
	v20 =	vand.u32 $0x55555555, v20  }
0x23f: {  	vm1 =	vlt.s32 v15, $0xFF;
	vm0 =	vlt.s32 v18, $0x1F;
	v20 =	vsub.s32 v17, v20  }
0x240: {  	v21 =	vnsel vm0, $0x1F, v18;
	v17 =	vsub.s32 v19, v14;
	v22 =	vshrl.u32 v20, $0x2  }
0x241: {  	v20 =	vand.u32 $0x33333333, v20;
	vm0 =	veq.s32 v17, $0x0;
	v22 =	vand.u32 $0x33333333, v22  }
0x242: {  	v14 =	vor.u32 $0xA00, v2;
	vm0 =	vmand vm1, vm0;
	v20 =	vadd.s32 v20, v22  }
0x243: {  	vm1 =	vgt.s32 v15, $0xFE;
	v24 =	vsel vm0, $0x1, v1;
	v23 =	vshrl.u32 v20, $0x4  }
0x244: {  	v22 =	vshll.u32 v15, $0x4;
	v15 =	vadd.s32 v24, v15;
	v23 =	vadd.s32 v20, v23  }
0x245: {  	v20 =	vadd.s32 v14, v21;
	vm3 =	vgt.s32 v15, $0x0;
	v21 =	vand.u32 $0xF0F0F0F, v23  }
0x246: {  	v23 =	vnsel vm3, $0x0, v15;
	vm3 =	vne.s32 v1, v19;
	v21 =	vmul.u32 $0x1010101, v21  }
0x247: {  	vm2 =	vlt.s32 v16, $0x0;
	v19 =	vshll.u32 v23, $0x3;
	vm1 =	vmor vm1, vm3  }
0x248: {  	vm2 =	vmand vm2, vm3;
	vm1 =	vmand vm4, vm1;
	v21 =	vshra.s32 v21, $0x18  }
0x249: {  	v19 =	vand.u32 $0xFFFFFC00, v19;
	v22 =	vadd.s32 v22, v21;
	v21 =	vand.u32 $0x7F, v23  }
0x24a: {  	v23 =	vsel vm1, $0x1, v1;
	v16 =	vsel vm2, v22, v16;
	v19 =	vor.u32 v21, v19  }
0x24b: {  	v18 =	vadd.s32 v23, v18;
	vm2 =	vgt.s32 v16, $0x0;
	v21 =	vadd.s32 v11, v19  }
0x24c: {  	vm15 =	vlt.s32 v18, $0x1F;
	v23 =	vnsel vm2, $0x0, v16  }
0x24d: {  	s25 =	simm.s32 $0x11E;
	v19 =	vnsel vm15, $0x1F, v18;
	v22 =	vsel vm3, v22, v23  }
.LBB2_12:
0x24e: {  	p0 =	sne.s32 s25, $0x1;
	s25 =	sadd.s32 $0xFFFFFFFF, s25;
	v22 =	vadd.s32 v0, v22  }
0x24f: {  	[tilespmem:v20+s10+$0x0] =	vst.idx.msk vm1, v22  }
0x250: {  	v20 =	vld.idx.msk [tilespmem:v21+s2+$0x0], $0xffff;
	_ =	sdelay $0x5  }
0x251: {  	v21 =	vsel vm0, v20, v17  }
0x252: {  	v17 =	vsub.s32 $0x0, v21  }
0x253: {  	v17 =	vand.u32 v17, v21  }
0x254: {  	v20 =	vadd.s32 $0xFFFFFFFF, v17;
	v17 =	vsub.s32 v21, v17  }
0x255: {  	v22 =	vshrl.u32 v20, $0x1  }
0x256: {  	v22 =	vand.u32 $0x55555555, v22  }
0x257: {  	v20 =	vsub.s32 v20, v22  }
0x258: {  	v23 =	vshll.u32 v15, $0x4;
	v22 =	vand.u32 $0x33333333, v20;
	v20 =	vshrl.u32 v20, $0x2  }
0x259: {  	vm1 =	vlt.s32 v15, $0xFF;
	vm0 =	veq.s32 v17, $0x0;
	v20 =	vand.u32 $0x33333333, v20  }
0x25a: {  	vm0 =	vmand vm1, vm0;
	vm1 =	vgt.s32 v15, $0xFE;
	v22 =	vadd.s32 v22, v20  }
0x25b: {  	v24 =	vsel vm0, $0x1, v1;
	v20 =	vadd.s32 v14, v19;
	v25 =	vshrl.u32 v22, $0x4  }
0x25c: {  	vm2 =	vlt.s32 v16, $0x0;
	v15 =	vadd.s32 v24, v15;
	v19 =	vadd.s32 v22, v25  }
0x25d: {  	vm4 =	vlt.s32 v18, $0x20;
	vm3 =	vgt.s32 v15, $0x0;
	v19 =	vand.u32 $0xF0F0F0F, v19  }
0x25e: {  	v22 =	vnsel vm3, $0x0, v15;
	vm3 =	vne.s32 v1, v21;
	v19 =	vmul.u32 $0x1010101, v19  }
0x25f: {  	v21 =	vshll.u32 v22, $0x3;
	vm1 =	vmor vm1, vm3;
	vm2 =	vmand vm2, vm3  }
0x260: {  	v22 =	vand.u32 $0x7F, v22;
	v21 =	vand.u32 $0xFFFFFC00, v21;
	v19 =	vshra.s32 v19, $0x18  }
.Ltmp5:
0x261: {  	vm1 =	vmand vm4, vm1;
	v21 =	vor.u32 v22, v21;
	v22 =	vadd.s32 v23, v19;
	(pc) =	sbr.rel @p0 .LBB2_12-.Ltmp5, $4  }
0x262: {  	v21 =	vadd.s32 v11, v21;
	v19 =	vsel vm1, $0x1, v1;
	v16 =	vsel vm2, v22, v16  }
0x263: {  	v18 =	vadd.s32 v19, v18;
	vm2 =	vgt.s32 v16, $0x0  }
0x264: {  	vm4 =	vlt.s32 v18, $0x1F;
	v23 =	vnsel vm2, $0x0, v16  }
0x265: {  	v19 =	vnsel vm4, $0x1F, v18;
	v22 =	vsel vm3, v22, v23  }
0x266: {  	_ =	sdelay $0x3  }
0x267: {  	v22 =	vadd.s32 v0, v22  }
0x268: {  	[tilespmem:v20+s10+$0x0] =	vst.idx.msk vm1, v22  }
0x269: {  	v20 =	vld.idx.msk [tilespmem:v21+s2+$0x0], $0xffff;
	_ =	sdelay $0x4  }
0x26a: {  	v17 =	vsel vm0, v20, v17  }
0x26b: {  	v20 =	vsub.s32 $0x0, v17  }
0x26c: {  	v20 =	vand.u32 v20, v17  }
0x26d: {  	v20 =	vadd.s32 $0xFFFFFFFF, v20  }
0x26e: {  	v21 =	vshrl.u32 v20, $0x1  }
0x26f: {  	v21 =	vand.u32 $0x55555555, v21  }
0x270: {  	v20 =	vsub.s32 v20, v21  }
0x271: {  	v21 =	vshrl.u32 v20, $0x2  }
0x272: {  	v20 =	vand.u32 $0x33333333, v20;
	v21 =	vand.u32 $0x33333333, v21  }
0x273: {  	v20 =	vadd.s32 v20, v21  }
0x274: {  	v21 =	vshrl.u32 v20, $0x4  }
0x275: {  	v20 =	vadd.s32 v20, v21  }
0x276: {  	v20 =	vand.u32 $0xF0F0F0F, v20  }
0x277: {  	vm3 =	vlt.s32 v18, $0x20;
	v20 =	vmul.u32 $0x1010101, v20  }
0x278: {  	vm1 =	vlt.s32 v16, $0x0;
	vm0 =	vgt.s32 v15, $0xFE;
	vm2 =	vne.s32 v1, v17  }
0x279: {  	vm0 =	vmor vm0, vm2;
	v21 =	vshll.u32 v15, $0x4;
	v15 =	vshra.s32 v20, $0x18  }
0x27a: {  	vm1 =	vmand vm1, vm2;
	vm0 =	vmand vm3, vm0;
	v15 =	vadd.s32 v21, v15  }
0x27b: {  	v14 =	vadd.s32 v14, v19;
	v16 =	vsel vm1, v15, v16  }
0x27c: {  	vm1 =	vgt.s32 v16, $0x0  }
0x27d: {  	v16 =	vnsel vm1, $0x0, v16  }
0x27e: {  	v15 =	vsel vm2, v15, v16  }
0x27f: {  	v15 =	vadd.s32 v0, v15  }
0x280: {  	[tilespmem:v14+s10+$0x0] =	vst.idx.msk vm0, v15  }
0x281: {  	_ =	swait.ge [sflag:s16], $0x4000  }
0x282: {  	[sflag:s16] =	ssyncset.done $0x0  }
0x283: {  	s25 =	rddreg [dreg:$0x13];
	[sflag:s16] =	ssyncadd.s32 $0xFFFFC000  }
0x284: {  	[hbm4b:s25+s2] =	stream.linear.scatter [tilespmem:s12], [sflag:$0x5], $0x4000, $0x38;
	[tilespmem:$0x19000] =	vst v63  }
0x285: {  	_ =	swait.ge [sflag:s17], $0x4000  }
0x286: {  	[sflag:s17] =	ssyncset.done $0x0  }
0x287: {  	s25 =	rddreg [dreg:$0x14];
	[sflag:s17] =	ssyncadd.s32 $0xFFFFC000  }
0x288: {  	[hbm4b:s25+s2] =	stream.linear.scatter [tilespmem:s13], [sflag:$0x6], $0x4000, $0x38;
	[tilespmem:$0x19000] =	vst v63  }
0x289: {  	_ =	swait.ge [sflag:s18], $0x4000  }
0x28a: {  	[sflag:s18] =	ssyncset.done $0x0  }
0x28b: {  	s25 =	rddreg [dreg:$0x15];
	[sflag:s18] =	ssyncadd.s32 $0xFFFFC000  }
0x28c: {  	[hbm4b:s25+s2] =	stream.linear.scatter [tilespmem:s14], [sflag:$0x7], $0x4000, $0x38;
	[tilespmem:$0x19000] =	vst v63  }
0x28d: {  	_ =	swait.ge [sflag:s19], $0x4000  }
0x28e: {  	[sflag:s19] =	ssyncset.done $0x0  }
0x28f: {  	s25 =	rddreg [dreg:$0x16];
	[sflag:s19] =	ssyncadd.s32 $0xFFFFC000  }
0x290: {  	[hbm4b:s25+s2] =	stream.linear.scatter [tilespmem:s15], [sflag:$0x8], $0x4000, $0x38;
	[tilespmem:$0x19000] =	vst v63  }
0x291: {  	_ =	swait.ge [sflag:s20], $0x4000  }
0x292: {  	v18 =	vimm.s32 $0x0;
	v16 =	vimm.s32 $0xFFFFFFFF;
	[sflag:s20] =	ssyncset.done $0x0  }
0x293: {  	vm1 =	vlt.s32 v16, $0xFF;
	vm0 =	veq.s32 v18, $0x0;
	s25 =	simm.s32 $0x8A00;
	[sflag:s20] =	ssyncadd.s32 $0xFFFFC000  }
0x294: {  	vm0 =	vmand vm1, vm0;
	[tilespmem:s12], [sflag:$0x1] =	stream.indirect.gather [hbm4b:s3+s11], $0x80, s25, s11, $0xb8;
	[tilespmem:$0x19000] =	vst v63  }
0x295: {  	v14 =	vsel vm0, $0x1, v1;
	_ =	swait.ge [sflag:s21], $0x4000  }
0x296: {  	v15 =	vadd.s32 v14, v16;
	[sflag:s21] =	ssyncset.done $0x0  }
0x297: {  	vm1 =	vgt.s32 v15, $0x0;
	s25 =	simm.s32 $0x8A80;
	[sflag:s21] =	ssyncadd.s32 $0xFFFFC000  }
0x298: {  	v14 =	vnsel vm1, $0x0, v15;
	[tilespmem:s13], [sflag:$0x2] =	stream.indirect.gather [hbm4b:s3+s11], $0x80, s25, s11, $0xb8;
	[tilespmem:$0x19000] =	vst v63  }
0x299: {  	v17 =	vshll.u32 v14, $0x3;
	_ =	swait.ge [sflag:s22], $0x4000  }
0x29a: {  	v14 =	vand.u32 $0x7F, v14;
	v17 =	vand.u32 $0xFFFFFC00, v17;
	[sflag:s22] =	ssyncset.done $0x0  }
0x29b: {  	v14 =	vor.u32 v14, v17;
	s25 =	simm.s32 $0x8B00;
	[sflag:s22] =	ssyncadd.s32 $0xFFFFC000  }
0x29c: {  	v14 =	vadd.s32 v12, v14;
	[tilespmem:s14], [sflag:$0x3] =	stream.indirect.gather [hbm4b:s3+s11], $0x80, s25, s11, $0xb8;
	[tilespmem:$0x19000] =	vst v63  }
0x29d: {  	_ =	swait.ge [sflag:s23], $0x4000  }
0x29e: {  	[sflag:s23] =	ssyncset.done $0x0  }
0x29f: {  	s25 =	simm.s32 $0x8B80;
	[sflag:s23] =	ssyncadd.s32 $0xFFFFC000  }
0x2a0: {  	[tilespmem:s15], [sflag:$0x4] =	stream.indirect.gather [hbm4b:s3+s11], $0x80, s25, s11, $0xb8;
	[tilespmem:$0x19000] =	vst v63  }
0x2a1: {  	v14 =	vld.idx.msk [tilespmem:v14+s2+$0x0], $0xffff;
	_ =	sdelay $0x4  }
0x2a2: {  	v19 =	vsel vm0, v14, v18  }
0x2a3: {  	v14 =	vsub.s32 $0x0, v19  }
0x2a4: {  	v14 =	vand.u32 v14, v19  }
0x2a5: {  	v17 =	vadd.s32 $0xFFFFFFFF, v14  }
0x2a6: {  	v20 =	vshrl.u32 v17, $0x1  }
0x2a7: {  	vm4 =	vlt.s32 v18, $0x20;
	v20 =	vand.u32 $0x55555555, v20  }
0x2a8: {  	vm1 =	vlt.s32 v15, $0xFF;
	vm0 =	vlt.s32 v18, $0x1F;
	v20 =	vsub.s32 v17, v20  }
0x2a9: {  	v21 =	vnsel vm0, $0x1F, v18;
	v17 =	vsub.s32 v19, v14;
	v22 =	vshrl.u32 v20, $0x2  }
0x2aa: {  	v20 =	vand.u32 $0x33333333, v20;
	vm0 =	veq.s32 v17, $0x0;
	v22 =	vand.u32 $0x33333333, v22  }
0x2ab: {  	v14 =	vor.u32 $0xC00, v2;
	vm0 =	vmand vm1, vm0;
	v20 =	vadd.s32 v20, v22  }
0x2ac: {  	vm1 =	vgt.s32 v15, $0xFE;
	v24 =	vsel vm0, $0x1, v1;
	v23 =	vshrl.u32 v20, $0x4  }
0x2ad: {  	v22 =	vshll.u32 v15, $0x4;
	v15 =	vadd.s32 v24, v15;
	v23 =	vadd.s32 v20, v23  }
0x2ae: {  	v20 =	vadd.s32 v14, v21;
	vm3 =	vgt.s32 v15, $0x0;
	v21 =	vand.u32 $0xF0F0F0F, v23  }
0x2af: {  	v23 =	vnsel vm3, $0x0, v15;
	vm3 =	vne.s32 v1, v19;
	v21 =	vmul.u32 $0x1010101, v21  }
0x2b0: {  	vm2 =	vlt.s32 v16, $0x0;
	v19 =	vshll.u32 v23, $0x3;
	vm1 =	vmor vm1, vm3  }
0x2b1: {  	vm2 =	vmand vm2, vm3;
	vm1 =	vmand vm4, vm1;
	v21 =	vshra.s32 v21, $0x18  }
0x2b2: {  	v19 =	vand.u32 $0xFFFFFC00, v19;
	v22 =	vadd.s32 v22, v21;
	v21 =	vand.u32 $0x7F, v23  }
0x2b3: {  	v23 =	vsel vm1, $0x1, v1;
	v16 =	vsel vm2, v22, v16;
	v19 =	vor.u32 v21, v19  }
0x2b4: {  	v18 =	vadd.s32 v23, v18;
	vm2 =	vgt.s32 v16, $0x0;
	v21 =	vadd.s32 v12, v19  }
0x2b5: {  	vm15 =	vlt.s32 v18, $0x1F;
	v23 =	vnsel vm2, $0x0, v16  }
0x2b6: {  	s25 =	simm.s32 $0x11E;
	v19 =	vnsel vm15, $0x1F, v18;
	v22 =	vsel vm3, v22, v23  }
.LBB2_14:
0x2b7: {  	p0 =	sne.s32 s25, $0x1;
	s25 =	sadd.s32 $0xFFFFFFFF, s25;
	v22 =	vadd.s32 v0, v22  }
0x2b8: {  	[tilespmem:v20+s10+$0x0] =	vst.idx.msk vm1, v22  }
0x2b9: {  	v20 =	vld.idx.msk [tilespmem:v21+s2+$0x0], $0xffff;
	_ =	sdelay $0x5  }
0x2ba: {  	v21 =	vsel vm0, v20, v17  }
0x2bb: {  	v17 =	vsub.s32 $0x0, v21  }
0x2bc: {  	v17 =	vand.u32 v17, v21  }
0x2bd: {  	v20 =	vadd.s32 $0xFFFFFFFF, v17;
	v17 =	vsub.s32 v21, v17  }
0x2be: {  	v22 =	vshrl.u32 v20, $0x1  }
0x2bf: {  	v22 =	vand.u32 $0x55555555, v22  }
0x2c0: {  	v20 =	vsub.s32 v20, v22  }
0x2c1: {  	v23 =	vshll.u32 v15, $0x4;
	v22 =	vand.u32 $0x33333333, v20;
	v20 =	vshrl.u32 v20, $0x2  }
0x2c2: {  	vm1 =	vlt.s32 v15, $0xFF;
	vm0 =	veq.s32 v17, $0x0;
	v20 =	vand.u32 $0x33333333, v20  }
0x2c3: {  	vm0 =	vmand vm1, vm0;
	vm1 =	vgt.s32 v15, $0xFE;
	v22 =	vadd.s32 v22, v20  }
0x2c4: {  	v24 =	vsel vm0, $0x1, v1;
	v20 =	vadd.s32 v14, v19;
	v25 =	vshrl.u32 v22, $0x4  }
0x2c5: {  	vm2 =	vlt.s32 v16, $0x0;
	v15 =	vadd.s32 v24, v15;
	v19 =	vadd.s32 v22, v25  }
0x2c6: {  	vm4 =	vlt.s32 v18, $0x20;
	vm3 =	vgt.s32 v15, $0x0;
	v19 =	vand.u32 $0xF0F0F0F, v19  }
0x2c7: {  	v22 =	vnsel vm3, $0x0, v15;
	vm3 =	vne.s32 v1, v21;
	v19 =	vmul.u32 $0x1010101, v19  }
0x2c8: {  	v21 =	vshll.u32 v22, $0x3;
	vm1 =	vmor vm1, vm3;
	vm2 =	vmand vm2, vm3  }
0x2c9: {  	v22 =	vand.u32 $0x7F, v22;
	v21 =	vand.u32 $0xFFFFFC00, v21;
	v19 =	vshra.s32 v19, $0x18  }
.Ltmp6:
0x2ca: {  	vm1 =	vmand vm4, vm1;
	v21 =	vor.u32 v22, v21;
	v22 =	vadd.s32 v23, v19;
	(pc) =	sbr.rel @p0 .LBB2_14-.Ltmp6, $4  }
0x2cb: {  	v21 =	vadd.s32 v12, v21;
	v19 =	vsel vm1, $0x1, v1;
	v16 =	vsel vm2, v22, v16  }
0x2cc: {  	v18 =	vadd.s32 v19, v18;
	vm2 =	vgt.s32 v16, $0x0  }
0x2cd: {  	vm4 =	vlt.s32 v18, $0x1F;
	v23 =	vnsel vm2, $0x0, v16  }
0x2ce: {  	v19 =	vnsel vm4, $0x1F, v18;
	v22 =	vsel vm3, v22, v23  }
0x2cf: {  	_ =	sdelay $0x3  }
0x2d0: {  	v22 =	vadd.s32 v0, v22  }
0x2d1: {  	[tilespmem:v20+s10+$0x0] =	vst.idx.msk vm1, v22  }
0x2d2: {  	v20 =	vld.idx.msk [tilespmem:v21+s2+$0x0], $0xffff;
	_ =	sdelay $0x4  }
0x2d3: {  	v17 =	vsel vm0, v20, v17  }
0x2d4: {  	v20 =	vsub.s32 $0x0, v17  }
0x2d5: {  	v20 =	vand.u32 v20, v17  }
0x2d6: {  	v20 =	vadd.s32 $0xFFFFFFFF, v20  }
0x2d7: {  	v21 =	vshrl.u32 v20, $0x1  }
0x2d8: {  	v21 =	vand.u32 $0x55555555, v21  }
0x2d9: {  	v20 =	vsub.s32 v20, v21  }
0x2da: {  	v21 =	vshrl.u32 v20, $0x2  }
0x2db: {  	v20 =	vand.u32 $0x33333333, v20;
	v21 =	vand.u32 $0x33333333, v21  }
0x2dc: {  	v20 =	vadd.s32 v20, v21  }
0x2dd: {  	v21 =	vshrl.u32 v20, $0x4  }
0x2de: {  	v20 =	vadd.s32 v20, v21  }
0x2df: {  	v20 =	vand.u32 $0xF0F0F0F, v20  }
0x2e0: {  	vm3 =	vlt.s32 v18, $0x20;
	v20 =	vmul.u32 $0x1010101, v20  }
0x2e1: {  	vm1 =	vlt.s32 v16, $0x0;
	vm0 =	vgt.s32 v15, $0xFE;
	vm2 =	vne.s32 v1, v17  }
0x2e2: {  	vm0 =	vmor vm0, vm2;
	v21 =	vshll.u32 v15, $0x4;
	v15 =	vshra.s32 v20, $0x18  }
0x2e3: {  	vm1 =	vmand vm1, vm2;
	vm0 =	vmand vm3, vm0;
	v15 =	vadd.s32 v21, v15  }
0x2e4: {  	v14 =	vadd.s32 v14, v19;
	v16 =	vsel vm1, v15, v16  }
0x2e5: {  	vm1 =	vgt.s32 v16, $0x0  }
0x2e6: {  	v16 =	vnsel vm1, $0x0, v16  }
0x2e7: {  	v15 =	vsel vm2, v15, v16  }
0x2e8: {  	v15 =	vadd.s32 v0, v15  }
0x2e9: {  	[tilespmem:v14+s10+$0x0] =	vst.idx.msk vm0, v15  }
0x2ea: {  	_ =	swait.ge [sflag:s16], $0x4000  }
0x2eb: {  	[sflag:s16] =	ssyncset.done $0x0  }
0x2ec: {  	s25 =	rddreg [dreg:$0x17];
	[sflag:s16] =	ssyncadd.s32 $0xFFFFC000  }
0x2ed: {  	[hbm4b:s25+s2] =	stream.linear.scatter [tilespmem:s12], [sflag:$0x5], $0x4000, $0x38;
	[tilespmem:$0x19000] =	vst v63  }
0x2ee: {  	_ =	swait.ge [sflag:s17], $0x4000  }
0x2ef: {  	[sflag:s17] =	ssyncset.done $0x0  }
0x2f0: {  	[sflag:s17] =	ssyncadd.s32 $0xFFFFC000  }
0x2f1: {  	[hbm4b:s26+s2] =	stream.linear.scatter [tilespmem:s13], [sflag:$0x6], $0x4000, $0x38;
	[tilespmem:$0x19000] =	vst v63  }
0x2f2: {  	_ =	swait.ge [sflag:s18], $0x4000  }
0x2f3: {  	[sflag:s18] =	ssyncset.done $0x0  }
0x2f4: {  	[sflag:s18] =	ssyncadd.s32 $0xFFFFC000  }
0x2f5: {  	[hbm4b:s28+s2] =	stream.linear.scatter [tilespmem:s14], [sflag:$0x7], $0x4000, $0x38;
	[tilespmem:$0x19000] =	vst v63  }
0x2f6: {  	_ =	swait.ge [sflag:s19], $0x4000  }
0x2f7: {  	[sflag:s19] =	ssyncset.done $0x0  }
0x2f8: {  	[sflag:s19] =	ssyncadd.s32 $0xFFFFC000  }
0x2f9: {  	[hbm4b:s29+s2] =	stream.linear.scatter [tilespmem:s15], [sflag:$0x8], $0x4000, $0x38;
	[tilespmem:$0x19000] =	vst v63  }
0x2fa: {  	_ =	swait.ge [sflag:s20], $0x4000  }
0x2fb: {  	v18 =	vimm.s32 $0x0;
	v16 =	vimm.s32 $0xFFFFFFFF;
	[sflag:s20] =	ssyncset.done $0x0  }
0x2fc: {  	vm1 =	vlt.s32 v16, $0xFF;
	vm0 =	veq.s32 v18, $0x0;
	s25 =	simm.s32 $0x8C00;
	[sflag:s20] =	ssyncadd.s32 $0xFFFFC000  }
0x2fd: {  	vm0 =	vmand vm1, vm0;
	[tilespmem:s12], [sflag:$0x1] =	stream.indirect.gather [hbm4b:s3+s11], $0x80, s25, s11, $0xb8;
	[tilespmem:$0x19000] =	vst v63  }
0x2fe: {  	v14 =	vsel vm0, $0x1, v1;
	_ =	swait.ge [sflag:s21], $0x4000  }
0x2ff: {  	v15 =	vadd.s32 v14, v16;
	[sflag:s21] =	ssyncset.done $0x0  }
0x300: {  	vm1 =	vgt.s32 v15, $0x0;
	s25 =	simm.s32 $0x8C80;
	[sflag:s21] =	ssyncadd.s32 $0xFFFFC000  }
0x301: {  	v14 =	vnsel vm1, $0x0, v15;
	[tilespmem:s13], [sflag:$0x2] =	stream.indirect.gather [hbm4b:s3+s11], $0x80, s25, s11, $0xb8;
	[tilespmem:$0x19000] =	vst v63  }
0x302: {  	v17 =	vshll.u32 v14, $0x3;
	_ =	swait.ge [sflag:s22], $0x4000  }
0x303: {  	v14 =	vand.u32 $0x7F, v14;
	v17 =	vand.u32 $0xFFFFFC00, v17;
	[sflag:s22] =	ssyncset.done $0x0  }
0x304: {  	v14 =	vor.u32 v14, v17;
	s25 =	simm.s32 $0x8D00;
	[sflag:s22] =	ssyncadd.s32 $0xFFFFC000  }
0x305: {  	v14 =	vadd.s32 v13, v14;
	[tilespmem:s14], [sflag:$0x3] =	stream.indirect.gather [hbm4b:s3+s11], $0x80, s25, s11, $0xb8;
	[tilespmem:$0x19000] =	vst v63  }
0x306: {  	_ =	swait.ge [sflag:s23], $0x4000  }
0x307: {  	[sflag:s23] =	ssyncset.done $0x0  }
0x308: {  	s25 =	simm.s32 $0x8D80;
	[sflag:s23] =	ssyncadd.s32 $0xFFFFC000  }
0x309: {  	[tilespmem:s15], [sflag:$0x4] =	stream.indirect.gather [hbm4b:s3+s11], $0x80, s25, s11, $0xb8;
	[tilespmem:$0x19000] =	vst v63  }
0x30a: {  	v14 =	vld.idx.msk [tilespmem:v14+s2+$0x0], $0xffff;
	_ =	sdelay $0x4  }
0x30b: {  	v19 =	vsel vm0, v14, v18  }
0x30c: {  	v14 =	vsub.s32 $0x0, v19  }
0x30d: {  	v14 =	vand.u32 v14, v19  }
0x30e: {  	v17 =	vadd.s32 $0xFFFFFFFF, v14  }
0x30f: {  	v20 =	vshrl.u32 v17, $0x1  }
0x310: {  	vm4 =	vlt.s32 v18, $0x20;
	v20 =	vand.u32 $0x55555555, v20  }
0x311: {  	vm1 =	vlt.s32 v15, $0xFF;
	vm0 =	vlt.s32 v18, $0x1F;
	v20 =	vsub.s32 v17, v20  }
0x312: {  	v21 =	vnsel vm0, $0x1F, v18;
	v17 =	vsub.s32 v19, v14;
	v22 =	vshrl.u32 v20, $0x2  }
0x313: {  	v20 =	vand.u32 $0x33333333, v20;
	vm0 =	veq.s32 v17, $0x0;
	v22 =	vand.u32 $0x33333333, v22  }
0x314: {  	v14 =	vor.u32 $0xE00, v2;
	vm0 =	vmand vm1, vm0;
	v20 =	vadd.s32 v20, v22  }
0x315: {  	vm1 =	vgt.s32 v15, $0xFE;
	v24 =	vsel vm0, $0x1, v1;
	v23 =	vshrl.u32 v20, $0x4  }
0x316: {  	v22 =	vshll.u32 v15, $0x4;
	v15 =	vadd.s32 v24, v15;
	v23 =	vadd.s32 v20, v23  }
0x317: {  	v20 =	vadd.s32 v14, v21;
	vm3 =	vgt.s32 v15, $0x0;
	v21 =	vand.u32 $0xF0F0F0F, v23  }
0x318: {  	v23 =	vnsel vm3, $0x0, v15;
	vm3 =	vne.s32 v1, v19;
	v21 =	vmul.u32 $0x1010101, v21  }
0x319: {  	vm2 =	vlt.s32 v16, $0x0;
	v19 =	vshll.u32 v23, $0x3;
	vm1 =	vmor vm1, vm3  }
0x31a: {  	vm2 =	vmand vm2, vm3;
	vm1 =	vmand vm4, vm1;
	v21 =	vshra.s32 v21, $0x18  }
0x31b: {  	v19 =	vand.u32 $0xFFFFFC00, v19;
	v22 =	vadd.s32 v22, v21;
	v21 =	vand.u32 $0x7F, v23  }
0x31c: {  	v23 =	vsel vm1, $0x1, v1;
	v16 =	vsel vm2, v22, v16;
	v19 =	vor.u32 v21, v19  }
0x31d: {  	v18 =	vadd.s32 v23, v18;
	vm2 =	vgt.s32 v16, $0x0;
	v21 =	vadd.s32 v13, v19  }
0x31e: {  	vm15 =	vlt.s32 v18, $0x1F;
	v23 =	vnsel vm2, $0x0, v16  }
0x31f: {  	s25 =	simm.s32 $0x11E;
	v19 =	vnsel vm15, $0x1F, v18;
	v22 =	vsel vm3, v22, v23  }
.LBB2_16:
0x320: {  	p0 =	sne.s32 s25, $0x1;
	s25 =	sadd.s32 $0xFFFFFFFF, s25;
	v22 =	vadd.s32 v0, v22  }
0x321: {  	[tilespmem:v20+s10+$0x0] =	vst.idx.msk vm1, v22  }
0x322: {  	v20 =	vld.idx.msk [tilespmem:v21+s2+$0x0], $0xffff;
	_ =	sdelay $0x5  }
0x323: {  	v21 =	vsel vm0, v20, v17  }
0x324: {  	v17 =	vsub.s32 $0x0, v21  }
0x325: {  	v17 =	vand.u32 v17, v21  }
0x326: {  	v20 =	vadd.s32 $0xFFFFFFFF, v17;
	v17 =	vsub.s32 v21, v17  }
0x327: {  	v22 =	vshrl.u32 v20, $0x1  }
0x328: {  	v22 =	vand.u32 $0x55555555, v22  }
0x329: {  	v20 =	vsub.s32 v20, v22  }
0x32a: {  	v23 =	vshll.u32 v15, $0x4;
	v22 =	vand.u32 $0x33333333, v20;
	v20 =	vshrl.u32 v20, $0x2  }
0x32b: {  	vm1 =	vlt.s32 v15, $0xFF;
	vm0 =	veq.s32 v17, $0x0;
	v20 =	vand.u32 $0x33333333, v20  }
0x32c: {  	vm0 =	vmand vm1, vm0;
	vm1 =	vgt.s32 v15, $0xFE;
	v22 =	vadd.s32 v22, v20  }
0x32d: {  	v24 =	vsel vm0, $0x1, v1;
	v20 =	vadd.s32 v14, v19;
	v25 =	vshrl.u32 v22, $0x4  }
0x32e: {  	vm2 =	vlt.s32 v16, $0x0;
	v15 =	vadd.s32 v24, v15;
	v19 =	vadd.s32 v22, v25  }
0x32f: {  	vm4 =	vlt.s32 v18, $0x20;
	vm3 =	vgt.s32 v15, $0x0;
	v19 =	vand.u32 $0xF0F0F0F, v19  }
0x330: {  	v22 =	vnsel vm3, $0x0, v15;
	vm3 =	vne.s32 v1, v21;
	v19 =	vmul.u32 $0x1010101, v19  }
0x331: {  	v21 =	vshll.u32 v22, $0x3;
	vm1 =	vmor vm1, vm3;
	vm2 =	vmand vm2, vm3  }
0x332: {  	v22 =	vand.u32 $0x7F, v22;
	v21 =	vand.u32 $0xFFFFFC00, v21;
	v19 =	vshra.s32 v19, $0x18  }
.Ltmp7:
0x333: {  	vm1 =	vmand vm4, vm1;
	v21 =	vor.u32 v22, v21;
	v22 =	vadd.s32 v23, v19;
	(pc) =	sbr.rel @p0 .LBB2_16-.Ltmp7, $4  }
0x334: {  	v21 =	vadd.s32 v13, v21;
	v19 =	vsel vm1, $0x1, v1;
	v16 =	vsel vm2, v22, v16  }
0x335: {  	v18 =	vadd.s32 v19, v18;
	vm2 =	vgt.s32 v16, $0x0  }
0x336: {  	vm4 =	vlt.s32 v18, $0x1F;
	v23 =	vnsel vm2, $0x0, v16  }
0x337: {  	v19 =	vnsel vm4, $0x1F, v18;
	v22 =	vsel vm3, v22, v23  }
0x338: {  	_ =	sdelay $0x3  }
0x339: {  	v22 =	vadd.s32 v0, v22  }
0x33a: {  	[tilespmem:v20+s10+$0x0] =	vst.idx.msk vm1, v22  }
0x33b: {  	v20 =	vld.idx.msk [tilespmem:v21+s2+$0x0], $0xffff;
	_ =	sdelay $0x4  }
0x33c: {  	v17 =	vsel vm0, v20, v17  }
0x33d: {  	v20 =	vsub.s32 $0x0, v17  }
0x33e: {  	v20 =	vand.u32 v20, v17  }
0x33f: {  	v20 =	vadd.s32 $0xFFFFFFFF, v20  }
0x340: {  	v61 =	vshrl.u32 v20, $0x1  }
0x341: {  	v21 =	vand.u32 $0x55555555, v61  }
0x342: {  	v20 =	vsub.s32 v20, v21  }
0x343: {  	v21 =	vshrl.u32 v20, $0x2  }
0x344: {  	v20 =	vand.u32 $0x33333333, v20;
	v21 =	vand.u32 $0x33333333, v21  }
0x345: {  	v20 =	vadd.s32 v20, v21  }
0x346: {  	v21 =	vshrl.u32 v20, $0x4  }
0x347: {  	v20 =	vadd.s32 v20, v21  }
0x348: {  	v20 =	vand.u32 $0xF0F0F0F, v20  }
0x349: {  	v62 =	vshll.u32 v15, $0x4;
	v20 =	vmul.u32 $0x1010101, v20  }
0x34a: {  	vm14 =	vgt.s32 v15, $0xFE;
	vm15 =	vlt.s32 v16, $0x0;
	vm2 =	vne.s32 v1, v17  }
0x34b: {  	vm3 =	vlt.s32 v18, $0x20;
	vm0 =	vmor vm14, vm2;
	v15 =	vshra.s32 v20, $0x18  }
0x34c: {  	vm1 =	vmand vm15, vm2;
	vm0 =	vmand vm3, vm0;
	v15 =	vadd.s32 v62, v15  }
0x34d: {  	v14 =	vadd.s32 v14, v19;
	v63 =	vsel vm1, v15, v16  }
0x34e: {  	vm1 =	vgt.s32 v63, $0x0  }
0x34f: {  	v16 =	vnsel vm1, $0x0, v63  }
0x350: {  	v15 =	vsel vm2, v15, v16  }
0x351: {  	v15 =	vadd.s32 v0, v15  }
0x352: {  	[tilespmem:v14+s10+$0x0] =	vst.idx.msk vm0, v15  }
0x353: {  	_ =	swait.ge [sflag:s16], $0x4000  }
0x354: {  	[sflag:s16] =	ssyncset.done $0x0  }
0x355: {  	[sflag:s16] =	ssyncadd.s32 $0xFFFFC000  }
0x356: {  	[hbm4b:s30+s2] =	stream.linear.scatter [tilespmem:s12], [sflag:$0x5], $0x4000, $0x38;
	[tilespmem:$0x19000] =	vst v63  }
0x357: {  	_ =	swait.ge [sflag:s17], $0x4000  }
0x358: {  	[sflag:s17] =	ssyncset.done $0x0  }
0x359: {  	[sflag:s17] =	ssyncadd.s32 $0xFFFFC000  }
0x35a: {  	[hbm4b:s31+s2] =	stream.linear.scatter [tilespmem:s13], [sflag:$0x6], $0x4000, $0x38;
	[tilespmem:$0x19000] =	vst v63  }
0x35b: {  	_ =	swait.ge [sflag:s18], $0x4000  }
0x35c: {  	[sflag:s18] =	ssyncset.done $0x0  }
0x35d: {  	[sflag:s18] =	ssyncadd.s32 $0xFFFFC000  }
0x35e: {  	[hbm4b:s1+s2] =	stream.linear.scatter [tilespmem:s14], [sflag:$0x7], $0x4000, $0x38;
	[tilespmem:$0x19000] =	vst v63  }
0x35f: {  	_ =	swait.ge [sflag:s19], $0x4000  }
0x360: {  	[sflag:s19] =	ssyncset.done $0x0  }
0x361: {  	[sflag:s19] =	ssyncadd.s32 $0xFFFFC000  }
0x362: {  	[hbm4b:s0+s2] =	stream.linear.scatter [tilespmem:s15], [sflag:$0x8], $0x4000, $0x38;
	[tilespmem:$0x19000] =	vst v63  }
0x363: {  	_ =	swait.ge [sflag:s20], $0x4000  }
0x364: {  	[sflag:s20] =	ssyncset.done $0x0  }
0x365: {  	s25 =	simm.s32 $0x8E00;
	[sflag:s20] =	ssyncadd.s32 $0xFFFFC000  }
0x366: {  	[tilespmem:s12], [sflag:$0x1] =	stream.indirect.gather [hbm4b:s3+s11], $0x80, s25, s11, $0xb8;
	[tilespmem:$0x19000] =	vst v63  }
0x367: {  	_ =	swait.ge [sflag:s21], $0x4000  }
0x368: {  	[sflag:s21] =	ssyncset.done $0x0  }
0x369: {  	s25 =	simm.s32 $0x8E80;
	[sflag:s21] =	ssyncadd.s32 $0xFFFFC000  }
0x36a: {  	[tilespmem:s13], [sflag:$0x2] =	stream.indirect.gather [hbm4b:s3+s11], $0x80, s25, s11, $0xb8;
	[tilespmem:$0x19000] =	vst v63  }
0x36b: {  	_ =	swait.ge [sflag:s22], $0x4000  }
0x36c: {  	[sflag:s22] =	ssyncset.done $0x0  }
0x36d: {  	s25 =	simm.s32 $0x8F00;
	[sflag:s22] =	ssyncadd.s32 $0xFFFFC000  }
0x36e: {  	[tilespmem:s14], [sflag:$0x3] =	stream.indirect.gather [hbm4b:s3+s11], $0x80, s25, s11, $0xb8;
	[tilespmem:$0x19000] =	vst v63  }
0x36f: {  	_ =	swait.ge [sflag:s23], $0x4000  }
0x370: {  	[sflag:s23] =	ssyncset.done $0x0  }
0x371: {  	s25 =	simm.s32 $0x8F80;
	[sflag:s23] =	ssyncadd.s32 $0xFFFFC000  }
0x372: {  	[tilespmem:s15], [sflag:$0x4] =	stream.indirect.gather [hbm4b:s3+s11], $0x80, s25, s11, $0xb8;
	[tilespmem:$0x19000] =	vst v63  }
0x373: {  	_ =	swait.ge [sflag:s16], $0x4000  }
0x374: {  	[sflag:s16] =	ssyncset.done $0x0  }
0x375: {  	[sflag:s16] =	ssyncadd.s32 $0xFFFFC000  }
0x376: {  	[hbm4b:s4+s2] =	stream.linear.scatter [tilespmem:s12], [sflag:$0x9], $0x4000, $0x38;
	[tilespmem:$0x19000] =	vst v63  }
0x377: {  	_ =	swait.ge [sflag:s9], $0x4000  }
0x378: {  	[sflag:s9] =	ssyncset.done $0x0  }
0x379: {  	[sflag:s9] =	ssyncadd.s32 $0xFFFFC000  }
0x37a: {  	_ =	swait.ge [sflag:s17], $0x4000  }
0x37b: {  	[sflag:s17] =	ssyncset.done $0x0  }
0x37c: {  	[sflag:s17] =	ssyncadd.s32 $0xFFFFC000  }
0x37d: {  	[hbm4b:s5+s2] =	stream.linear.scatter [tilespmem:s13], [sflag:$0x9], $0x4000, $0x38;
	[tilespmem:$0x19000] =	vst v63  }
0x37e: {  	_ =	swait.ge [sflag:s9], $0x4000  }
0x37f: {  	[sflag:s9] =	ssyncset.done $0x0  }
0x380: {  	[sflag:s9] =	ssyncadd.s32 $0xFFFFC000  }
0x381: {  	_ =	swait.ge [sflag:s18], $0x4000  }
0x382: {  	[sflag:s18] =	ssyncset.done $0x0  }
0x383: {  	[sflag:s18] =	ssyncadd.s32 $0xFFFFC000  }
0x384: {  	[hbm4b:s6+s2] =	stream.linear.scatter [tilespmem:s14], [sflag:$0x9], $0x4000, $0x38;
	[tilespmem:$0x19000] =	vst v63  }
0x385: {  	_ =	swait.ge [sflag:s9], $0x4000  }
0x386: {  	[sflag:s9] =	ssyncset.done $0x0  }
0x387: {  	[sflag:s9] =	ssyncadd.s32 $0xFFFFC000  }
0x388: {  	s24 =	sadd.s32 $0x1, s24;
	_ =	swait.ge [sflag:s19], $0x4000  }
0x389: {  	p0 =	sne.s32 s24, s8;
	[sflag:s19] =	ssyncset.done $0x0  }
.Ltmp8:
0x38a: {  	[sflag:s19] =	ssyncadd.s32 $0xFFFFC000;
	(pc) =	sbr.rel @p0 .LBB2_1-.Ltmp8, $4  }
0x38b: {  	[hbm4b:s7+s2] =	stream.linear.scatter [tilespmem:s15], [sflag:$0x9], $0x4000, $0x38;
	[tilespmem:$0x19000] =	vst v63  }
0x38c: {  	_ =	swait.ge [sflag:s9], $0x4000  }
0x38d: {  	[sflag:s9] =	ssyncset.done $0x0  }
0x38e: {  	[sflag:s9] =	ssyncadd.s32 $0xFFFFC000  }
0x38f: {  	_ =	sfence.sel $0x180000  }
0x390: {  	[bflag:$0x0] =	sbarrier.arrive $0xFFFF  }
0x391: {  	_ =	strace $0x90000047  }
0x392: {  	s0 =	stileid.u32;
	[bflag:$0x2] =	sbarrier.arrive $0xFFFF  }
0x393: {  	p0 =	sne.s32 s0, $0x0;
	s0 =	rddreg [dreg:$0x1]  }
0x394: {  	s0 =	sadd.s32 @!p0 $0x100000, s0  }
0x395: {  	[sflag:s0] =	ssyncadd.tile.s32 @!p0 $0x1;
	_ =	shalt  }
.Lfunc_end2:
_tile_overlayer_lowered:
.L_overlay_start_2:
0x396: {  	(tag) =	ssettag $0x2  }
0x397: {  	s0 =	rddreg [dreg:$0x0];
	s2 =	stileid.u32  }
0x398: {  	s1 =	rddreg [dreg:$0x1];
	p0 =	sne.s32 s2, $0x0  }
0x399: {  	s3 =	rddreg [dreg:$0x2];
	[bflag:$0x3] =	sbarrier.arrive $0xFFFF;
	s2 =	simm.s32 @!p0 $0x1C09  }
0x39a: {  	[timem:s3], [sflag:s2] =	dma.local @!p0 [hbm:s0], s1  }
0x39b: {  	s0 =	simm.s32 @!p0 $0x9  }
0x39c: {  	_ =	swait.ge @!p0 [sflag:s0], s1  }
0x39d: {  	s1 =	ssub.s32 @!p0 $0x0, s1;
	[sflag:s0] =	ssyncset.done @!p0 $0x0  }
0x39e: {  	[sflag:s0] =	ssyncadd.s32 @!p0 s1  }
0x39f: {  	[bflag:$0x3] =	sbarrier.arrive $0xFFFF  }
0x3a0: {  	_ =	shalt  }

</sc_bundles>
